<compile_context>
chip_gen: v7x
topology: tpu7x:2x2x1
jax: 0.10.2.dev20260603
libtpu: 0.0.44.dev20260713+nightly
codegen_flags: <defaults>
</compile_context>

<pallas_src>
import functools

import jax
import jax.numpy as jnp
from jax import lax
from jax.experimental import pallas as pl
from jax.experimental.pallas import tpu as pltpu
from jax.experimental.pallas import tpu_sc as plsc

N = 10000
NP = 10240
TRASH = N
E_RAW = 320000
ETOT = E_RAW + N
EPAD = 335872
NC, NS, LN = 2, 16, 16
RPT = NP // NS
CHUNK = 128

_MESH = plsc.VectorSubcoreMesh(core_axis_name="c", subcore_axis_name="s")



def _tc_h_kernel(x_ref, w_ref, wa_ref, h_ref, asad_ref):
    xb = x_ref[...]
    h_ref[...] = jnp.dot(xb, w_ref[...], preferred_element_type=jnp.float32)
    asad_ref[...] = jnp.dot(xb, wa_ref[...],
                            preferred_element_type=jnp.float32)


def _tc_h(xp, w, wa, nhalf, dh, nheads):
    din = xp.shape[1]
    return pl.pallas_call(
        _tc_h_kernel,
        grid=(nhalf, NS),
        in_specs=[
            pl.BlockSpec((RPT, din), lambda c, i: (i, 0)),
            pl.BlockSpec((din, dh), lambda c, i: (0, c)),
            pl.BlockSpec((din, 2 * nheads), lambda c, i: (0, 0)),
        ],
        out_specs=[
            pl.BlockSpec((RPT, dh), lambda c, i: (c * NS + i, 0)),
            pl.BlockSpec((RPT, 2 * nheads), lambda c, i: (i, 0)),
        ],
        out_shape=[
            jax.ShapeDtypeStruct((nhalf * NP, dh), jnp.float32),
            jax.ShapeDtypeStruct((NP, 2 * nheads), jnp.float32),
        ],
    )(xp, w, wa)


def _tc_inv_kernel(d_ref, o_ref):
    o_ref[...] = 1.0 / (d_ref[0] + d_ref[1] + 1e-16)


def _tc_inv(den):
    return pl.pallas_call(
        _tc_inv_kernel,
        grid=(1,),
        in_specs=[pl.BlockSpec((2, NP, 16), lambda h: (0, 0, 0))],
        out_specs=pl.BlockSpec((NP, 16), lambda h: (0, 0)),
        out_shape=jax.ShapeDtypeStruct((NP, 16), jnp.float32),
    )(den)


def _tc_act(raw, b, res=None):
    d = raw.shape[1]

    def k(*refs):
        if res is None:
            r_ref, b_ref, o_ref = refs
            val = r_ref[...] + b_ref[...]
        else:
            r_ref, b_ref, x1_ref, o_ref = refs
            val = r_ref[...] + b_ref[...] + x1_ref[...]
        i = pl.program_id(0)
        ridx = i * RPT + lax.broadcasted_iota(jnp.int32, (RPT, d), 0)
        o_ref[...] = jnp.where(ridx < N, jax.nn.relu(val), 0.0)

    in_specs = [
        pl.BlockSpec((RPT, d), lambda i: (i, 0)),
        pl.BlockSpec((1, d), lambda i: (0, 0)),
    ]
    args = [raw, b]
    if res is not None:
        in_specs.append(pl.BlockSpec((RPT, d), lambda i: (i, 0)))
        args.append(res)
    return pl.pallas_call(
        k,
        grid=(NS,),
        in_specs=in_specs,
        out_specs=pl.BlockSpec((RPT, d), lambda i: (i, 0)),
        out_shape=jax.ShapeDtypeStruct((NP, d), jnp.float32),
    )(*args)


def _tc_fin_kernel(p0_ref, p1_ref, b_ref, o_ref):
    o_ref[...] = (p0_ref[0] + p1_ref[0])[:, :40] + b_ref[...]


def _tc_final(out3, b3):
    return pl.pallas_call(
        _tc_fin_kernel,
        grid=(NS,),
        in_specs=[
            pl.BlockSpec((1, RPT, 48), lambda i: (0, i, 0)),
            pl.BlockSpec((1, RPT, 48), lambda i: (1, i, 0)),
            pl.BlockSpec((1, 40), lambda i: (0, 0)),
        ],
        out_specs=pl.BlockSpec((RPT, 40), lambda i: (i, 0)),
        out_shape=jax.ShapeDtypeStruct((NP, 40), jnp.float32),
    )(out3, out3, b3)



def _passa_body(srcp, dstp, as16, ad16, ee_out, den_out,
                srcv, dstv, g0, g1, eev, den,
                sem1, sem2, sem3, sem4, sem5, *, nchunks):
    c = lax.axis_index("c")
    s = lax.axis_index("s")
    ept = EPAD // (NC * NS)
    base = (c * NS + s) * ept

    def zrow(j, carry):
        g0[j, :] = jnp.zeros((LN,), jnp.float32)
        return carry
    lax.fori_loop(0, CHUNK, zrow, 0)
    for b in range(RPT // CHUNK):
        pltpu.sync_copy(g0, den.at[pl.ds(s * RPT + b * CHUNK, CHUNK)])
    plsc.subcore_barrier()

    def chunk_body(k, carry):
        off = base + k * CHUNK
        d1 = pltpu.async_copy(srcp.at[pl.ds(off, CHUNK)], srcv, sem1)
        d2 = pltpu.async_copy(dstp.at[pl.ds(off, CHUNK)], dstv, sem2)
        d1.wait()
        d3 = pltpu.async_copy(as16.at[srcv], g0, sem3)
        d2.wait()
        d4 = pltpu.async_copy(ad16.at[dstv], g1, sem4)
        d3.wait()
        d4.wait()

        @plsc.parallel_loop(0, CHUNK, 1, unroll=4)
        def erow(j):
            e = g0[j, :] + g1[j, :]
            e = jnp.where(e >= 0.0, e, 0.2 * e)
            eev[j, :] = jnp.exp(e)
        d5 = pltpu.async_copy(eev, ee_out.at[pl.ds(off, CHUNK)], sem5)
        pltpu.sync_copy(eev, den.at[dstv], add=True)
        d5.wait()
        return carry

    lax.fori_loop(0, nchunks, chunk_body, 0)
    plsc.subcore_barrier()
    pltpu.sync_copy(den.at[pl.ds(s * RPT, RPT)],
                    den_out.at[c, pl.ds(s * RPT, RPT)])


def _sc_passa(srcp, dstp, as16, ad16):
    nchunks = EPAD // (NC * NS) // CHUNK
    body = functools.partial(_passa_body, nchunks=nchunks)
    f = pl.kernel(
        body,
        out_type=[
            jax.ShapeDtypeStruct((EPAD, 16), jnp.float32),
            jax.ShapeDtypeStruct((NC, NP, 16), jnp.float32),
        ],
        mesh=_MESH,
        compiler_params=pltpu.CompilerParams(use_tc_tiling_on_sc=False),
        scratch_types=[
            pltpu.VMEM((CHUNK,), jnp.int32),
            pltpu.VMEM((CHUNK,), jnp.int32),
            pltpu.VMEM((CHUNK, 16), jnp.float32),
            pltpu.VMEM((CHUNK, 16), jnp.float32),
            pltpu.VMEM((CHUNK, 16), jnp.float32),
            pltpu.VMEM_SHARED((NP, 16), jnp.float32),
            pltpu.SemaphoreType.DMA,
            pltpu.SemaphoreType.DMA,
            pltpu.SemaphoreType.DMA,
            pltpu.SemaphoreType.DMA,
            pltpu.SemaphoreType.DMA,
        ],
    )
    return f(srcp, dstp, as16, ad16)


_GD_NUMS = lax.GatherDimensionNumbers(
    offset_dims=(), collapsed_slice_dims=(0,), start_index_map=(0,))


def _bcast(vec, j):
    idx = jnp.full((LN,), j, jnp.int32)
    return lax.gather(vec, idx[:, None], _GD_NUMS, slice_sizes=(1,),
                      mode=lax.GatherScatterMode.PROMISE_IN_BOUNDS)



def _passb_body(srcp, dstp, eef, invf, h2, out_hbm,
                srcv, dstv, idxv, hrows, eev, ivv, acc,
                sem1, sem2, sem3, sem4, sem5,
                *, nheads_used, dh, split_channels, nchunks):
    c = lax.axis_index("c")
    s = lax.axis_index("s")
    if split_channels:
        ept = EPAD // NS
        base = s * ept
    else:
        ept = EPAD // (NC * NS)
        base = (c * NS + s) * ept
    nvr = dh // LN

    def zrow(j, carry):
        for v in range(nvr):
            hrows[j, pl.ds(v * LN, LN)] = jnp.zeros((LN,), jnp.float32)
        return carry
    lax.fori_loop(0, CHUNK, zrow, 0)
    for b in range(RPT // CHUNK):
        pltpu.sync_copy(hrows, acc.at[pl.ds(s * RPT + b * CHUNK, CHUNK)])
    plsc.subcore_barrier()

    h0 = 2 * c if split_channels else 0

    def chunk_body(k, carry):
        off = base + k * CHUNK
        d1 = pltpu.async_copy(srcp.at[pl.ds(off, CHUNK)], srcv, sem1)
        d2 = pltpu.async_copy(dstp.at[pl.ds(off, CHUNK)], dstv, sem2)
        d3 = pltpu.async_copy(eef.at[pl.ds(off, CHUNK)], eev, sem3)
        d1.wait()
        if split_channels:
            for v in range(CHUNK // LN):
                sl = pl.ds(v * LN, LN)
                idxv[sl] = srcv[sl] + c * NP
            d4 = pltpu.async_copy(h2.at[idxv], hrows, sem4)
        else:
            d4 = pltpu.async_copy(h2.at[srcv], hrows, sem4)
        d2.wait()
        d5 = pltpu.async_copy(invf.at[dstv], ivv, sem5)
        d3.wait()
        d5.wait()
        d4.wait()

        @plsc.parallel_loop(0, CHUNK, 1, unroll=4)
        def edge_body(j):
            aj = eev[j, :] * ivv[j, :]
            m0 = _bcast(aj, h0)
            if nheads_used == 2:
                m1 = _bcast(aj, h0 + 1)
            for v in range(nvr):
                m = m0 if (nheads_used == 1 or v < nvr // 2) else m1
                hrows[j, pl.ds(v * LN, LN)] = (
                    hrows[j, pl.ds(v * LN, LN)] * m)
        pltpu.sync_copy(hrows, acc.at[dstv], add=True)
        return carry

    lax.fori_loop(0, nchunks, chunk_body, 0)
    plsc.subcore_barrier()
    pltpu.sync_copy(acc.at[pl.ds(s * RPT, RPT)], out_hbm.at[c * NS + s])


def _sc_passb(srcp, dstp, ee, inv, h2, dh, nheads_used, split_channels):
    ept = EPAD // NS if split_channels else EPAD // (NC * NS)
    nchunks = ept // CHUNK
    body = functools.partial(
        _passb_body, nheads_used=nheads_used, dh=dh,
        split_channels=split_channels, nchunks=nchunks)
    f = pl.kernel(
        body,
        out_type=jax.ShapeDtypeStruct((NC * NS, RPT, dh), jnp.float32),
        mesh=_MESH,
        compiler_params=pltpu.CompilerParams(use_tc_tiling_on_sc=False),
        scratch_types=[
            pltpu.VMEM((CHUNK,), jnp.int32),
            pltpu.VMEM((CHUNK,), jnp.int32),
            pltpu.VMEM((CHUNK,), jnp.int32),
            pltpu.VMEM((CHUNK, dh), jnp.float32),
            pltpu.VMEM((CHUNK, 16), jnp.float32),
            pltpu.VMEM((CHUNK, 16), jnp.float32),
            pltpu.VMEM_SHARED((NP, dh), jnp.float32),
            pltpu.SemaphoreType.DMA,
            pltpu.SemaphoreType.DMA,
            pltpu.SemaphoreType.DMA,
            pltpu.SemaphoreType.DMA,
            pltpu.SemaphoreType.DMA,
        ],
    )
    return f(srcp, dstp, ee, inv, h2)



def _fold_attn(W, a_src, a_dst):
    heads, cdim = a_src.shape
    eye = jnp.eye(heads, dtype=jnp.float32)
    A_s = (eye[:, None, :] * a_src[:, :, None]).reshape(heads * cdim, heads)
    A_d = (eye[:, None, :] * a_dst[:, :, None]).reshape(heads * cdim, heads)
    z = jnp.zeros((W.shape[0], 16 - heads), jnp.float32)
    return jnp.concatenate([W @ A_s, z, W @ A_d, z], axis=1)


def _gat_layer12(xp, srcp, dstp, W, a_src, a_dst):
    wa = _fold_attn(W, a_src, a_dst)
    h2, asad = _tc_h(xp, W, wa, 2, 128, 16)
    ee, den = _sc_passa(srcp, dstp, asad[:, :16], asad[:, 16:])
    inv = _tc_inv(den)
    parts = _sc_passb(srcp, dstp, ee, inv, h2, 128, 2, True)
    return parts.reshape(2, NP, 128).transpose(1, 0, 2).reshape(NP, 256)


def _gat_layer3(xp, srcp, dstp, W3p, wa3):
    h3, asad3 = _tc_h(xp, W3p, wa3, 1, 48, 16)
    ee, den = _sc_passa(srcp, dstp, asad3[:, :16], asad3[:, 16:])
    inv = _tc_inv(den)
    parts = _sc_passb(srcp, dstp, ee, inv, h3, 48, 1, False)
    return parts.reshape(2, NP, 48)


def kernel(x, edge_index, W1, a1_src, a1_dst, b1, W2, a2_src, a2_dst, b2,
           W3, a3_src, a3_dst, b3):
    loop = jnp.arange(N, dtype=edge_index.dtype)
    pad = jnp.full((EPAD - ETOT,), TRASH, edge_index.dtype)
    srcp = jnp.concatenate([edge_index[0], loop, pad])
    dstp = jnp.concatenate([edge_index[1], loop, pad])

    xp = jnp.pad(x, ((0, NP - N), (0, 0)))
    raw1 = _gat_layer12(xp, srcp, dstp, W1, a1_src, a1_dst)
    x1 = _tc_act(raw1, b1.reshape(1, -1))
    raw2 = _gat_layer12(x1, srcp, dstp, W2, a2_src, a2_dst)
    x2 = _tc_act(raw2, b2.reshape(1, -1), res=x1)

    W3p = jnp.pad(W3, ((0, 0), (0, 8)))
    z15 = jnp.zeros((256, 15), jnp.float32)
    wa3 = jnp.concatenate(
        [(W3 @ a3_src[0])[:, None], z15, (W3 @ a3_dst[0])[:, None], z15],
        axis=1)
    out3 = _gat_layer3(x2, srcp, dstp, W3p, wa3)
    outp = _tc_final(out3, b3.reshape(1, -1))
    return outp[:N]

# --- scband reference (transcript-rebuilt; emitter-appended) ---
"""Pipeline reference for scband-gat-51780125721392 (READ-ONLY COPY).

The authoritative reference and input builder live on the scoring server;
editing this copy changes nothing except your own understanding.
"""

import jax, jax.numpy as jnp
import numpy as np


def gat_conv(x, edge_index, W, a_src, a_dst, bias, heads, out_c, concat):
    N = x.shape[0]
    loop = jnp.arange(N, dtype=edge_index.dtype)
    src = jnp.concatenate([edge_index[0], loop])
    dst = jnp.concatenate([edge_index[1], loop])
    h = (x @ W).reshape(N, heads, out_c)
    alpha_s = (h * a_src[None]).sum(-1)  # [N, H]
    alpha_d = (h * a_dst[None]).sum(-1)  # [N, H]
    e = jax.nn.leaky_relu(alpha_s[src] + alpha_d[dst], 0.2)  # [Etot, H]
    emax = jax.ops.segment_max(e, dst, num_segments=N)
    ee = jnp.exp(e - emax[dst])
    denom = jax.ops.segment_sum(ee, dst, num_segments=N)
    alpha = ee / (denom[dst] + 1e-16)
    out = jax.ops.segment_sum(h[src] * alpha[:, :, None], dst, num_segments=N)
    if concat:
        out = out.reshape(N, heads * out_c)
    else:
        out = out.mean(axis=1)
    return out + bias


def setup_inputs(seed: int = 0):
    key = jax.random.key(seed)
    ks = jax.random.split(key, 16)
    N, E = 10000, 320000
    F_IN, HID, H, NC = 128, 64, 4, 40
    D = H * HID  # 256
    x = jax.random.normal(ks[0], (N, F_IN), dtype=jnp.float32)
    edge_index = jax.random.randint(ks[1], (2, E), 0, N, dtype=jnp.int32)
    inp = {
        "x": x,
        "edge_index": edge_index,
        # in_conv: GATConv(128 -> 64, heads=4, concat=True)
        "W1": jax.random.normal(ks[2], (F_IN, H * HID), dtype=jnp.float32) * (1.0 / np.sqrt(F_IN)),
        "a1_src": jax.random.normal(ks[3], (H, HID), dtype=jnp.float32) * 0.1,
        "a1_dst": jax.random.normal(ks[4], (H, HID), dtype=jnp.float32) * 0.1,
        "b1": jnp.zeros((H * HID,), dtype=jnp.float32),
        # mid_conv: GATConv(256 -> 64, heads=4, concat=True) + residual skip
        "W2": jax.random.normal(ks[5], (D, H * HID), dtype=jnp.float32) * (1.0 / np.sqrt(D)),
        "a2_src": jax.random.normal(ks[6], (H, HID), dtype=jnp.float32) * 0.1,
        "a2_dst": jax.random.normal(ks[7], (H, HID), dtype=jnp.float32) * 0.1,
        "b2": jnp.zeros((H * HID,), dtype=jnp.float32),
        # out_conv: GATConv(256 -> 40, heads=1, concat=False)
        "W3": jax.random.normal(ks[8], (D, 1 * NC), dtype=jnp.float32) * (1.0 / np.sqrt(D)),
        "a3_src": jax.random.normal(ks[9], (1, NC), dtype=jnp.float32) * 0.1,
        "a3_dst": jax.random.normal(ks[10], (1, NC), dtype=jnp.float32) * 0.1,
        "b3": jnp.zeros((NC,), dtype=jnp.float32),
    }
    return inp


def reference(x, edge_index, W1, a1_src, a1_dst, b1, W2, a2_src, a2_dst, b2, W3, a3_src, a3_dst, b3):
    # dropout = 0.0 (eval mode) -> identity
    x1 = jax.nn.relu(gat_conv(x, edge_index, W1, a1_src, a1_dst, b1, 4, 64, True))
    h = gat_conv(x1, edge_index, W2, a2_src, a2_dst, b2, 4, 64, True)
    x2 = jax.nn.relu(h + x1)  # residual skip connection
    out = gat_conv(x2, edge_index, W3, a3_src, a3_dst, b3, 1, 40, False)
    return out

if __name__ == "__main__":
    import jax
    _d = setup_inputs()
    print(jax.jit(kernel)(*tuple(_d.values())))

</pallas_src>

<mosaic_0001>
#map = affine_map<(d0, d1) -> (0)>
#map1 = affine_map<(d0, d1) -> (0, 0)>
#map2 = affine_map<(d0, d1) -> (0, 0, 0)>
module attributes {stable_mosaic.version = 14 : i64} {
  func.func @_passa_body(%arg0: i32, %arg1: i32, %arg2: memref<335872xi32, #tpu.memory_space<hbm>>, %arg3: memref<335872xi32, #tpu.memory_space<hbm>>, %arg4: memref<10240x16xf32, #tpu.memory_space<hbm>>, %arg5: memref<10240x16xf32, #tpu.memory_space<hbm>>, %arg6: memref<335872x16xf32, #tpu.memory_space<hbm>>, %arg7: memref<2x10240x16xf32, #tpu.memory_space<hbm>>, %arg8: memref<128xi32, #tpu.memory_space<vmem>>, %arg9: memref<128xi32, #tpu.memory_space<vmem>>, %arg10: memref<128x16xf32, #tpu.memory_space<vmem>>, %arg11: memref<128x16xf32, #tpu.memory_space<vmem>>, %arg12: memref<128x16xf32, #tpu.memory_space<vmem>>, %arg13: memref<10240x16xf32, #tpu.memory_space<vmem_shared>>, %arg14: memref<!tpu.dma_semaphore, #tpu.memory_space<semaphore_mem>>, %arg15: memref<!tpu.dma_semaphore, #tpu.memory_space<semaphore_mem>>, %arg16: memref<!tpu.dma_semaphore, #tpu.memory_space<semaphore_mem>>, %arg17: memref<!tpu.dma_semaphore, #tpu.memory_space<semaphore_mem>>, %arg18: memref<!tpu.dma_semaphore, #tpu.memory_space<semaphore_mem>>) attributes {dimension_semantics = [#tpu.dimension_semantics<core_parallel>, #tpu.dimension_semantics<subcore_parallel>], iteration_bounds = array<i64: 2, 16>, scalar_prefetch = 0 : i64, scratch_operands = 11 : i64, tpu.core_type = #tpu.core_type<sc_vector_subcore>, window_params = [{transform_indices = #map}, {transform_indices = #map}, {transform_indices = #map1}, {transform_indices = #map1}, {transform_indices = #map1}, {transform_indices = #map2}]} {
    %mul3A = arith.constant 16 : i32
    %mul3A_0 = arith.muli %arg0, %mul3A : i32
    %add3A = arith.addi %mul3A_0, %arg1 : i32
    %mul3A_1 = arith.constant 10496 : i32
    %mul3A_2 = arith.muli %add3A, %mul3A_1 : i32
    %scan3A = arith.constant 0 : i32
    %scan3A_3 = arith.constant 0 : i32
    %scan3A_4 = arith.constant 128 : i32
    %scan3A_5 = arith.addi %scan3A_3, %scan3A_4 : i32
    %scan3A_6 = arith.constant 1 : i32
    scf.for %scan3A_39 = %scan3A_3 to %scan3A_5 step %scan3A_6  : i32 {
      %broadcast_in_dim3A = arith.constant 0.000000e+00 : f32
      %broadcast_in_dim3A_40 = vector.broadcast %broadcast_in_dim3A : f32 to vector<16xf32>
      %swap3A = arith.index_cast %scan3A_39 : i32 to index
      %swap3A_41 = arith.constant 0 : index
      %swap3A_42 = tpu.vector_load %arg10[%swap3A, %swap3A_41] {strides = array<i32>} : memref<128x16xf32, #tpu.memory_space<vmem>>, vector<1x16xf32>,
      %swap3A_43 = vector.shape_cast %swap3A_42 : vector<1x16xf32> to vector<16xf32>
      %swap3A_44 = vector.shape_cast %broadcast_in_dim3A_40 : vector<16xf32> to vector<1x16xf32>
      tpu.vector_store %arg10[%swap3A, %swap3A_41], %swap3A_44 {strides = array<i32>} : memref<128x16xf32, #tpu.memory_space<vmem>>, vector<1x16xf32>,
    }
    %scan3A_7 = arith.constant 128 : i32
    %mul3A_8 = arith.constant 640 : i32
    %mul3A_9 = arith.muli %arg1, %mul3A_8 : i32
    %add3A_10 = arith.constant 0 : i32
    %add3A_11 = arith.addi %mul3A_9, %add3A_10 : i32
    "tpu.region"() ({
      %run_scoped3A = tpu.sem_alloc : memref<!tpu.dma_semaphore, #tpu.memory_space<semaphore_mem>>
      %dma_start3A = arith.constant 0 : i32
      %dma_start3A_39 = tpu.memref_slice %arg13[%add3A_11, %dma_start3A] : memref<10240x16xf32, #tpu.memory_space<vmem_shared>> -> memref<128x16xf32, #tpu.memory_space<vmem_shared>>
      %dma_start3A_40 = arith.constant 0 : i32
      %dma_start3A_41 = tpu.memref_slice %arg13[%add3A_11, %dma_start3A_40] : memref<10240x16xf32, #tpu.memory_space<vmem_shared>> -> memref<128x16xf32, #tpu.memory_space<vmem_shared>>
      tpu.enqueue_dma source(%arg10 : memref<128x16xf32, #tpu.memory_space<vmem>>) target(%dma_start3A_41 : memref<128x16xf32, #tpu.memory_space<vmem_shared>>) target_semaphore(%run_scoped3A : memref<!tpu.dma_semaphore, #tpu.memory_space<semaphore_mem>>)
      %dma_wait3A = arith.constant 0 : i32
      %dma_wait3A_42 = tpu.memref_slice %arg13[%add3A_11, %dma_wait3A] : memref<10240x16xf32, #tpu.memory_space<vmem_shared>> -> memref<128x16xf32, #tpu.memory_space<vmem_shared>>
      %dma_wait3A_43 = arith.constant 0 : i32
      %dma_wait3A_44 = tpu.memref_slice %arg13[%add3A_11, %dma_wait3A_43] : memref<10240x16xf32, #tpu.memory_space<vmem_shared>> -> memref<128x16xf32, #tpu.memory_space<vmem_shared>>
      tpu.wait_dma2 semaphore(%run_scoped3A : memref<!tpu.dma_semaphore, #tpu.memory_space<semaphore_mem>>) src(%arg10 : memref<128x16xf32, #tpu.memory_space<vmem>>) dst(%dma_wait3A_44 : memref<128x16xf32, #tpu.memory_space<vmem_shared>>)
      tpu.yield
    }) : () -> ()
    %mul3A_12 = arith.constant 640 : i32
    %mul3A_13 = arith.muli %arg1, %mul3A_12 : i32
    %add3A_14 = arith.constant 128 : i32
    %add3A_15 = arith.addi %mul3A_13, %add3A_14 : i32
    "tpu.region"() ({
      %run_scoped3A = tpu.sem_alloc : memref<!tpu.dma_semaphore, #tpu.memory_space<semaphore_mem>>
      %dma_start3A = arith.constant 0 : i32
      %dma_start3A_39 = tpu.memref_slice %arg13[%add3A_15, %dma_start3A] : memref<10240x16xf32, #tpu.memory_space<vmem_shared>> -> memref<128x16xf32, #tpu.memory_space<vmem_shared>>
      %dma_start3A_40 = arith.constant 0 : i32
      %dma_start3A_41 = tpu.memref_slice %arg13[%add3A_15, %dma_start3A_40] : memref<10240x16xf32, #tpu.memory_space<vmem_shared>> -> memref<128x16xf32, #tpu.memory_space<vmem_shared>>
      tpu.enqueue_dma source(%arg10 : memref<128x16xf32, #tpu.memory_space<vmem>>) target(%dma_start3A_41 : memref<128x16xf32, #tpu.memory_space<vmem_shared>>) target_semaphore(%run_scoped3A : memref<!tpu.dma_semaphore, #tpu.memory_space<semaphore_mem>>)
      %dma_wait3A = arith.constant 0 : i32
      %dma_wait3A_42 = tpu.memref_slice %arg13[%add3A_15, %dma_wait3A] : memref<10240x16xf32, #tpu.memory_space<vmem_shared>> -> memref<128x16xf32, #tpu.memory_space<vmem_shared>>
      %dma_wait3A_43 = arith.constant 0 : i32
      %dma_wait3A_44 = tpu.memref_slice %arg13[%add3A_15, %dma_wait3A_43] : memref<10240x16xf32, #tpu.memory_space<vmem_shared>> -> memref<128x16xf32, #tpu.memory_space<vmem_shared>>
      tpu.wait_dma2 semaphore(%run_scoped3A : memref<!tpu.dma_semaphore, #tpu.memory_space<semaphore_mem>>) src(%arg10 : memref<128x16xf32, #tpu.memory_space<vmem>>) dst(%dma_wait3A_44 : memref<128x16xf32, #tpu.memory_space<vmem_shared>>)
      tpu.yield
    }) : () -> ()
    %mul3A_16 = arith.constant 640 : i32
    %mul3A_17 = arith.muli %arg1, %mul3A_16 : i32
    %add3A_18 = arith.constant 256 : i32
    %add3A_19 = arith.addi %mul3A_17, %add3A_18 : i32
    "tpu.region"() ({
      %run_scoped3A = tpu.sem_alloc : memref<!tpu.dma_semaphore, #tpu.memory_space<semaphore_mem>>
      %dma_start3A = arith.constant 0 : i32
      %dma_start3A_39 = tpu.memref_slice %arg13[%add3A_19, %dma_start3A] : memref<10240x16xf32, #tpu.memory_space<vmem_shared>> -> memref<128x16xf32, #tpu.memory_space<vmem_shared>>
      %dma_start3A_40 = arith.constant 0 : i32
      %dma_start3A_41 = tpu.memref_slice %arg13[%add3A_19, %dma_start3A_40] : memref<10240x16xf32, #tpu.memory_space<vmem_shared>> -> memref<128x16xf32, #tpu.memory_space<vmem_shared>>
      tpu.enqueue_dma source(%arg10 : memref<128x16xf32, #tpu.memory_space<vmem>>) target(%dma_start3A_41 : memref<128x16xf32, #tpu.memory_space<vmem_shared>>) target_semaphore(%run_scoped3A : memref<!tpu.dma_semaphore, #tpu.memory_space<semaphore_mem>>)
      %dma_wait3A = arith.constant 0 : i32
      %dma_wait3A_42 = tpu.memref_slice %arg13[%add3A_19, %dma_wait3A] : memref<10240x16xf32, #tpu.memory_space<vmem_shared>> -> memref<128x16xf32, #tpu.memory_space<vmem_shared>>
      %dma_wait3A_43 = arith.constant 0 : i32
      %dma_wait3A_44 = tpu.memref_slice %arg13[%add3A_19, %dma_wait3A_43] : memref<10240x16xf32, #tpu.memory_space<vmem_shared>> -> memref<128x16xf32, #tpu.memory_space<vmem_shared>>
      tpu.wait_dma2 semaphore(%run_scoped3A : memref<!tpu.dma_semaphore, #tpu.memory_space<semaphore_mem>>) src(%arg10 : memref<128x16xf32, #tpu.memory_space<vmem>>) dst(%dma_wait3A_44 : memref<128x16xf32, #tpu.memory_space<vmem_shared>>)
      tpu.yield
    }) : () -> ()
    %mul3A_20 = arith.constant 640 : i32
    %mul3A_21 = arith.muli %arg1, %mul3A_20 : i32
    %add3A_22 = arith.constant 384 : i32
    %add3A_23 = arith.addi %mul3A_21, %add3A_22 : i32
    "tpu.region"() ({
      %run_scoped3A = tpu.sem_alloc : memref<!tpu.dma_semaphore, #tpu.memory_space<semaphore_mem>>
      %dma_start3A = arith.constant 0 : i32
      %dma_start3A_39 = tpu.memref_slice %arg13[%add3A_23, %dma_start3A] : memref<10240x16xf32, #tpu.memory_space<vmem_shared>> -> memref<128x16xf32, #tpu.memory_space<vmem_shared>>
      %dma_start3A_40 = arith.constant 0 : i32
      %dma_start3A_41 = tpu.memref_slice %arg13[%add3A_23, %dma_start3A_40] : memref<10240x16xf32, #tpu.memory_space<vmem_shared>> -> memref<128x16xf32, #tpu.memory_space<vmem_shared>>
      tpu.enqueue_dma source(%arg10 : memref<128x16xf32, #tpu.memory_space<vmem>>) target(%dma_start3A_41 : memref<128x16xf32, #tpu.memory_space<vmem_shared>>) target_semaphore(%run_scoped3A : memref<!tpu.dma_semaphore, #tpu.memory_space<semaphore_mem>>)
      %dma_wait3A = arith.constant 0 : i32
      %dma_wait3A_42 = tpu.memref_slice %arg13[%add3A_23, %dma_wait3A] : memref<10240x16xf32, #tpu.memory_space<vmem_shared>> -> memref<128x16xf32, #tpu.memory_space<vmem_shared>>
      %dma_wait3A_43 = arith.constant 0 : i32
      %dma_wait3A_44 = tpu.memref_slice %arg13[%add3A_23, %dma_wait3A_43] : memref<10240x16xf32, #tpu.memory_space<vmem_shared>> -> memref<128x16xf32, #tpu.memory_space<vmem_shared>>
      tpu.wait_dma2 semaphore(%run_scoped3A : memref<!tpu.dma_semaphore, #tpu.memory_space<semaphore_mem>>) src(%arg10 : memref<128x16xf32, #tpu.memory_space<vmem>>) dst(%dma_wait3A_44 : memref<128x16xf32, #tpu.memory_space<vmem_shared>>)
      tpu.yield
    }) : () -> ()
    %mul3A_24 = arith.constant 640 : i32
    %mul3A_25 = arith.muli %arg1, %mul3A_24 : i32
    %add3A_26 = arith.constant 512 : i32
    %add3A_27 = arith.addi %mul3A_25, %add3A_26 : i32
    "tpu.region"() ({
      %run_scoped3A = tpu.sem_alloc : memref<!tpu.dma_semaphore, #tpu.memory_space<semaphore_mem>>
      %dma_start3A = arith.constant 0 : i32
      %dma_start3A_39 = tpu.memref_slice %arg13[%add3A_27, %dma_start3A] : memref<10240x16xf32, #tpu.memory_space<vmem_shared>> -> memref<128x16xf32, #tpu.memory_space<vmem_shared>>
      %dma_start3A_40 = arith.constant 0 : i32
      %dma_start3A_41 = tpu.memref_slice %arg13[%add3A_27, %dma_start3A_40] : memref<10240x16xf32, #tpu.memory_space<vmem_shared>> -> memref<128x16xf32, #tpu.memory_space<vmem_shared>>
      tpu.enqueue_dma source(%arg10 : memref<128x16xf32, #tpu.memory_space<vmem>>) target(%dma_start3A_41 : memref<128x16xf32, #tpu.memory_space<vmem_shared>>) target_semaphore(%run_scoped3A : memref<!tpu.dma_semaphore, #tpu.memory_space<semaphore_mem>>)
      %dma_wait3A = arith.constant 0 : i32
      %dma_wait3A_42 = tpu.memref_slice %arg13[%add3A_27, %dma_wait3A] : memref<10240x16xf32, #tpu.memory_space<vmem_shared>> -> memref<128x16xf32, #tpu.memory_space<vmem_shared>>
      %dma_wait3A_43 = arith.constant 0 : i32
      %dma_wait3A_44 = tpu.memref_slice %arg13[%add3A_27, %dma_wait3A_43] : memref<10240x16xf32, #tpu.memory_space<vmem_shared>> -> memref<128x16xf32, #tpu.memory_space<vmem_shared>>
      tpu.wait_dma2 semaphore(%run_scoped3A : memref<!tpu.dma_semaphore, #tpu.memory_space<semaphore_mem>>) src(%arg10 : memref<128x16xf32, #tpu.memory_space<vmem>>) dst(%dma_wait3A_44 : memref<128x16xf32, #tpu.memory_space<vmem_shared>>)
      tpu.yield
    }) : () -> ()
    %barrier3A = arith.constant 0 : index
    tpu.barrier barrier_id(%barrier3A)
    %scan3A_28 = arith.constant 0 : i32
    %scan3A_29 = arith.constant 0 : i32
    %scan3A_30 = arith.constant 82 : i32
    %scan3A_31 = arith.addi %scan3A_29, %scan3A_30 : i32
    %scan3A_32 = arith.constant 1 : i32
    scf.for %scan3A_39 = %scan3A_29 to %scan3A_31 step %scan3A_32  : i32 {
      %mul3A_40 = arith.constant 128 : i32
      %mul3A_41 = arith.muli %scan3A_39, %mul3A_40 : i32
      %add3A_42 = arith.addi %mul3A_2, %mul3A_41 : i32
      %dma_start3A = tpu.memref_slice %arg2[%add3A_42] : memref<335872xi32, #tpu.memory_space<hbm>> -> memref<128xi32, #tpu.memory_space<hbm>>
      %dma_start3A_43 = tpu.memref_slice %arg2[%add3A_42] : memref<335872xi32, #tpu.memory_space<hbm>> -> memref<128xi32, #tpu.memory_space<hbm>>
      tpu.enqueue_dma source(%dma_start3A_43 : memref<128xi32, #tpu.memory_space<hbm>>) target(%arg8 : memref<128xi32, #tpu.memory_space<vmem>>) target_semaphore(%arg14 : memref<!tpu.dma_semaphore, #tpu.memory_space<semaphore_mem>>)
      %dma_start3A_44 = tpu.memref_slice %arg3[%add3A_42] : memref<335872xi32, #tpu.memory_space<hbm>> -> memref<128xi32, #tpu.memory_space<hbm>>
      %dma_start3A_45 = tpu.memref_slice %arg3[%add3A_42] : memref<335872xi32, #tpu.memory_space<hbm>> -> memref<128xi32, #tpu.memory_space<hbm>>
      tpu.enqueue_dma source(%dma_start3A_45 : memref<128xi32, #tpu.memory_space<hbm>>) target(%arg9 : memref<128xi32, #tpu.memory_space<vmem>>) target_semaphore(%arg15 : memref<!tpu.dma_semaphore, #tpu.memory_space<semaphore_mem>>)
      %dma_wait3A = tpu.memref_slice %arg2[%add3A_42] : memref<335872xi32, #tpu.memory_space<hbm>> -> memref<128xi32, #tpu.memory_space<hbm>>
      %dma_wait3A_46 = tpu.memref_slice %arg2[%add3A_42] : memref<335872xi32, #tpu.memory_space<hbm>> -> memref<128xi32, #tpu.memory_space<hbm>>
      tpu.wait_dma2 semaphore(%arg14 : memref<!tpu.dma_semaphore, #tpu.memory_space<semaphore_mem>>) src(%dma_wait3A_46 : memref<128xi32, #tpu.memory_space<hbm>>) dst(%arg8 : memref<128xi32, #tpu.memory_space<vmem>>)
      %dma_start3A_47 = arith.constant 0 : i32
      %dma_start3A_48 = arith.constant 0 : i32
      %dma_start3A_49 = tpu.memref_slice %arg4[%dma_start3A_47, %dma_start3A_48] : memref<10240x16xf32, #tpu.memory_space<hbm>> -> memref<10240x16xf32, #tpu.memory_space<hbm>>
      tpu.enqueue_indirect_dma source(%dma_start3A_49 : memref<10240x16xf32, #tpu.memory_space<hbm>>) target(%arg10 : memref<128x16xf32, #tpu.memory_space<vmem>>) offsets(%arg8 : memref<128xi32, #tpu.memory_space<vmem>>) semaphore(%arg16 : memref<!tpu.dma_semaphore, #tpu.memory_space<semaphore_mem>>)
      %dma_wait3A_50 = tpu.memref_slice %arg3[%add3A_42] : memref<335872xi32, #tpu.memory_space<hbm>> -> memref<128xi32, #tpu.memory_space<hbm>>
      %dma_wait3A_51 = tpu.memref_slice %arg3[%add3A_42] : memref<335872xi32, #tpu.memory_space<hbm>> -> memref<128xi32, #tpu.memory_space<hbm>>
      tpu.wait_dma2 semaphore(%arg15 : memref<!tpu.dma_semaphore, #tpu.memory_space<semaphore_mem>>) src(%dma_wait3A_51 : memref<128xi32, #tpu.memory_space<hbm>>) dst(%arg9 : memref<128xi32, #tpu.memory_space<vmem>>)
      %dma_start3A_52 = arith.constant 0 : i32
      %dma_start3A_53 = arith.constant 0 : i32
      %dma_start3A_54 = tpu.memref_slice %arg5[%dma_start3A_52, %dma_start3A_53] : memref<10240x16xf32, #tpu.memory_space<hbm>> -> memref<10240x16xf32, #tpu.memory_space<hbm>>
      tpu.enqueue_indirect_dma source(%dma_start3A_54 : memref<10240x16xf32, #tpu.memory_space<hbm>>) target(%arg11 : memref<128x16xf32, #tpu.memory_space<vmem>>) offsets(%arg9 : memref<128xi32, #tpu.memory_space<vmem>>) semaphore(%arg17 : memref<!tpu.dma_semaphore, #tpu.memory_space<semaphore_mem>>)
      %dma_wait3A_55 = arith.constant 0 : i32
      %dma_wait3A_56 = arith.constant 0 : i32
      %dma_wait3A_57 = tpu.memref_slice %arg4[%dma_wait3A_55, %dma_wait3A_56] : memref<10240x16xf32, #tpu.memory_space<hbm>> -> memref<10240x16xf32, #tpu.memory_space<hbm>>
      tpu.wait_indirect_dma semaphore(%arg16 : memref<!tpu.dma_semaphore, #tpu.memory_space<semaphore_mem>>) src(%dma_wait3A_57 : memref<10240x16xf32, #tpu.memory_space<hbm>>) dst(%arg10 : memref<128x16xf32, #tpu.memory_space<vmem>>)
      %dma_wait3A_58 = arith.constant 0 : i32
      %dma_wait3A_59 = arith.constant 0 : i32
      %dma_wait3A_60 = tpu.memref_slice %arg5[%dma_wait3A_58, %dma_wait3A_59] : memref<10240x16xf32, #tpu.memory_space<hbm>> -> memref<10240x16xf32, #tpu.memory_space<hbm>>
      tpu.wait_indirect_dma semaphore(%arg17 : memref<!tpu.dma_semaphore, #tpu.memory_space<semaphore_mem>>) src(%dma_wait3A_60 : memref<10240x16xf32, #tpu.memory_space<hbm>>) dst(%arg11 : memref<128x16xf32, #tpu.memory_space<vmem>>)
      %parallel_loop3A = arith.constant 0 : i32
      %parallel_loop3A_61 = arith.constant 128 : i32
      %parallel_loop3A_62 = arith.constant 1 : i32
      scf.for %parallel_loop3A_71 = %parallel_loop3A to %parallel_loop3A_61 step %parallel_loop3A_62  : i32 {
        %parallel_loop3A_72 = arith.index_cast %parallel_loop3A_71 : i32 to index
        %parallel_loop3A_73 = arith.constant 0 : index
        %parallel_loop3A_74 = tpu.vector_load %arg10[%parallel_loop3A_72, %parallel_loop3A_73] {strides = array<i32>} : memref<128x16xf32, #tpu.memory_space<vmem>>, vector<1x16xf32>,
        %parallel_loop3A_75 = vector.shape_cast %parallel_loop3A_74 : vector<1x16xf32> to vector<16xf32>
        %parallel_loop3A_76 = arith.index_cast %parallel_loop3A_71 : i32 to index
        %parallel_loop3A_77 = arith.constant 0 : index
        %parallel_loop3A_78 = tpu.vector_load %arg11[%parallel_loop3A_76, %parallel_loop3A_77] {strides = array<i32>} : memref<128x16xf32, #tpu.memory_space<vmem>>, vector<1x16xf32>,
        %parallel_loop3A_79 = vector.shape_cast %parallel_loop3A_78 : vector<1x16xf32> to vector<16xf32>
        %parallel_loop3A_80 = arith.addf %parallel_loop3A_75, %parallel_loop3A_79 : vector<16xf32>
        %parallel_loop3A_81 = arith.constant 0.000000e+00 : f32
        %parallel_loop3A_82 = vector.broadcast %parallel_loop3A_81 : f32 to vector<16xf32>
        %parallel_loop3A_83 = arith.cmpf oge, %parallel_loop3A_80, %parallel_loop3A_82 : vector<16xf32>
        %parallel_loop3A_84 = arith.constant 2.000000e-01 : f32
        %parallel_loop3A_85 = vector.broadcast %parallel_loop3A_84 : f32 to vector<16xf32>
        %parallel_loop3A_86 = arith.mulf %parallel_loop3A_85, %parallel_loop3A_80 : vector<16xf32>
        %parallel_loop3A_87 = arith.select %parallel_loop3A_83, %parallel_loop3A_80, %parallel_loop3A_86 : vector<16xi1>, vector<16xf32>
        %parallel_loop3A_88 = math.exp %parallel_loop3A_87 : vector<16xf32>
        %parallel_loop3A_89 = arith.index_cast %parallel_loop3A_71 : i32 to index
        %parallel_loop3A_90 = arith.constant 0 : index
        %parallel_loop3A_91 = tpu.vector_load %arg12[%parallel_loop3A_89, %parallel_loop3A_90] {strides = array<i32>} : memref<128x16xf32, #tpu.memory_space<vmem>>, vector<1x16xf32>,
        %parallel_loop3A_92 = vector.shape_cast %parallel_loop3A_91 : vector<1x16xf32> to vector<16xf32>
        %parallel_loop3A_93 = vector.shape_cast %parallel_loop3A_88 : vector<16xf32> to vector<1x16xf32>
        tpu.vector_store %arg12[%parallel_loop3A_89, %parallel_loop3A_90], %parallel_loop3A_93 {strides = array<i32>} : memref<128x16xf32, #tpu.memory_space<vmem>>, vector<1x16xf32>,
      } {sc.loop_unroll_factor = 4 : i64, sc.parallel_access}
      %dma_start3A_63 = arith.constant 0 : i32
      %dma_start3A_64 = tpu.memref_slice %arg6[%add3A_42, %dma_start3A_63] : memref<335872x16xf32, #tpu.memory_space<hbm>> -> memref<128x16xf32, #tpu.memory_space<hbm>>
      %dma_start3A_65 = arith.constant 0 : i32
      %dma_start3A_66 = tpu.memref_slice %arg6[%add3A_42, %dma_start3A_65] : memref<335872x16xf32, #tpu.memory_space<hbm>> -> memref<128x16xf32, #tpu.memory_space<hbm>>
      tpu.enqueue_dma source(%arg12 : memref<128x16xf32, #tpu.memory_space<vmem>>) target(%dma_start3A_66 : memref<128x16xf32, #tpu.memory_space<hbm>>) target_semaphore(%arg18 : memref<!tpu.dma_semaphore, #tpu.memory_space<semaphore_mem>>)
      "tpu.region"() ({
        %run_scoped3A = tpu.sem_alloc : memref<!tpu.dma_semaphore, #tpu.memory_space<semaphore_mem>>
        %dma_start3A_71 = arith.constant 0 : i32
        %dma_start3A_72 = arith.constant 0 : i32
        %dma_start3A_73 = tpu.memref_slice %arg13[%dma_start3A_71, %dma_start3A_72] : memref<10240x16xf32, #tpu.memory_space<vmem_shared>> -> memref<10240x16xf32, #tpu.memory_space<vmem_shared>>
        tpu.enqueue_indirect_dma source(%arg12 : memref<128x16xf32, #tpu.memory_space<vmem>>) target(%dma_start3A_73 : memref<10240x16xf32, #tpu.memory_space<vmem_shared>>) offsets(%arg9 : memref<128xi32, #tpu.memory_space<vmem>>) semaphore(%run_scoped3A : memref<!tpu.dma_semaphore, #tpu.memory_space<semaphore_mem>>) {add = true}
        %dma_wait3A_74 = arith.constant 0 : i32
        %dma_wait3A_75 = arith.constant 0 : i32
        %dma_wait3A_76 = tpu.memref_slice %arg13[%dma_wait3A_74, %dma_wait3A_75] : memref<10240x16xf32, #tpu.memory_space<vmem_shared>> -> memref<10240x16xf32, #tpu.memory_space<vmem_shared>>
        tpu.wait_indirect_dma semaphore(%run_scoped3A : memref<!tpu.dma_semaphore, #tpu.memory_space<semaphore_mem>>) src(%arg12 : memref<128x16xf32, #tpu.memory_space<vmem>>) dst(%dma_wait3A_76 : memref<10240x16xf32, #tpu.memory_space<vmem_shared>>)
        tpu.yield
      }) : () -> ()
      %dma_wait3A_67 = arith.constant 0 : i32
      %dma_wait3A_68 = tpu.memref_slice %arg6[%add3A_42, %dma_wait3A_67] : memref<335872x16xf32, #tpu.memory_space<hbm>> -> memref<128x16xf32, #tpu.memory_space<hbm>>
      %dma_wait3A_69 = arith.constant 0 : i32
      %dma_wait3A_70 = tpu.memref_slice %arg6[%add3A_42, %dma_wait3A_69] : memref<335872x16xf32, #tpu.memory_space<hbm>> -> memref<128x16xf32, #tpu.memory_space<hbm>>
      tpu.wait_dma2 semaphore(%arg18 : memref<!tpu.dma_semaphore, #tpu.memory_space<semaphore_mem>>) src(%arg12 : memref<128x16xf32, #tpu.memory_space<vmem>>) dst(%dma_wait3A_70 : memref<128x16xf32, #tpu.memory_space<hbm>>)
    }
    %scan3A_33 = arith.constant 82 : i32
    %barrier3A_34 = arith.constant 0 : index
    tpu.barrier barrier_id(%barrier3A_34)
    %mul3A_35 = arith.constant 640 : i32
    %mul3A_36 = arith.muli %arg1, %mul3A_35 : i32
    %mul3A_37 = arith.constant 640 : i32
    %mul3A_38 = arith.muli %arg1, %mul3A_37 : i32
    "tpu.region"() ({
      %run_scoped3A = tpu.sem_alloc : memref<!tpu.dma_semaphore, #tpu.memory_space<semaphore_mem>>
      %dma_start3A = arith.constant 0 : i32
      %dma_start3A_39 = tpu.memref_slice %arg7[%arg0, %mul3A_38, %dma_start3A] : memref<2x10240x16xf32, #tpu.memory_space<hbm>> -> memref<1x640x16xf32, #tpu.memory_space<hbm>>
      %dma_start3A_40 = tpu.memref_squeeze %dma_start3A_39 : memref<1x640x16xf32, #tpu.memory_space<hbm>> -> memref<640x16xf32, #tpu.memory_space<hbm>>
      %dma_start3A_41 = arith.constant 0 : i32
      %dma_start3A_42 = tpu.memref_slice %arg13[%mul3A_36, %dma_start3A_41] : memref<10240x16xf32, #tpu.memory_space<vmem_shared>> -> memref<640x16xf32, #tpu.memory_space<vmem_shared>>
      tpu.enqueue_dma source(%dma_start3A_42 : memref<640x16xf32, #tpu.memory_space<vmem_shared>>) target(%dma_start3A_40 : memref<640x16xf32, #tpu.memory_space<hbm>>) target_semaphore(%run_scoped3A : memref<!tpu.dma_semaphore, #tpu.memory_space<semaphore_mem>>)
      %dma_wait3A = arith.constant 0 : i32
      %dma_wait3A_43 = tpu.memref_slice %arg7[%arg0, %mul3A_38, %dma_wait3A] : memref<2x10240x16xf32, #tpu.memory_space<hbm>> -> memref<1x640x16xf32, #tpu.memory_space<hbm>>
      %dma_wait3A_44 = tpu.memref_squeeze %dma_wait3A_43 : memref<1x640x16xf32, #tpu.memory_space<hbm>> -> memref<640x16xf32, #tpu.memory_space<hbm>>
      %dma_wait3A_45 = arith.constant 0 : i32
      %dma_wait3A_46 = tpu.memref_slice %arg13[%mul3A_36, %dma_wait3A_45] : memref<10240x16xf32, #tpu.memory_space<vmem_shared>> -> memref<640x16xf32, #tpu.memory_space<vmem_shared>>
      tpu.wait_dma2 semaphore(%run_scoped3A : memref<!tpu.dma_semaphore, #tpu.memory_space<semaphore_mem>>) src(%dma_wait3A_46 : memref<640x16xf32, #tpu.memory_space<vmem_shared>>) dst(%dma_wait3A_44 : memref<640x16xf32, #tpu.memory_space<hbm>>)
      tpu.yield
    }) : () -> ()
    return
  }
}

#map = affine_map<(d0, d1) -> (0)>
#map1 = affine_map<(d0, d1) -> (0, 0)>
#map2 = affine_map<(d0, d1) -> (0, 0, 0)>
module attributes {stable_mosaic.version = 14 : i64} {
  func.func @_passb_body(%arg0: i32, %arg1: i32, %arg2: memref<335872xi32, #tpu.memory_space<hbm>>, %arg3: memref<335872xi32, #tpu.memory_space<hbm>>, %arg4: memref<335872x16xf32, #tpu.memory_space<hbm>>, %arg5: memref<10240x16xf32, #tpu.memory_space<hbm>>, %arg6: memref<20480x128xf32, #tpu.memory_space<hbm>>, %arg7: memref<32x640x128xf32, #tpu.memory_space<hbm>>, %arg8: memref<128xi32, #tpu.memory_space<vmem>>, %arg9: memref<128xi32, #tpu.memory_space<vmem>>, %arg10: memref<128xi32, #tpu.memory_space<vmem>>, %arg11: memref<128x128xf32, #tpu.memory_space<vmem>>, %arg12: memref<128x16xf32, #tpu.memory_space<vmem>>, %arg13: memref<128x16xf32, #tpu.memory_space<vmem>>, %arg14: memref<10240x128xf32, #tpu.memory_space<vmem_shared>>, %arg15: memref<!tpu.dma_semaphore, #tpu.memory_space<semaphore_mem>>, %arg16: memref<!tpu.dma_semaphore, #tpu.memory_space<semaphore_mem>>, %arg17: memref<!tpu.dma_semaphore, #tpu.memory_space<semaphore_mem>>, %arg18: memref<!tpu.dma_semaphore, #tpu.memory_space<semaphore_mem>>, %arg19: memref<!tpu.dma_semaphore, #tpu.memory_space<semaphore_mem>>) attributes {dimension_semantics = [#tpu.dimension_semantics<core_parallel>, #tpu.dimension_semantics<subcore_parallel>], iteration_bounds = array<i64: 2, 16>, scalar_prefetch = 0 : i64, scratch_operands = 12 : i64, tpu.core_type = #tpu.core_type<sc_vector_subcore>, window_params = [{transform_indices = #map}, {transform_indices = #map}, {transform_indices = #map1}, {transform_indices = #map1}, {transform_indices = #map1}, {transform_indices = #map2}]} {
    %mul3A = arith.constant 20992 : i32
    %mul3A_0 = arith.muli %arg1, %mul3A : i32
    %scan3A = arith.constant 0 : i32
    %scan3A_1 = arith.constant 0 : i32
    %scan3A_2 = arith.constant 128 : i32
    %scan3A_3 = arith.addi %scan3A_1, %scan3A_2 : i32
    %scan3A_4 = arith.constant 1 : i32
    scf.for %scan3A_39 = %scan3A_1 to %scan3A_3 step %scan3A_4  : i32 {
      %broadcast_in_dim3A = arith.constant 0.000000e+00 : f32
      %broadcast_in_dim3A_40 = vector.broadcast %broadcast_in_dim3A : f32 to vector<16xf32>
      %swap3A = arith.index_cast %scan3A_39 : i32 to index
      %swap3A_41 = arith.constant 0 : index
      %swap3A_42 = tpu.vector_load %arg11[%swap3A, %swap3A_41] {strides = array<i32>} : memref<128x128xf32, #tpu.memory_space<vmem>>, vector<1x16xf32>,
      %swap3A_43 = vector.shape_cast %swap3A_42 : vector<1x16xf32> to vector<16xf32>
      %swap3A_44 = vector.shape_cast %broadcast_in_dim3A_40 : vector<16xf32> to vector<1x16xf32>
      tpu.vector_store %arg11[%swap3A, %swap3A_41], %swap3A_44 {strides = array<i32>} : memref<128x128xf32, #tpu.memory_space<vmem>>, vector<1x16xf32>,
      %broadcast_in_dim3A_45 = arith.constant 0.000000e+00 : f32
      %broadcast_in_dim3A_46 = vector.broadcast %broadcast_in_dim3A_45 : f32 to vector<16xf32>
      %swap3A_47 = arith.index_cast %scan3A_39 : i32 to index
      %swap3A_48 = arith.constant 16 : index
      %swap3A_49 = tpu.vector_load %arg11[%swap3A_47, %swap3A_48] {strides = array<i32>} : memref<128x128xf32, #tpu.memory_space<vmem>>, vector<1x16xf32>,
      %swap3A_50 = vector.shape_cast %swap3A_49 : vector<1x16xf32> to vector<16xf32>
      %swap3A_51 = vector.shape_cast %broadcast_in_dim3A_46 : vector<16xf32> to vector<1x16xf32>
      tpu.vector_store %arg11[%swap3A_47, %swap3A_48], %swap3A_51 {strides = array<i32>} : memref<128x128xf32, #tpu.memory_space<vmem>>, vector<1x16xf32>,
      %broadcast_in_dim3A_52 = arith.constant 0.000000e+00 : f32
      %broadcast_in_dim3A_53 = vector.broadcast %broadcast_in_dim3A_52 : f32 to vector<16xf32>
      %swap3A_54 = arith.index_cast %scan3A_39 : i32 to index
      %swap3A_55 = arith.constant 32 : index
      %swap3A_56 = tpu.vector_load %arg11[%swap3A_54, %swap3A_55] {strides = array<i32>} : memref<128x128xf32, #tpu.memory_space<vmem>>, vector<1x16xf32>,
      %swap3A_57 = vector.shape_cast %swap3A_56 : vector<1x16xf32> to vector<16xf32>
      %swap3A_58 = vector.shape_cast %broadcast_in_dim3A_53 : vector<16xf32> to vector<1x16xf32>
      tpu.vector_store %arg11[%swap3A_54, %swap3A_55], %swap3A_58 {strides = array<i32>} : memref<128x128xf32, #tpu.memory_space<vmem>>, vector<1x16xf32>,
      %broadcast_in_dim3A_59 = arith.constant 0.000000e+00 : f32
      %broadcast_in_dim3A_60 = vector.broadcast %broadcast_in_dim3A_59 : f32 to vector<16xf32>
      %swap3A_61 = arith.index_cast %scan3A_39 : i32 to index
      %swap3A_62 = arith.constant 48 : index
      %swap3A_63 = tpu.vector_load %arg11[%swap3A_61, %swap3A_62] {strides = array<i32>} : memref<128x128xf32, #tpu.memory_space<vmem>>, vector<1x16xf32>,
      %swap3A_64 = vector.shape_cast %swap3A_63 : vector<1x16xf32> to vector<16xf32>
      %swap3A_65 = vector.shape_cast %broadcast_in_dim3A_60 : vector<16xf32> to vector<1x16xf32>
      tpu.vector_store %arg11[%swap3A_61, %swap3A_62], %swap3A_65 {strides = array<i32>} : memref<128x128xf32, #tpu.memory_space<vmem>>, vector<1x16xf32>,
      %broadcast_in_dim3A_66 = arith.constant 0.000000e+00 : f32
      %broadcast_in_dim3A_67 = vector.broadcast %broadcast_in_dim3A_66 : f32 to vector<16xf32>
      %swap3A_68 = arith.index_cast %scan3A_39 : i32 to index
      %swap3A_69 = arith.constant 64 : index
      %swap3A_70 = tpu.vector_load %arg11[%swap3A_68, %swap3A_69] {strides = array<i32>} : memref<128x128xf32, #tpu.memory_space<vmem>>, vector<1x16xf32>,
      %swap3A_71 = vector.shape_cast %swap3A_70 : vector<1x16xf32> to vector<16xf32>
      %swap3A_72 = vector.shape_cast %broadcast_in_dim3A_67 : vector<16xf32> to vector<1x16xf32>
      tpu.vector_store %arg11[%swap3A_68, %swap3A_69], %swap3A_72 {strides = array<i32>} : memref<128x128xf32, #tpu.memory_space<vmem>>, vector<1x16xf32>,
      %broadcast_in_dim3A_73 = arith.constant 0.000000e+00 : f32
      %broadcast_in_dim3A_74 = vector.broadcast %broadcast_in_dim3A_73 : f32 to vector<16xf32>
      %swap3A_75 = arith.index_cast %scan3A_39 : i32 to index
      %swap3A_76 = arith.constant 80 : index
      %swap3A_77 = tpu.vector_load %arg11[%swap3A_75, %swap3A_76] {strides = array<i32>} : memref<128x128xf32, #tpu.memory_space<vmem>>, vector<1x16xf32>,
      %swap3A_78 = vector.shape_cast %swap3A_77 : vector<1x16xf32> to vector<16xf32>
      %swap3A_79 = vector.shape_cast %broadcast_in_dim3A_74 : vector<16xf32> to vector<1x16xf32>
      tpu.vector_store %arg11[%swap3A_75, %swap3A_76], %swap3A_79 {strides = array<i32>} : memref<128x128xf32, #tpu.memory_space<vmem>>, vector<1x16xf32>,
      %broadcast_in_dim3A_80 = arith.constant 0.000000e+00 : f32
      %broadcast_in_dim3A_81 = vector.broadcast %broadcast_in_dim3A_80 : f32 to vector<16xf32>
      %swap3A_82 = arith.index_cast %scan3A_39 : i32 to index
      %swap3A_83 = arith.constant 96 : index
      %swap3A_84 = tpu.vector_load %arg11[%swap3A_82, %swap3A_83] {strides = array<i32>} : memref<128x128xf32, #tpu.memory_space<vmem>>, vector<1x16xf32>,
      %swap3A_85 = vector.shape_cast %swap3A_84 : vector<1x16xf32> to vector<16xf32>
      %swap3A_86 = vector.shape_cast %broadcast_in_dim3A_81 : vector<16xf32> to vector<1x16xf32>
      tpu.vector_store %arg11[%swap3A_82, %swap3A_83], %swap3A_86 {strides = array<i32>} : memref<128x128xf32, #tpu.memory_space<vmem>>, vector<1x16xf32>,
      %broadcast_in_dim3A_87 = arith.constant 0.000000e+00 : f32
      %broadcast_in_dim3A_88 = vector.broadcast %broadcast_in_dim3A_87 : f32 to vector<16xf32>
      %swap3A_89 = arith.index_cast %scan3A_39 : i32 to index
      %swap3A_90 = arith.constant 112 : index
      %swap3A_91 = tpu.vector_load %arg11[%swap3A_89, %swap3A_90] {strides = array<i32>} : memref<128x128xf32, #tpu.memory_space<vmem>>, vector<1x16xf32>,
      %swap3A_92 = vector.shape_cast %swap3A_91 : vector<1x16xf32> to vector<16xf32>
      %swap3A_93 = vector.shape_cast %broadcast_in_dim3A_88 : vector<16xf32> to vector<1x16xf32>
      tpu.vector_store %arg11[%swap3A_89, %swap3A_90], %swap3A_93 {strides = array<i32>} : memref<128x128xf32, #tpu.memory_space<vmem>>, vector<1x16xf32>,
    }
    %scan3A_5 = arith.constant 128 : i32
    %mul3A_6 = arith.constant 640 : i32
    %mul3A_7 = arith.muli %arg1, %mul3A_6 : i32
    %add3A = arith.constant 0 : i32
    %add3A_8 = arith.addi %mul3A_7, %add3A : i32
    "tpu.region"() ({
      %run_scoped3A = tpu.sem_alloc : memref<!tpu.dma_semaphore, #tpu.memory_space<semaphore_mem>>
      %dma_start3A = arith.constant 0 : i32
      %dma_start3A_39 = tpu.memref_slice %arg14[%add3A_8, %dma_start3A] : memref<10240x128xf32, #tpu.memory_space<vmem_shared>> -> memref<128x128xf32, #tpu.memory_space<vmem_shared>>
      %dma_start3A_40 = arith.constant 0 : i32
      %dma_start3A_41 = tpu.memref_slice %arg14[%add3A_8, %dma_start3A_40] : memref<10240x128xf32, #tpu.memory_space<vmem_shared>> -> memref<128x128xf32, #tpu.memory_space<vmem_shared>>
      tpu.enqueue_dma source(%arg11 : memref<128x128xf32, #tpu.memory_space<vmem>>) target(%dma_start3A_41 : memref<128x128xf32, #tpu.memory_space<vmem_shared>>) target_semaphore(%run_scoped3A : memref<!tpu.dma_semaphore, #tpu.memory_space<semaphore_mem>>)
      %dma_wait3A = arith.constant 0 : i32
      %dma_wait3A_42 = tpu.memref_slice %arg14[%add3A_8, %dma_wait3A] : memref<10240x128xf32, #tpu.memory_space<vmem_shared>> -> memref<128x128xf32, #tpu.memory_space<vmem_shared>>
      %dma_wait3A_43 = arith.constant 0 : i32
      %dma_wait3A_44 = tpu.memref_slice %arg14[%add3A_8, %dma_wait3A_43] : memref<10240x128xf32, #tpu.memory_space<vmem_shared>> -> memref<128x128xf32, #tpu.memory_space<vmem_shared>>
      tpu.wait_dma2 semaphore(%run_scoped3A : memref<!tpu.dma_semaphore, #tpu.memory_space<semaphore_mem>>) src(%arg11 : memref<128x128xf32, #tpu.memory_space<vmem>>) dst(%dma_wait3A_44 : memref<128x128xf32, #tpu.memory_space<vmem_shared>>)
      tpu.yield
    }) : () -> ()
    %mul3A_9 = arith.constant 640 : i32
    %mul3A_10 = arith.muli %arg1, %mul3A_9 : i32
    %add3A_11 = arith.constant 128 : i32
    %add3A_12 = arith.addi %mul3A_10, %add3A_11 : i32
    "tpu.region"() ({
      %run_scoped3A = tpu.sem_alloc : memref<!tpu.dma_semaphore, #tpu.memory_space<semaphore_mem>>
      %dma_start3A = arith.constant 0 : i32
      %dma_start3A_39 = tpu.memref_slice %arg14[%add3A_12, %dma_start3A] : memref<10240x128xf32, #tpu.memory_space<vmem_shared>> -> memref<128x128xf32, #tpu.memory_space<vmem_shared>>
      %dma_start3A_40 = arith.constant 0 : i32
      %dma_start3A_41 = tpu.memref_slice %arg14[%add3A_12, %dma_start3A_40] : memref<10240x128xf32, #tpu.memory_space<vmem_shared>> -> memref<128x128xf32, #tpu.memory_space<vmem_shared>>
      tpu.enqueue_dma source(%arg11 : memref<128x128xf32, #tpu.memory_space<vmem>>) target(%dma_start3A_41 : memref<128x128xf32, #tpu.memory_space<vmem_shared>>) target_semaphore(%run_scoped3A : memref<!tpu.dma_semaphore, #tpu.memory_space<semaphore_mem>>)
      %dma_wait3A = arith.constant 0 : i32
      %dma_wait3A_42 = tpu.memref_slice %arg14[%add3A_12, %dma_wait3A] : memref<10240x128xf32, #tpu.memory_space<vmem_shared>> -> memref<128x128xf32, #tpu.memory_space<vmem_shared>>
      %dma_wait3A_43 = arith.constant 0 : i32
      %dma_wait3A_44 = tpu.memref_slice %arg14[%add3A_12, %dma_wait3A_43] : memref<10240x128xf32, #tpu.memory_space<vmem_shared>> -> memref<128x128xf32, #tpu.memory_space<vmem_shared>>
      tpu.wait_dma2 semaphore(%run_scoped3A : memref<!tpu.dma_semaphore, #tpu.memory_space<semaphore_mem>>) src(%arg11 : memref<128x128xf32, #tpu.memory_space<vmem>>) dst(%dma_wait3A_44 : memref<128x128xf32, #tpu.memory_space<vmem_shared>>)
      tpu.yield
    }) : () -> ()
    %mul3A_13 = arith.constant 640 : i32
    %mul3A_14 = arith.muli %arg1, %mul3A_13 : i32
    %add3A_15 = arith.constant 256 : i32
    %add3A_16 = arith.addi %mul3A_14, %add3A_15 : i32
    "tpu.region"() ({
      %run_scoped3A = tpu.sem_alloc : memref<!tpu.dma_semaphore, #tpu.memory_space<semaphore_mem>>
      %dma_start3A = arith.constant 0 : i32
      %dma_start3A_39 = tpu.memref_slice %arg14[%add3A_16, %dma_start3A] : memref<10240x128xf32, #tpu.memory_space<vmem_shared>> -> memref<128x128xf32, #tpu.memory_space<vmem_shared>>
      %dma_start3A_40 = arith.constant 0 : i32
      %dma_start3A_41 = tpu.memref_slice %arg14[%add3A_16, %dma_start3A_40] : memref<10240x128xf32, #tpu.memory_space<vmem_shared>> -> memref<128x128xf32, #tpu.memory_space<vmem_shared>>
      tpu.enqueue_dma source(%arg11 : memref<128x128xf32, #tpu.memory_space<vmem>>) target(%dma_start3A_41 : memref<128x128xf32, #tpu.memory_space<vmem_shared>>) target_semaphore(%run_scoped3A : memref<!tpu.dma_semaphore, #tpu.memory_space<semaphore_mem>>)
      %dma_wait3A = arith.constant 0 : i32
      %dma_wait3A_42 = tpu.memref_slice %arg14[%add3A_16, %dma_wait3A] : memref<10240x128xf32, #tpu.memory_space<vmem_shared>> -> memref<128x128xf32, #tpu.memory_space<vmem_shared>>
      %dma_wait3A_43 = arith.constant 0 : i32
      %dma_wait3A_44 = tpu.memref_slice %arg14[%add3A_16, %dma_wait3A_43] : memref<10240x128xf32, #tpu.memory_space<vmem_shared>> -> memref<128x128xf32, #tpu.memory_space<vmem_shared>>
      tpu.wait_dma2 semaphore(%run_scoped3A : memref<!tpu.dma_semaphore, #tpu.memory_space<semaphore_mem>>) src(%arg11 : memref<128x128xf32, #tpu.memory_space<vmem>>) dst(%dma_wait3A_44 : memref<128x128xf32, #tpu.memory_space<vmem_shared>>)
      tpu.yield
    }) : () -> ()
    %mul3A_17 = arith.constant 640 : i32
    %mul3A_18 = arith.muli %arg1, %mul3A_17 : i32
    %add3A_19 = arith.constant 384 : i32
    %add3A_20 = arith.addi %mul3A_18, %add3A_19 : i32
    "tpu.region"() ({
      %run_scoped3A = tpu.sem_alloc : memref<!tpu.dma_semaphore, #tpu.memory_space<semaphore_mem>>
      %dma_start3A = arith.constant 0 : i32
      %dma_start3A_39 = tpu.memref_slice %arg14[%add3A_20, %dma_start3A] : memref<10240x128xf32, #tpu.memory_space<vmem_shared>> -> memref<128x128xf32, #tpu.memory_space<vmem_shared>>
      %dma_start3A_40 = arith.constant 0 : i32
      %dma_start3A_41 = tpu.memref_slice %arg14[%add3A_20, %dma_start3A_40] : memref<10240x128xf32, #tpu.memory_space<vmem_shared>> -> memref<128x128xf32, #tpu.memory_space<vmem_shared>>
      tpu.enqueue_dma source(%arg11 : memref<128x128xf32, #tpu.memory_space<vmem>>) target(%dma_start3A_41 : memref<128x128xf32, #tpu.memory_space<vmem_shared>>) target_semaphore(%run_scoped3A : memref<!tpu.dma_semaphore, #tpu.memory_space<semaphore_mem>>)
      %dma_wait3A = arith.constant 0 : i32
      %dma_wait3A_42 = tpu.memref_slice %arg14[%add3A_20, %dma_wait3A] : memref<10240x128xf32, #tpu.memory_space<vmem_shared>> -> memref<128x128xf32, #tpu.memory_space<vmem_shared>>
      %dma_wait3A_43 = arith.constant 0 : i32
      %dma_wait3A_44 = tpu.memref_slice %arg14[%add3A_20, %dma_wait3A_43] : memref<10240x128xf32, #tpu.memory_space<vmem_shared>> -> memref<128x128xf32, #tpu.memory_space<vmem_shared>>
      tpu.wait_dma2 semaphore(%run_scoped3A : memref<!tpu.dma_semaphore, #tpu.memory_space<semaphore_mem>>) src(%arg11 : memref<128x128xf32, #tpu.memory_space<vmem>>) dst(%dma_wait3A_44 : memref<128x128xf32, #tpu.memory_space<vmem_shared>>)
      tpu.yield
    }) : () -> ()
    %mul3A_21 = arith.constant 640 : i32
    %mul3A_22 = arith.muli %arg1, %mul3A_21 : i32
    %add3A_23 = arith.constant 512 : i32
    %add3A_24 = arith.addi %mul3A_22, %add3A_23 : i32
    "tpu.region"() ({
      %run_scoped3A = tpu.sem_alloc : memref<!tpu.dma_semaphore, #tpu.memory_space<semaphore_mem>>
      %dma_start3A = arith.constant 0 : i32
      %dma_start3A_39 = tpu.memref_slice %arg14[%add3A_24, %dma_start3A] : memref<10240x128xf32, #tpu.memory_space<vmem_shared>> -> memref<128x128xf32, #tpu.memory_space<vmem_shared>>
      %dma_start3A_40 = arith.constant 0 : i32
      %dma_start3A_41 = tpu.memref_slice %arg14[%add3A_24, %dma_start3A_40] : memref<10240x128xf32, #tpu.memory_space<vmem_shared>> -> memref<128x128xf32, #tpu.memory_space<vmem_shared>>
      tpu.enqueue_dma source(%arg11 : memref<128x128xf32, #tpu.memory_space<vmem>>) target(%dma_start3A_41 : memref<128x128xf32, #tpu.memory_space<vmem_shared>>) target_semaphore(%run_scoped3A : memref<!tpu.dma_semaphore, #tpu.memory_space<semaphore_mem>>)
      %dma_wait3A = arith.constant 0 : i32
      %dma_wait3A_42 = tpu.memref_slice %arg14[%add3A_24, %dma_wait3A] : memref<10240x128xf32, #tpu.memory_space<vmem_shared>> -> memref<128x128xf32, #tpu.memory_space<vmem_shared>>
      %dma_wait3A_43 = arith.constant 0 : i32
      %dma_wait3A_44 = tpu.memref_slice %arg14[%add3A_24, %dma_wait3A_43] : memref<10240x128xf32, #tpu.memory_space<vmem_shared>> -> memref<128x128xf32, #tpu.memory_space<vmem_shared>>
      tpu.wait_dma2 semaphore(%run_scoped3A : memref<!tpu.dma_semaphore, #tpu.memory_space<semaphore_mem>>) src(%arg11 : memref<128x128xf32, #tpu.memory_space<vmem>>) dst(%dma_wait3A_44 : memref<128x128xf32, #tpu.memory_space<vmem_shared>>)
      tpu.yield
    }) : () -> ()
    %barrier3A = arith.constant 0 : index
    tpu.barrier barrier_id(%barrier3A)
    %mul3A_25 = arith.constant 2 : i32
    %mul3A_26 = arith.muli %mul3A_25, %arg0 : i32
    %scan3A_27 = arith.constant 0 : i32
    %scan3A_28 = arith.constant 0 : i32
    %scan3A_29 = arith.constant 164 : i32
    %scan3A_30 = arith.addi %scan3A_28, %scan3A_29 : i32
    %scan3A_31 = arith.constant 1 : i32
    scf.for %scan3A_39 = %scan3A_28 to %scan3A_30 step %scan3A_31  : i32 {
      %mul3A_40 = arith.constant 128 : i32
      %mul3A_41 = arith.muli %scan3A_39, %mul3A_40 : i32
      %add3A_42 = arith.addi %mul3A_0, %mul3A_41 : i32
      %dma_start3A = tpu.memref_slice %arg2[%add3A_42] : memref<335872xi32, #tpu.memory_space<hbm>> -> memref<128xi32, #tpu.memory_space<hbm>>
      %dma_start3A_43 = tpu.memref_slice %arg2[%add3A_42] : memref<335872xi32, #tpu.memory_space<hbm>> -> memref<128xi32, #tpu.memory_space<hbm>>
      tpu.enqueue_dma source(%dma_start3A_43 : memref<128xi32, #tpu.memory_space<hbm>>) target(%arg8 : memref<128xi32, #tpu.memory_space<vmem>>) target_semaphore(%arg15 : memref<!tpu.dma_semaphore, #tpu.memory_space<semaphore_mem>>)
      %dma_start3A_44 = tpu.memref_slice %arg3[%add3A_42] : memref<335872xi32, #tpu.memory_space<hbm>> -> memref<128xi32, #tpu.memory_space<hbm>>
      %dma_start3A_45 = tpu.memref_slice %arg3[%add3A_42] : memref<335872xi32, #tpu.memory_space<hbm>> -> memref<128xi32, #tpu.memory_space<hbm>>
      tpu.enqueue_dma source(%dma_start3A_45 : memref<128xi32, #tpu.memory_space<hbm>>) target(%arg9 : memref<128xi32, #tpu.memory_space<vmem>>) target_semaphore(%arg16 : memref<!tpu.dma_semaphore, #tpu.memory_space<semaphore_mem>>)
      %dma_start3A_46 = arith.constant 0 : i32
      %dma_start3A_47 = tpu.memref_slice %arg4[%add3A_42, %dma_start3A_46] : memref<335872x16xf32, #tpu.memory_space<hbm>> -> memref<128x16xf32, #tpu.memory_space<hbm>>
      %dma_start3A_48 = arith.constant 0 : i32
      %dma_start3A_49 = tpu.memref_slice %arg4[%add3A_42, %dma_start3A_48] : memref<335872x16xf32, #tpu.memory_space<hbm>> -> memref<128x16xf32, #tpu.memory_space<hbm>>
      tpu.enqueue_dma source(%dma_start3A_49 : memref<128x16xf32, #tpu.memory_space<hbm>>) target(%arg12 : memref<128x16xf32, #tpu.memory_space<vmem>>) target_semaphore(%arg17 : memref<!tpu.dma_semaphore, #tpu.memory_space<semaphore_mem>>)
      %dma_wait3A = tpu.memref_slice %arg2[%add3A_42] : memref<335872xi32, #tpu.memory_space<hbm>> -> memref<128xi32, #tpu.memory_space<hbm>>
      %dma_wait3A_50 = tpu.memref_slice %arg2[%add3A_42] : memref<335872xi32, #tpu.memory_space<hbm>> -> memref<128xi32, #tpu.memory_space<hbm>>
      tpu.wait_dma2 semaphore(%arg15 : memref<!tpu.dma_semaphore, #tpu.memory_space<semaphore_mem>>) src(%dma_wait3A_50 : memref<128xi32, #tpu.memory_space<hbm>>) dst(%arg8 : memref<128xi32, #tpu.memory_space<vmem>>)
      %get3A = arith.constant 0 : index
      %get3A_51 = tpu.vector_load %arg8[%get3A] {strides = array<i32>} : memref<128xi32, #tpu.memory_space<vmem>>, vector<16xi32>,
      %get3A_52 = vector.shape_cast %get3A_51 : vector<16xi32> to vector<16xi32>
      %mul3A_53 = arith.constant 10240 : i32
      %mul3A_54 = arith.muli %arg0, %mul3A_53 : i32
      %add3A_55 = vector.broadcast %mul3A_54 : i32 to vector<16xi32>
      %add3A_56 = arith.addi %get3A_52, %add3A_55 : vector<16xi32>
      %swap3A = arith.constant 0 : index
      %swap3A_57 = tpu.vector_load %arg10[%swap3A] {strides = array<i32>} : memref<128xi32, #tpu.memory_space<vmem>>, vector<16xi32>,
      %swap3A_58 = vector.shape_cast %swap3A_57 : vector<16xi32> to vector<16xi32>
      %swap3A_59 = vector.shape_cast %add3A_56 : vector<16xi32> to vector<16xi32>
      tpu.vector_store %arg10[%swap3A], %swap3A_59 {strides = array<i32>} : memref<128xi32, #tpu.memory_space<vmem>>, vector<16xi32>,
      %get3A_60 = arith.constant 16 : index
      %get3A_61 = tpu.vector_load %arg8[%get3A_60] {strides = array<i32>} : memref<128xi32, #tpu.memory_space<vmem>>, vector<16xi32>,
      %get3A_62 = vector.shape_cast %get3A_61 : vector<16xi32> to vector<16xi32>
      %mul3A_63 = arith.constant 10240 : i32
      %mul3A_64 = arith.muli %arg0, %mul3A_63 : i32
      %add3A_65 = vector.broadcast %mul3A_64 : i32 to vector<16xi32>
      %add3A_66 = arith.addi %get3A_62, %add3A_65 : vector<16xi32>
      %swap3A_67 = arith.constant 16 : index
      %swap3A_68 = tpu.vector_load %arg10[%swap3A_67] {strides = array<i32>} : memref<128xi32, #tpu.memory_space<vmem>>, vector<16xi32>,
      %swap3A_69 = vector.shape_cast %swap3A_68 : vector<16xi32> to vector<16xi32>
      %swap3A_70 = vector.shape_cast %add3A_66 : vector<16xi32> to vector<16xi32>
      tpu.vector_store %arg10[%swap3A_67], %swap3A_70 {strides = array<i32>} : memref<128xi32, #tpu.memory_space<vmem>>, vector<16xi32>,
      %get3A_71 = arith.constant 32 : index
      %get3A_72 = tpu.vector_load %arg8[%get3A_71] {strides = array<i32>} : memref<128xi32, #tpu.memory_space<vmem>>, vector<16xi32>,
      %get3A_73 = vector.shape_cast %get3A_72 : vector<16xi32> to vector<16xi32>
      %mul3A_74 = arith.constant 10240 : i32
      %mul3A_75 = arith.muli %arg0, %mul3A_74 : i32
      %add3A_76 = vector.broadcast %mul3A_75 : i32 to vector<16xi32>
      %add3A_77 = arith.addi %get3A_73, %add3A_76 : vector<16xi32>
      %swap3A_78 = arith.constant 32 : index
      %swap3A_79 = tpu.vector_load %arg10[%swap3A_78] {strides = array<i32>} : memref<128xi32, #tpu.memory_space<vmem>>, vector<16xi32>,
      %swap3A_80 = vector.shape_cast %swap3A_79 : vector<16xi32> to vector<16xi32>
      %swap3A_81 = vector.shape_cast %add3A_77 : vector<16xi32> to vector<16xi32>
      tpu.vector_store %arg10[%swap3A_78], %swap3A_81 {strides = array<i32>} : memref<128xi32, #tpu.memory_space<vmem>>, vector<16xi32>,
      %get3A_82 = arith.constant 48 : index
      %get3A_83 = tpu.vector_load %arg8[%get3A_82] {strides = array<i32>} : memref<128xi32, #tpu.memory_space<vmem>>, vector<16xi32>,
      %get3A_84 = vector.shape_cast %get3A_83 : vector<16xi32> to vector<16xi32>
      %mul3A_85 = arith.constant 10240 : i32
      %mul3A_86 = arith.muli %arg0, %mul3A_85 : i32
      %add3A_87 = vector.broadcast %mul3A_86 : i32 to vector<16xi32>
      %add3A_88 = arith.addi %get3A_84, %add3A_87 : vector<16xi32>
      %swap3A_89 = arith.constant 48 : index
      %swap3A_90 = tpu.vector_load %arg10[%swap3A_89] {strides = array<i32>} : memref<128xi32, #tpu.memory_space<vmem>>, vector<16xi32>,
      %swap3A_91 = vector.shape_cast %swap3A_90 : vector<16xi32> to vector<16xi32>
      %swap3A_92 = vector.shape_cast %add3A_88 : vector<16xi32> to vector<16xi32>
      tpu.vector_store %arg10[%swap3A_89], %swap3A_92 {strides = array<i32>} : memref<128xi32, #tpu.memory_space<vmem>>, vector<16xi32>,
      %get3A_93 = arith.constant 64 : index
      %get3A_94 = tpu.vector_load %arg8[%get3A_93] {strides = array<i32>} : memref<128xi32, #tpu.memory_space<vmem>>, vector<16xi32>,
      %get3A_95 = vector.shape_cast %get3A_94 : vector<16xi32> to vector<16xi32>
      %mul3A_96 = arith.constant 10240 : i32
      %mul3A_97 = arith.muli %arg0, %mul3A_96 : i32
      %add3A_98 = vector.broadcast %mul3A_97 : i32 to vector<16xi32>
      %add3A_99 = arith.addi %get3A_95, %add3A_98 : vector<16xi32>
      %swap3A_100 = arith.constant 64 : index
      %swap3A_101 = tpu.vector_load %arg10[%swap3A_100] {strides = array<i32>} : memref<128xi32, #tpu.memory_space<vmem>>, vector<16xi32>,
      %swap3A_102 = vector.shape_cast %swap3A_101 : vector<16xi32> to vector<16xi32>
      %swap3A_103 = vector.shape_cast %add3A_99 : vector<16xi32> to vector<16xi32>
      tpu.vector_store %arg10[%swap3A_100], %swap3A_103 {strides = array<i32>} : memref<128xi32, #tpu.memory_space<vmem>>, vector<16xi32>,
      %get3A_104 = arith.constant 80 : index
      %get3A_105 = tpu.vector_load %arg8[%get3A_104] {strides = array<i32>} : memref<128xi32, #tpu.memory_space<vmem>>, vector<16xi32>,
      %get3A_106 = vector.shape_cast %get3A_105 : vector<16xi32> to vector<16xi32>
      %mul3A_107 = arith.constant 10240 : i32
      %mul3A_108 = arith.muli %arg0, %mul3A_107 : i32
      %add3A_109 = vector.broadcast %mul3A_108 : i32 to vector<16xi32>
      %add3A_110 = arith.addi %get3A_106, %add3A_109 : vector<16xi32>
      %swap3A_111 = arith.constant 80 : index
      %swap3A_112 = tpu.vector_load %arg10[%swap3A_111] {strides = array<i32>} : memref<128xi32, #tpu.memory_space<vmem>>, vector<16xi32>,
      %swap3A_113 = vector.shape_cast %swap3A_112 : vector<16xi32> to vector<16xi32>
      %swap3A_114 = vector.shape_cast %add3A_110 : vector<16xi32> to vector<16xi32>
      tpu.vector_store %arg10[%swap3A_111], %swap3A_114 {strides = array<i32>} : memref<128xi32, #tpu.memory_space<vmem>>, vector<16xi32>,
      %get3A_115 = arith.constant 96 : index
      %get3A_116 = tpu.vector_load %arg8[%get3A_115] {strides = array<i32>} : memref<128xi32, #tpu.memory_space<vmem>>, vector<16xi32>,
      %get3A_117 = vector.shape_cast %get3A_116 : vector<16xi32> to vector<16xi32>
      %mul3A_118 = arith.constant 10240 : i32
      %mul3A_119 = arith.muli %arg0, %mul3A_118 : i32
      %add3A_120 = vector.broadcast %mul3A_119 : i32 to vector<16xi32>
      %add3A_121 = arith.addi %get3A_117, %add3A_120 : vector<16xi32>
      %swap3A_122 = arith.constant 96 : index
      %swap3A_123 = tpu.vector_load %arg10[%swap3A_122] {strides = array<i32>} : memref<128xi32, #tpu.memory_space<vmem>>, vector<16xi32>,
      %swap3A_124 = vector.shape_cast %swap3A_123 : vector<16xi32> to vector<16xi32>
      %swap3A_125 = vector.shape_cast %add3A_121 : vector<16xi32> to vector<16xi32>
      tpu.vector_store %arg10[%swap3A_122], %swap3A_125 {strides = array<i32>} : memref<128xi32, #tpu.memory_space<vmem>>, vector<16xi32>,
      %get3A_126 = arith.constant 112 : index
      %get3A_127 = tpu.vector_load %arg8[%get3A_126] {strides = array<i32>} : memref<128xi32, #tpu.memory_space<vmem>>, vector<16xi32>,
      %get3A_128 = vector.shape_cast %get3A_127 : vector<16xi32> to vector<16xi32>
      %mul3A_129 = arith.constant 10240 : i32
      %mul3A_130 = arith.muli %arg0, %mul3A_129 : i32
      %add3A_131 = vector.broadcast %mul3A_130 : i32 to vector<16xi32>
      %add3A_132 = arith.addi %get3A_128, %add3A_131 : vector<16xi32>
      %swap3A_133 = arith.constant 112 : index
      %swap3A_134 = tpu.vector_load %arg10[%swap3A_133] {strides = array<i32>} : memref<128xi32, #tpu.memory_space<vmem>>, vector<16xi32>,
      %swap3A_135 = vector.shape_cast %swap3A_134 : vector<16xi32> to vector<16xi32>
      %swap3A_136 = vector.shape_cast %add3A_132 : vector<16xi32> to vector<16xi32>
      tpu.vector_store %arg10[%swap3A_133], %swap3A_136 {strides = array<i32>} : memref<128xi32, #tpu.memory_space<vmem>>, vector<16xi32>,
      %dma_start3A_137 = arith.constant 0 : i32
      %dma_start3A_138 = arith.constant 0 : i32
      %dma_start3A_139 = tpu.memref_slice %arg6[%dma_start3A_137, %dma_start3A_138] : memref<20480x128xf32, #tpu.memory_space<hbm>> -> memref<20480x128xf32, #tpu.memory_space<hbm>>
      tpu.enqueue_indirect_dma source(%dma_start3A_139 : memref<20480x128xf32, #tpu.memory_space<hbm>>) target(%arg11 : memref<128x128xf32, #tpu.memory_space<vmem>>) offsets(%arg10 : memref<128xi32, #tpu.memory_space<vmem>>) semaphore(%arg18 : memref<!tpu.dma_semaphore, #tpu.memory_space<semaphore_mem>>)
      %dma_wait3A_140 = tpu.memref_slice %arg3[%add3A_42] : memref<335872xi32, #tpu.memory_space<hbm>> -> memref<128xi32, #tpu.memory_space<hbm>>
      %dma_wait3A_141 = tpu.memref_slice %arg3[%add3A_42] : memref<335872xi32, #tpu.memory_space<hbm>> -> memref<128xi32, #tpu.memory_space<hbm>>
      tpu.wait_dma2 semaphore(%arg16 : memref<!tpu.dma_semaphore, #tpu.memory_space<semaphore_mem>>) src(%dma_wait3A_141 : memref<128xi32, #tpu.memory_space<hbm>>) dst(%arg9 : memref<128xi32, #tpu.memory_space<vmem>>)
      %dma_start3A_142 = arith.constant 0 : i32
      %dma_start3A_143 = arith.constant 0 : i32
      %dma_start3A_144 = tpu.memref_slice %arg5[%dma_start3A_142, %dma_start3A_143] : memref<10240x16xf32, #tpu.memory_space<hbm>> -> memref<10240x16xf32, #tpu.memory_space<hbm>>
      tpu.enqueue_indirect_dma source(%dma_start3A_144 : memref<10240x16xf32, #tpu.memory_space<hbm>>) target(%arg13 : memref<128x16xf32, #tpu.memory_space<vmem>>) offsets(%arg9 : memref<128xi32, #tpu.memory_space<vmem>>) semaphore(%arg19 : memref<!tpu.dma_semaphore, #tpu.memory_space<semaphore_mem>>)
      %dma_wait3A_145 = arith.constant 0 : i32
      %dma_wait3A_146 = tpu.memref_slice %arg4[%add3A_42, %dma_wait3A_145] : memref<335872x16xf32, #tpu.memory_space<hbm>> -> memref<128x16xf32, #tpu.memory_space<hbm>>
      %dma_wait3A_147 = arith.constant 0 : i32
      %dma_wait3A_148 = tpu.memref_slice %arg4[%add3A_42, %dma_wait3A_147] : memref<335872x16xf32, #tpu.memory_space<hbm>> -> memref<128x16xf32, #tpu.memory_space<hbm>>
      tpu.wait_dma2 semaphore(%arg17 : memref<!tpu.dma_semaphore, #tpu.memory_space<semaphore_mem>>) src(%dma_wait3A_148 : memref<128x16xf32, #tpu.memory_space<hbm>>) dst(%arg12 : memref<128x16xf32, #tpu.memory_space<vmem>>)
      %dma_wait3A_149 = arith.constant 0 : i32
      %dma_wait3A_150 = arith.constant 0 : i32
      %dma_wait3A_151 = tpu.memref_slice %arg5[%dma_wait3A_149, %dma_wait3A_150] : memref<10240x16xf32, #tpu.memory_space<hbm>> -> memref<10240x16xf32, #tpu.memory_space<hbm>>
      tpu.wait_indirect_dma semaphore(%arg19 : memref<!tpu.dma_semaphore, #tpu.memory_space<semaphore_mem>>) src(%dma_wait3A_151 : memref<10240x16xf32, #tpu.memory_space<hbm>>) dst(%arg13 : memref<128x16xf32, #tpu.memory_space<vmem>>)
      %dma_wait3A_152 = arith.constant 0 : i32
      %dma_wait3A_153 = arith.constant 0 : i32
      %dma_wait3A_154 = tpu.memref_slice %arg6[%dma_wait3A_152, %dma_wait3A_153] : memref<20480x128xf32, #tpu.memory_space<hbm>> -> memref<20480x128xf32, #tpu.memory_space<hbm>>
      tpu.wait_indirect_dma semaphore(%arg18 : memref<!tpu.dma_semaphore, #tpu.memory_space<semaphore_mem>>) src(%dma_wait3A_154 : memref<20480x128xf32, #tpu.memory_space<hbm>>) dst(%arg11 : memref<128x128xf32, #tpu.memory_space<vmem>>)
      %parallel_loop3A = arith.constant 0 : i32
      %parallel_loop3A_155 = arith.constant 128 : i32
      %parallel_loop3A_156 = arith.constant 1 : i32
      scf.for %parallel_loop3A_157 = %parallel_loop3A to %parallel_loop3A_155 step %parallel_loop3A_156  : i32 {
        %parallel_loop3A_158 = arith.index_cast %parallel_loop3A_157 : i32 to index
        %parallel_loop3A_159 = arith.constant 0 : index
        %parallel_loop3A_160 = tpu.vector_load %arg12[%parallel_loop3A_158, %parallel_loop3A_159] {strides = array<i32>} : memref<128x16xf32, #tpu.memory_space<vmem>>, vector<1x16xf32>,
        %parallel_loop3A_161 = vector.shape_cast %parallel_loop3A_160 : vector<1x16xf32> to vector<16xf32>
        %parallel_loop3A_162 = arith.index_cast %parallel_loop3A_157 : i32 to index
        %parallel_loop3A_163 = arith.constant 0 : index
        %parallel_loop3A_164 = tpu.vector_load %arg13[%parallel_loop3A_162, %parallel_loop3A_163] {strides = array<i32>} : memref<128x16xf32, #tpu.memory_space<vmem>>, vector<1x16xf32>,
        %parallel_loop3A_165 = vector.shape_cast %parallel_loop3A_164 : vector<1x16xf32> to vector<16xf32>
        %parallel_loop3A_166 = arith.mulf %parallel_loop3A_161, %parallel_loop3A_165 : vector<16xf32>
        %parallel_loop3A_167 = vector.broadcast %mul3A_26 : i32 to vector<16xi32>
        %parallel_loop3A_168 = vector.shape_cast %parallel_loop3A_167 : vector<16xi32> to vector<16x1xi32>
        %parallel_loop3A_169 = vector.shape_cast %parallel_loop3A_168 : vector<16x1xi32> to vector<16xi32>
        %parallel_loop3A_170 = tpu.dynamic_gather %parallel_loop3A_166[%parallel_loop3A_169] in [0] : vector<16xf32>, vector<16xi32> -> vector<16xf32>
        %parallel_loop3A_171 = arith.constant 1 : i32
        %parallel_loop3A_172 = arith.addi %mul3A_26, %parallel_loop3A_171 : i32
        %parallel_loop3A_173 = vector.broadcast %parallel_loop3A_172 : i32 to vector<16xi32>
        %parallel_loop3A_174 = vector.shape_cast %parallel_loop3A_173 : vector<16xi32> to vector<16x1xi32>
        %parallel_loop3A_175 = vector.shape_cast %parallel_loop3A_174 : vector<16x1xi32> to vector<16xi32>
        %parallel_loop3A_176 = tpu.dynamic_gather %parallel_loop3A_166[%parallel_loop3A_175] in [0] : vector<16xf32>, vector<16xi32> -> vector<16xf32>
        %parallel_loop3A_177 = arith.index_cast %parallel_loop3A_157 : i32 to index
        %parallel_loop3A_178 = arith.constant 0 : index
        %parallel_loop3A_179 = tpu.vector_load %arg11[%parallel_loop3A_177, %parallel_loop3A_178] {strides = array<i32>} : memref<128x128xf32, #tpu.memory_space<vmem>>, vector<1x16xf32>,
        %parallel_loop3A_180 = vector.shape_cast %parallel_loop3A_179 : vector<1x16xf32> to vector<16xf32>
        %parallel_loop3A_181 = arith.mulf %parallel_loop3A_180, %parallel_loop3A_170 : vector<16xf32>
        %parallel_loop3A_182 = arith.index_cast %parallel_loop3A_157 : i32 to index
        %parallel_loop3A_183 = arith.constant 0 : index
        %parallel_loop3A_184 = tpu.vector_load %arg11[%parallel_loop3A_182, %parallel_loop3A_183] {strides = array<i32>} : memref<128x128xf32, #tpu.memory_space<vmem>>, vector<1x16xf32>,
        %parallel_loop3A_185 = vector.shape_cast %parallel_loop3A_184 : vector<1x16xf32> to vector<16xf32>
        %parallel_loop3A_186 = vector.shape_cast %parallel_loop3A_181 : vector<16xf32> to vector<1x16xf32>
        tpu.vector_store %arg11[%parallel_loop3A_182, %parallel_loop3A_183], %parallel_loop3A_186 {strides = array<i32>} : memref<128x128xf32, #tpu.memory_space<vmem>>, vector<1x16xf32>,
        %parallel_loop3A_187 = arith.index_cast %parallel_loop3A_157 : i32 to index
        %parallel_loop3A_188 = arith.constant 16 : index
        %parallel_loop3A_189 = tpu.vector_load %arg11[%parallel_loop3A_187, %parallel_loop3A_188] {strides = array<i32>} : memref<128x128xf32, #tpu.memory_space<vmem>>, vector<1x16xf32>,
        %parallel_loop3A_190 = vector.shape_cast %parallel_loop3A_189 : vector<1x16xf32> to vector<16xf32>
        %parallel_loop3A_191 = arith.mulf %parallel_loop3A_190, %parallel_loop3A_170 : vector<16xf32>
        %parallel_loop3A_192 = arith.index_cast %parallel_loop3A_157 : i32 to index
        %parallel_loop3A_193 = arith.constant 16 : index
        %parallel_loop3A_194 = tpu.vector_load %arg11[%parallel_loop3A_192, %parallel_loop3A_193] {strides = array<i32>} : memref<128x128xf32, #tpu.memory_space<vmem>>, vector<1x16xf32>,
        %parallel_loop3A_195 = vector.shape_cast %parallel_loop3A_194 : vector<1x16xf32> to vector<16xf32>
        %parallel_loop3A_196 = vector.shape_cast %parallel_loop3A_191 : vector<16xf32> to vector<1x16xf32>
        tpu.vector_store %arg11[%parallel_loop3A_192, %parallel_loop3A_193], %parallel_loop3A_196 {strides = array<i32>} : memref<128x128xf32, #tpu.memory_space<vmem>>, vector<1x16xf32>,
        %parallel_loop3A_197 = arith.index_cast %parallel_loop3A_157 : i32 to index
        %parallel_loop3A_198 = arith.constant 32 : index
        %parallel_loop3A_199 = tpu.vector_load %arg11[%parallel_loop3A_197, %parallel_loop3A_198] {strides = array<i32>} : memref<128x128xf32, #tpu.memory_space<vmem>>, vector<1x16xf32>,
        %parallel_loop3A_200 = vector.shape_cast %parallel_loop3A_199 : vector<1x16xf32> to vector<16xf32>
        %parallel_loop3A_201 = arith.mulf %parallel_loop3A_200, %parallel_loop3A_170 : vector<16xf32>
        %parallel_loop3A_202 = arith.index_cast %parallel_loop3A_157 : i32 to index
        %parallel_loop3A_203 = arith.constant 32 : index
        %parallel_loop3A_204 = tpu.vector_load %arg11[%parallel_loop3A_202, %parallel_loop3A_203] {strides = array<i32>} : memref<128x128xf32, #tpu.memory_space<vmem>>, vector<1x16xf32>,
        %parallel_loop3A_205 = vector.shape_cast %parallel_loop3A_204 : vector<1x16xf32> to vector<16xf32>
        %parallel_loop3A_206 = vector.shape_cast %parallel_loop3A_201 : vector<16xf32> to vector<1x16xf32>
        tpu.vector_store %arg11[%parallel_loop3A_202, %parallel_loop3A_203], %parallel_loop3A_206 {strides = array<i32>} : memref<128x128xf32, #tpu.memory_space<vmem>>, vector<1x16xf32>,
        %parallel_loop3A_207 = arith.index_cast %parallel_loop3A_157 : i32 to index
        %parallel_loop3A_208 = arith.constant 48 : index
        %parallel_loop3A_209 = tpu.vector_load %arg11[%parallel_loop3A_207, %parallel_loop3A_208] {strides = array<i32>} : memref<128x128xf32, #tpu.memory_space<vmem>>, vector<1x16xf32>,
        %parallel_loop3A_210 = vector.shape_cast %parallel_loop3A_209 : vector<1x16xf32> to vector<16xf32>
        %parallel_loop3A_211 = arith.mulf %parallel_loop3A_210, %parallel_loop3A_170 : vector<16xf32>
        %parallel_loop3A_212 = arith.index_cast %parallel_loop3A_157 : i32 to index
        %parallel_loop3A_213 = arith.constant 48 : index
        %parallel_loop3A_214 = tpu.vector_load %arg11[%parallel_loop3A_212, %parallel_loop3A_213] {strides = array<i32>} : memref<128x128xf32, #tpu.memory_space<vmem>>, vector<1x16xf32>,
        %parallel_loop3A_215 = vector.shape_cast %parallel_loop3A_214 : vector<1x16xf32> to vector<16xf32>
        %parallel_loop3A_216 = vector.shape_cast %parallel_loop3A_211 : vector<16xf32> to vector<1x16xf32>
        tpu.vector_store %arg11[%parallel_loop3A_212, %parallel_loop3A_213], %parallel_loop3A_216 {strides = array<i32>} : memref<128x128xf32, #tpu.memory_space<vmem>>, vector<1x16xf32>,
        %parallel_loop3A_217 = arith.index_cast %parallel_loop3A_157 : i32 to index
        %parallel_loop3A_218 = arith.constant 64 : index
        %parallel_loop3A_219 = tpu.vector_load %arg11[%parallel_loop3A_217, %parallel_loop3A_218] {strides = array<i32>} : memref<128x128xf32, #tpu.memory_space<vmem>>, vector<1x16xf32>,
        %parallel_loop3A_220 = vector.shape_cast %parallel_loop3A_219 : vector<1x16xf32> to vector<16xf32>
        %parallel_loop3A_221 = arith.mulf %parallel_loop3A_220, %parallel_loop3A_176 : vector<16xf32>
        %parallel_loop3A_222 = arith.index_cast %parallel_loop3A_157 : i32 to index
        %parallel_loop3A_223 = arith.constant 64 : index
        %parallel_loop3A_224 = tpu.vector_load %arg11[%parallel_loop3A_222, %parallel_loop3A_223] {strides = array<i32>} : memref<128x128xf32, #tpu.memory_space<vmem>>, vector<1x16xf32>,
        %parallel_loop3A_225 = vector.shape_cast %parallel_loop3A_224 : vector<1x16xf32> to vector<16xf32>
        %parallel_loop3A_226 = vector.shape_cast %parallel_loop3A_221 : vector<16xf32> to vector<1x16xf32>
        tpu.vector_store %arg11[%parallel_loop3A_222, %parallel_loop3A_223], %parallel_loop3A_226 {strides = array<i32>} : memref<128x128xf32, #tpu.memory_space<vmem>>, vector<1x16xf32>,
        %parallel_loop3A_227 = arith.index_cast %parallel_loop3A_157 : i32 to index
        %parallel_loop3A_228 = arith.constant 80 : index
        %parallel_loop3A_229 = tpu.vector_load %arg11[%parallel_loop3A_227, %parallel_loop3A_228] {strides = array<i32>} : memref<128x128xf32, #tpu.memory_space<vmem>>, vector<1x16xf32>,
        %parallel_loop3A_230 = vector.shape_cast %parallel_loop3A_229 : vector<1x16xf32> to vector<16xf32>
        %parallel_loop3A_231 = arith.mulf %parallel_loop3A_230, %parallel_loop3A_176 : vector<16xf32>
        %parallel_loop3A_232 = arith.index_cast %parallel_loop3A_157 : i32 to index
        %parallel_loop3A_233 = arith.constant 80 : index
        %parallel_loop3A_234 = tpu.vector_load %arg11[%parallel_loop3A_232, %parallel_loop3A_233] {strides = array<i32>} : memref<128x128xf32, #tpu.memory_space<vmem>>, vector<1x16xf32>,
        %parallel_loop3A_235 = vector.shape_cast %parallel_loop3A_234 : vector<1x16xf32> to vector<16xf32>
        %parallel_loop3A_236 = vector.shape_cast %parallel_loop3A_231 : vector<16xf32> to vector<1x16xf32>
        tpu.vector_store %arg11[%parallel_loop3A_232, %parallel_loop3A_233], %parallel_loop3A_236 {strides = array<i32>} : memref<128x128xf32, #tpu.memory_space<vmem>>, vector<1x16xf32>,
        %parallel_loop3A_237 = arith.index_cast %parallel_loop3A_157 : i32 to index
        %parallel_loop3A_238 = arith.constant 96 : index
        %parallel_loop3A_239 = tpu.vector_load %arg11[%parallel_loop3A_237, %parallel_loop3A_238] {strides = array<i32>} : memref<128x128xf32, #tpu.memory_space<vmem>>, vector<1x16xf32>,
        %parallel_loop3A_240 = vector.shape_cast %parallel_loop3A_239 : vector<1x16xf32> to vector<16xf32>
        %parallel_loop3A_241 = arith.mulf %parallel_loop3A_240, %parallel_loop3A_176 : vector<16xf32>
        %parallel_loop3A_242 = arith.index_cast %parallel_loop3A_157 : i32 to index
        %parallel_loop3A_243 = arith.constant 96 : index
        %parallel_loop3A_244 = tpu.vector_load %arg11[%parallel_loop3A_242, %parallel_loop3A_243] {strides = array<i32>} : memref<128x128xf32, #tpu.memory_space<vmem>>, vector<1x16xf32>,
        %parallel_loop3A_245 = vector.shape_cast %parallel_loop3A_244 : vector<1x16xf32> to vector<16xf32>
        %parallel_loop3A_246 = vector.shape_cast %parallel_loop3A_241 : vector<16xf32> to vector<1x16xf32>
        tpu.vector_store %arg11[%parallel_loop3A_242, %parallel_loop3A_243], %parallel_loop3A_246 {strides = array<i32>} : memref<128x128xf32, #tpu.memory_space<vmem>>, vector<1x16xf32>,
        %parallel_loop3A_247 = arith.index_cast %parallel_loop3A_157 : i32 to index
        %parallel_loop3A_248 = arith.constant 112 : index
        %parallel_loop3A_249 = tpu.vector_load %arg11[%parallel_loop3A_247, %parallel_loop3A_248] {strides = array<i32>} : memref<128x128xf32, #tpu.memory_space<vmem>>, vector<1x16xf32>,
        %parallel_loop3A_250 = vector.shape_cast %parallel_loop3A_249 : vector<1x16xf32> to vector<16xf32>
        %parallel_loop3A_251 = arith.mulf %parallel_loop3A_250, %parallel_loop3A_176 : vector<16xf32>
        %parallel_loop3A_252 = arith.index_cast %parallel_loop3A_157 : i32 to index
        %parallel_loop3A_253 = arith.constant 112 : index
        %parallel_loop3A_254 = tpu.vector_load %arg11[%parallel_loop3A_252, %parallel_loop3A_253] {strides = array<i32>} : memref<128x128xf32, #tpu.memory_space<vmem>>, vector<1x16xf32>,
        %parallel_loop3A_255 = vector.shape_cast %parallel_loop3A_254 : vector<1x16xf32> to vector<16xf32>
        %parallel_loop3A_256 = vector.shape_cast %parallel_loop3A_251 : vector<16xf32> to vector<1x16xf32>
        tpu.vector_store %arg11[%parallel_loop3A_252, %parallel_loop3A_253], %parallel_loop3A_256 {strides = array<i32>} : memref<128x128xf32, #tpu.memory_space<vmem>>, vector<1x16xf32>,
      } {sc.loop_unroll_factor = 4 : i64, sc.parallel_access}
      "tpu.region"() ({
        %run_scoped3A = tpu.sem_alloc : memref<!tpu.dma_semaphore, #tpu.memory_space<semaphore_mem>>
        %dma_start3A_157 = arith.constant 0 : i32
        %dma_start3A_158 = arith.constant 0 : i32
        %dma_start3A_159 = tpu.memref_slice %arg14[%dma_start3A_157, %dma_start3A_158] : memref<10240x128xf32, #tpu.memory_space<vmem_shared>> -> memref<10240x128xf32, #tpu.memory_space<vmem_shared>>
        tpu.enqueue_indirect_dma source(%arg11 : memref<128x128xf32, #tpu.memory_space<vmem>>) target(%dma_start3A_159 : memref<10240x128xf32, #tpu.memory_space<vmem_shared>>) offsets(%arg9 : memref<128xi32, #tpu.memory_space<vmem>>) semaphore(%run_scoped3A : memref<!tpu.dma_semaphore, #tpu.memory_space<semaphore_mem>>) {add = true}
        %dma_wait3A_160 = arith.constant 0 : i32
        %dma_wait3A_161 = arith.constant 0 : i32
        %dma_wait3A_162 = tpu.memref_slice %arg14[%dma_wait3A_160, %dma_wait3A_161] : memref<10240x128xf32, #tpu.memory_space<vmem_shared>> -> memref<10240x128xf32, #tpu.memory_space<vmem_shared>>
        tpu.wait_indirect_dma semaphore(%run_scoped3A : memref<!tpu.dma_semaphore, #tpu.memory_space<semaphore_mem>>) src(%arg11 : memref<128x128xf32, #tpu.memory_space<vmem>>) dst(%dma_wait3A_162 : memref<10240x128xf32, #tpu.memory_space<vmem_shared>>)
        tpu.yield
      }) : () -> ()
    }
    %scan3A_32 = arith.constant 164 : i32
    %barrier3A_33 = arith.constant 0 : index
    tpu.barrier barrier_id(%barrier3A_33)
    %mul3A_34 = arith.constant 640 : i32
    %mul3A_35 = arith.muli %arg1, %mul3A_34 : i32
    %mul3A_36 = arith.constant 16 : i32
    %mul3A_37 = arith.muli %arg0, %mul3A_36 : i32
    %add3A_38 = arith.addi %mul3A_37, %arg1 : i32
    "tpu.region"() ({
      %run_scoped3A = tpu.sem_alloc : memref<!tpu.dma_semaphore, #tpu.memory_space<semaphore_mem>>
      %dma_start3A = arith.constant 0 : i32
      %dma_start3A_39 = arith.constant 0 : i32
      %dma_start3A_40 = tpu.memref_slice %arg7[%add3A_38, %dma_start3A, %dma_start3A_39] : memref<32x640x128xf32, #tpu.memory_space<hbm>> -> memref<1x640x128xf32, #tpu.memory_space<hbm>>
      %dma_start3A_41 = tpu.memref_squeeze %dma_start3A_40 : memref<1x640x128xf32, #tpu.memory_space<hbm>> -> memref<640x128xf32, #tpu.memory_space<hbm>>
      %dma_start3A_42 = arith.constant 0 : i32
      %dma_start3A_43 = tpu.memref_slice %arg14[%mul3A_35, %dma_start3A_42] : memref<10240x128xf32, #tpu.memory_space<vmem_shared>> -> memref<640x128xf32, #tpu.memory_space<vmem_shared>>
      tpu.enqueue_dma source(%dma_start3A_43 : memref<640x128xf32, #tpu.memory_space<vmem_shared>>) target(%dma_start3A_41 : memref<640x128xf32, #tpu.memory_space<hbm>>) target_semaphore(%run_scoped3A : memref<!tpu.dma_semaphore, #tpu.memory_space<semaphore_mem>>)
      %dma_wait3A = arith.constant 0 : i32
      %dma_wait3A_44 = arith.constant 0 : i32
      %dma_wait3A_45 = tpu.memref_slice %arg7[%add3A_38, %dma_wait3A, %dma_wait3A_44] : memref<32x640x128xf32, #tpu.memory_space<hbm>> -> memref<1x640x128xf32, #tpu.memory_space<hbm>>
      %dma_wait3A_46 = tpu.memref_squeeze %dma_wait3A_45 : memref<1x640x128xf32, #tpu.memory_space<hbm>> -> memref<640x128xf32, #tpu.memory_space<hbm>>
      %dma_wait3A_47 = arith.constant 0 : i32
      %dma_wait3A_48 = tpu.memref_slice %arg14[%mul3A_35, %dma_wait3A_47] : memref<10240x128xf32, #tpu.memory_space<vmem_shared>> -> memref<640x128xf32, #tpu.memory_space<vmem_shared>>
      tpu.wait_dma2 semaphore(%run_scoped3A : memref<!tpu.dma_semaphore, #tpu.memory_space<semaphore_mem>>) src(%dma_wait3A_48 : memref<640x128xf32, #tpu.memory_space<vmem_shared>>) dst(%dma_wait3A_46 : memref<640x128xf32, #tpu.memory_space<hbm>>)
      tpu.yield
    }) : () -> ()
    return
  }
}

#map = affine_map<(d0, d1) -> (0)>
#map1 = affine_map<(d0, d1) -> (0, 0)>
#map2 = affine_map<(d0, d1) -> (0, 0, 0)>
module attributes {stable_mosaic.version = 14 : i64} {
  func.func @_passb_body(%arg0: i32, %arg1: i32, %arg2: memref<335872xi32, #tpu.memory_space<hbm>>, %arg3: memref<335872xi32, #tpu.memory_space<hbm>>, %arg4: memref<335872x16xf32, #tpu.memory_space<hbm>>, %arg5: memref<10240x16xf32, #tpu.memory_space<hbm>>, %arg6: memref<20480x128xf32, #tpu.memory_space<hbm>>, %arg7: memref<32x640x128xf32, #tpu.memory_space<hbm>>, %arg8: memref<128xi32, #tpu.memory_space<vmem>>, %arg9: memref<128xi32, #tpu.memory_space<vmem>>, %arg10: memref<128xi32, #tpu.memory_space<vmem>>, %arg11: memref<128x128xf32, #tpu.memory_space<vmem>>, %arg12: memref<128x16xf32, #tpu.memory_space<vmem>>, %arg13: memref<128x16xf32, #tpu.memory_space<vmem>>, %arg14: memref<10240x128xf32, #tpu.memory_space<vmem_shared>>, %arg15: memref<!tpu.dma_semaphore, #tpu.memory_space<semaphore_mem>>, %arg16: memref<!tpu.dma_semaphore, #tpu.memory_space<semaphore_mem>>, %arg17: memref<!tpu.dma_semaphore, #tpu.memory_space<semaphore_mem>>, %arg18: memref<!tpu.dma_semaphore, #tpu.memory_space<semaphore_mem>>, %arg19: memref<!tpu.dma_semaphore, #tpu.memory_space<semaphore_mem>>) attributes {dimension_semantics = [#tpu.dimension_semantics<core_parallel>, #tpu.dimension_semantics<subcore_parallel>], iteration_bounds = array<i64: 2, 16>, scalar_prefetch = 0 : i64, scratch_operands = 12 : i64, tpu.core_type = #tpu.core_type<sc_vector_subcore>, window_params = [{transform_indices = #map}, {transform_indices = #map}, {transform_indices = #map1}, {transform_indices = #map1}, {transform_indices = #map1}, {transform_indices = #map2}]} {
    %mul3A = arith.constant 20992 : i32
    %mul3A_0 = arith.muli %arg1, %mul3A : i32
    %scan3A = arith.constant 0 : i32
    %scan3A_1 = arith.constant 0 : i32
    %scan3A_2 = arith.constant 128 : i32
    %scan3A_3 = arith.addi %scan3A_1, %scan3A_2 : i32
    %scan3A_4 = arith.constant 1 : i32
    scf.for %scan3A_39 = %scan3A_1 to %scan3A_3 step %scan3A_4  : i32 {
      %broadcast_in_dim3A = arith.constant 0.000000e+00 : f32
      %broadcast_in_dim3A_40 = vector.broadcast %broadcast_in_dim3A : f32 to vector<16xf32>
      %swap3A = arith.index_cast %scan3A_39 : i32 to index
      %swap3A_41 = arith.constant 0 : index
      %swap3A_42 = tpu.vector_load %arg11[%swap3A, %swap3A_41] {strides = array<i32>} : memref<128x128xf32, #tpu.memory_space<vmem>>, vector<1x16xf32>,
      %swap3A_43 = vector.shape_cast %swap3A_42 : vector<1x16xf32> to vector<16xf32>
      %swap3A_44 = vector.shape_cast %broadcast_in_dim3A_40 : vector<16xf32> to vector<1x16xf32>
      tpu.vector_store %arg11[%swap3A, %swap3A_41], %swap3A_44 {strides = array<i32>} : memref<128x128xf32, #tpu.memory_space<vmem>>, vector<1x16xf32>,
      %broadcast_in_dim3A_45 = arith.constant 0.000000e+00 : f32
      %broadcast_in_dim3A_46 = vector.broadcast %broadcast_in_dim3A_45 : f32 to vector<16xf32>
      %swap3A_47 = arith.index_cast %scan3A_39 : i32 to index
      %swap3A_48 = arith.constant 16 : index
      %swap3A_49 = tpu.vector_load %arg11[%swap3A_47, %swap3A_48] {strides = array<i32>} : memref<128x128xf32, #tpu.memory_space<vmem>>, vector<1x16xf32>,
      %swap3A_50 = vector.shape_cast %swap3A_49 : vector<1x16xf32> to vector<16xf32>
      %swap3A_51 = vector.shape_cast %broadcast_in_dim3A_46 : vector<16xf32> to vector<1x16xf32>
      tpu.vector_store %arg11[%swap3A_47, %swap3A_48], %swap3A_51 {strides = array<i32>} : memref<128x128xf32, #tpu.memory_space<vmem>>, vector<1x16xf32>,
      %broadcast_in_dim3A_52 = arith.constant 0.000000e+00 : f32
      %broadcast_in_dim3A_53 = vector.broadcast %broadcast_in_dim3A_52 : f32 to vector<16xf32>
      %swap3A_54 = arith.index_cast %scan3A_39 : i32 to index
      %swap3A_55 = arith.constant 32 : index
      %swap3A_56 = tpu.vector_load %arg11[%swap3A_54, %swap3A_55] {strides = array<i32>} : memref<128x128xf32, #tpu.memory_space<vmem>>, vector<1x16xf32>,
      %swap3A_57 = vector.shape_cast %swap3A_56 : vector<1x16xf32> to vector<16xf32>
      %swap3A_58 = vector.shape_cast %broadcast_in_dim3A_53 : vector<16xf32> to vector<1x16xf32>
      tpu.vector_store %arg11[%swap3A_54, %swap3A_55], %swap3A_58 {strides = array<i32>} : memref<128x128xf32, #tpu.memory_space<vmem>>, vector<1x16xf32>,
      %broadcast_in_dim3A_59 = arith.constant 0.000000e+00 : f32
      %broadcast_in_dim3A_60 = vector.broadcast %broadcast_in_dim3A_59 : f32 to vector<16xf32>
      %swap3A_61 = arith.index_cast %scan3A_39 : i32 to index
      %swap3A_62 = arith.constant 48 : index
      %swap3A_63 = tpu.vector_load %arg11[%swap3A_61, %swap3A_62] {strides = array<i32>} : memref<128x128xf32, #tpu.memory_space<vmem>>, vector<1x16xf32>,
      %swap3A_64 = vector.shape_cast %swap3A_63 : vector<1x16xf32> to vector<16xf32>
      %swap3A_65 = vector.shape_cast %broadcast_in_dim3A_60 : vector<16xf32> to vector<1x16xf32>
      tpu.vector_store %arg11[%swap3A_61, %swap3A_62], %swap3A_65 {strides = array<i32>} : memref<128x128xf32, #tpu.memory_space<vmem>>, vector<1x16xf32>,
      %broadcast_in_dim3A_66 = arith.constant 0.000000e+00 : f32
      %broadcast_in_dim3A_67 = vector.broadcast %broadcast_in_dim3A_66 : f32 to vector<16xf32>
      %swap3A_68 = arith.index_cast %scan3A_39 : i32 to index
      %swap3A_69 = arith.constant 64 : index
      %swap3A_70 = tpu.vector_load %arg11[%swap3A_68, %swap3A_69] {strides = array<i32>} : memref<128x128xf32, #tpu.memory_space<vmem>>, vector<1x16xf32>,
      %swap3A_71 = vector.shape_cast %swap3A_70 : vector<1x16xf32> to vector<16xf32>
      %swap3A_72 = vector.shape_cast %broadcast_in_dim3A_67 : vector<16xf32> to vector<1x16xf32>
      tpu.vector_store %arg11[%swap3A_68, %swap3A_69], %swap3A_72 {strides = array<i32>} : memref<128x128xf32, #tpu.memory_space<vmem>>, vector<1x16xf32>,
      %broadcast_in_dim3A_73 = arith.constant 0.000000e+00 : f32
      %broadcast_in_dim3A_74 = vector.broadcast %broadcast_in_dim3A_73 : f32 to vector<16xf32>
      %swap3A_75 = arith.index_cast %scan3A_39 : i32 to index
      %swap3A_76 = arith.constant 80 : index
      %swap3A_77 = tpu.vector_load %arg11[%swap3A_75, %swap3A_76] {strides = array<i32>} : memref<128x128xf32, #tpu.memory_space<vmem>>, vector<1x16xf32>,
      %swap3A_78 = vector.shape_cast %swap3A_77 : vector<1x16xf32> to vector<16xf32>
      %swap3A_79 = vector.shape_cast %broadcast_in_dim3A_74 : vector<16xf32> to vector<1x16xf32>
      tpu.vector_store %arg11[%swap3A_75, %swap3A_76], %swap3A_79 {strides = array<i32>} : memref<128x128xf32, #tpu.memory_space<vmem>>, vector<1x16xf32>,
      %broadcast_in_dim3A_80 = arith.constant 0.000000e+00 : f32
      %broadcast_in_dim3A_81 = vector.broadcast %broadcast_in_dim3A_80 : f32 to vector<16xf32>
      %swap3A_82 = arith.index_cast %scan3A_39 : i32 to index
      %swap3A_83 = arith.constant 96 : index
      %swap3A_84 = tpu.vector_load %arg11[%swap3A_82, %swap3A_83] {strides = array<i32>} : memref<128x128xf32, #tpu.memory_space<vmem>>, vector<1x16xf32>,
      %swap3A_85 = vector.shape_cast %swap3A_84 : vector<1x16xf32> to vector<16xf32>
      %swap3A_86 = vector.shape_cast %broadcast_in_dim3A_81 : vector<16xf32> to vector<1x16xf32>
      tpu.vector_store %arg11[%swap3A_82, %swap3A_83], %swap3A_86 {strides = array<i32>} : memref<128x128xf32, #tpu.memory_space<vmem>>, vector<1x16xf32>,
      %broadcast_in_dim3A_87 = arith.constant 0.000000e+00 : f32
      %broadcast_in_dim3A_88 = vector.broadcast %broadcast_in_dim3A_87 : f32 to vector<16xf32>
      %swap3A_89 = arith.index_cast %scan3A_39 : i32 to index
      %swap3A_90 = arith.constant 112 : index
      %swap3A_91 = tpu.vector_load %arg11[%swap3A_89, %swap3A_90] {strides = array<i32>} : memref<128x128xf32, #tpu.memory_space<vmem>>, vector<1x16xf32>,
      %swap3A_92 = vector.shape_cast %swap3A_91 : vector<1x16xf32> to vector<16xf32>
      %swap3A_93 = vector.shape_cast %broadcast_in_dim3A_88 : vector<16xf32> to vector<1x16xf32>
      tpu.vector_store %arg11[%swap3A_89, %swap3A_90], %swap3A_93 {strides = array<i32>} : memref<128x128xf32, #tpu.memory_space<vmem>>, vector<1x16xf32>,
    }
    %scan3A_5 = arith.constant 128 : i32
    %mul3A_6 = arith.constant 640 : i32
    %mul3A_7 = arith.muli %arg1, %mul3A_6 : i32
    %add3A = arith.constant 0 : i32
    %add3A_8 = arith.addi %mul3A_7, %add3A : i32
    "tpu.region"() ({
      %run_scoped3A = tpu.sem_alloc : memref<!tpu.dma_semaphore, #tpu.memory_space<semaphore_mem>>
      %dma_start3A = arith.constant 0 : i32
      %dma_start3A_39 = tpu.memref_slice %arg14[%add3A_8, %dma_start3A] : memref<10240x128xf32, #tpu.memory_space<vmem_shared>> -> memref<128x128xf32, #tpu.memory_space<vmem_shared>>
      %dma_start3A_40 = arith.constant 0 : i32
      %dma_start3A_41 = tpu.memref_slice %arg14[%add3A_8, %dma_start3A_40] : memref<10240x128xf32, #tpu.memory_space<vmem_shared>> -> memref<128x128xf32, #tpu.memory_space<vmem_shared>>
      tpu.enqueue_dma source(%arg11 : memref<128x128xf32, #tpu.memory_space<vmem>>) target(%dma_start3A_41 : memref<128x128xf32, #tpu.memory_space<vmem_shared>>) target_semaphore(%run_scoped3A : memref<!tpu.dma_semaphore, #tpu.memory_space<semaphore_mem>>)
      %dma_wait3A = arith.constant 0 : i32
      %dma_wait3A_42 = tpu.memref_slice %arg14[%add3A_8, %dma_wait3A] : memref<10240x128xf32, #tpu.memory_space<vmem_shared>> -> memref<128x128xf32, #tpu.memory_space<vmem_shared>>
      %dma_wait3A_43 = arith.constant 0 : i32
      %dma_wait3A_44 = tpu.memref_slice %arg14[%add3A_8, %dma_wait3A_43] : memref<10240x128xf32, #tpu.memory_space<vmem_shared>> -> memref<128x128xf32, #tpu.memory_space<vmem_shared>>
      tpu.wait_dma2 semaphore(%run_scoped3A : memref<!tpu.dma_semaphore, #tpu.memory_space<semaphore_mem>>) src(%arg11 : memref<128x128xf32, #tpu.memory_space<vmem>>) dst(%dma_wait3A_44 : memref<128x128xf32, #tpu.memory_space<vmem_shared>>)
      tpu.yield
    }) : () -> ()
    %mul3A_9 = arith.constant 640 : i32
    %mul3A_10 = arith.muli %arg1, %mul3A_9 : i32
    %add3A_11 = arith.constant 128 : i32
    %add3A_12 = arith.addi %mul3A_10, %add3A_11 : i32
    "tpu.region"() ({
      %run_scoped3A = tpu.sem_alloc : memref<!tpu.dma_semaphore, #tpu.memory_space<semaphore_mem>>
      %dma_start3A = arith.constant 0 : i32
      %dma_start3A_39 = tpu.memref_slice %arg14[%add3A_12, %dma_start3A] : memref<10240x128xf32, #tpu.memory_space<vmem_shared>> -> memref<128x128xf32, #tpu.memory_space<vmem_shared>>
      %dma_start3A_40 = arith.constant 0 : i32
      %dma_start3A_41 = tpu.memref_slice %arg14[%add3A_12, %dma_start3A_40] : memref<10240x128xf32, #tpu.memory_space<vmem_shared>> -> memref<128x128xf32, #tpu.memory_space<vmem_shared>>
      tpu.enqueue_dma source(%arg11 : memref<128x128xf32, #tpu.memory_space<vmem>>) target(%dma_start3A_41 : memref<128x128xf32, #tpu.memory_space<vmem_shared>>) target_semaphore(%run_scoped3A : memref<!tpu.dma_semaphore, #tpu.memory_space<semaphore_mem>>)
      %dma_wait3A = arith.constant 0 : i32
      %dma_wait3A_42 = tpu.memref_slice %arg14[%add3A_12, %dma_wait3A] : memref<10240x128xf32, #tpu.memory_space<vmem_shared>> -> memref<128x128xf32, #tpu.memory_space<vmem_shared>>
      %dma_wait3A_43 = arith.constant 0 : i32
      %dma_wait3A_44 = tpu.memref_slice %arg14[%add3A_12, %dma_wait3A_43] : memref<10240x128xf32, #tpu.memory_space<vmem_shared>> -> memref<128x128xf32, #tpu.memory_space<vmem_shared>>
      tpu.wait_dma2 semaphore(%run_scoped3A : memref<!tpu.dma_semaphore, #tpu.memory_space<semaphore_mem>>) src(%arg11 : memref<128x128xf32, #tpu.memory_space<vmem>>) dst(%dma_wait3A_44 : memref<128x128xf32, #tpu.memory_space<vmem_shared>>)
      tpu.yield
    }) : () -> ()
    %mul3A_13 = arith.constant 640 : i32
    %mul3A_14 = arith.muli %arg1, %mul3A_13 : i32
    %add3A_15 = arith.constant 256 : i32
    %add3A_16 = arith.addi %mul3A_14, %add3A_15 : i32
    "tpu.region"() ({
      %run_scoped3A = tpu.sem_alloc : memref<!tpu.dma_semaphore, #tpu.memory_space<semaphore_mem>>
      %dma_start3A = arith.constant 0 : i32
      %dma_start3A_39 = tpu.memref_slice %arg14[%add3A_16, %dma_start3A] : memref<10240x128xf32, #tpu.memory_space<vmem_shared>> -> memref<128x128xf32, #tpu.memory_space<vmem_shared>>
      %dma_start3A_40 = arith.constant 0 : i32
      %dma_start3A_41 = tpu.memref_slice %arg14[%add3A_16, %dma_start3A_40] : memref<10240x128xf32, #tpu.memory_space<vmem_shared>> -> memref<128x128xf32, #tpu.memory_space<vmem_shared>>
      tpu.enqueue_dma source(%arg11 : memref<128x128xf32, #tpu.memory_space<vmem>>) target(%dma_start3A_41 : memref<128x128xf32, #tpu.memory_space<vmem_shared>>) target_semaphore(%run_scoped3A : memref<!tpu.dma_semaphore, #tpu.memory_space<semaphore_mem>>)
      %dma_wait3A = arith.constant 0 : i32
      %dma_wait3A_42 = tpu.memref_slice %arg14[%add3A_16, %dma_wait3A] : memref<10240x128xf32, #tpu.memory_space<vmem_shared>> -> memref<128x128xf32, #tpu.memory_space<vmem_shared>>
      %dma_wait3A_43 = arith.constant 0 : i32
      %dma_wait3A_44 = tpu.memref_slice %arg14[%add3A_16, %dma_wait3A_43] : memref<10240x128xf32, #tpu.memory_space<vmem_shared>> -> memref<128x128xf32, #tpu.memory_space<vmem_shared>>
      tpu.wait_dma2 semaphore(%run_scoped3A : memref<!tpu.dma_semaphore, #tpu.memory_space<semaphore_mem>>) src(%arg11 : memref<128x128xf32, #tpu.memory_space<vmem>>) dst(%dma_wait3A_44 : memref<128x128xf32, #tpu.memory_space<vmem_shared>>)
      tpu.yield
    }) : () -> ()
    %mul3A_17 = arith.constant 640 : i32
    %mul3A_18 = arith.muli %arg1, %mul3A_17 : i32
    %add3A_19 = arith.constant 384 : i32
    %add3A_20 = arith.addi %mul3A_18, %add3A_19 : i32
    "tpu.region"() ({
      %run_scoped3A = tpu.sem_alloc : memref<!tpu.dma_semaphore, #tpu.memory_space<semaphore_mem>>
      %dma_start3A = arith.constant 0 : i32
      %dma_start3A_39 = tpu.memref_slice %arg14[%add3A_20, %dma_start3A] : memref<10240x128xf32, #tpu.memory_space<vmem_shared>> -> memref<128x128xf32, #tpu.memory_space<vmem_shared>>
      %dma_start3A_40 = arith.constant 0 : i32
      %dma_start3A_41 = tpu.memref_slice %arg14[%add3A_20, %dma_start3A_40] : memref<10240x128xf32, #tpu.memory_space<vmem_shared>> -> memref<128x128xf32, #tpu.memory_space<vmem_shared>>
      tpu.enqueue_dma source(%arg11 : memref<128x128xf32, #tpu.memory_space<vmem>>) target(%dma_start3A_41 : memref<128x128xf32, #tpu.memory_space<vmem_shared>>) target_semaphore(%run_scoped3A : memref<!tpu.dma_semaphore, #tpu.memory_space<semaphore_mem>>)
      %dma_wait3A = arith.constant 0 : i32
      %dma_wait3A_42 = tpu.memref_slice %arg14[%add3A_20, %dma_wait3A] : memref<10240x128xf32, #tpu.memory_space<vmem_shared>> -> memref<128x128xf32, #tpu.memory_space<vmem_shared>>
      %dma_wait3A_43 = arith.constant 0 : i32
      %dma_wait3A_44 = tpu.memref_slice %arg14[%add3A_20, %dma_wait3A_43] : memref<10240x128xf32, #tpu.memory_space<vmem_shared>> -> memref<128x128xf32, #tpu.memory_space<vmem_shared>>
      tpu.wait_dma2 semaphore(%run_scoped3A : memref<!tpu.dma_semaphore, #tpu.memory_space<semaphore_mem>>) src(%arg11 : memref<128x128xf32, #tpu.memory_space<vmem>>) dst(%dma_wait3A_44 : memref<128x128xf32, #tpu.memory_space<vmem_shared>>)
      tpu.yield
    }) : () -> ()
    %mul3A_21 = arith.constant 640 : i32
    %mul3A_22 = arith.muli %arg1, %mul3A_21 : i32
    %add3A_23 = arith.constant 512 : i32
    %add3A_24 = arith.addi %mul3A_22, %add3A_23 : i32
    "tpu.region"() ({
      %run_scoped3A = tpu.sem_alloc : memref<!tpu.dma_semaphore, #tpu.memory_space<semaphore_mem>>
      %dma_start3A = arith.constant 0 : i32
      %dma_start3A_39 = tpu.memref_slice %arg14[%add3A_24, %dma_start3A] : memref<10240x128xf32, #tpu.memory_space<vmem_shared>> -> memref<128x128xf32, #tpu.memory_space<vmem_shared>>
      %dma_start3A_40 = arith.constant 0 : i32
      %dma_start3A_41 = tpu.memref_slice %arg14[%add3A_24, %dma_start3A_40] : memref<10240x128xf32, #tpu.memory_space<vmem_shared>> -> memref<128x128xf32, #tpu.memory_space<vmem_shared>>
      tpu.enqueue_dma source(%arg11 : memref<128x128xf32, #tpu.memory_space<vmem>>) target(%dma_start3A_41 : memref<128x128xf32, #tpu.memory_space<vmem_shared>>) target_semaphore(%run_scoped3A : memref<!tpu.dma_semaphore, #tpu.memory_space<semaphore_mem>>)
      %dma_wait3A = arith.constant 0 : i32
      %dma_wait3A_42 = tpu.memref_slice %arg14[%add3A_24, %dma_wait3A] : memref<10240x128xf32, #tpu.memory_space<vmem_shared>> -> memref<128x128xf32, #tpu.memory_space<vmem_shared>>
      %dma_wait3A_43 = arith.constant 0 : i32
      %dma_wait3A_44 = tpu.memref_slice %arg14[%add3A_24, %dma_wait3A_43] : memref<10240x128xf32, #tpu.memory_space<vmem_shared>> -> memref<128x128xf32, #tpu.memory_space<vmem_shared>>
      tpu.wait_dma2 semaphore(%run_scoped3A : memref<!tpu.dma_semaphore, #tpu.memory_space<semaphore_mem>>) src(%arg11 : memref<128x128xf32, #tpu.memory_space<vmem>>) dst(%dma_wait3A_44 : memref<128x128xf32, #tpu.memory_space<vmem_shared>>)
      tpu.yield
    }) : () -> ()
    %barrier3A = arith.constant 0 : index
    tpu.barrier barrier_id(%barrier3A)
    %mul3A_25 = arith.constant 2 : i32
    %mul3A_26 = arith.muli %mul3A_25, %arg0 : i32
    %scan3A_27 = arith.constant 0 : i32
    %scan3A_28 = arith.constant 0 : i32
    %scan3A_29 = arith.constant 164 : i32
    %scan3A_30 = arith.addi %scan3A_28, %scan3A_29 : i32
    %scan3A_31 = arith.constant 1 : i32
    scf.for %scan3A_39 = %scan3A_28 to %scan3A_30 step %scan3A_31  : i32 {
      %mul3A_40 = arith.constant 128 : i32
      %mul3A_41 = arith.muli %scan3A_39, %mul3A_40 : i32
      %add3A_42 = arith.addi %mul3A_0, %mul3A_41 : i32
      %dma_start3A = tpu.memref_slice %arg2[%add3A_42] : memref<335872xi32, #tpu.memory_space<hbm>> -> memref<128xi32, #tpu.memory_space<hbm>>
      %dma_start3A_43 = tpu.memref_slice %arg2[%add3A_42] : memref<335872xi32, #tpu.memory_space<hbm>> -> memref<128xi32, #tpu.memory_space<hbm>>
      tpu.enqueue_dma source(%dma_start3A_43 : memref<128xi32, #tpu.memory_space<hbm>>) target(%arg8 : memref<128xi32, #tpu.memory_space<vmem>>) target_semaphore(%arg15 : memref<!tpu.dma_semaphore, #tpu.memory_space<semaphore_mem>>)
      %dma_start3A_44 = tpu.memref_slice %arg3[%add3A_42] : memref<335872xi32, #tpu.memory_space<hbm>> -> memref<128xi32, #tpu.memory_space<hbm>>
      %dma_start3A_45 = tpu.memref_slice %arg3[%add3A_42] : memref<335872xi32, #tpu.memory_space<hbm>> -> memref<128xi32, #tpu.memory_space<hbm>>
      tpu.enqueue_dma source(%dma_start3A_45 : memref<128xi32, #tpu.memory_space<hbm>>) target(%arg9 : memref<128xi32, #tpu.memory_space<vmem>>) target_semaphore(%arg16 : memref<!tpu.dma_semaphore, #tpu.memory_space<semaphore_mem>>)
      %dma_start3A_46 = arith.constant 0 : i32
      %dma_start3A_47 = tpu.memref_slice %arg4[%add3A_42, %dma_start3A_46] : memref<335872x16xf32, #tpu.memory_space<hbm>> -> memref<128x16xf32, #tpu.memory_space<hbm>>
      %dma_start3A_48 = arith.constant 0 : i32
      %dma_start3A_49 = tpu.memref_slice %arg4[%add3A_42, %dma_start3A_48] : memref<335872x16xf32, #tpu.memory_space<hbm>> -> memref<128x16xf32, #tpu.memory_space<hbm>>
      tpu.enqueue_dma source(%dma_start3A_49 : memref<128x16xf32, #tpu.memory_space<hbm>>) target(%arg12 : memref<128x16xf32, #tpu.memory_space<vmem>>) target_semaphore(%arg17 : memref<!tpu.dma_semaphore, #tpu.memory_space<semaphore_mem>>)
      %dma_wait3A = tpu.memref_slice %arg2[%add3A_42] : memref<335872xi32, #tpu.memory_space<hbm>> -> memref<128xi32, #tpu.memory_space<hbm>>
      %dma_wait3A_50 = tpu.memref_slice %arg2[%add3A_42] : memref<335872xi32, #tpu.memory_space<hbm>> -> memref<128xi32, #tpu.memory_space<hbm>>
      tpu.wait_dma2 semaphore(%arg15 : memref<!tpu.dma_semaphore, #tpu.memory_space<semaphore_mem>>) src(%dma_wait3A_50 : memref<128xi32, #tpu.memory_space<hbm>>) dst(%arg8 : memref<128xi32, #tpu.memory_space<vmem>>)
      %get3A = arith.constant 0 : index
      %get3A_51 = tpu.vector_load %arg8[%get3A] {strides = array<i32>} : memref<128xi32, #tpu.memory_space<vmem>>, vector<16xi32>,
      %get3A_52 = vector.shape_cast %get3A_51 : vector<16xi32> to vector<16xi32>
      %mul3A_53 = arith.constant 10240 : i32
      %mul3A_54 = arith.muli %arg0, %mul3A_53 : i32
      %add3A_55 = vector.broadcast %mul3A_54 : i32 to vector<16xi32>
      %add3A_56 = arith.addi %get3A_52, %add3A_55 : vector<16xi32>
      %swap3A = arith.constant 0 : index
      %swap3A_57 = tpu.vector_load %arg10[%swap3A] {strides = array<i32>} : memref<128xi32, #tpu.memory_space<vmem>>, vector<16xi32>,
      %swap3A_58 = vector.shape_cast %swap3A_57 : vector<16xi32> to vector<16xi32>
      %swap3A_59 = vector.shape_cast %add3A_56 : vector<16xi32> to vector<16xi32>
      tpu.vector_store %arg10[%swap3A], %swap3A_59 {strides = array<i32>} : memref<128xi32, #tpu.memory_space<vmem>>, vector<16xi32>,
      %get3A_60 = arith.constant 16 : index
      %get3A_61 = tpu.vector_load %arg8[%get3A_60] {strides = array<i32>} : memref<128xi32, #tpu.memory_space<vmem>>, vector<16xi32>,
      %get3A_62 = vector.shape_cast %get3A_61 : vector<16xi32> to vector<16xi32>
      %mul3A_63 = arith.constant 10240 : i32
      %mul3A_64 = arith.muli %arg0, %mul3A_63 : i32
      %add3A_65 = vector.broadcast %mul3A_64 : i32 to vector<16xi32>
      %add3A_66 = arith.addi %get3A_62, %add3A_65 : vector<16xi32>
      %swap3A_67 = arith.constant 16 : index
      %swap3A_68 = tpu.vector_load %arg10[%swap3A_67] {strides = array<i32>} : memref<128xi32, #tpu.memory_space<vmem>>, vector<16xi32>,
      %swap3A_69 = vector.shape_cast %swap3A_68 : vector<16xi32> to vector<16xi32>
      %swap3A_70 = vector.shape_cast %add3A_66 : vector<16xi32> to vector<16xi32>
      tpu.vector_store %arg10[%swap3A_67], %swap3A_70 {strides = array<i32>} : memref<128xi32, #tpu.memory_space<vmem>>, vector<16xi32>,
      %get3A_71 = arith.constant 32 : index
      %get3A_72 = tpu.vector_load %arg8[%get3A_71] {strides = array<i32>} : memref<128xi32, #tpu.memory_space<vmem>>, vector<16xi32>,
      %get3A_73 = vector.shape_cast %get3A_72 : vector<16xi32> to vector<16xi32>
      %mul3A_74 = arith.constant 10240 : i32
      %mul3A_75 = arith.muli %arg0, %mul3A_74 : i32
      %add3A_76 = vector.broadcast %mul3A_75 : i32 to vector<16xi32>
      %add3A_77 = arith.addi %get3A_73, %add3A_76 : vector<16xi32>
      %swap3A_78 = arith.constant 32 : index
      %swap3A_79 = tpu.vector_load %arg10[%swap3A_78] {strides = array<i32>} : memref<128xi32, #tpu.memory_space<vmem>>, vector<16xi32>,
      %swap3A_80 = vector.shape_cast %swap3A_79 : vector<16xi32> to vector<16xi32>
      %swap3A_81 = vector.shape_cast %add3A_77 : vector<16xi32> to vector<16xi32>
      tpu.vector_store %arg10[%swap3A_78], %swap3A_81 {strides = array<i32>} : memref<128xi32, #tpu.memory_space<vmem>>, vector<16xi32>,
      %get3A_82 = arith.constant 48 : index
      %get3A_83 = tpu.vector_load %arg8[%get3A_82] {strides = array<i32>} : memref<128xi32, #tpu.memory_space<vmem>>, vector<16xi32>,
      %get3A_84 = vector.shape_cast %get3A_83 : vector<16xi32> to vector<16xi32>
      %mul3A_85 = arith.constant 10240 : i32
      %mul3A_86 = arith.muli %arg0, %mul3A_85 : i32
      %add3A_87 = vector.broadcast %mul3A_86 : i32 to vector<16xi32>
      %add3A_88 = arith.addi %get3A_84, %add3A_87 : vector<16xi32>
      %swap3A_89 = arith.constant 48 : index
      %swap3A_90 = tpu.vector_load %arg10[%swap3A_89] {strides = array<i32>} : memref<128xi32, #tpu.memory_space<vmem>>, vector<16xi32>,
      %swap3A_91 = vector.shape_cast %swap3A_90 : vector<16xi32> to vector<16xi32>
      %swap3A_92 = vector.shape_cast %add3A_88 : vector<16xi32> to vector<16xi32>
      tpu.vector_store %arg10[%swap3A_89], %swap3A_92 {strides = array<i32>} : memref<128xi32, #tpu.memory_space<vmem>>, vector<16xi32>,
      %get3A_93 = arith.constant 64 : index
      %get3A_94 = tpu.vector_load %arg8[%get3A_93] {strides = array<i32>} : memref<128xi32, #tpu.memory_space<vmem>>, vector<16xi32>,
      %get3A_95 = vector.shape_cast %get3A_94 : vector<16xi32> to vector<16xi32>
      %mul3A_96 = arith.constant 10240 : i32
      %mul3A_97 = arith.muli %arg0, %mul3A_96 : i32
      %add3A_98 = vector.broadcast %mul3A_97 : i32 to vector<16xi32>
      %add3A_99 = arith.addi %get3A_95, %add3A_98 : vector<16xi32>
      %swap3A_100 = arith.constant 64 : index
      %swap3A_101 = tpu.vector_load %arg10[%swap3A_100] {strides = array<i32>} : memref<128xi32, #tpu.memory_space<vmem>>, vector<16xi32>,
      %swap3A_102 = vector.shape_cast %swap3A_101 : vector<16xi32> to vector<16xi32>
      %swap3A_103 = vector.shape_cast %add3A_99 : vector<16xi32> to vector<16xi32>
      tpu.vector_store %arg10[%swap3A_100], %swap3A_103 {strides = array<i32>} : memref<128xi32, #tpu.memory_space<vmem>>, vector<16xi32>,
      %get3A_104 = arith.constant 80 : index
      %get3A_105 = tpu.vector_load %arg8[%get3A_104] {strides = array<i32>} : memref<128xi32, #tpu.memory_space<vmem>>, vector<16xi32>,
      %get3A_106 = vector.shape_cast %get3A_105 : vector<16xi32> to vector<16xi32>
      %mul3A_107 = arith.constant 10240 : i32
      %mul3A_108 = arith.muli %arg0, %mul3A_107 : i32
      %add3A_109 = vector.broadcast %mul3A_108 : i32 to vector<16xi32>
      %add3A_110 = arith.addi %get3A_106, %add3A_109 : vector<16xi32>
      %swap3A_111 = arith.constant 80 : index
      %swap3A_112 = tpu.vector_load %arg10[%swap3A_111] {strides = array<i32>} : memref<128xi32, #tpu.memory_space<vmem>>, vector<16xi32>,
      %swap3A_113 = vector.shape_cast %swap3A_112 : vector<16xi32> to vector<16xi32>
      %swap3A_114 = vector.shape_cast %add3A_110 : vector<16xi32> to vector<16xi32>
      tpu.vector_store %arg10[%swap3A_111], %swap3A_114 {strides = array<i32>} : memref<128xi32, #tpu.memory_space<vmem>>, vector<16xi32>,
      %get3A_115 = arith.constant 96 : index
      %get3A_116 = tpu.vector_load %arg8[%get3A_115] {strides = array<i32>} : memref<128xi32, #tpu.memory_space<vmem>>, vector<16xi32>,
      %get3A_117 = vector.shape_cast %get3A_116 : vector<16xi32> to vector<16xi32>
      %mul3A_118 = arith.constant 10240 : i32
      %mul3A_119 = arith.muli %arg0, %mul3A_118 : i32
      %add3A_120 = vector.broadcast %mul3A_119 : i32 to vector<16xi32>
      %add3A_121 = arith.addi %get3A_117, %add3A_120 : vector<16xi32>
      %swap3A_122 = arith.constant 96 : index
      %swap3A_123 = tpu.vector_load %arg10[%swap3A_122] {strides = array<i32>} : memref<128xi32, #tpu.memory_space<vmem>>, vector<16xi32>,
      %swap3A_124 = vector.shape_cast %swap3A_123 : vector<16xi32> to vector<16xi32>
      %swap3A_125 = vector.shape_cast %add3A_121 : vector<16xi32> to vector<16xi32>
      tpu.vector_store %arg10[%swap3A_122], %swap3A_125 {strides = array<i32>} : memref<128xi32, #tpu.memory_space<vmem>>, vector<16xi32>,
      %get3A_126 = arith.constant 112 : index
      %get3A_127 = tpu.vector_load %arg8[%get3A_126] {strides = array<i32>} : memref<128xi32, #tpu.memory_space<vmem>>, vector<16xi32>,
      %get3A_128 = vector.shape_cast %get3A_127 : vector<16xi32> to vector<16xi32>
      %mul3A_129 = arith.constant 10240 : i32
      %mul3A_130 = arith.muli %arg0, %mul3A_129 : i32
      %add3A_131 = vector.broadcast %mul3A_130 : i32 to vector<16xi32>
      %add3A_132 = arith.addi %get3A_128, %add3A_131 : vector<16xi32>
      %swap3A_133 = arith.constant 112 : index
      %swap3A_134 = tpu.vector_load %arg10[%swap3A_133] {strides = array<i32>} : memref<128xi32, #tpu.memory_space<vmem>>, vector<16xi32>,
      %swap3A_135 = vector.shape_cast %swap3A_134 : vector<16xi32> to vector<16xi32>
      %swap3A_136 = vector.shape_cast %add3A_132 : vector<16xi32> to vector<16xi32>
      tpu.vector_store %arg10[%swap3A_133], %swap3A_136 {strides = array<i32>} : memref<128xi32, #tpu.memory_space<vmem>>, vector<16xi32>,
      %dma_start3A_137 = arith.constant 0 : i32
      %dma_start3A_138 = arith.constant 0 : i32
      %dma_start3A_139 = tpu.memref_slice %arg6[%dma_start3A_137, %dma_start3A_138] : memref<20480x128xf32, #tpu.memory_space<hbm>> -> memref<20480x128xf32, #tpu.memory_space<hbm>>
      tpu.enqueue_indirect_dma source(%dma_start3A_139 : memref<20480x128xf32, #tpu.memory_space<hbm>>) target(%arg11 : memref<128x128xf32, #tpu.memory_space<vmem>>) offsets(%arg10 : memref<128xi32, #tpu.memory_space<vmem>>) semaphore(%arg18 : memref<!tpu.dma_semaphore, #tpu.memory_space<semaphore_mem>>)
      %dma_wait3A_140 = tpu.memref_slice %arg3[%add3A_42] : memref<335872xi32, #tpu.memory_space<hbm>> -> memref<128xi32, #tpu.memory_space<hbm>>
      %dma_wait3A_141 = tpu.memref_slice %arg3[%add3A_42] : memref<335872xi32, #tpu.memory_space<hbm>> -> memref<128xi32, #tpu.memory_space<hbm>>
      tpu.wait_dma2 semaphore(%arg16 : memref<!tpu.dma_semaphore, #tpu.memory_space<semaphore_mem>>) src(%dma_wait3A_141 : memref<128xi32, #tpu.memory_space<hbm>>) dst(%arg9 : memref<128xi32, #tpu.memory_space<vmem>>)
      %dma_start3A_142 = arith.constant 0 : i32
      %dma_start3A_143 = arith.constant 0 : i32
      %dma_start3A_144 = tpu.memref_slice %arg5[%dma_start3A_142, %dma_start3A_143] : memref<10240x16xf32, #tpu.memory_space<hbm>> -> memref<10240x16xf32, #tpu.memory_space<hbm>>
      tpu.enqueue_indirect_dma source(%dma_start3A_144 : memref<10240x16xf32, #tpu.memory_space<hbm>>) target(%arg13 : memref<128x16xf32, #tpu.memory_space<vmem>>) offsets(%arg9 : memref<128xi32, #tpu.memory_space<vmem>>) semaphore(%arg19 : memref<!tpu.dma_semaphore, #tpu.memory_space<semaphore_mem>>)
      %dma_wait3A_145 = arith.constant 0 : i32
      %dma_wait3A_146 = tpu.memref_slice %arg4[%add3A_42, %dma_wait3A_145] : memref<335872x16xf32, #tpu.memory_space<hbm>> -> memref<128x16xf32, #tpu.memory_space<hbm>>
      %dma_wait3A_147 = arith.constant 0 : i32
      %dma_wait3A_148 = tpu.memref_slice %arg4[%add3A_42, %dma_wait3A_147] : memref<335872x16xf32, #tpu.memory_space<hbm>> -> memref<128x16xf32, #tpu.memory_space<hbm>>
      tpu.wait_dma2 semaphore(%arg17 : memref<!tpu.dma_semaphore, #tpu.memory_space<semaphore_mem>>) src(%dma_wait3A_148 : memref<128x16xf32, #tpu.memory_space<hbm>>) dst(%arg12 : memref<128x16xf32, #tpu.memory_space<vmem>>)
      %dma_wait3A_149 = arith.constant 0 : i32
      %dma_wait3A_150 = arith.constant 0 : i32
      %dma_wait3A_151 = tpu.memref_slice %arg5[%dma_wait3A_149, %dma_wait3A_150] : memref<10240x16xf32, #tpu.memory_space<hbm>> -> memref<10240x16xf32, #tpu.memory_space<hbm>>
      tpu.wait_indirect_dma semaphore(%arg19 : memref<!tpu.dma_semaphore, #tpu.memory_space<semaphore_mem>>) src(%dma_wait3A_151 : memref<10240x16xf32, #tpu.memory_space<hbm>>) dst(%arg13 : memref<128x16xf32, #tpu.memory_space<vmem>>)
      %dma_wait3A_152 = arith.constant 0 : i32
      %dma_wait3A_153 = arith.constant 0 : i32
      %dma_wait3A_154 = tpu.memref_slice %arg6[%dma_wait3A_152, %dma_wait3A_153] : memref<20480x128xf32, #tpu.memory_space<hbm>> -> memref<20480x128xf32, #tpu.memory_space<hbm>>
      tpu.wait_indirect_dma semaphore(%arg18 : memref<!tpu.dma_semaphore, #tpu.memory_space<semaphore_mem>>) src(%dma_wait3A_154 : memref<20480x128xf32, #tpu.memory_space<hbm>>) dst(%arg11 : memref<128x128xf32, #tpu.memory_space<vmem>>)
      %parallel_loop3A = arith.constant 0 : i32
      %parallel_loop3A_155 = arith.constant 128 : i32
      %parallel_loop3A_156 = arith.constant 1 : i32
      scf.for %parallel_loop3A_157 = %parallel_loop3A to %parallel_loop3A_155 step %parallel_loop3A_156  : i32 {
        %parallel_loop3A_158 = arith.index_cast %parallel_loop3A_157 : i32 to index
        %parallel_loop3A_159 = arith.constant 0 : index
        %parallel_loop3A_160 = tpu.vector_load %arg12[%parallel_loop3A_158, %parallel_loop3A_159] {strides = array<i32>} : memref<128x16xf32, #tpu.memory_space<vmem>>, vector<1x16xf32>,
        %parallel_loop3A_161 = vector.shape_cast %parallel_loop3A_160 : vector<1x16xf32> to vector<16xf32>
        %parallel_loop3A_162 = arith.index_cast %parallel_loop3A_157 : i32 to index
        %parallel_loop3A_163 = arith.constant 0 : index
        %parallel_loop3A_164 = tpu.vector_load %arg13[%parallel_loop3A_162, %parallel_loop3A_163] {strides = array<i32>} : memref<128x16xf32, #tpu.memory_space<vmem>>, vector<1x16xf32>,
        %parallel_loop3A_165 = vector.shape_cast %parallel_loop3A_164 : vector<1x16xf32> to vector<16xf32>
        %parallel_loop3A_166 = arith.mulf %parallel_loop3A_161, %parallel_loop3A_165 : vector<16xf32>
        %parallel_loop3A_167 = vector.broadcast %mul3A_26 : i32 to vector<16xi32>
        %parallel_loop3A_168 = vector.shape_cast %parallel_loop3A_167 : vector<16xi32> to vector<16x1xi32>
        %parallel_loop3A_169 = vector.shape_cast %parallel_loop3A_168 : vector<16x1xi32> to vector<16xi32>
        %parallel_loop3A_170 = tpu.dynamic_gather %parallel_loop3A_166[%parallel_loop3A_169] in [0] : vector<16xf32>, vector<16xi32> -> vector<16xf32>
        %parallel_loop3A_171 = arith.constant 1 : i32
        %parallel_loop3A_172 = arith.addi %mul3A_26, %parallel_loop3A_171 : i32
        %parallel_loop3A_173 = vector.broadcast %parallel_loop3A_172 : i32 to vector<16xi32>
        %parallel_loop3A_174 = vector.shape_cast %parallel_loop3A_173 : vector<16xi32> to vector<16x1xi32>
        %parallel_loop3A_175 = vector.shape_cast %parallel_loop3A_174 : vector<16x1xi32> to vector<16xi32>
        %parallel_loop3A_176 = tpu.dynamic_gather %parallel_loop3A_166[%parallel_loop3A_175] in [0] : vector<16xf32>, vector<16xi32> -> vector<16xf32>
        %parallel_loop3A_177 = arith.index_cast %parallel_loop3A_157 : i32 to index
        %parallel_loop3A_178 = arith.constant 0 : index
        %parallel_loop3A_179 = tpu.vector_load %arg11[%parallel_loop3A_177, %parallel_loop3A_178] {strides = array<i32>} : memref<128x128xf32, #tpu.memory_space<vmem>>, vector<1x16xf32>,
        %parallel_loop3A_180 = vector.shape_cast %parallel_loop3A_179 : vector<1x16xf32> to vector<16xf32>
        %parallel_loop3A_181 = arith.mulf %parallel_loop3A_180, %parallel_loop3A_170 : vector<16xf32>
        %parallel_loop3A_182 = arith.index_cast %parallel_loop3A_157 : i32 to index
        %parallel_loop3A_183 = arith.constant 0 : index
        %parallel_loop3A_184 = tpu.vector_load %arg11[%parallel_loop3A_182, %parallel_loop3A_183] {strides = array<i32>} : memref<128x128xf32, #tpu.memory_space<vmem>>, vector<1x16xf32>,
        %parallel_loop3A_185 = vector.shape_cast %parallel_loop3A_184 : vector<1x16xf32> to vector<16xf32>
        %parallel_loop3A_186 = vector.shape_cast %parallel_loop3A_181 : vector<16xf32> to vector<1x16xf32>
        tpu.vector_store %arg11[%parallel_loop3A_182, %parallel_loop3A_183], %parallel_loop3A_186 {strides = array<i32>} : memref<128x128xf32, #tpu.memory_space<vmem>>, vector<1x16xf32>,
        %parallel_loop3A_187 = arith.index_cast %parallel_loop3A_157 : i32 to index
        %parallel_loop3A_188 = arith.constant 16 : index
        %parallel_loop3A_189 = tpu.vector_load %arg11[%parallel_loop3A_187, %parallel_loop3A_188] {strides = array<i32>} : memref<128x128xf32, #tpu.memory_space<vmem>>, vector<1x16xf32>,
        %parallel_loop3A_190 = vector.shape_cast %parallel_loop3A_189 : vector<1x16xf32> to vector<16xf32>
        %parallel_loop3A_191 = arith.mulf %parallel_loop3A_190, %parallel_loop3A_170 : vector<16xf32>
        %parallel_loop3A_192 = arith.index_cast %parallel_loop3A_157 : i32 to index
        %parallel_loop3A_193 = arith.constant 16 : index
        %parallel_loop3A_194 = tpu.vector_load %arg11[%parallel_loop3A_192, %parallel_loop3A_193] {strides = array<i32>} : memref<128x128xf32, #tpu.memory_space<vmem>>, vector<1x16xf32>,
        %parallel_loop3A_195 = vector.shape_cast %parallel_loop3A_194 : vector<1x16xf32> to vector<16xf32>
        %parallel_loop3A_196 = vector.shape_cast %parallel_loop3A_191 : vector<16xf32> to vector<1x16xf32>
        tpu.vector_store %arg11[%parallel_loop3A_192, %parallel_loop3A_193], %parallel_loop3A_196 {strides = array<i32>} : memref<128x128xf32, #tpu.memory_space<vmem>>, vector<1x16xf32>,
        %parallel_loop3A_197 = arith.index_cast %parallel_loop3A_157 : i32 to index
        %parallel_loop3A_198 = arith.constant 32 : index
        %parallel_loop3A_199 = tpu.vector_load %arg11[%parallel_loop3A_197, %parallel_loop3A_198] {strides = array<i32>} : memref<128x128xf32, #tpu.memory_space<vmem>>, vector<1x16xf32>,
        %parallel_loop3A_200 = vector.shape_cast %parallel_loop3A_199 : vector<1x16xf32> to vector<16xf32>
        %parallel_loop3A_201 = arith.mulf %parallel_loop3A_200, %parallel_loop3A_170 : vector<16xf32>
        %parallel_loop3A_202 = arith.index_cast %parallel_loop3A_157 : i32 to index
        %parallel_loop3A_203 = arith.constant 32 : index
        %parallel_loop3A_204 = tpu.vector_load %arg11[%parallel_loop3A_202, %parallel_loop3A_203] {strides = array<i32>} : memref<128x128xf32, #tpu.memory_space<vmem>>, vector<1x16xf32>,
        %parallel_loop3A_205 = vector.shape_cast %parallel_loop3A_204 : vector<1x16xf32> to vector<16xf32>
        %parallel_loop3A_206 = vector.shape_cast %parallel_loop3A_201 : vector<16xf32> to vector<1x16xf32>
        tpu.vector_store %arg11[%parallel_loop3A_202, %parallel_loop3A_203], %parallel_loop3A_206 {strides = array<i32>} : memref<128x128xf32, #tpu.memory_space<vmem>>, vector<1x16xf32>,
        %parallel_loop3A_207 = arith.index_cast %parallel_loop3A_157 : i32 to index
        %parallel_loop3A_208 = arith.constant 48 : index
        %parallel_loop3A_209 = tpu.vector_load %arg11[%parallel_loop3A_207, %parallel_loop3A_208] {strides = array<i32>} : memref<128x128xf32, #tpu.memory_space<vmem>>, vector<1x16xf32>,
        %parallel_loop3A_210 = vector.shape_cast %parallel_loop3A_209 : vector<1x16xf32> to vector<16xf32>
        %parallel_loop3A_211 = arith.mulf %parallel_loop3A_210, %parallel_loop3A_170 : vector<16xf32>
        %parallel_loop3A_212 = arith.index_cast %parallel_loop3A_157 : i32 to index
        %parallel_loop3A_213 = arith.constant 48 : index
        %parallel_loop3A_214 = tpu.vector_load %arg11[%parallel_loop3A_212, %parallel_loop3A_213] {strides = array<i32>} : memref<128x128xf32, #tpu.memory_space<vmem>>, vector<1x16xf32>,
        %parallel_loop3A_215 = vector.shape_cast %parallel_loop3A_214 : vector<1x16xf32> to vector<16xf32>
        %parallel_loop3A_216 = vector.shape_cast %parallel_loop3A_211 : vector<16xf32> to vector<1x16xf32>
        tpu.vector_store %arg11[%parallel_loop3A_212, %parallel_loop3A_213], %parallel_loop3A_216 {strides = array<i32>} : memref<128x128xf32, #tpu.memory_space<vmem>>, vector<1x16xf32>,
        %parallel_loop3A_217 = arith.index_cast %parallel_loop3A_157 : i32 to index
        %parallel_loop3A_218 = arith.constant 64 : index
        %parallel_loop3A_219 = tpu.vector_load %arg11[%parallel_loop3A_217, %parallel_loop3A_218] {strides = array<i32>} : memref<128x128xf32, #tpu.memory_space<vmem>>, vector<1x16xf32>,
        %parallel_loop3A_220 = vector.shape_cast %parallel_loop3A_219 : vector<1x16xf32> to vector<16xf32>
        %parallel_loop3A_221 = arith.mulf %parallel_loop3A_220, %parallel_loop3A_176 : vector<16xf32>
        %parallel_loop3A_222 = arith.index_cast %parallel_loop3A_157 : i32 to index
        %parallel_loop3A_223 = arith.constant 64 : index
        %parallel_loop3A_224 = tpu.vector_load %arg11[%parallel_loop3A_222, %parallel_loop3A_223] {strides = array<i32>} : memref<128x128xf32, #tpu.memory_space<vmem>>, vector<1x16xf32>,
        %parallel_loop3A_225 = vector.shape_cast %parallel_loop3A_224 : vector<1x16xf32> to vector<16xf32>
        %parallel_loop3A_226 = vector.shape_cast %parallel_loop3A_221 : vector<16xf32> to vector<1x16xf32>
        tpu.vector_store %arg11[%parallel_loop3A_222, %parallel_loop3A_223], %parallel_loop3A_226 {strides = array<i32>} : memref<128x128xf32, #tpu.memory_space<vmem>>, vector<1x16xf32>,
        %parallel_loop3A_227 = arith.index_cast %parallel_loop3A_157 : i32 to index
        %parallel_loop3A_228 = arith.constant 80 : index
        %parallel_loop3A_229 = tpu.vector_load %arg11[%parallel_loop3A_227, %parallel_loop3A_228] {strides = array<i32>} : memref<128x128xf32, #tpu.memory_space<vmem>>, vector<1x16xf32>,
        %parallel_loop3A_230 = vector.shape_cast %parallel_loop3A_229 : vector<1x16xf32> to vector<16xf32>
        %parallel_loop3A_231 = arith.mulf %parallel_loop3A_230, %parallel_loop3A_176 : vector<16xf32>
        %parallel_loop3A_232 = arith.index_cast %parallel_loop3A_157 : i32 to index
        %parallel_loop3A_233 = arith.constant 80 : index
        %parallel_loop3A_234 = tpu.vector_load %arg11[%parallel_loop3A_232, %parallel_loop3A_233] {strides = array<i32>} : memref<128x128xf32, #tpu.memory_space<vmem>>, vector<1x16xf32>,
        %parallel_loop3A_235 = vector.shape_cast %parallel_loop3A_234 : vector<1x16xf32> to vector<16xf32>
        %parallel_loop3A_236 = vector.shape_cast %parallel_loop3A_231 : vector<16xf32> to vector<1x16xf32>
        tpu.vector_store %arg11[%parallel_loop3A_232, %parallel_loop3A_233], %parallel_loop3A_236 {strides = array<i32>} : memref<128x128xf32, #tpu.memory_space<vmem>>, vector<1x16xf32>,
        %parallel_loop3A_237 = arith.index_cast %parallel_loop3A_157 : i32 to index
        %parallel_loop3A_238 = arith.constant 96 : index
        %parallel_loop3A_239 = tpu.vector_load %arg11[%parallel_loop3A_237, %parallel_loop3A_238] {strides = array<i32>} : memref<128x128xf32, #tpu.memory_space<vmem>>, vector<1x16xf32>,
        %parallel_loop3A_240 = vector.shape_cast %parallel_loop3A_239 : vector<1x16xf32> to vector<16xf32>
        %parallel_loop3A_241 = arith.mulf %parallel_loop3A_240, %parallel_loop3A_176 : vector<16xf32>
        %parallel_loop3A_242 = arith.index_cast %parallel_loop3A_157 : i32 to index
        %parallel_loop3A_243 = arith.constant 96 : index
        %parallel_loop3A_244 = tpu.vector_load %arg11[%parallel_loop3A_242, %parallel_loop3A_243] {strides = array<i32>} : memref<128x128xf32, #tpu.memory_space<vmem>>, vector<1x16xf32>,
        %parallel_loop3A_245 = vector.shape_cast %parallel_loop3A_244 : vector<1x16xf32> to vector<16xf32>
        %parallel_loop3A_246 = vector.shape_cast %parallel_loop3A_241 : vector<16xf32> to vector<1x16xf32>
        tpu.vector_store %arg11[%parallel_loop3A_242, %parallel_loop3A_243], %parallel_loop3A_246 {strides = array<i32>} : memref<128x128xf32, #tpu.memory_space<vmem>>, vector<1x16xf32>,
        %parallel_loop3A_247 = arith.index_cast %parallel_loop3A_157 : i32 to index
        %parallel_loop3A_248 = arith.constant 112 : index
        %parallel_loop3A_249 = tpu.vector_load %arg11[%parallel_loop3A_247, %parallel_loop3A_248] {strides = array<i32>} : memref<128x128xf32, #tpu.memory_space<vmem>>, vector<1x16xf32>,
        %parallel_loop3A_250 = vector.shape_cast %parallel_loop3A_249 : vector<1x16xf32> to vector<16xf32>
        %parallel_loop3A_251 = arith.mulf %parallel_loop3A_250, %parallel_loop3A_176 : vector<16xf32>
        %parallel_loop3A_252 = arith.index_cast %parallel_loop3A_157 : i32 to index
        %parallel_loop3A_253 = arith.constant 112 : index
        %parallel_loop3A_254 = tpu.vector_load %arg11[%parallel_loop3A_252, %parallel_loop3A_253] {strides = array<i32>} : memref<128x128xf32, #tpu.memory_space<vmem>>, vector<1x16xf32>,
        %parallel_loop3A_255 = vector.shape_cast %parallel_loop3A_254 : vector<1x16xf32> to vector<16xf32>
        %parallel_loop3A_256 = vector.shape_cast %parallel_loop3A_251 : vector<16xf32> to vector<1x16xf32>
        tpu.vector_store %arg11[%parallel_loop3A_252, %parallel_loop3A_253], %parallel_loop3A_256 {strides = array<i32>} : memref<128x128xf32, #tpu.memory_space<vmem>>, vector<1x16xf32>,
      } {sc.loop_unroll_factor = 4 : i64, sc.parallel_access}
      "tpu.region"() ({
        %run_scoped3A = tpu.sem_alloc : memref<!tpu.dma_semaphore, #tpu.memory_space<semaphore_mem>>
        %dma_start3A_157 = arith.constant 0 : i32
        %dma_start3A_158 = arith.constant 0 : i32
        %dma_start3A_159 = tpu.memref_slice %arg14[%dma_start3A_157, %dma_start3A_158] : memref<10240x128xf32, #tpu.memory_space<vmem_shared>> -> memref<10240x128xf32, #tpu.memory_space<vmem_shared>>
        tpu.enqueue_indirect_dma source(%arg11 : memref<128x128xf32, #tpu.memory_space<vmem>>) target(%dma_start3A_159 : memref<10240x128xf32, #tpu.memory_space<vmem_shared>>) offsets(%arg9 : memref<128xi32, #tpu.memory_space<vmem>>) semaphore(%run_scoped3A : memref<!tpu.dma_semaphore, #tpu.memory_space<semaphore_mem>>) {add = true}
        %dma_wait3A_160 = arith.constant 0 : i32
        %dma_wait3A_161 = arith.constant 0 : i32
        %dma_wait3A_162 = tpu.memref_slice %arg14[%dma_wait3A_160, %dma_wait3A_161] : memref<10240x128xf32, #tpu.memory_space<vmem_shared>> -> memref<10240x128xf32, #tpu.memory_space<vmem_shared>>
        tpu.wait_indirect_dma semaphore(%run_scoped3A : memref<!tpu.dma_semaphore, #tpu.memory_space<semaphore_mem>>) src(%arg11 : memref<128x128xf32, #tpu.memory_space<vmem>>) dst(%dma_wait3A_162 : memref<10240x128xf32, #tpu.memory_space<vmem_shared>>)
        tpu.yield
      }) : () -> ()
    }
    %scan3A_32 = arith.constant 164 : i32
    %barrier3A_33 = arith.constant 0 : index
    tpu.barrier barrier_id(%barrier3A_33)
    %mul3A_34 = arith.constant 640 : i32
    %mul3A_35 = arith.muli %arg1, %mul3A_34 : i32
    %mul3A_36 = arith.constant 16 : i32
    %mul3A_37 = arith.muli %arg0, %mul3A_36 : i32
    %add3A_38 = arith.addi %mul3A_37, %arg1 : i32
    "tpu.region"() ({
      %run_scoped3A = tpu.sem_alloc : memref<!tpu.dma_semaphore, #tpu.memory_space<semaphore_mem>>
      %dma_start3A = arith.constant 0 : i32
      %dma_start3A_39 = arith.constant 0 : i32
      %dma_start3A_40 = tpu.memref_slice %arg7[%add3A_38, %dma_start3A, %dma_start3A_39] : memref<32x640x128xf32, #tpu.memory_space<hbm>> -> memref<1x640x128xf32, #tpu.memory_space<hbm>>
      %dma_start3A_41 = tpu.memref_squeeze %dma_start3A_40 : memref<1x640x128xf32, #tpu.memory_space<hbm>> -> memref<640x128xf32, #tpu.memory_space<hbm>>
      %dma_start3A_42 = arith.constant 0 : i32
      %dma_start3A_43 = tpu.memref_slice %arg14[%mul3A_35, %dma_start3A_42] : memref<10240x128xf32, #tpu.memory_space<vmem_shared>> -> memref<640x128xf32, #tpu.memory_space<vmem_shared>>
      tpu.enqueue_dma source(%dma_start3A_43 : memref<640x128xf32, #tpu.memory_space<vmem_shared>>) target(%dma_start3A_41 : memref<640x128xf32, #tpu.memory_space<hbm>>) target_semaphore(%run_scoped3A : memref<!tpu.dma_semaphore, #tpu.memory_space<semaphore_mem>>)
      %dma_wait3A = arith.constant 0 : i32
      %dma_wait3A_44 = arith.constant 0 : i32
      %dma_wait3A_45 = tpu.memref_slice %arg7[%add3A_38, %dma_wait3A, %dma_wait3A_44] : memref<32x640x128xf32, #tpu.memory_space<hbm>> -> memref<1x640x128xf32, #tpu.memory_space<hbm>>
      %dma_wait3A_46 = tpu.memref_squeeze %dma_wait3A_45 : memref<1x640x128xf32, #tpu.memory_space<hbm>> -> memref<640x128xf32, #tpu.memory_space<hbm>>
      %dma_wait3A_47 = arith.constant 0 : i32
      %dma_wait3A_48 = tpu.memref_slice %arg14[%mul3A_35, %dma_wait3A_47] : memref<10240x128xf32, #tpu.memory_space<vmem_shared>> -> memref<640x128xf32, #tpu.memory_space<vmem_shared>>
      tpu.wait_dma2 semaphore(%run_scoped3A : memref<!tpu.dma_semaphore, #tpu.memory_space<semaphore_mem>>) src(%dma_wait3A_48 : memref<640x128xf32, #tpu.memory_space<vmem_shared>>) dst(%dma_wait3A_46 : memref<640x128xf32, #tpu.memory_space<hbm>>)
      tpu.yield
    }) : () -> ()
    return
  }
}

#map = affine_map<(d0, d1) -> (0)>
#map1 = affine_map<(d0, d1) -> (0, 0)>
#map2 = affine_map<(d0, d1) -> (0, 0, 0)>
module attributes {stable_mosaic.version = 14 : i64} {
  func.func @_passa_body(%arg0: i32, %arg1: i32, %arg2: memref<335872xi32, #tpu.memory_space<hbm>>, %arg3: memref<335872xi32, #tpu.memory_space<hbm>>, %arg4: memref<10240x16xf32, #tpu.memory_space<hbm>>, %arg5: memref<10240x16xf32, #tpu.memory_space<hbm>>, %arg6: memref<335872x16xf32, #tpu.memory_space<hbm>>, %arg7: memref<2x10240x16xf32, #tpu.memory_space<hbm>>, %arg8: memref<128xi32, #tpu.memory_space<vmem>>, %arg9: memref<128xi32, #tpu.memory_space<vmem>>, %arg10: memref<128x16xf32, #tpu.memory_space<vmem>>, %arg11: memref<128x16xf32, #tpu.memory_space<vmem>>, %arg12: memref<128x16xf32, #tpu.memory_space<vmem>>, %arg13: memref<10240x16xf32, #tpu.memory_space<vmem_shared>>, %arg14: memref<!tpu.dma_semaphore, #tpu.memory_space<semaphore_mem>>, %arg15: memref<!tpu.dma_semaphore, #tpu.memory_space<semaphore_mem>>, %arg16: memref<!tpu.dma_semaphore, #tpu.memory_space<semaphore_mem>>, %arg17: memref<!tpu.dma_semaphore, #tpu.memory_space<semaphore_mem>>, %arg18: memref<!tpu.dma_semaphore, #tpu.memory_space<semaphore_mem>>) attributes {dimension_semantics = [#tpu.dimension_semantics<core_parallel>, #tpu.dimension_semantics<subcore_parallel>], iteration_bounds = array<i64: 2, 16>, scalar_prefetch = 0 : i64, scratch_operands = 11 : i64, tpu.core_type = #tpu.core_type<sc_vector_subcore>, window_params = [{transform_indices = #map}, {transform_indices = #map}, {transform_indices = #map1}, {transform_indices = #map1}, {transform_indices = #map1}, {transform_indices = #map2}]} {
    %mul3A = arith.constant 16 : i32
    %mul3A_0 = arith.muli %arg0, %mul3A : i32
    %add3A = arith.addi %mul3A_0, %arg1 : i32
    %mul3A_1 = arith.constant 10496 : i32
    %mul3A_2 = arith.muli %add3A, %mul3A_1 : i32
    %scan3A = arith.constant 0 : i32
    %scan3A_3 = arith.constant 0 : i32
    %scan3A_4 = arith.constant 128 : i32
    %scan3A_5 = arith.addi %scan3A_3, %scan3A_4 : i32
    %scan3A_6 = arith.constant 1 : i32
    scf.for %scan3A_39 = %scan3A_3 to %scan3A_5 step %scan3A_6  : i32 {
      %broadcast_in_dim3A = arith.constant 0.000000e+00 : f32
      %broadcast_in_dim3A_40 = vector.broadcast %broadcast_in_dim3A : f32 to vector<16xf32>
      %swap3A = arith.index_cast %scan3A_39 : i32 to index
      %swap3A_41 = arith.constant 0 : index
      %swap3A_42 = tpu.vector_load %arg10[%swap3A, %swap3A_41] {strides = array<i32>} : memref<128x16xf32, #tpu.memory_space<vmem>>, vector<1x16xf32>,
      %swap3A_43 = vector.shape_cast %swap3A_42 : vector<1x16xf32> to vector<16xf32>
      %swap3A_44 = vector.shape_cast %broadcast_in_dim3A_40 : vector<16xf32> to vector<1x16xf32>
      tpu.vector_store %arg10[%swap3A, %swap3A_41], %swap3A_44 {strides = array<i32>} : memref<128x16xf32, #tpu.memory_space<vmem>>, vector<1x16xf32>,
    }
    %scan3A_7 = arith.constant 128 : i32
    %mul3A_8 = arith.constant 640 : i32
    %mul3A_9 = arith.muli %arg1, %mul3A_8 : i32
    %add3A_10 = arith.constant 0 : i32
    %add3A_11 = arith.addi %mul3A_9, %add3A_10 : i32
    "tpu.region"() ({
      %run_scoped3A = tpu.sem_alloc : memref<!tpu.dma_semaphore, #tpu.memory_space<semaphore_mem>>
      %dma_start3A = arith.constant 0 : i32
      %dma_start3A_39 = tpu.memref_slice %arg13[%add3A_11, %dma_start3A] : memref<10240x16xf32, #tpu.memory_space<vmem_shared>> -> memref<128x16xf32, #tpu.memory_space<vmem_shared>>
      %dma_start3A_40 = arith.constant 0 : i32
      %dma_start3A_41 = tpu.memref_slice %arg13[%add3A_11, %dma_start3A_40] : memref<10240x16xf32, #tpu.memory_space<vmem_shared>> -> memref<128x16xf32, #tpu.memory_space<vmem_shared>>
      tpu.enqueue_dma source(%arg10 : memref<128x16xf32, #tpu.memory_space<vmem>>) target(%dma_start3A_41 : memref<128x16xf32, #tpu.memory_space<vmem_shared>>) target_semaphore(%run_scoped3A : memref<!tpu.dma_semaphore, #tpu.memory_space<semaphore_mem>>)
      %dma_wait3A = arith.constant 0 : i32
      %dma_wait3A_42 = tpu.memref_slice %arg13[%add3A_11, %dma_wait3A] : memref<10240x16xf32, #tpu.memory_space<vmem_shared>> -> memref<128x16xf32, #tpu.memory_space<vmem_shared>>
      %dma_wait3A_43 = arith.constant 0 : i32
      %dma_wait3A_44 = tpu.memref_slice %arg13[%add3A_11, %dma_wait3A_43] : memref<10240x16xf32, #tpu.memory_space<vmem_shared>> -> memref<128x16xf32, #tpu.memory_space<vmem_shared>>
      tpu.wait_dma2 semaphore(%run_scoped3A : memref<!tpu.dma_semaphore, #tpu.memory_space<semaphore_mem>>) src(%arg10 : memref<128x16xf32, #tpu.memory_space<vmem>>) dst(%dma_wait3A_44 : memref<128x16xf32, #tpu.memory_space<vmem_shared>>)
      tpu.yield
    }) : () -> ()
    %mul3A_12 = arith.constant 640 : i32
    %mul3A_13 = arith.muli %arg1, %mul3A_12 : i32
    %add3A_14 = arith.constant 128 : i32
    %add3A_15 = arith.addi %mul3A_13, %add3A_14 : i32
    "tpu.region"() ({
      %run_scoped3A = tpu.sem_alloc : memref<!tpu.dma_semaphore, #tpu.memory_space<semaphore_mem>>
      %dma_start3A = arith.constant 0 : i32
      %dma_start3A_39 = tpu.memref_slice %arg13[%add3A_15, %dma_start3A] : memref<10240x16xf32, #tpu.memory_space<vmem_shared>> -> memref<128x16xf32, #tpu.memory_space<vmem_shared>>
      %dma_start3A_40 = arith.constant 0 : i32
      %dma_start3A_41 = tpu.memref_slice %arg13[%add3A_15, %dma_start3A_40] : memref<10240x16xf32, #tpu.memory_space<vmem_shared>> -> memref<128x16xf32, #tpu.memory_space<vmem_shared>>
      tpu.enqueue_dma source(%arg10 : memref<128x16xf32, #tpu.memory_space<vmem>>) target(%dma_start3A_41 : memref<128x16xf32, #tpu.memory_space<vmem_shared>>) target_semaphore(%run_scoped3A : memref<!tpu.dma_semaphore, #tpu.memory_space<semaphore_mem>>)
      %dma_wait3A = arith.constant 0 : i32
      %dma_wait3A_42 = tpu.memref_slice %arg13[%add3A_15, %dma_wait3A] : memref<10240x16xf32, #tpu.memory_space<vmem_shared>> -> memref<128x16xf32, #tpu.memory_space<vmem_shared>>
      %dma_wait3A_43 = arith.constant 0 : i32
      %dma_wait3A_44 = tpu.memref_slice %arg13[%add3A_15, %dma_wait3A_43] : memref<10240x16xf32, #tpu.memory_space<vmem_shared>> -> memref<128x16xf32, #tpu.memory_space<vmem_shared>>
      tpu.wait_dma2 semaphore(%run_scoped3A : memref<!tpu.dma_semaphore, #tpu.memory_space<semaphore_mem>>) src(%arg10 : memref<128x16xf32, #tpu.memory_space<vmem>>) dst(%dma_wait3A_44 : memref<128x16xf32, #tpu.memory_space<vmem_shared>>)
      tpu.yield
    }) : () -> ()
    %mul3A_16 = arith.constant 640 : i32
    %mul3A_17 = arith.muli %arg1, %mul3A_16 : i32
    %add3A_18 = arith.constant 256 : i32
    %add3A_19 = arith.addi %mul3A_17, %add3A_18 : i32
    "tpu.region"() ({
      %run_scoped3A = tpu.sem_alloc : memref<!tpu.dma_semaphore, #tpu.memory_space<semaphore_mem>>
      %dma_start3A = arith.constant 0 : i32
      %dma_start3A_39 = tpu.memref_slice %arg13[%add3A_19, %dma_start3A] : memref<10240x16xf32, #tpu.memory_space<vmem_shared>> -> memref<128x16xf32, #tpu.memory_space<vmem_shared>>
      %dma_start3A_40 = arith.constant 0 : i32
      %dma_start3A_41 = tpu.memref_slice %arg13[%add3A_19, %dma_start3A_40] : memref<10240x16xf32, #tpu.memory_space<vmem_shared>> -> memref<128x16xf32, #tpu.memory_space<vmem_shared>>
      tpu.enqueue_dma source(%arg10 : memref<128x16xf32, #tpu.memory_space<vmem>>) target(%dma_start3A_41 : memref<128x16xf32, #tpu.memory_space<vmem_shared>>) target_semaphore(%run_scoped3A : memref<!tpu.dma_semaphore, #tpu.memory_space<semaphore_mem>>)
      %dma_wait3A = arith.constant 0 : i32
      %dma_wait3A_42 = tpu.memref_slice %arg13[%add3A_19, %dma_wait3A] : memref<10240x16xf32, #tpu.memory_space<vmem_shared>> -> memref<128x16xf32, #tpu.memory_space<vmem_shared>>
      %dma_wait3A_43 = arith.constant 0 : i32
      %dma_wait3A_44 = tpu.memref_slice %arg13[%add3A_19, %dma_wait3A_43] : memref<10240x16xf32, #tpu.memory_space<vmem_shared>> -> memref<128x16xf32, #tpu.memory_space<vmem_shared>>
      tpu.wait_dma2 semaphore(%run_scoped3A : memref<!tpu.dma_semaphore, #tpu.memory_space<semaphore_mem>>) src(%arg10 : memref<128x16xf32, #tpu.memory_space<vmem>>) dst(%dma_wait3A_44 : memref<128x16xf32, #tpu.memory_space<vmem_shared>>)
      tpu.yield
    }) : () -> ()
    %mul3A_20 = arith.constant 640 : i32
    %mul3A_21 = arith.muli %arg1, %mul3A_20 : i32
    %add3A_22 = arith.constant 384 : i32
    %add3A_23 = arith.addi %mul3A_21, %add3A_22 : i32
    "tpu.region"() ({
      %run_scoped3A = tpu.sem_alloc : memref<!tpu.dma_semaphore, #tpu.memory_space<semaphore_mem>>
      %dma_start3A = arith.constant 0 : i32
      %dma_start3A_39 = tpu.memref_slice %arg13[%add3A_23, %dma_start3A] : memref<10240x16xf32, #tpu.memory_space<vmem_shared>> -> memref<128x16xf32, #tpu.memory_space<vmem_shared>>
      %dma_start3A_40 = arith.constant 0 : i32
      %dma_start3A_41 = tpu.memref_slice %arg13[%add3A_23, %dma_start3A_40] : memref<10240x16xf32, #tpu.memory_space<vmem_shared>> -> memref<128x16xf32, #tpu.memory_space<vmem_shared>>
      tpu.enqueue_dma source(%arg10 : memref<128x16xf32, #tpu.memory_space<vmem>>) target(%dma_start3A_41 : memref<128x16xf32, #tpu.memory_space<vmem_shared>>) target_semaphore(%run_scoped3A : memref<!tpu.dma_semaphore, #tpu.memory_space<semaphore_mem>>)
      %dma_wait3A = arith.constant 0 : i32
      %dma_wait3A_42 = tpu.memref_slice %arg13[%add3A_23, %dma_wait3A] : memref<10240x16xf32, #tpu.memory_space<vmem_shared>> -> memref<128x16xf32, #tpu.memory_space<vmem_shared>>
      %dma_wait3A_43 = arith.constant 0 : i32
      %dma_wait3A_44 = tpu.memref_slice %arg13[%add3A_23, %dma_wait3A_43] : memref<10240x16xf32, #tpu.memory_space<vmem_shared>> -> memref<128x16xf32, #tpu.memory_space<vmem_shared>>
      tpu.wait_dma2 semaphore(%run_scoped3A : memref<!tpu.dma_semaphore, #tpu.memory_space<semaphore_mem>>) src(%arg10 : memref<128x16xf32, #tpu.memory_space<vmem>>) dst(%dma_wait3A_44 : memref<128x16xf32, #tpu.memory_space<vmem_shared>>)
      tpu.yield
    }) : () -> ()
    %mul3A_24 = arith.constant 640 : i32
    %mul3A_25 = arith.muli %arg1, %mul3A_24 : i32
    %add3A_26 = arith.constant 512 : i32
    %add3A_27 = arith.addi %mul3A_25, %add3A_26 : i32
    "tpu.region"() ({
      %run_scoped3A = tpu.sem_alloc : memref<!tpu.dma_semaphore, #tpu.memory_space<semaphore_mem>>
      %dma_start3A = arith.constant 0 : i32
      %dma_start3A_39 = tpu.memref_slice %arg13[%add3A_27, %dma_start3A] : memref<10240x16xf32, #tpu.memory_space<vmem_shared>> -> memref<128x16xf32, #tpu.memory_space<vmem_shared>>
      %dma_start3A_40 = arith.constant 0 : i32
      %dma_start3A_41 = tpu.memref_slice %arg13[%add3A_27, %dma_start3A_40] : memref<10240x16xf32, #tpu.memory_space<vmem_shared>> -> memref<128x16xf32, #tpu.memory_space<vmem_shared>>
      tpu.enqueue_dma source(%arg10 : memref<128x16xf32, #tpu.memory_space<vmem>>) target(%dma_start3A_41 : memref<128x16xf32, #tpu.memory_space<vmem_shared>>) target_semaphore(%run_scoped3A : memref<!tpu.dma_semaphore, #tpu.memory_space<semaphore_mem>>)
      %dma_wait3A = arith.constant 0 : i32
      %dma_wait3A_42 = tpu.memref_slice %arg13[%add3A_27, %dma_wait3A] : memref<10240x16xf32, #tpu.memory_space<vmem_shared>> -> memref<128x16xf32, #tpu.memory_space<vmem_shared>>
      %dma_wait3A_43 = arith.constant 0 : i32
      %dma_wait3A_44 = tpu.memref_slice %arg13[%add3A_27, %dma_wait3A_43] : memref<10240x16xf32, #tpu.memory_space<vmem_shared>> -> memref<128x16xf32, #tpu.memory_space<vmem_shared>>
      tpu.wait_dma2 semaphore(%run_scoped3A : memref<!tpu.dma_semaphore, #tpu.memory_space<semaphore_mem>>) src(%arg10 : memref<128x16xf32, #tpu.memory_space<vmem>>) dst(%dma_wait3A_44 : memref<128x16xf32, #tpu.memory_space<vmem_shared>>)
      tpu.yield
    }) : () -> ()
    %barrier3A = arith.constant 0 : index
    tpu.barrier barrier_id(%barrier3A)
    %scan3A_28 = arith.constant 0 : i32
    %scan3A_29 = arith.constant 0 : i32
    %scan3A_30 = arith.constant 82 : i32
    %scan3A_31 = arith.addi %scan3A_29, %scan3A_30 : i32
    %scan3A_32 = arith.constant 1 : i32
    scf.for %scan3A_39 = %scan3A_29 to %scan3A_31 step %scan3A_32  : i32 {
      %mul3A_40 = arith.constant 128 : i32
      %mul3A_41 = arith.muli %scan3A_39, %mul3A_40 : i32
      %add3A_42 = arith.addi %mul3A_2, %mul3A_41 : i32
      %dma_start3A = tpu.memref_slice %arg2[%add3A_42] : memref<335872xi32, #tpu.memory_space<hbm>> -> memref<128xi32, #tpu.memory_space<hbm>>
      %dma_start3A_43 = tpu.memref_slice %arg2[%add3A_42] : memref<335872xi32, #tpu.memory_space<hbm>> -> memref<128xi32, #tpu.memory_space<hbm>>
      tpu.enqueue_dma source(%dma_start3A_43 : memref<128xi32, #tpu.memory_space<hbm>>) target(%arg8 : memref<128xi32, #tpu.memory_space<vmem>>) target_semaphore(%arg14 : memref<!tpu.dma_semaphore, #tpu.memory_space<semaphore_mem>>)
      %dma_start3A_44 = tpu.memref_slice %arg3[%add3A_42] : memref<335872xi32, #tpu.memory_space<hbm>> -> memref<128xi32, #tpu.memory_space<hbm>>
      %dma_start3A_45 = tpu.memref_slice %arg3[%add3A_42] : memref<335872xi32, #tpu.memory_space<hbm>> -> memref<128xi32, #tpu.memory_space<hbm>>
      tpu.enqueue_dma source(%dma_start3A_45 : memref<128xi32, #tpu.memory_space<hbm>>) target(%arg9 : memref<128xi32, #tpu.memory_space<vmem>>) target_semaphore(%arg15 : memref<!tpu.dma_semaphore, #tpu.memory_space<semaphore_mem>>)
      %dma_wait3A = tpu.memref_slice %arg2[%add3A_42] : memref<335872xi32, #tpu.memory_space<hbm>> -> memref<128xi32, #tpu.memory_space<hbm>>
      %dma_wait3A_46 = tpu.memref_slice %arg2[%add3A_42] : memref<335872xi32, #tpu.memory_space<hbm>> -> memref<128xi32, #tpu.memory_space<hbm>>
      tpu.wait_dma2 semaphore(%arg14 : memref<!tpu.dma_semaphore, #tpu.memory_space<semaphore_mem>>) src(%dma_wait3A_46 : memref<128xi32, #tpu.memory_space<hbm>>) dst(%arg8 : memref<128xi32, #tpu.memory_space<vmem>>)
      %dma_start3A_47 = arith.constant 0 : i32
      %dma_start3A_48 = arith.constant 0 : i32
      %dma_start3A_49 = tpu.memref_slice %arg4[%dma_start3A_47, %dma_start3A_48] : memref<10240x16xf32, #tpu.memory_space<hbm>> -> memref<10240x16xf32, #tpu.memory_space<hbm>>
      tpu.enqueue_indirect_dma source(%dma_start3A_49 : memref<10240x16xf32, #tpu.memory_space<hbm>>) target(%arg10 : memref<128x16xf32, #tpu.memory_space<vmem>>) offsets(%arg8 : memref<128xi32, #tpu.memory_space<vmem>>) semaphore(%arg16 : memref<!tpu.dma_semaphore, #tpu.memory_space<semaphore_mem>>)
      %dma_wait3A_50 = tpu.memref_slice %arg3[%add3A_42] : memref<335872xi32, #tpu.memory_space<hbm>> -> memref<128xi32, #tpu.memory_space<hbm>>
      %dma_wait3A_51 = tpu.memref_slice %arg3[%add3A_42] : memref<335872xi32, #tpu.memory_space<hbm>> -> memref<128xi32, #tpu.memory_space<hbm>>
      tpu.wait_dma2 semaphore(%arg15 : memref<!tpu.dma_semaphore, #tpu.memory_space<semaphore_mem>>) src(%dma_wait3A_51 : memref<128xi32, #tpu.memory_space<hbm>>) dst(%arg9 : memref<128xi32, #tpu.memory_space<vmem>>)
      %dma_start3A_52 = arith.constant 0 : i32
      %dma_start3A_53 = arith.constant 0 : i32
      %dma_start3A_54 = tpu.memref_slice %arg5[%dma_start3A_52, %dma_start3A_53] : memref<10240x16xf32, #tpu.memory_space<hbm>> -> memref<10240x16xf32, #tpu.memory_space<hbm>>
      tpu.enqueue_indirect_dma source(%dma_start3A_54 : memref<10240x16xf32, #tpu.memory_space<hbm>>) target(%arg11 : memref<128x16xf32, #tpu.memory_space<vmem>>) offsets(%arg9 : memref<128xi32, #tpu.memory_space<vmem>>) semaphore(%arg17 : memref<!tpu.dma_semaphore, #tpu.memory_space<semaphore_mem>>)
      %dma_wait3A_55 = arith.constant 0 : i32
      %dma_wait3A_56 = arith.constant 0 : i32
      %dma_wait3A_57 = tpu.memref_slice %arg4[%dma_wait3A_55, %dma_wait3A_56] : memref<10240x16xf32, #tpu.memory_space<hbm>> -> memref<10240x16xf32, #tpu.memory_space<hbm>>
      tpu.wait_indirect_dma semaphore(%arg16 : memref<!tpu.dma_semaphore, #tpu.memory_space<semaphore_mem>>) src(%dma_wait3A_57 : memref<10240x16xf32, #tpu.memory_space<hbm>>) dst(%arg10 : memref<128x16xf32, #tpu.memory_space<vmem>>)
      %dma_wait3A_58 = arith.constant 0 : i32
      %dma_wait3A_59 = arith.constant 0 : i32
      %dma_wait3A_60 = tpu.memref_slice %arg5[%dma_wait3A_58, %dma_wait3A_59] : memref<10240x16xf32, #tpu.memory_space<hbm>> -> memref<10240x16xf32, #tpu.memory_space<hbm>>
      tpu.wait_indirect_dma semaphore(%arg17 : memref<!tpu.dma_semaphore, #tpu.memory_space<semaphore_mem>>) src(%dma_wait3A_60 : memref<10240x16xf32, #tpu.memory_space<hbm>>) dst(%arg11 : memref<128x16xf32, #tpu.memory_space<vmem>>)
      %parallel_loop3A = arith.constant 0 : i32
      %parallel_loop3A_61 = arith.constant 128 : i32
      %parallel_loop3A_62 = arith.constant 1 : i32
      scf.for %parallel_loop3A_71 = %parallel_loop3A to %parallel_loop3A_61 step %parallel_loop3A_62  : i32 {
        %parallel_loop3A_72 = arith.index_cast %parallel_loop3A_71 : i32 to index
        %parallel_loop3A_73 = arith.constant 0 : index
        %parallel_loop3A_74 = tpu.vector_load %arg10[%parallel_loop3A_72, %parallel_loop3A_73] {strides = array<i32>} : memref<128x16xf32, #tpu.memory_space<vmem>>, vector<1x16xf32>,
        %parallel_loop3A_75 = vector.shape_cast %parallel_loop3A_74 : vector<1x16xf32> to vector<16xf32>
        %parallel_loop3A_76 = arith.index_cast %parallel_loop3A_71 : i32 to index
        %parallel_loop3A_77 = arith.constant 0 : index
        %parallel_loop3A_78 = tpu.vector_load %arg11[%parallel_loop3A_76, %parallel_loop3A_77] {strides = array<i32>} : memref<128x16xf32, #tpu.memory_space<vmem>>, vector<1x16xf32>,
        %parallel_loop3A_79 = vector.shape_cast %parallel_loop3A_78 : vector<1x16xf32> to vector<16xf32>
        %parallel_loop3A_80 = arith.addf %parallel_loop3A_75, %parallel_loop3A_79 : vector<16xf32>
        %parallel_loop3A_81 = arith.constant 0.000000e+00 : f32
        %parallel_loop3A_82 = vector.broadcast %parallel_loop3A_81 : f32 to vector<16xf32>
        %parallel_loop3A_83 = arith.cmpf oge, %parallel_loop3A_80, %parallel_loop3A_82 : vector<16xf32>
        %parallel_loop3A_84 = arith.constant 2.000000e-01 : f32
        %parallel_loop3A_85 = vector.broadcast %parallel_loop3A_84 : f32 to vector<16xf32>
        %parallel_loop3A_86 = arith.mulf %parallel_loop3A_85, %parallel_loop3A_80 : vector<16xf32>
        %parallel_loop3A_87 = arith.select %parallel_loop3A_83, %parallel_loop3A_80, %parallel_loop3A_86 : vector<16xi1>, vector<16xf32>
        %parallel_loop3A_88 = math.exp %parallel_loop3A_87 : vector<16xf32>
        %parallel_loop3A_89 = arith.index_cast %parallel_loop3A_71 : i32 to index
        %parallel_loop3A_90 = arith.constant 0 : index
        %parallel_loop3A_91 = tpu.vector_load %arg12[%parallel_loop3A_89, %parallel_loop3A_90] {strides = array<i32>} : memref<128x16xf32, #tpu.memory_space<vmem>>, vector<1x16xf32>,
        %parallel_loop3A_92 = vector.shape_cast %parallel_loop3A_91 : vector<1x16xf32> to vector<16xf32>
        %parallel_loop3A_93 = vector.shape_cast %parallel_loop3A_88 : vector<16xf32> to vector<1x16xf32>
        tpu.vector_store %arg12[%parallel_loop3A_89, %parallel_loop3A_90], %parallel_loop3A_93 {strides = array<i32>} : memref<128x16xf32, #tpu.memory_space<vmem>>, vector<1x16xf32>,
      } {sc.loop_unroll_factor = 4 : i64, sc.parallel_access}
      %dma_start3A_63 = arith.constant 0 : i32
      %dma_start3A_64 = tpu.memref_slice %arg6[%add3A_42, %dma_start3A_63] : memref<335872x16xf32, #tpu.memory_space<hbm>> -> memref<128x16xf32, #tpu.memory_space<hbm>>
      %dma_start3A_65 = arith.constant 0 : i32
      %dma_start3A_66 = tpu.memref_slice %arg6[%add3A_42, %dma_start3A_65] : memref<335872x16xf32, #tpu.memory_space<hbm>> -> memref<128x16xf32, #tpu.memory_space<hbm>>
      tpu.enqueue_dma source(%arg12 : memref<128x16xf32, #tpu.memory_space<vmem>>) target(%dma_start3A_66 : memref<128x16xf32, #tpu.memory_space<hbm>>) target_semaphore(%arg18 : memref<!tpu.dma_semaphore, #tpu.memory_space<semaphore_mem>>)
      "tpu.region"() ({
        %run_scoped3A = tpu.sem_alloc : memref<!tpu.dma_semaphore, #tpu.memory_space<semaphore_mem>>
        %dma_start3A_71 = arith.constant 0 : i32
        %dma_start3A_72 = arith.constant 0 : i32
        %dma_start3A_73 = tpu.memref_slice %arg13[%dma_start3A_71, %dma_start3A_72] : memref<10240x16xf32, #tpu.memory_space<vmem_shared>> -> memref<10240x16xf32, #tpu.memory_space<vmem_shared>>
        tpu.enqueue_indirect_dma source(%arg12 : memref<128x16xf32, #tpu.memory_space<vmem>>) target(%dma_start3A_73 : memref<10240x16xf32, #tpu.memory_space<vmem_shared>>) offsets(%arg9 : memref<128xi32, #tpu.memory_space<vmem>>) semaphore(%run_scoped3A : memref<!tpu.dma_semaphore, #tpu.memory_space<semaphore_mem>>) {add = true}
        %dma_wait3A_74 = arith.constant 0 : i32
        %dma_wait3A_75 = arith.constant 0 : i32
        %dma_wait3A_76 = tpu.memref_slice %arg13[%dma_wait3A_74, %dma_wait3A_75] : memref<10240x16xf32, #tpu.memory_space<vmem_shared>> -> memref<10240x16xf32, #tpu.memory_space<vmem_shared>>
        tpu.wait_indirect_dma semaphore(%run_scoped3A : memref<!tpu.dma_semaphore, #tpu.memory_space<semaphore_mem>>) src(%arg12 : memref<128x16xf32, #tpu.memory_space<vmem>>) dst(%dma_wait3A_76 : memref<10240x16xf32, #tpu.memory_space<vmem_shared>>)
        tpu.yield
      }) : () -> ()
      %dma_wait3A_67 = arith.constant 0 : i32
      %dma_wait3A_68 = tpu.memref_slice %arg6[%add3A_42, %dma_wait3A_67] : memref<335872x16xf32, #tpu.memory_space<hbm>> -> memref<128x16xf32, #tpu.memory_space<hbm>>
      %dma_wait3A_69 = arith.constant 0 : i32
      %dma_wait3A_70 = tpu.memref_slice %arg6[%add3A_42, %dma_wait3A_69] : memref<335872x16xf32, #tpu.memory_space<hbm>> -> memref<128x16xf32, #tpu.memory_space<hbm>>
      tpu.wait_dma2 semaphore(%arg18 : memref<!tpu.dma_semaphore, #tpu.memory_space<semaphore_mem>>) src(%arg12 : memref<128x16xf32, #tpu.memory_space<vmem>>) dst(%dma_wait3A_70 : memref<128x16xf32, #tpu.memory_space<hbm>>)
    }
    %scan3A_33 = arith.constant 82 : i32
    %barrier3A_34 = arith.constant 0 : index
    tpu.barrier barrier_id(%barrier3A_34)
    %mul3A_35 = arith.constant 640 : i32
    %mul3A_36 = arith.muli %arg1, %mul3A_35 : i32
    %mul3A_37 = arith.constant 640 : i32
    %mul3A_38 = arith.muli %arg1, %mul3A_37 : i32
    "tpu.region"() ({
      %run_scoped3A = tpu.sem_alloc : memref<!tpu.dma_semaphore, #tpu.memory_space<semaphore_mem>>
      %dma_start3A = arith.constant 0 : i32
      %dma_start3A_39 = tpu.memref_slice %arg7[%arg0, %mul3A_38, %dma_start3A] : memref<2x10240x16xf32, #tpu.memory_space<hbm>> -> memref<1x640x16xf32, #tpu.memory_space<hbm>>
      %dma_start3A_40 = tpu.memref_squeeze %dma_start3A_39 : memref<1x640x16xf32, #tpu.memory_space<hbm>> -> memref<640x16xf32, #tpu.memory_space<hbm>>
      %dma_start3A_41 = arith.constant 0 : i32
      %dma_start3A_42 = tpu.memref_slice %arg13[%mul3A_36, %dma_start3A_41] : memref<10240x16xf32, #tpu.memory_space<vmem_shared>> -> memref<640x16xf32, #tpu.memory_space<vmem_shared>>
      tpu.enqueue_dma source(%dma_start3A_42 : memref<640x16xf32, #tpu.memory_space<vmem_shared>>) target(%dma_start3A_40 : memref<640x16xf32, #tpu.memory_space<hbm>>) target_semaphore(%run_scoped3A : memref<!tpu.dma_semaphore, #tpu.memory_space<semaphore_mem>>)
      %dma_wait3A = arith.constant 0 : i32
      %dma_wait3A_43 = tpu.memref_slice %arg7[%arg0, %mul3A_38, %dma_wait3A] : memref<2x10240x16xf32, #tpu.memory_space<hbm>> -> memref<1x640x16xf32, #tpu.memory_space<hbm>>
      %dma_wait3A_44 = tpu.memref_squeeze %dma_wait3A_43 : memref<1x640x16xf32, #tpu.memory_space<hbm>> -> memref<640x16xf32, #tpu.memory_space<hbm>>
      %dma_wait3A_45 = arith.constant 0 : i32
      %dma_wait3A_46 = tpu.memref_slice %arg13[%mul3A_36, %dma_wait3A_45] : memref<10240x16xf32, #tpu.memory_space<vmem_shared>> -> memref<640x16xf32, #tpu.memory_space<vmem_shared>>
      tpu.wait_dma2 semaphore(%run_scoped3A : memref<!tpu.dma_semaphore, #tpu.memory_space<semaphore_mem>>) src(%dma_wait3A_46 : memref<640x16xf32, #tpu.memory_space<vmem_shared>>) dst(%dma_wait3A_44 : memref<640x16xf32, #tpu.memory_space<hbm>>)
      tpu.yield
    }) : () -> ()
    return
  }
}

#map = affine_map<(d0, d1) -> (0)>
#map1 = affine_map<(d0, d1) -> (0, 0)>
#map2 = affine_map<(d0, d1) -> (0, 0, 0)>
module attributes {stable_mosaic.version = 14 : i64} {
  func.func @_passa_body(%arg0: i32, %arg1: i32, %arg2: memref<335872xi32, #tpu.memory_space<hbm>>, %arg3: memref<335872xi32, #tpu.memory_space<hbm>>, %arg4: memref<10240x16xf32, #tpu.memory_space<hbm>>, %arg5: memref<10240x16xf32, #tpu.memory_space<hbm>>, %arg6: memref<335872x16xf32, #tpu.memory_space<hbm>>, %arg7: memref<2x10240x16xf32, #tpu.memory_space<hbm>>, %arg8: memref<128xi32, #tpu.memory_space<vmem>>, %arg9: memref<128xi32, #tpu.memory_space<vmem>>, %arg10: memref<128x16xf32, #tpu.memory_space<vmem>>, %arg11: memref<128x16xf32, #tpu.memory_space<vmem>>, %arg12: memref<128x16xf32, #tpu.memory_space<vmem>>, %arg13: memref<10240x16xf32, #tpu.memory_space<vmem_shared>>, %arg14: memref<!tpu.dma_semaphore, #tpu.memory_space<semaphore_mem>>, %arg15: memref<!tpu.dma_semaphore, #tpu.memory_space<semaphore_mem>>, %arg16: memref<!tpu.dma_semaphore, #tpu.memory_space<semaphore_mem>>, %arg17: memref<!tpu.dma_semaphore, #tpu.memory_space<semaphore_mem>>, %arg18: memref<!tpu.dma_semaphore, #tpu.memory_space<semaphore_mem>>) attributes {dimension_semantics = [#tpu.dimension_semantics<core_parallel>, #tpu.dimension_semantics<subcore_parallel>], iteration_bounds = array<i64: 2, 16>, scalar_prefetch = 0 : i64, scratch_operands = 11 : i64, tpu.core_type = #tpu.core_type<sc_vector_subcore>, window_params = [{transform_indices = #map}, {transform_indices = #map}, {transform_indices = #map1}, {transform_indices = #map1}, {transform_indices = #map1}, {transform_indices = #map2}]} {
    %mul3A = arith.constant 16 : i32
    %mul3A_0 = arith.muli %arg0, %mul3A : i32
    %add3A = arith.addi %mul3A_0, %arg1 : i32
    %mul3A_1 = arith.constant 10496 : i32
    %mul3A_2 = arith.muli %add3A, %mul3A_1 : i32
    %scan3A = arith.constant 0 : i32
    %scan3A_3 = arith.constant 0 : i32
    %scan3A_4 = arith.constant 128 : i32
    %scan3A_5 = arith.addi %scan3A_3, %scan3A_4 : i32
    %scan3A_6 = arith.constant 1 : i32
    scf.for %scan3A_39 = %scan3A_3 to %scan3A_5 step %scan3A_6  : i32 {
      %broadcast_in_dim3A = arith.constant 0.000000e+00 : f32
      %broadcast_in_dim3A_40 = vector.broadcast %broadcast_in_dim3A : f32 to vector<16xf32>
      %swap3A = arith.index_cast %scan3A_39 : i32 to index
      %swap3A_41 = arith.constant 0 : index
      %swap3A_42 = tpu.vector_load %arg10[%swap3A, %swap3A_41] {strides = array<i32>} : memref<128x16xf32, #tpu.memory_space<vmem>>, vector<1x16xf32>,
      %swap3A_43 = vector.shape_cast %swap3A_42 : vector<1x16xf32> to vector<16xf32>
      %swap3A_44 = vector.shape_cast %broadcast_in_dim3A_40 : vector<16xf32> to vector<1x16xf32>
      tpu.vector_store %arg10[%swap3A, %swap3A_41], %swap3A_44 {strides = array<i32>} : memref<128x16xf32, #tpu.memory_space<vmem>>, vector<1x16xf32>,
    }
    %scan3A_7 = arith.constant 128 : i32
    %mul3A_8 = arith.constant 640 : i32
    %mul3A_9 = arith.muli %arg1, %mul3A_8 : i32
    %add3A_10 = arith.constant 0 : i32
    %add3A_11 = arith.addi %mul3A_9, %add3A_10 : i32
    "tpu.region"() ({
      %run_scoped3A = tpu.sem_alloc : memref<!tpu.dma_semaphore, #tpu.memory_space<semaphore_mem>>
      %dma_start3A = arith.constant 0 : i32
      %dma_start3A_39 = tpu.memref_slice %arg13[%add3A_11, %dma_start3A] : memref<10240x16xf32, #tpu.memory_space<vmem_shared>> -> memref<128x16xf32, #tpu.memory_space<vmem_shared>>
      %dma_start3A_40 = arith.constant 0 : i32
      %dma_start3A_41 = tpu.memref_slice %arg13[%add3A_11, %dma_start3A_40] : memref<10240x16xf32, #tpu.memory_space<vmem_shared>> -> memref<128x16xf32, #tpu.memory_space<vmem_shared>>
      tpu.enqueue_dma source(%arg10 : memref<128x16xf32, #tpu.memory_space<vmem>>) target(%dma_start3A_41 : memref<128x16xf32, #tpu.memory_space<vmem_shared>>) target_semaphore(%run_scoped3A : memref<!tpu.dma_semaphore, #tpu.memory_space<semaphore_mem>>)
      %dma_wait3A = arith.constant 0 : i32
      %dma_wait3A_42 = tpu.memref_slice %arg13[%add3A_11, %dma_wait3A] : memref<10240x16xf32, #tpu.memory_space<vmem_shared>> -> memref<128x16xf32, #tpu.memory_space<vmem_shared>>
      %dma_wait3A_43 = arith.constant 0 : i32
      %dma_wait3A_44 = tpu.memref_slice %arg13[%add3A_11, %dma_wait3A_43] : memref<10240x16xf32, #tpu.memory_space<vmem_shared>> -> memref<128x16xf32, #tpu.memory_space<vmem_shared>>
      tpu.wait_dma2 semaphore(%run_scoped3A : memref<!tpu.dma_semaphore, #tpu.memory_space<semaphore_mem>>) src(%arg10 : memref<128x16xf32, #tpu.memory_space<vmem>>) dst(%dma_wait3A_44 : memref<128x16xf32, #tpu.memory_space<vmem_shared>>)
      tpu.yield
    }) : () -> ()
    %mul3A_12 = arith.constant 640 : i32
    %mul3A_13 = arith.muli %arg1, %mul3A_12 : i32
    %add3A_14 = arith.constant 128 : i32
    %add3A_15 = arith.addi %mul3A_13, %add3A_14 : i32
    "tpu.region"() ({
      %run_scoped3A = tpu.sem_alloc : memref<!tpu.dma_semaphore, #tpu.memory_space<semaphore_mem>>
      %dma_start3A = arith.constant 0 : i32
      %dma_start3A_39 = tpu.memref_slice %arg13[%add3A_15, %dma_start3A] : memref<10240x16xf32, #tpu.memory_space<vmem_shared>> -> memref<128x16xf32, #tpu.memory_space<vmem_shared>>
      %dma_start3A_40 = arith.constant 0 : i32
      %dma_start3A_41 = tpu.memref_slice %arg13[%add3A_15, %dma_start3A_40] : memref<10240x16xf32, #tpu.memory_space<vmem_shared>> -> memref<128x16xf32, #tpu.memory_space<vmem_shared>>
      tpu.enqueue_dma source(%arg10 : memref<128x16xf32, #tpu.memory_space<vmem>>) target(%dma_start3A_41 : memref<128x16xf32, #tpu.memory_space<vmem_shared>>) target_semaphore(%run_scoped3A : memref<!tpu.dma_semaphore, #tpu.memory_space<semaphore_mem>>)
      %dma_wait3A = arith.constant 0 : i32
      %dma_wait3A_42 = tpu.memref_slice %arg13[%add3A_15, %dma_wait3A] : memref<10240x16xf32, #tpu.memory_space<vmem_shared>> -> memref<128x16xf32, #tpu.memory_space<vmem_shared>>
      %dma_wait3A_43 = arith.constant 0 : i32
      %dma_wait3A_44 = tpu.memref_slice %arg13[%add3A_15, %dma_wait3A_43] : memref<10240x16xf32, #tpu.memory_space<vmem_shared>> -> memref<128x16xf32, #tpu.memory_space<vmem_shared>>
      tpu.wait_dma2 semaphore(%run_scoped3A : memref<!tpu.dma_semaphore, #tpu.memory_space<semaphore_mem>>) src(%arg10 : memref<128x16xf32, #tpu.memory_space<vmem>>) dst(%dma_wait3A_44 : memref<128x16xf32, #tpu.memory_space<vmem_shared>>)
      tpu.yield
    }) : () -> ()
    %mul3A_16 = arith.constant 640 : i32
    %mul3A_17 = arith.muli %arg1, %mul3A_16 : i32
    %add3A_18 = arith.constant 256 : i32
    %add3A_19 = arith.addi %mul3A_17, %add3A_18 : i32
    "tpu.region"() ({
      %run_scoped3A = tpu.sem_alloc : memref<!tpu.dma_semaphore, #tpu.memory_space<semaphore_mem>>
      %dma_start3A = arith.constant 0 : i32
      %dma_start3A_39 = tpu.memref_slice %arg13[%add3A_19, %dma_start3A] : memref<10240x16xf32, #tpu.memory_space<vmem_shared>> -> memref<128x16xf32, #tpu.memory_space<vmem_shared>>
      %dma_start3A_40 = arith.constant 0 : i32
      %dma_start3A_41 = tpu.memref_slice %arg13[%add3A_19, %dma_start3A_40] : memref<10240x16xf32, #tpu.memory_space<vmem_shared>> -> memref<128x16xf32, #tpu.memory_space<vmem_shared>>
      tpu.enqueue_dma source(%arg10 : memref<128x16xf32, #tpu.memory_space<vmem>>) target(%dma_start3A_41 : memref<128x16xf32, #tpu.memory_space<vmem_shared>>) target_semaphore(%run_scoped3A : memref<!tpu.dma_semaphore, #tpu.memory_space<semaphore_mem>>)
      %dma_wait3A = arith.constant 0 : i32
      %dma_wait3A_42 = tpu.memref_slice %arg13[%add3A_19, %dma_wait3A] : memref<10240x16xf32, #tpu.memory_space<vmem_shared>> -> memref<128x16xf32, #tpu.memory_space<vmem_shared>>
      %dma_wait3A_43 = arith.constant 0 : i32
      %dma_wait3A_44 = tpu.memref_slice %arg13[%add3A_19, %dma_wait3A_43] : memref<10240x16xf32, #tpu.memory_space<vmem_shared>> -> memref<128x16xf32, #tpu.memory_space<vmem_shared>>
      tpu.wait_dma2 semaphore(%run_scoped3A : memref<!tpu.dma_semaphore, #tpu.memory_space<semaphore_mem>>) src(%arg10 : memref<128x16xf32, #tpu.memory_space<vmem>>) dst(%dma_wait3A_44 : memref<128x16xf32, #tpu.memory_space<vmem_shared>>)
      tpu.yield
    }) : () -> ()
    %mul3A_20 = arith.constant 640 : i32
    %mul3A_21 = arith.muli %arg1, %mul3A_20 : i32
    %add3A_22 = arith.constant 384 : i32
    %add3A_23 = arith.addi %mul3A_21, %add3A_22 : i32
    "tpu.region"() ({
      %run_scoped3A = tpu.sem_alloc : memref<!tpu.dma_semaphore, #tpu.memory_space<semaphore_mem>>
      %dma_start3A = arith.constant 0 : i32
      %dma_start3A_39 = tpu.memref_slice %arg13[%add3A_23, %dma_start3A] : memref<10240x16xf32, #tpu.memory_space<vmem_shared>> -> memref<128x16xf32, #tpu.memory_space<vmem_shared>>
      %dma_start3A_40 = arith.constant 0 : i32
      %dma_start3A_41 = tpu.memref_slice %arg13[%add3A_23, %dma_start3A_40] : memref<10240x16xf32, #tpu.memory_space<vmem_shared>> -> memref<128x16xf32, #tpu.memory_space<vmem_shared>>
      tpu.enqueue_dma source(%arg10 : memref<128x16xf32, #tpu.memory_space<vmem>>) target(%dma_start3A_41 : memref<128x16xf32, #tpu.memory_space<vmem_shared>>) target_semaphore(%run_scoped3A : memref<!tpu.dma_semaphore, #tpu.memory_space<semaphore_mem>>)
      %dma_wait3A = arith.constant 0 : i32
      %dma_wait3A_42 = tpu.memref_slice %arg13[%add3A_23, %dma_wait3A] : memref<10240x16xf32, #tpu.memory_space<vmem_shared>> -> memref<128x16xf32, #tpu.memory_space<vmem_shared>>
      %dma_wait3A_43 = arith.constant 0 : i32
      %dma_wait3A_44 = tpu.memref_slice %arg13[%add3A_23, %dma_wait3A_43] : memref<10240x16xf32, #tpu.memory_space<vmem_shared>> -> memref<128x16xf32, #tpu.memory_space<vmem_shared>>
      tpu.wait_dma2 semaphore(%run_scoped3A : memref<!tpu.dma_semaphore, #tpu.memory_space<semaphore_mem>>) src(%arg10 : memref<128x16xf32, #tpu.memory_space<vmem>>) dst(%dma_wait3A_44 : memref<128x16xf32, #tpu.memory_space<vmem_shared>>)
      tpu.yield
    }) : () -> ()
    %mul3A_24 = arith.constant 640 : i32
    %mul3A_25 = arith.muli %arg1, %mul3A_24 : i32
    %add3A_26 = arith.constant 512 : i32
    %add3A_27 = arith.addi %mul3A_25, %add3A_26 : i32
    "tpu.region"() ({
      %run_scoped3A = tpu.sem_alloc : memref<!tpu.dma_semaphore, #tpu.memory_space<semaphore_mem>>
      %dma_start3A = arith.constant 0 : i32
      %dma_start3A_39 = tpu.memref_slice %arg13[%add3A_27, %dma_start3A] : memref<10240x16xf32, #tpu.memory_space<vmem_shared>> -> memref<128x16xf32, #tpu.memory_space<vmem_shared>>
      %dma_start3A_40 = arith.constant 0 : i32
      %dma_start3A_41 = tpu.memref_slice %arg13[%add3A_27, %dma_start3A_40] : memref<10240x16xf32, #tpu.memory_space<vmem_shared>> -> memref<128x16xf32, #tpu.memory_space<vmem_shared>>
      tpu.enqueue_dma source(%arg10 : memref<128x16xf32, #tpu.memory_space<vmem>>) target(%dma_start3A_41 : memref<128x16xf32, #tpu.memory_space<vmem_shared>>) target_semaphore(%run_scoped3A : memref<!tpu.dma_semaphore, #tpu.memory_space<semaphore_mem>>)
      %dma_wait3A = arith.constant 0 : i32
      %dma_wait3A_42 = tpu.memref_slice %arg13[%add3A_27, %dma_wait3A] : memref<10240x16xf32, #tpu.memory_space<vmem_shared>> -> memref<128x16xf32, #tpu.memory_space<vmem_shared>>
      %dma_wait3A_43 = arith.constant 0 : i32
      %dma_wait3A_44 = tpu.memref_slice %arg13[%add3A_27, %dma_wait3A_43] : memref<10240x16xf32, #tpu.memory_space<vmem_shared>> -> memref<128x16xf32, #tpu.memory_space<vmem_shared>>
      tpu.wait_dma2 semaphore(%run_scoped3A : memref<!tpu.dma_semaphore, #tpu.memory_space<semaphore_mem>>) src(%arg10 : memref<128x16xf32, #tpu.memory_space<vmem>>) dst(%dma_wait3A_44 : memref<128x16xf32, #tpu.memory_space<vmem_shared>>)
      tpu.yield
    }) : () -> ()
    %barrier3A = arith.constant 0 : index
    tpu.barrier barrier_id(%barrier3A)
    %scan3A_28 = arith.constant 0 : i32
    %scan3A_29 = arith.constant 0 : i32
    %scan3A_30 = arith.constant 82 : i32
    %scan3A_31 = arith.addi %scan3A_29, %scan3A_30 : i32
    %scan3A_32 = arith.constant 1 : i32
    scf.for %scan3A_39 = %scan3A_29 to %scan3A_31 step %scan3A_32  : i32 {
      %mul3A_40 = arith.constant 128 : i32
      %mul3A_41 = arith.muli %scan3A_39, %mul3A_40 : i32
      %add3A_42 = arith.addi %mul3A_2, %mul3A_41 : i32
      %dma_start3A = tpu.memref_slice %arg2[%add3A_42] : memref<335872xi32, #tpu.memory_space<hbm>> -> memref<128xi32, #tpu.memory_space<hbm>>
      %dma_start3A_43 = tpu.memref_slice %arg2[%add3A_42] : memref<335872xi32, #tpu.memory_space<hbm>> -> memref<128xi32, #tpu.memory_space<hbm>>
      tpu.enqueue_dma source(%dma_start3A_43 : memref<128xi32, #tpu.memory_space<hbm>>) target(%arg8 : memref<128xi32, #tpu.memory_space<vmem>>) target_semaphore(%arg14 : memref<!tpu.dma_semaphore, #tpu.memory_space<semaphore_mem>>)
      %dma_start3A_44 = tpu.memref_slice %arg3[%add3A_42] : memref<335872xi32, #tpu.memory_space<hbm>> -> memref<128xi32, #tpu.memory_space<hbm>>
      %dma_start3A_45 = tpu.memref_slice %arg3[%add3A_42] : memref<335872xi32, #tpu.memory_space<hbm>> -> memref<128xi32, #tpu.memory_space<hbm>>
      tpu.enqueue_dma source(%dma_start3A_45 : memref<128xi32, #tpu.memory_space<hbm>>) target(%arg9 : memref<128xi32, #tpu.memory_space<vmem>>) target_semaphore(%arg15 : memref<!tpu.dma_semaphore, #tpu.memory_space<semaphore_mem>>)
      %dma_wait3A = tpu.memref_slice %arg2[%add3A_42] : memref<335872xi32, #tpu.memory_space<hbm>> -> memref<128xi32, #tpu.memory_space<hbm>>
      %dma_wait3A_46 = tpu.memref_slice %arg2[%add3A_42] : memref<335872xi32, #tpu.memory_space<hbm>> -> memref<128xi32, #tpu.memory_space<hbm>>
      tpu.wait_dma2 semaphore(%arg14 : memref<!tpu.dma_semaphore, #tpu.memory_space<semaphore_mem>>) src(%dma_wait3A_46 : memref<128xi32, #tpu.memory_space<hbm>>) dst(%arg8 : memref<128xi32, #tpu.memory_space<vmem>>)
      %dma_start3A_47 = arith.constant 0 : i32
      %dma_start3A_48 = arith.constant 0 : i32
      %dma_start3A_49 = tpu.memref_slice %arg4[%dma_start3A_47, %dma_start3A_48] : memref<10240x16xf32, #tpu.memory_space<hbm>> -> memref<10240x16xf32, #tpu.memory_space<hbm>>
      tpu.enqueue_indirect_dma source(%dma_start3A_49 : memref<10240x16xf32, #tpu.memory_space<hbm>>) target(%arg10 : memref<128x16xf32, #tpu.memory_space<vmem>>) offsets(%arg8 : memref<128xi32, #tpu.memory_space<vmem>>) semaphore(%arg16 : memref<!tpu.dma_semaphore, #tpu.memory_space<semaphore_mem>>)
      %dma_wait3A_50 = tpu.memref_slice %arg3[%add3A_42] : memref<335872xi32, #tpu.memory_space<hbm>> -> memref<128xi32, #tpu.memory_space<hbm>>
      %dma_wait3A_51 = tpu.memref_slice %arg3[%add3A_42] : memref<335872xi32, #tpu.memory_space<hbm>> -> memref<128xi32, #tpu.memory_space<hbm>>
      tpu.wait_dma2 semaphore(%arg15 : memref<!tpu.dma_semaphore, #tpu.memory_space<semaphore_mem>>) src(%dma_wait3A_51 : memref<128xi32, #tpu.memory_space<hbm>>) dst(%arg9 : memref<128xi32, #tpu.memory_space<vmem>>)
      %dma_start3A_52 = arith.constant 0 : i32
      %dma_start3A_53 = arith.constant 0 : i32
      %dma_start3A_54 = tpu.memref_slice %arg5[%dma_start3A_52, %dma_start3A_53] : memref<10240x16xf32, #tpu.memory_space<hbm>> -> memref<10240x16xf32, #tpu.memory_space<hbm>>
      tpu.enqueue_indirect_dma source(%dma_start3A_54 : memref<10240x16xf32, #tpu.memory_space<hbm>>) target(%arg11 : memref<128x16xf32, #tpu.memory_space<vmem>>) offsets(%arg9 : memref<128xi32, #tpu.memory_space<vmem>>) semaphore(%arg17 : memref<!tpu.dma_semaphore, #tpu.memory_space<semaphore_mem>>)
      %dma_wait3A_55 = arith.constant 0 : i32
      %dma_wait3A_56 = arith.constant 0 : i32
      %dma_wait3A_57 = tpu.memref_slice %arg4[%dma_wait3A_55, %dma_wait3A_56] : memref<10240x16xf32, #tpu.memory_space<hbm>> -> memref<10240x16xf32, #tpu.memory_space<hbm>>
      tpu.wait_indirect_dma semaphore(%arg16 : memref<!tpu.dma_semaphore, #tpu.memory_space<semaphore_mem>>) src(%dma_wait3A_57 : memref<10240x16xf32, #tpu.memory_space<hbm>>) dst(%arg10 : memref<128x16xf32, #tpu.memory_space<vmem>>)
      %dma_wait3A_58 = arith.constant 0 : i32
      %dma_wait3A_59 = arith.constant 0 : i32
      %dma_wait3A_60 = tpu.memref_slice %arg5[%dma_wait3A_58, %dma_wait3A_59] : memref<10240x16xf32, #tpu.memory_space<hbm>> -> memref<10240x16xf32, #tpu.memory_space<hbm>>
      tpu.wait_indirect_dma semaphore(%arg17 : memref<!tpu.dma_semaphore, #tpu.memory_space<semaphore_mem>>) src(%dma_wait3A_60 : memref<10240x16xf32, #tpu.memory_space<hbm>>) dst(%arg11 : memref<128x16xf32, #tpu.memory_space<vmem>>)
      %parallel_loop3A = arith.constant 0 : i32
      %parallel_loop3A_61 = arith.constant 128 : i32
      %parallel_loop3A_62 = arith.constant 1 : i32
      scf.for %parallel_loop3A_71 = %parallel_loop3A to %parallel_loop3A_61 step %parallel_loop3A_62  : i32 {
        %parallel_loop3A_72 = arith.index_cast %parallel_loop3A_71 : i32 to index
        %parallel_loop3A_73 = arith.constant 0 : index
        %parallel_loop3A_74 = tpu.vector_load %arg10[%parallel_loop3A_72, %parallel_loop3A_73] {strides = array<i32>} : memref<128x16xf32, #tpu.memory_space<vmem>>, vector<1x16xf32>,
        %parallel_loop3A_75 = vector.shape_cast %parallel_loop3A_74 : vector<1x16xf32> to vector<16xf32>
        %parallel_loop3A_76 = arith.index_cast %parallel_loop3A_71 : i32 to index
        %parallel_loop3A_77 = arith.constant 0 : index
        %parallel_loop3A_78 = tpu.vector_load %arg11[%parallel_loop3A_76, %parallel_loop3A_77] {strides = array<i32>} : memref<128x16xf32, #tpu.memory_space<vmem>>, vector<1x16xf32>,
        %parallel_loop3A_79 = vector.shape_cast %parallel_loop3A_78 : vector<1x16xf32> to vector<16xf32>
        %parallel_loop3A_80 = arith.addf %parallel_loop3A_75, %parallel_loop3A_79 : vector<16xf32>
        %parallel_loop3A_81 = arith.constant 0.000000e+00 : f32
        %parallel_loop3A_82 = vector.broadcast %parallel_loop3A_81 : f32 to vector<16xf32>
        %parallel_loop3A_83 = arith.cmpf oge, %parallel_loop3A_80, %parallel_loop3A_82 : vector<16xf32>
        %parallel_loop3A_84 = arith.constant 2.000000e-01 : f32
        %parallel_loop3A_85 = vector.broadcast %parallel_loop3A_84 : f32 to vector<16xf32>
        %parallel_loop3A_86 = arith.mulf %parallel_loop3A_85, %parallel_loop3A_80 : vector<16xf32>
        %parallel_loop3A_87 = arith.select %parallel_loop3A_83, %parallel_loop3A_80, %parallel_loop3A_86 : vector<16xi1>, vector<16xf32>
        %parallel_loop3A_88 = math.exp %parallel_loop3A_87 : vector<16xf32>
        %parallel_loop3A_89 = arith.index_cast %parallel_loop3A_71 : i32 to index
        %parallel_loop3A_90 = arith.constant 0 : index
        %parallel_loop3A_91 = tpu.vector_load %arg12[%parallel_loop3A_89, %parallel_loop3A_90] {strides = array<i32>} : memref<128x16xf32, #tpu.memory_space<vmem>>, vector<1x16xf32>,
        %parallel_loop3A_92 = vector.shape_cast %parallel_loop3A_91 : vector<1x16xf32> to vector<16xf32>
        %parallel_loop3A_93 = vector.shape_cast %parallel_loop3A_88 : vector<16xf32> to vector<1x16xf32>
        tpu.vector_store %arg12[%parallel_loop3A_89, %parallel_loop3A_90], %parallel_loop3A_93 {strides = array<i32>} : memref<128x16xf32, #tpu.memory_space<vmem>>, vector<1x16xf32>,
      } {sc.loop_unroll_factor = 4 : i64, sc.parallel_access}
      %dma_start3A_63 = arith.constant 0 : i32
      %dma_start3A_64 = tpu.memref_slice %arg6[%add3A_42, %dma_start3A_63] : memref<335872x16xf32, #tpu.memory_space<hbm>> -> memref<128x16xf32, #tpu.memory_space<hbm>>
      %dma_start3A_65 = arith.constant 0 : i32
      %dma_start3A_66 = tpu.memref_slice %arg6[%add3A_42, %dma_start3A_65] : memref<335872x16xf32, #tpu.memory_space<hbm>> -> memref<128x16xf32, #tpu.memory_space<hbm>>
      tpu.enqueue_dma source(%arg12 : memref<128x16xf32, #tpu.memory_space<vmem>>) target(%dma_start3A_66 : memref<128x16xf32, #tpu.memory_space<hbm>>) target_semaphore(%arg18 : memref<!tpu.dma_semaphore, #tpu.memory_space<semaphore_mem>>)
      "tpu.region"() ({
        %run_scoped3A = tpu.sem_alloc : memref<!tpu.dma_semaphore, #tpu.memory_space<semaphore_mem>>
        %dma_start3A_71 = arith.constant 0 : i32
        %dma_start3A_72 = arith.constant 0 : i32
        %dma_start3A_73 = tpu.memref_slice %arg13[%dma_start3A_71, %dma_start3A_72] : memref<10240x16xf32, #tpu.memory_space<vmem_shared>> -> memref<10240x16xf32, #tpu.memory_space<vmem_shared>>
        tpu.enqueue_indirect_dma source(%arg12 : memref<128x16xf32, #tpu.memory_space<vmem>>) target(%dma_start3A_73 : memref<10240x16xf32, #tpu.memory_space<vmem_shared>>) offsets(%arg9 : memref<128xi32, #tpu.memory_space<vmem>>) semaphore(%run_scoped3A : memref<!tpu.dma_semaphore, #tpu.memory_space<semaphore_mem>>) {add = true}
        %dma_wait3A_74 = arith.constant 0 : i32
        %dma_wait3A_75 = arith.constant 0 : i32
        %dma_wait3A_76 = tpu.memref_slice %arg13[%dma_wait3A_74, %dma_wait3A_75] : memref<10240x16xf32, #tpu.memory_space<vmem_shared>> -> memref<10240x16xf32, #tpu.memory_space<vmem_shared>>
        tpu.wait_indirect_dma semaphore(%run_scoped3A : memref<!tpu.dma_semaphore, #tpu.memory_space<semaphore_mem>>) src(%arg12 : memref<128x16xf32, #tpu.memory_space<vmem>>) dst(%dma_wait3A_76 : memref<10240x16xf32, #tpu.memory_space<vmem_shared>>)
        tpu.yield
      }) : () -> ()
      %dma_wait3A_67 = arith.constant 0 : i32
      %dma_wait3A_68 = tpu.memref_slice %arg6[%add3A_42, %dma_wait3A_67] : memref<335872x16xf32, #tpu.memory_space<hbm>> -> memref<128x16xf32, #tpu.memory_space<hbm>>
      %dma_wait3A_69 = arith.constant 0 : i32
      %dma_wait3A_70 = tpu.memref_slice %arg6[%add3A_42, %dma_wait3A_69] : memref<335872x16xf32, #tpu.memory_space<hbm>> -> memref<128x16xf32, #tpu.memory_space<hbm>>
      tpu.wait_dma2 semaphore(%arg18 : memref<!tpu.dma_semaphore, #tpu.memory_space<semaphore_mem>>) src(%arg12 : memref<128x16xf32, #tpu.memory_space<vmem>>) dst(%dma_wait3A_70 : memref<128x16xf32, #tpu.memory_space<hbm>>)
    }
    %scan3A_33 = arith.constant 82 : i32
    %barrier3A_34 = arith.constant 0 : index
    tpu.barrier barrier_id(%barrier3A_34)
    %mul3A_35 = arith.constant 640 : i32
    %mul3A_36 = arith.muli %arg1, %mul3A_35 : i32
    %mul3A_37 = arith.constant 640 : i32
    %mul3A_38 = arith.muli %arg1, %mul3A_37 : i32
    "tpu.region"() ({
      %run_scoped3A = tpu.sem_alloc : memref<!tpu.dma_semaphore, #tpu.memory_space<semaphore_mem>>
      %dma_start3A = arith.constant 0 : i32
      %dma_start3A_39 = tpu.memref_slice %arg7[%arg0, %mul3A_38, %dma_start3A] : memref<2x10240x16xf32, #tpu.memory_space<hbm>> -> memref<1x640x16xf32, #tpu.memory_space<hbm>>
      %dma_start3A_40 = tpu.memref_squeeze %dma_start3A_39 : memref<1x640x16xf32, #tpu.memory_space<hbm>> -> memref<640x16xf32, #tpu.memory_space<hbm>>
      %dma_start3A_41 = arith.constant 0 : i32
      %dma_start3A_42 = tpu.memref_slice %arg13[%mul3A_36, %dma_start3A_41] : memref<10240x16xf32, #tpu.memory_space<vmem_shared>> -> memref<640x16xf32, #tpu.memory_space<vmem_shared>>
      tpu.enqueue_dma source(%dma_start3A_42 : memref<640x16xf32, #tpu.memory_space<vmem_shared>>) target(%dma_start3A_40 : memref<640x16xf32, #tpu.memory_space<hbm>>) target_semaphore(%run_scoped3A : memref<!tpu.dma_semaphore, #tpu.memory_space<semaphore_mem>>)
      %dma_wait3A = arith.constant 0 : i32
      %dma_wait3A_43 = tpu.memref_slice %arg7[%arg0, %mul3A_38, %dma_wait3A] : memref<2x10240x16xf32, #tpu.memory_space<hbm>> -> memref<1x640x16xf32, #tpu.memory_space<hbm>>
      %dma_wait3A_44 = tpu.memref_squeeze %dma_wait3A_43 : memref<1x640x16xf32, #tpu.memory_space<hbm>> -> memref<640x16xf32, #tpu.memory_space<hbm>>
      %dma_wait3A_45 = arith.constant 0 : i32
      %dma_wait3A_46 = tpu.memref_slice %arg13[%mul3A_36, %dma_wait3A_45] : memref<10240x16xf32, #tpu.memory_space<vmem_shared>> -> memref<640x16xf32, #tpu.memory_space<vmem_shared>>
      tpu.wait_dma2 semaphore(%run_scoped3A : memref<!tpu.dma_semaphore, #tpu.memory_space<semaphore_mem>>) src(%dma_wait3A_46 : memref<640x16xf32, #tpu.memory_space<vmem_shared>>) dst(%dma_wait3A_44 : memref<640x16xf32, #tpu.memory_space<hbm>>)
      tpu.yield
    }) : () -> ()
    return
  }
}

#map = affine_map<(d0, d1) -> (0)>
#map1 = affine_map<(d0, d1) -> (0, 0)>
#map2 = affine_map<(d0, d1) -> (0, 0, 0)>
module attributes {stable_mosaic.version = 14 : i64} {
  func.func @_passb_body(%arg0: i32, %arg1: i32, %arg2: memref<335872xi32, #tpu.memory_space<hbm>>, %arg3: memref<335872xi32, #tpu.memory_space<hbm>>, %arg4: memref<335872x16xf32, #tpu.memory_space<hbm>>, %arg5: memref<10240x16xf32, #tpu.memory_space<hbm>>, %arg6: memref<10240x48xf32, #tpu.memory_space<hbm>>, %arg7: memref<32x640x48xf32, #tpu.memory_space<hbm>>, %arg8: memref<128xi32, #tpu.memory_space<vmem>>, %arg9: memref<128xi32, #tpu.memory_space<vmem>>, %arg10: memref<128xi32, #tpu.memory_space<vmem>>, %arg11: memref<128x48xf32, #tpu.memory_space<vmem>>, %arg12: memref<128x16xf32, #tpu.memory_space<vmem>>, %arg13: memref<128x16xf32, #tpu.memory_space<vmem>>, %arg14: memref<10240x48xf32, #tpu.memory_space<vmem_shared>>, %arg15: memref<!tpu.dma_semaphore, #tpu.memory_space<semaphore_mem>>, %arg16: memref<!tpu.dma_semaphore, #tpu.memory_space<semaphore_mem>>, %arg17: memref<!tpu.dma_semaphore, #tpu.memory_space<semaphore_mem>>, %arg18: memref<!tpu.dma_semaphore, #tpu.memory_space<semaphore_mem>>, %arg19: memref<!tpu.dma_semaphore, #tpu.memory_space<semaphore_mem>>) attributes {dimension_semantics = [#tpu.dimension_semantics<core_parallel>, #tpu.dimension_semantics<subcore_parallel>], iteration_bounds = array<i64: 2, 16>, scalar_prefetch = 0 : i64, scratch_operands = 12 : i64, tpu.core_type = #tpu.core_type<sc_vector_subcore>, window_params = [{transform_indices = #map}, {transform_indices = #map}, {transform_indices = #map1}, {transform_indices = #map1}, {transform_indices = #map1}, {transform_indices = #map2}]} {
    %mul3A = arith.constant 16 : i32
    %mul3A_0 = arith.muli %arg0, %mul3A : i32
    %add3A = arith.addi %mul3A_0, %arg1 : i32
    %mul3A_1 = arith.constant 10496 : i32
    %mul3A_2 = arith.muli %add3A, %mul3A_1 : i32
    %scan3A = arith.constant 0 : i32
    %scan3A_3 = arith.constant 0 : i32
    %scan3A_4 = arith.constant 128 : i32
    %scan3A_5 = arith.addi %scan3A_3, %scan3A_4 : i32
    %scan3A_6 = arith.constant 1 : i32
    scf.for %scan3A_40 = %scan3A_3 to %scan3A_5 step %scan3A_6  : i32 {
      %broadcast_in_dim3A = arith.constant 0.000000e+00 : f32
      %broadcast_in_dim3A_41 = vector.broadcast %broadcast_in_dim3A : f32 to vector<16xf32>
      %swap3A = arith.index_cast %scan3A_40 : i32 to index
      %swap3A_42 = arith.constant 0 : index
      %swap3A_43 = tpu.vector_load %arg11[%swap3A, %swap3A_42] {strides = array<i32>} : memref<128x48xf32, #tpu.memory_space<vmem>>, vector<1x16xf32>,
      %swap3A_44 = vector.shape_cast %swap3A_43 : vector<1x16xf32> to vector<16xf32>
      %swap3A_45 = vector.shape_cast %broadcast_in_dim3A_41 : vector<16xf32> to vector<1x16xf32>
      tpu.vector_store %arg11[%swap3A, %swap3A_42], %swap3A_45 {strides = array<i32>} : memref<128x48xf32, #tpu.memory_space<vmem>>, vector<1x16xf32>,
      %broadcast_in_dim3A_46 = arith.constant 0.000000e+00 : f32
      %broadcast_in_dim3A_47 = vector.broadcast %broadcast_in_dim3A_46 : f32 to vector<16xf32>
      %swap3A_48 = arith.index_cast %scan3A_40 : i32 to index
      %swap3A_49 = arith.constant 16 : index
      %swap3A_50 = tpu.vector_load %arg11[%swap3A_48, %swap3A_49] {strides = array<i32>} : memref<128x48xf32, #tpu.memory_space<vmem>>, vector<1x16xf32>,
      %swap3A_51 = vector.shape_cast %swap3A_50 : vector<1x16xf32> to vector<16xf32>
      %swap3A_52 = vector.shape_cast %broadcast_in_dim3A_47 : vector<16xf32> to vector<1x16xf32>
      tpu.vector_store %arg11[%swap3A_48, %swap3A_49], %swap3A_52 {strides = array<i32>} : memref<128x48xf32, #tpu.memory_space<vmem>>, vector<1x16xf32>,
      %broadcast_in_dim3A_53 = arith.constant 0.000000e+00 : f32
      %broadcast_in_dim3A_54 = vector.broadcast %broadcast_in_dim3A_53 : f32 to vector<16xf32>
      %swap3A_55 = arith.index_cast %scan3A_40 : i32 to index
      %swap3A_56 = arith.constant 32 : index
      %swap3A_57 = tpu.vector_load %arg11[%swap3A_55, %swap3A_56] {strides = array<i32>} : memref<128x48xf32, #tpu.memory_space<vmem>>, vector<1x16xf32>,
      %swap3A_58 = vector.shape_cast %swap3A_57 : vector<1x16xf32> to vector<16xf32>
      %swap3A_59 = vector.shape_cast %broadcast_in_dim3A_54 : vector<16xf32> to vector<1x16xf32>
      tpu.vector_store %arg11[%swap3A_55, %swap3A_56], %swap3A_59 {strides = array<i32>} : memref<128x48xf32, #tpu.memory_space<vmem>>, vector<1x16xf32>,
    }
    %scan3A_7 = arith.constant 128 : i32
    %mul3A_8 = arith.constant 640 : i32
    %mul3A_9 = arith.muli %arg1, %mul3A_8 : i32
    %add3A_10 = arith.constant 0 : i32
    %add3A_11 = arith.addi %mul3A_9, %add3A_10 : i32
    "tpu.region"() ({
      %run_scoped3A = tpu.sem_alloc : memref<!tpu.dma_semaphore, #tpu.memory_space<semaphore_mem>>
      %dma_start3A = arith.constant 0 : i32
      %dma_start3A_40 = tpu.memref_slice %arg14[%add3A_11, %dma_start3A] : memref<10240x48xf32, #tpu.memory_space<vmem_shared>> -> memref<128x48xf32, #tpu.memory_space<vmem_shared>>
      %dma_start3A_41 = arith.constant 0 : i32
      %dma_start3A_42 = tpu.memref_slice %arg14[%add3A_11, %dma_start3A_41] : memref<10240x48xf32, #tpu.memory_space<vmem_shared>> -> memref<128x48xf32, #tpu.memory_space<vmem_shared>>
      tpu.enqueue_dma source(%arg11 : memref<128x48xf32, #tpu.memory_space<vmem>>) target(%dma_start3A_42 : memref<128x48xf32, #tpu.memory_space<vmem_shared>>) target_semaphore(%run_scoped3A : memref<!tpu.dma_semaphore, #tpu.memory_space<semaphore_mem>>)
      %dma_wait3A = arith.constant 0 : i32
      %dma_wait3A_43 = tpu.memref_slice %arg14[%add3A_11, %dma_wait3A] : memref<10240x48xf32, #tpu.memory_space<vmem_shared>> -> memref<128x48xf32, #tpu.memory_space<vmem_shared>>
      %dma_wait3A_44 = arith.constant 0 : i32
      %dma_wait3A_45 = tpu.memref_slice %arg14[%add3A_11, %dma_wait3A_44] : memref<10240x48xf32, #tpu.memory_space<vmem_shared>> -> memref<128x48xf32, #tpu.memory_space<vmem_shared>>
      tpu.wait_dma2 semaphore(%run_scoped3A : memref<!tpu.dma_semaphore, #tpu.memory_space<semaphore_mem>>) src(%arg11 : memref<128x48xf32, #tpu.memory_space<vmem>>) dst(%dma_wait3A_45 : memref<128x48xf32, #tpu.memory_space<vmem_shared>>)
      tpu.yield
    }) : () -> ()
    %mul3A_12 = arith.constant 640 : i32
    %mul3A_13 = arith.muli %arg1, %mul3A_12 : i32
    %add3A_14 = arith.constant 128 : i32
    %add3A_15 = arith.addi %mul3A_13, %add3A_14 : i32
    "tpu.region"() ({
      %run_scoped3A = tpu.sem_alloc : memref<!tpu.dma_semaphore, #tpu.memory_space<semaphore_mem>>
      %dma_start3A = arith.constant 0 : i32
      %dma_start3A_40 = tpu.memref_slice %arg14[%add3A_15, %dma_start3A] : memref<10240x48xf32, #tpu.memory_space<vmem_shared>> -> memref<128x48xf32, #tpu.memory_space<vmem_shared>>
      %dma_start3A_41 = arith.constant 0 : i32
      %dma_start3A_42 = tpu.memref_slice %arg14[%add3A_15, %dma_start3A_41] : memref<10240x48xf32, #tpu.memory_space<vmem_shared>> -> memref<128x48xf32, #tpu.memory_space<vmem_shared>>
      tpu.enqueue_dma source(%arg11 : memref<128x48xf32, #tpu.memory_space<vmem>>) target(%dma_start3A_42 : memref<128x48xf32, #tpu.memory_space<vmem_shared>>) target_semaphore(%run_scoped3A : memref<!tpu.dma_semaphore, #tpu.memory_space<semaphore_mem>>)
      %dma_wait3A = arith.constant 0 : i32
      %dma_wait3A_43 = tpu.memref_slice %arg14[%add3A_15, %dma_wait3A] : memref<10240x48xf32, #tpu.memory_space<vmem_shared>> -> memref<128x48xf32, #tpu.memory_space<vmem_shared>>
      %dma_wait3A_44 = arith.constant 0 : i32
      %dma_wait3A_45 = tpu.memref_slice %arg14[%add3A_15, %dma_wait3A_44] : memref<10240x48xf32, #tpu.memory_space<vmem_shared>> -> memref<128x48xf32, #tpu.memory_space<vmem_shared>>
      tpu.wait_dma2 semaphore(%run_scoped3A : memref<!tpu.dma_semaphore, #tpu.memory_space<semaphore_mem>>) src(%arg11 : memref<128x48xf32, #tpu.memory_space<vmem>>) dst(%dma_wait3A_45 : memref<128x48xf32, #tpu.memory_space<vmem_shared>>)
      tpu.yield
    }) : () -> ()
    %mul3A_16 = arith.constant 640 : i32
    %mul3A_17 = arith.muli %arg1, %mul3A_16 : i32
    %add3A_18 = arith.constant 256 : i32
    %add3A_19 = arith.addi %mul3A_17, %add3A_18 : i32
    "tpu.region"() ({
      %run_scoped3A = tpu.sem_alloc : memref<!tpu.dma_semaphore, #tpu.memory_space<semaphore_mem>>
      %dma_start3A = arith.constant 0 : i32
      %dma_start3A_40 = tpu.memref_slice %arg14[%add3A_19, %dma_start3A] : memref<10240x48xf32, #tpu.memory_space<vmem_shared>> -> memref<128x48xf32, #tpu.memory_space<vmem_shared>>
      %dma_start3A_41 = arith.constant 0 : i32
      %dma_start3A_42 = tpu.memref_slice %arg14[%add3A_19, %dma_start3A_41] : memref<10240x48xf32, #tpu.memory_space<vmem_shared>> -> memref<128x48xf32, #tpu.memory_space<vmem_shared>>
      tpu.enqueue_dma source(%arg11 : memref<128x48xf32, #tpu.memory_space<vmem>>) target(%dma_start3A_42 : memref<128x48xf32, #tpu.memory_space<vmem_shared>>) target_semaphore(%run_scoped3A : memref<!tpu.dma_semaphore, #tpu.memory_space<semaphore_mem>>)
      %dma_wait3A = arith.constant 0 : i32
      %dma_wait3A_43 = tpu.memref_slice %arg14[%add3A_19, %dma_wait3A] : memref<10240x48xf32, #tpu.memory_space<vmem_shared>> -> memref<128x48xf32, #tpu.memory_space<vmem_shared>>
      %dma_wait3A_44 = arith.constant 0 : i32
      %dma_wait3A_45 = tpu.memref_slice %arg14[%add3A_19, %dma_wait3A_44] : memref<10240x48xf32, #tpu.memory_space<vmem_shared>> -> memref<128x48xf32, #tpu.memory_space<vmem_shared>>
      tpu.wait_dma2 semaphore(%run_scoped3A : memref<!tpu.dma_semaphore, #tpu.memory_space<semaphore_mem>>) src(%arg11 : memref<128x48xf32, #tpu.memory_space<vmem>>) dst(%dma_wait3A_45 : memref<128x48xf32, #tpu.memory_space<vmem_shared>>)
      tpu.yield
    }) : () -> ()
    %mul3A_20 = arith.constant 640 : i32
    %mul3A_21 = arith.muli %arg1, %mul3A_20 : i32
    %add3A_22 = arith.constant 384 : i32
    %add3A_23 = arith.addi %mul3A_21, %add3A_22 : i32
    "tpu.region"() ({
      %run_scoped3A = tpu.sem_alloc : memref<!tpu.dma_semaphore, #tpu.memory_space<semaphore_mem>>
      %dma_start3A = arith.constant 0 : i32
      %dma_start3A_40 = tpu.memref_slice %arg14[%add3A_23, %dma_start3A] : memref<10240x48xf32, #tpu.memory_space<vmem_shared>> -> memref<128x48xf32, #tpu.memory_space<vmem_shared>>
      %dma_start3A_41 = arith.constant 0 : i32
      %dma_start3A_42 = tpu.memref_slice %arg14[%add3A_23, %dma_start3A_41] : memref<10240x48xf32, #tpu.memory_space<vmem_shared>> -> memref<128x48xf32, #tpu.memory_space<vmem_shared>>
      tpu.enqueue_dma source(%arg11 : memref<128x48xf32, #tpu.memory_space<vmem>>) target(%dma_start3A_42 : memref<128x48xf32, #tpu.memory_space<vmem_shared>>) target_semaphore(%run_scoped3A : memref<!tpu.dma_semaphore, #tpu.memory_space<semaphore_mem>>)
      %dma_wait3A = arith.constant 0 : i32
      %dma_wait3A_43 = tpu.memref_slice %arg14[%add3A_23, %dma_wait3A] : memref<10240x48xf32, #tpu.memory_space<vmem_shared>> -> memref<128x48xf32, #tpu.memory_space<vmem_shared>>
      %dma_wait3A_44 = arith.constant 0 : i32
      %dma_wait3A_45 = tpu.memref_slice %arg14[%add3A_23, %dma_wait3A_44] : memref<10240x48xf32, #tpu.memory_space<vmem_shared>> -> memref<128x48xf32, #tpu.memory_space<vmem_shared>>
      tpu.wait_dma2 semaphore(%run_scoped3A : memref<!tpu.dma_semaphore, #tpu.memory_space<semaphore_mem>>) src(%arg11 : memref<128x48xf32, #tpu.memory_space<vmem>>) dst(%dma_wait3A_45 : memref<128x48xf32, #tpu.memory_space<vmem_shared>>)
      tpu.yield
    }) : () -> ()
    %mul3A_24 = arith.constant 640 : i32
    %mul3A_25 = arith.muli %arg1, %mul3A_24 : i32
    %add3A_26 = arith.constant 512 : i32
    %add3A_27 = arith.addi %mul3A_25, %add3A_26 : i32
    "tpu.region"() ({
      %run_scoped3A = tpu.sem_alloc : memref<!tpu.dma_semaphore, #tpu.memory_space<semaphore_mem>>
      %dma_start3A = arith.constant 0 : i32
      %dma_start3A_40 = tpu.memref_slice %arg14[%add3A_27, %dma_start3A] : memref<10240x48xf32, #tpu.memory_space<vmem_shared>> -> memref<128x48xf32, #tpu.memory_space<vmem_shared>>
      %dma_start3A_41 = arith.constant 0 : i32
      %dma_start3A_42 = tpu.memref_slice %arg14[%add3A_27, %dma_start3A_41] : memref<10240x48xf32, #tpu.memory_space<vmem_shared>> -> memref<128x48xf32, #tpu.memory_space<vmem_shared>>
      tpu.enqueue_dma source(%arg11 : memref<128x48xf32, #tpu.memory_space<vmem>>) target(%dma_start3A_42 : memref<128x48xf32, #tpu.memory_space<vmem_shared>>) target_semaphore(%run_scoped3A : memref<!tpu.dma_semaphore, #tpu.memory_space<semaphore_mem>>)
      %dma_wait3A = arith.constant 0 : i32
      %dma_wait3A_43 = tpu.memref_slice %arg14[%add3A_27, %dma_wait3A] : memref<10240x48xf32, #tpu.memory_space<vmem_shared>> -> memref<128x48xf32, #tpu.memory_space<vmem_shared>>
      %dma_wait3A_44 = arith.constant 0 : i32
      %dma_wait3A_45 = tpu.memref_slice %arg14[%add3A_27, %dma_wait3A_44] : memref<10240x48xf32, #tpu.memory_space<vmem_shared>> -> memref<128x48xf32, #tpu.memory_space<vmem_shared>>
      tpu.wait_dma2 semaphore(%run_scoped3A : memref<!tpu.dma_semaphore, #tpu.memory_space<semaphore_mem>>) src(%arg11 : memref<128x48xf32, #tpu.memory_space<vmem>>) dst(%dma_wait3A_45 : memref<128x48xf32, #tpu.memory_space<vmem_shared>>)
      tpu.yield
    }) : () -> ()
    %barrier3A = arith.constant 0 : index
    tpu.barrier barrier_id(%barrier3A)
    %scan3A_28 = arith.constant 0 : i32
    %scan3A_29 = arith.constant 0 : i32
    %scan3A_30 = arith.constant 82 : i32
    %scan3A_31 = arith.addi %scan3A_29, %scan3A_30 : i32
    %scan3A_32 = arith.constant 1 : i32
    scf.for %scan3A_40 = %scan3A_29 to %scan3A_31 step %scan3A_32  : i32 {
      %mul3A_41 = arith.constant 128 : i32
      %mul3A_42 = arith.muli %scan3A_40, %mul3A_41 : i32
      %add3A_43 = arith.addi %mul3A_2, %mul3A_42 : i32
      %dma_start3A = tpu.memref_slice %arg2[%add3A_43] : memref<335872xi32, #tpu.memory_space<hbm>> -> memref<128xi32, #tpu.memory_space<hbm>>
      %dma_start3A_44 = tpu.memref_slice %arg2[%add3A_43] : memref<335872xi32, #tpu.memory_space<hbm>> -> memref<128xi32, #tpu.memory_space<hbm>>
      tpu.enqueue_dma source(%dma_start3A_44 : memref<128xi32, #tpu.memory_space<hbm>>) target(%arg8 : memref<128xi32, #tpu.memory_space<vmem>>) target_semaphore(%arg15 : memref<!tpu.dma_semaphore, #tpu.memory_space<semaphore_mem>>)
      %dma_start3A_45 = tpu.memref_slice %arg3[%add3A_43] : memref<335872xi32, #tpu.memory_space<hbm>> -> memref<128xi32, #tpu.memory_space<hbm>>
      %dma_start3A_46 = tpu.memref_slice %arg3[%add3A_43] : memref<335872xi32, #tpu.memory_space<hbm>> -> memref<128xi32, #tpu.memory_space<hbm>>
      tpu.enqueue_dma source(%dma_start3A_46 : memref<128xi32, #tpu.memory_space<hbm>>) target(%arg9 : memref<128xi32, #tpu.memory_space<vmem>>) target_semaphore(%arg16 : memref<!tpu.dma_semaphore, #tpu.memory_space<semaphore_mem>>)
      %dma_start3A_47 = arith.constant 0 : i32
      %dma_start3A_48 = tpu.memref_slice %arg4[%add3A_43, %dma_start3A_47] : memref<335872x16xf32, #tpu.memory_space<hbm>> -> memref<128x16xf32, #tpu.memory_space<hbm>>
      %dma_start3A_49 = arith.constant 0 : i32
      %dma_start3A_50 = tpu.memref_slice %arg4[%add3A_43, %dma_start3A_49] : memref<335872x16xf32, #tpu.memory_space<hbm>> -> memref<128x16xf32, #tpu.memory_space<hbm>>
      tpu.enqueue_dma source(%dma_start3A_50 : memref<128x16xf32, #tpu.memory_space<hbm>>) target(%arg12 : memref<128x16xf32, #tpu.memory_space<vmem>>) target_semaphore(%arg17 : memref<!tpu.dma_semaphore, #tpu.memory_space<semaphore_mem>>)
      %dma_wait3A = tpu.memref_slice %arg2[%add3A_43] : memref<335872xi32, #tpu.memory_space<hbm>> -> memref<128xi32, #tpu.memory_space<hbm>>
      %dma_wait3A_51 = tpu.memref_slice %arg2[%add3A_43] : memref<335872xi32, #tpu.memory_space<hbm>> -> memref<128xi32, #tpu.memory_space<hbm>>
      tpu.wait_dma2 semaphore(%arg15 : memref<!tpu.dma_semaphore, #tpu.memory_space<semaphore_mem>>) src(%dma_wait3A_51 : memref<128xi32, #tpu.memory_space<hbm>>) dst(%arg8 : memref<128xi32, #tpu.memory_space<vmem>>)
      %dma_start3A_52 = arith.constant 0 : i32
      %dma_start3A_53 = arith.constant 0 : i32
      %dma_start3A_54 = tpu.memref_slice %arg6[%dma_start3A_52, %dma_start3A_53] : memref<10240x48xf32, #tpu.memory_space<hbm>> -> memref<10240x48xf32, #tpu.memory_space<hbm>>
      tpu.enqueue_indirect_dma source(%dma_start3A_54 : memref<10240x48xf32, #tpu.memory_space<hbm>>) target(%arg11 : memref<128x48xf32, #tpu.memory_space<vmem>>) offsets(%arg8 : memref<128xi32, #tpu.memory_space<vmem>>) semaphore(%arg18 : memref<!tpu.dma_semaphore, #tpu.memory_space<semaphore_mem>>)
      %dma_wait3A_55 = tpu.memref_slice %arg3[%add3A_43] : memref<335872xi32, #tpu.memory_space<hbm>> -> memref<128xi32, #tpu.memory_space<hbm>>
      %dma_wait3A_56 = tpu.memref_slice %arg3[%add3A_43] : memref<335872xi32, #tpu.memory_space<hbm>> -> memref<128xi32, #tpu.memory_space<hbm>>
      tpu.wait_dma2 semaphore(%arg16 : memref<!tpu.dma_semaphore, #tpu.memory_space<semaphore_mem>>) src(%dma_wait3A_56 : memref<128xi32, #tpu.memory_space<hbm>>) dst(%arg9 : memref<128xi32, #tpu.memory_space<vmem>>)
      %dma_start3A_57 = arith.constant 0 : i32
      %dma_start3A_58 = arith.constant 0 : i32
      %dma_start3A_59 = tpu.memref_slice %arg5[%dma_start3A_57, %dma_start3A_58] : memref<10240x16xf32, #tpu.memory_space<hbm>> -> memref<10240x16xf32, #tpu.memory_space<hbm>>
      tpu.enqueue_indirect_dma source(%dma_start3A_59 : memref<10240x16xf32, #tpu.memory_space<hbm>>) target(%arg13 : memref<128x16xf32, #tpu.memory_space<vmem>>) offsets(%arg9 : memref<128xi32, #tpu.memory_space<vmem>>) semaphore(%arg19 : memref<!tpu.dma_semaphore, #tpu.memory_space<semaphore_mem>>)
      %dma_wait3A_60 = arith.constant 0 : i32
      %dma_wait3A_61 = tpu.memref_slice %arg4[%add3A_43, %dma_wait3A_60] : memref<335872x16xf32, #tpu.memory_space<hbm>> -> memref<128x16xf32, #tpu.memory_space<hbm>>
      %dma_wait3A_62 = arith.constant 0 : i32
      %dma_wait3A_63 = tpu.memref_slice %arg4[%add3A_43, %dma_wait3A_62] : memref<335872x16xf32, #tpu.memory_space<hbm>> -> memref<128x16xf32, #tpu.memory_space<hbm>>
      tpu.wait_dma2 semaphore(%arg17 : memref<!tpu.dma_semaphore, #tpu.memory_space<semaphore_mem>>) src(%dma_wait3A_63 : memref<128x16xf32, #tpu.memory_space<hbm>>) dst(%arg12 : memref<128x16xf32, #tpu.memory_space<vmem>>)
      %dma_wait3A_64 = arith.constant 0 : i32
      %dma_wait3A_65 = arith.constant 0 : i32
      %dma_wait3A_66 = tpu.memref_slice %arg5[%dma_wait3A_64, %dma_wait3A_65] : memref<10240x16xf32, #tpu.memory_space<hbm>> -> memref<10240x16xf32, #tpu.memory_space<hbm>>
      tpu.wait_indirect_dma semaphore(%arg19 : memref<!tpu.dma_semaphore, #tpu.memory_space<semaphore_mem>>) src(%dma_wait3A_66 : memref<10240x16xf32, #tpu.memory_space<hbm>>) dst(%arg13 : memref<128x16xf32, #tpu.memory_space<vmem>>)
      %dma_wait3A_67 = arith.constant 0 : i32
      %dma_wait3A_68 = arith.constant 0 : i32
      %dma_wait3A_69 = tpu.memref_slice %arg6[%dma_wait3A_67, %dma_wait3A_68] : memref<10240x48xf32, #tpu.memory_space<hbm>> -> memref<10240x48xf32, #tpu.memory_space<hbm>>
      tpu.wait_indirect_dma semaphore(%arg18 : memref<!tpu.dma_semaphore, #tpu.memory_space<semaphore_mem>>) src(%dma_wait3A_69 : memref<10240x48xf32, #tpu.memory_space<hbm>>) dst(%arg11 : memref<128x48xf32, #tpu.memory_space<vmem>>)
      %parallel_loop3A = arith.constant 0 : i32
      %parallel_loop3A_70 = arith.constant 128 : i32
      %parallel_loop3A_71 = arith.constant 1 : i32
      scf.for %parallel_loop3A_72 = %parallel_loop3A to %parallel_loop3A_70 step %parallel_loop3A_71  : i32 {
        %parallel_loop3A_73 = arith.index_cast %parallel_loop3A_72 : i32 to index
        %parallel_loop3A_74 = arith.constant 0 : index
        %parallel_loop3A_75 = tpu.vector_load %arg12[%parallel_loop3A_73, %parallel_loop3A_74] {strides = array<i32>} : memref<128x16xf32, #tpu.memory_space<vmem>>, vector<1x16xf32>,
        %parallel_loop3A_76 = vector.shape_cast %parallel_loop3A_75 : vector<1x16xf32> to vector<16xf32>
        %parallel_loop3A_77 = arith.index_cast %parallel_loop3A_72 : i32 to index
        %parallel_loop3A_78 = arith.constant 0 : index
        %parallel_loop3A_79 = tpu.vector_load %arg13[%parallel_loop3A_77, %parallel_loop3A_78] {strides = array<i32>} : memref<128x16xf32, #tpu.memory_space<vmem>>, vector<1x16xf32>,
        %parallel_loop3A_80 = vector.shape_cast %parallel_loop3A_79 : vector<1x16xf32> to vector<16xf32>
        %parallel_loop3A_81 = arith.mulf %parallel_loop3A_76, %parallel_loop3A_80 : vector<16xf32>
        %parallel_loop3A_82 = arith.constant 0 : i32
        %parallel_loop3A_83 = vector.broadcast %parallel_loop3A_82 : i32 to vector<16xi32>
        %parallel_loop3A_84 = vector.shape_cast %parallel_loop3A_83 : vector<16xi32> to vector<16x1xi32>
        %parallel_loop3A_85 = vector.shape_cast %parallel_loop3A_84 : vector<16x1xi32> to vector<16xi32>
        %parallel_loop3A_86 = tpu.dynamic_gather %parallel_loop3A_81[%parallel_loop3A_85] in [0] : vector<16xf32>, vector<16xi32> -> vector<16xf32>
        %parallel_loop3A_87 = arith.index_cast %parallel_loop3A_72 : i32 to index
        %parallel_loop3A_88 = arith.constant 0 : index
        %parallel_loop3A_89 = tpu.vector_load %arg11[%parallel_loop3A_87, %parallel_loop3A_88] {strides = array<i32>} : memref<128x48xf32, #tpu.memory_space<vmem>>, vector<1x16xf32>,
        %parallel_loop3A_90 = vector.shape_cast %parallel_loop3A_89 : vector<1x16xf32> to vector<16xf32>
        %parallel_loop3A_91 = arith.mulf %parallel_loop3A_90, %parallel_loop3A_86 : vector<16xf32>
        %parallel_loop3A_92 = arith.index_cast %parallel_loop3A_72 : i32 to index
        %parallel_loop3A_93 = arith.constant 0 : index
        %parallel_loop3A_94 = tpu.vector_load %arg11[%parallel_loop3A_92, %parallel_loop3A_93] {strides = array<i32>} : memref<128x48xf32, #tpu.memory_space<vmem>>, vector<1x16xf32>,
        %parallel_loop3A_95 = vector.shape_cast %parallel_loop3A_94 : vector<1x16xf32> to vector<16xf32>
        %parallel_loop3A_96 = vector.shape_cast %parallel_loop3A_91 : vector<16xf32> to vector<1x16xf32>
        tpu.vector_store %arg11[%parallel_loop3A_92, %parallel_loop3A_93], %parallel_loop3A_96 {strides = array<i32>} : memref<128x48xf32, #tpu.memory_space<vmem>>, vector<1x16xf32>,
        %parallel_loop3A_97 = arith.index_cast %parallel_loop3A_72 : i32 to index
        %parallel_loop3A_98 = arith.constant 16 : index
        %parallel_loop3A_99 = tpu.vector_load %arg11[%parallel_loop3A_97, %parallel_loop3A_98] {strides = array<i32>} : memref<128x48xf32, #tpu.memory_space<vmem>>, vector<1x16xf32>,
        %parallel_loop3A_100 = vector.shape_cast %parallel_loop3A_99 : vector<1x16xf32> to vector<16xf32>
        %parallel_loop3A_101 = arith.mulf %parallel_loop3A_100, %parallel_loop3A_86 : vector<16xf32>
        %parallel_loop3A_102 = arith.index_cast %parallel_loop3A_72 : i32 to index
        %parallel_loop3A_103 = arith.constant 16 : index
        %parallel_loop3A_104 = tpu.vector_load %arg11[%parallel_loop3A_102, %parallel_loop3A_103] {strides = array<i32>} : memref<128x48xf32, #tpu.memory_space<vmem>>, vector<1x16xf32>,
        %parallel_loop3A_105 = vector.shape_cast %parallel_loop3A_104 : vector<1x16xf32> to vector<16xf32>
        %parallel_loop3A_106 = vector.shape_cast %parallel_loop3A_101 : vector<16xf32> to vector<1x16xf32>
        tpu.vector_store %arg11[%parallel_loop3A_102, %parallel_loop3A_103], %parallel_loop3A_106 {strides = array<i32>} : memref<128x48xf32, #tpu.memory_space<vmem>>, vector<1x16xf32>,
        %parallel_loop3A_107 = arith.index_cast %parallel_loop3A_72 : i32 to index
        %parallel_loop3A_108 = arith.constant 32 : index
        %parallel_loop3A_109 = tpu.vector_load %arg11[%parallel_loop3A_107, %parallel_loop3A_108] {strides = array<i32>} : memref<128x48xf32, #tpu.memory_space<vmem>>, vector<1x16xf32>,
        %parallel_loop3A_110 = vector.shape_cast %parallel_loop3A_109 : vector<1x16xf32> to vector<16xf32>
        %parallel_loop3A_111 = arith.mulf %parallel_loop3A_110, %parallel_loop3A_86 : vector<16xf32>
        %parallel_loop3A_112 = arith.index_cast %parallel_loop3A_72 : i32 to index
        %parallel_loop3A_113 = arith.constant 32 : index
        %parallel_loop3A_114 = tpu.vector_load %arg11[%parallel_loop3A_112, %parallel_loop3A_113] {strides = array<i32>} : memref<128x48xf32, #tpu.memory_space<vmem>>, vector<1x16xf32>,
        %parallel_loop3A_115 = vector.shape_cast %parallel_loop3A_114 : vector<1x16xf32> to vector<16xf32>
        %parallel_loop3A_116 = vector.shape_cast %parallel_loop3A_111 : vector<16xf32> to vector<1x16xf32>
        tpu.vector_store %arg11[%parallel_loop3A_112, %parallel_loop3A_113], %parallel_loop3A_116 {strides = array<i32>} : memref<128x48xf32, #tpu.memory_space<vmem>>, vector<1x16xf32>,
      } {sc.loop_unroll_factor = 4 : i64, sc.parallel_access}
      "tpu.region"() ({
        %run_scoped3A = tpu.sem_alloc : memref<!tpu.dma_semaphore, #tpu.memory_space<semaphore_mem>>
        %dma_start3A_72 = arith.constant 0 : i32
        %dma_start3A_73 = arith.constant 0 : i32
        %dma_start3A_74 = tpu.memref_slice %arg14[%dma_start3A_72, %dma_start3A_73] : memref<10240x48xf32, #tpu.memory_space<vmem_shared>> -> memref<10240x48xf32, #tpu.memory_space<vmem_shared>>
        tpu.enqueue_indirect_dma source(%arg11 : memref<128x48xf32, #tpu.memory_space<vmem>>) target(%dma_start3A_74 : memref<10240x48xf32, #tpu.memory_space<vmem_shared>>) offsets(%arg9 : memref<128xi32, #tpu.memory_space<vmem>>) semaphore(%run_scoped3A : memref<!tpu.dma_semaphore, #tpu.memory_space<semaphore_mem>>) {add = true}
        %dma_wait3A_75 = arith.constant 0 : i32
        %dma_wait3A_76 = arith.constant 0 : i32
        %dma_wait3A_77 = tpu.memref_slice %arg14[%dma_wait3A_75, %dma_wait3A_76] : memref<10240x48xf32, #tpu.memory_space<vmem_shared>> -> memref<10240x48xf32, #tpu.memory_space<vmem_shared>>
        tpu.wait_indirect_dma semaphore(%run_scoped3A : memref<!tpu.dma_semaphore, #tpu.memory_space<semaphore_mem>>) src(%arg11 : memref<128x48xf32, #tpu.memory_space<vmem>>) dst(%dma_wait3A_77 : memref<10240x48xf32, #tpu.memory_space<vmem_shared>>)
        tpu.yield
      }) : () -> ()
    }
    %scan3A_33 = arith.constant 82 : i32
    %barrier3A_34 = arith.constant 0 : index
    tpu.barrier barrier_id(%barrier3A_34)
    %mul3A_35 = arith.constant 640 : i32
    %mul3A_36 = arith.muli %arg1, %mul3A_35 : i32
    %mul3A_37 = arith.constant 16 : i32
    %mul3A_38 = arith.muli %arg0, %mul3A_37 : i32
    %add3A_39 = arith.addi %mul3A_38, %arg1 : i32
    "tpu.region"() ({
      %run_scoped3A = tpu.sem_alloc : memref<!tpu.dma_semaphore, #tpu.memory_space<semaphore_mem>>
      %dma_start3A = arith.constant 0 : i32
      %dma_start3A_40 = arith.constant 0 : i32
      %dma_start3A_41 = tpu.memref_slice %arg7[%add3A_39, %dma_start3A, %dma_start3A_40] : memref<32x640x48xf32, #tpu.memory_space<hbm>> -> memref<1x640x48xf32, #tpu.memory_space<hbm>>
      %dma_start3A_42 = tpu.memref_squeeze %dma_start3A_41 : memref<1x640x48xf32, #tpu.memory_space<hbm>> -> memref<640x48xf32, #tpu.memory_space<hbm>>
      %dma_start3A_43 = arith.constant 0 : i32
      %dma_start3A_44 = tpu.memref_slice %arg14[%mul3A_36, %dma_start3A_43] : memref<10240x48xf32, #tpu.memory_space<vmem_shared>> -> memref<640x48xf32, #tpu.memory_space<vmem_shared>>
      tpu.enqueue_dma source(%dma_start3A_44 : memref<640x48xf32, #tpu.memory_space<vmem_shared>>) target(%dma_start3A_42 : memref<640x48xf32, #tpu.memory_space<hbm>>) target_semaphore(%run_scoped3A : memref<!tpu.dma_semaphore, #tpu.memory_space<semaphore_mem>>)
      %dma_wait3A = arith.constant 0 : i32
      %dma_wait3A_45 = arith.constant 0 : i32
      %dma_wait3A_46 = tpu.memref_slice %arg7[%add3A_39, %dma_wait3A, %dma_wait3A_45] : memref<32x640x48xf32, #tpu.memory_space<hbm>> -> memref<1x640x48xf32, #tpu.memory_space<hbm>>
      %dma_wait3A_47 = tpu.memref_squeeze %dma_wait3A_46 : memref<1x640x48xf32, #tpu.memory_space<hbm>> -> memref<640x48xf32, #tpu.memory_space<hbm>>
      %dma_wait3A_48 = arith.constant 0 : i32
      %dma_wait3A_49 = tpu.memref_slice %arg14[%mul3A_36, %dma_wait3A_48] : memref<10240x48xf32, #tpu.memory_space<vmem_shared>> -> memref<640x48xf32, #tpu.memory_space<vmem_shared>>
      tpu.wait_dma2 semaphore(%run_scoped3A : memref<!tpu.dma_semaphore, #tpu.memory_space<semaphore_mem>>) src(%dma_wait3A_49 : memref<640x48xf32, #tpu.memory_space<vmem_shared>>) dst(%dma_wait3A_47 : memref<640x48xf32, #tpu.memory_space<hbm>>)
      tpu.yield
    }) : () -> ()
    return
  }
}

module attributes {stable_mosaic.version = 14 : i64} {
  func.func @_tc_h_kernel(%arg0: i32, %arg1: i32, %arg2: memref<640x128xf32, #tpu.memory_space<vmem>>, %arg3: memref<128x128xf32, #tpu.memory_space<vmem>>, %arg4: memref<128x32xf32, #tpu.memory_space<vmem>>, %arg5: memref<640x128xf32, #tpu.memory_space<vmem>>, %arg6: memref<640x32xf32, #tpu.memory_space<vmem>>) attributes {dimension_semantics = [#tpu.dimension_semantics<arbitrary>, #tpu.dimension_semantics<arbitrary>], iteration_bounds = array<i64: 2, 16>, scalar_prefetch = 0 : i64, scratch_operands = 0 : i64, tpu.core_type = #tpu.core_type<tc>, window_params = [{transform_indices = @transform_0, window_bounds = array<i64: 640, 128>}, {transform_indices = @transform_1, window_bounds = array<i64: 128, 128>}, {pipeline_mode = #tpu.pipeline_mode<synchronous>, transform_indices = @transform_2, window_bounds = array<i64: 128, 32>}, {transform_indices = @transform_3, window_bounds = array<i64: 640, 128>}, {transform_indices = @transform_4, window_bounds = array<i64: 640, 32>}]} {
    %get3A = arith.constant 0 : index
    %get3A_0 = arith.constant 0 : index
    %get3A_1 = vector.load %arg2[%get3A, %get3A_0] : memref<640x128xf32, #tpu.memory_space<vmem>>, vector<640x128xf32>
    %get3A_2 = arith.constant 0 : index
    %get3A_3 = arith.constant 0 : index
    %get3A_4 = vector.load %arg3[%get3A_2, %get3A_3] : memref<128x128xf32, #tpu.memory_space<vmem>>, vector<128x128xf32>
    %dot_general3A = arith.constant dense<0.000000e+00> : vector<640x128xf32>
    %dot_general3A_5 = tpu.matmul %get3A_1, %get3A_4, %dot_general3A {dimension_numbers = #tpu.dot_dimension_numbers<[1], [0], [0], [1], [0, 0, 1, 1], [], []>, transpose_lhs_hint = false} : vector<640x128xf32>, vector<128x128xf32>, vector<640x128xf32> -> vector<640x128xf32>
    %swap3A = arith.constant 0 : index
    %swap3A_6 = arith.constant 0 : index
    %swap3A_7 = vector.load %arg5[%swap3A, %swap3A_6] : memref<640x128xf32, #tpu.memory_space<vmem>>, vector<640x128xf32>
    tpu.vector_store %arg5[%swap3A, %swap3A_6], %dot_general3A_5 {strides = array<i32>} : memref<640x128xf32, #tpu.memory_space<vmem>>, vector<640x128xf32>,
    %get3A_8 = arith.constant 0 : index
    %get3A_9 = arith.constant 0 : index
    %get3A_10 = vector.load %arg4[%get3A_8, %get3A_9] : memref<128x32xf32, #tpu.memory_space<vmem>>, vector<128x32xf32>
    %dot_general3A_11 = arith.constant dense<0.000000e+00> : vector<640x32xf32>
    %dot_general3A_12 = tpu.matmul %get3A_1, %get3A_10, %dot_general3A_11 {dimension_numbers = #tpu.dot_dimension_numbers<[1], [0], [0], [1], [0, 0, 1, 1], [], []>, transpose_lhs_hint = false} : vector<640x128xf32>, vector<128x32xf32>, vector<640x32xf32> -> vector<640x32xf32>
    %swap3A_13 = arith.constant 0 : index
    %swap3A_14 = arith.constant 0 : index
    %swap3A_15 = vector.load %arg6[%swap3A_13, %swap3A_14] : memref<640x32xf32, #tpu.memory_space<vmem>>, vector<640x32xf32>
    tpu.vector_store %arg6[%swap3A_13, %swap3A_14], %dot_general3A_12 {strides = array<i32>} : memref<640x32xf32, #tpu.memory_space<vmem>>, vector<640x32xf32>,
    return
  }
  func.func @transform_0(%arg0: i32, %arg1: i32) -> (i32, i32) {
    %c0_i32 = arith.constant 0 : i32
    %c0_i32_0 = arith.constant 0 : i32
    return %arg1, %c0_i32 : i32, i32
  }
  func.func @transform_1(%arg0: i32, %arg1: i32) -> (i32, i32) {
    %c0_i32 = arith.constant 0 : i32
    %c0_i32_0 = arith.constant 0 : i32
    return %c0_i32, %arg0 : i32, i32
  }
  func.func @transform_2(%arg0: i32, %arg1: i32) -> (i32, i32) {
    %c0_i32 = arith.constant 0 : i32
    %c0_i32_0 = arith.constant 0 : i32
    %c0_i32_1 = arith.constant 0 : i32
    return %c0_i32, %c0_i32_0 : i32, i32
  }
  func.func @transform_3(%arg0: i32, %arg1: i32) -> (i32, i32) {
    %mul3A = arith.constant 16 : i32
    %mul3A_0 = arith.muli %arg0, %mul3A : i32
    %add3A = arith.addi %mul3A_0, %arg1 : i32
    %c0_i32 = arith.constant 0 : i32
    %c0_i32_1 = arith.constant 0 : i32
    return %add3A, %c0_i32 : i32, i32
  }
  func.func @transform_4(%arg0: i32, %arg1: i32) -> (i32, i32) {
    %c0_i32 = arith.constant 0 : i32
    %c0_i32_0 = arith.constant 0 : i32
    return %arg1, %c0_i32 : i32, i32
  }
}

module attributes {stable_mosaic.version = 14 : i64} {
  func.func @_tc_inv_kernel(%arg0: i32, %arg1: memref<2x10240x16xf32, #tpu.memory_space<vmem>>, %arg2: memref<10240x16xf32, #tpu.memory_space<vmem>>) attributes {dimension_semantics = [#tpu.dimension_semantics<arbitrary>], iteration_bounds = array<i64: 1>, scalar_prefetch = 0 : i64, scratch_operands = 0 : i64, tpu.core_type = #tpu.core_type<tc>, window_params = [{pipeline_mode = #tpu.pipeline_mode<synchronous>, transform_indices = @transform_0, window_bounds = array<i64: 2, 10240, 16>}, {pipeline_mode = #tpu.pipeline_mode<synchronous>, transform_indices = @transform_1, window_bounds = array<i64: 10240, 16>}]} {
    %get3A = arith.constant 0 : index
    %get3A_0 = arith.constant 0 : index
    %get3A_1 = arith.constant 0 : index
    %get3A_2 = vector.load %arg1[%get3A, %get3A_0, %get3A_1] : memref<2x10240x16xf32, #tpu.memory_space<vmem>>, vector<1x10240x16xf32>
    %get3A_3 = vector.shape_cast %get3A_2 : vector<1x10240x16xf32> to vector<10240x16xf32>
    %get3A_4 = arith.constant 1 : index
    %get3A_5 = arith.constant 0 : index
    %get3A_6 = arith.constant 0 : index
    %get3A_7 = vector.load %arg1[%get3A_4, %get3A_5, %get3A_6] : memref<2x10240x16xf32, #tpu.memory_space<vmem>>, vector<1x10240x16xf32>
    %get3A_8 = vector.shape_cast %get3A_7 : vector<1x10240x16xf32> to vector<10240x16xf32>
    %add3A = arith.addf %get3A_3, %get3A_8 : vector<10240x16xf32>
    %add3A_9 = arith.constant 1.000000e-16 : f32
    %add3A_10 = vector.broadcast %add3A_9 : f32 to vector<10240x16xf32>
    %add3A_11 = arith.addf %add3A, %add3A_10 : vector<10240x16xf32>
    %div3A = arith.constant 1.000000e+00 : f32
    %div3A_12 = vector.broadcast %div3A : f32 to vector<10240x16xf32>
    %div3A_13 = arith.divf %div3A_12, %add3A_11 : vector<10240x16xf32>
    %swap3A = arith.constant 0 : index
    %swap3A_14 = arith.constant 0 : index
    %swap3A_15 = vector.load %arg2[%swap3A, %swap3A_14] : memref<10240x16xf32, #tpu.memory_space<vmem>>, vector<10240x16xf32>
    tpu.vector_store %arg2[%swap3A, %swap3A_14], %div3A_13 {strides = array<i32>} : memref<10240x16xf32, #tpu.memory_space<vmem>>, vector<10240x16xf32>,
    return
  }
  func.func @transform_0(%arg0: i32) -> (i32, i32, i32) {
    %c0_i32 = arith.constant 0 : i32
    %c0_i32_0 = arith.constant 0 : i32
    %c0_i32_1 = arith.constant 0 : i32
    %c0_i32_2 = arith.constant 0 : i32
    return %c0_i32, %c0_i32_0, %c0_i32_1 : i32, i32, i32
  }
  func.func @transform_1(%arg0: i32) -> (i32, i32) {
    %c0_i32 = arith.constant 0 : i32
    %c0_i32_0 = arith.constant 0 : i32
    %c0_i32_1 = arith.constant 0 : i32
    return %c0_i32, %c0_i32_0 : i32, i32
  }
}

module attributes {stable_mosaic.version = 14 : i64} {
  func.func @k(%arg0: i32, %arg1: memref<640x256xf32, #tpu.memory_space<vmem>>, %arg2: memref<1x256xf32, #tpu.memory_space<vmem>>, %arg3: memref<640x256xf32, #tpu.memory_space<vmem>>) attributes {dimension_semantics = [#tpu.dimension_semantics<arbitrary>], iteration_bounds = array<i64: 16>, scalar_prefetch = 0 : i64, scratch_operands = 0 : i64, tpu.core_type = #tpu.core_type<tc>, window_params = [{transform_indices = @transform_0, window_bounds = array<i64: 640, 256>}, {pipeline_mode = #tpu.pipeline_mode<synchronous>, transform_indices = @transform_1, window_bounds = array<i64: 1, 256>}, {transform_indices = @transform_2, window_bounds = array<i64: 640, 256>}]} {
    %get3A = arith.constant 0 : index
    %get3A_0 = arith.constant 0 : index
    %get3A_1 = vector.load %arg1[%get3A, %get3A_0] : memref<640x256xf32, #tpu.memory_space<vmem>>, vector<640x256xf32>
    %get3A_2 = arith.constant 0 : index
    %get3A_3 = arith.constant 0 : index
    %get3A_4 = vector.load %arg2[%get3A_2, %get3A_3] : memref<1x256xf32, #tpu.memory_space<vmem>>, vector<1x256xf32>
    %add3A = vector.broadcast %get3A_4 : vector<1x256xf32> to vector<640x256xf32>
    %add3A_5 = arith.addf %get3A_1, %add3A : vector<640x256xf32>
    %mul3A = arith.constant 640 : i32
    %mul3A_6 = arith.muli %arg0, %mul3A : i32
    %iota3A = tpu.iota {dimensions = array<i32: 0>} : vector<640x256xi32>
    %add3A_7 = vector.broadcast %mul3A_6 : i32 to vector<640x256xi32>
    %add3A_8 = arith.addi %add3A_7, %iota3A : vector<640x256xi32>
    %lt3A = arith.constant 10000 : i32
    %lt3A_9 = vector.broadcast %lt3A : i32 to vector<640x256xi32>
    %lt3A_10 = arith.cmpi slt, %add3A_8, %lt3A_9 : vector<640x256xi32>
    %max3A = arith.constant 0.000000e+00 : f32
    %max3A_11 = vector.broadcast %max3A : f32 to vector<640x256xf32>
    %max3A_12 = arith.maximumf %add3A_5, %max3A_11 : vector<640x256xf32>
    %jit3A = arith.constant 0.000000e+00 : f32
    %broadcast_in_dim3A = vector.broadcast %jit3A : f32 to vector<640x256xf32>
    %select_n3A = arith.select %lt3A_10, %max3A_12, %broadcast_in_dim3A : vector<640x256xi1>, vector<640x256xf32>
    %swap3A = arith.constant 0 : index
    %swap3A_13 = arith.constant 0 : index
    %swap3A_14 = vector.load %arg3[%swap3A, %swap3A_13] : memref<640x256xf32, #tpu.memory_space<vmem>>, vector<640x256xf32>
    tpu.vector_store %arg3[%swap3A, %swap3A_13], %select_n3A {strides = array<i32>} : memref<640x256xf32, #tpu.memory_space<vmem>>, vector<640x256xf32>,
    return
  }
  func.func @transform_0(%arg0: i32) -> (i32, i32) {
    %c0_i32 = arith.constant 0 : i32
    %c0_i32_0 = arith.constant 0 : i32
    return %arg0, %c0_i32 : i32, i32
  }
  func.func @transform_1(%arg0: i32) -> (i32, i32) {
    %c0_i32 = arith.constant 0 : i32
    %c0_i32_0 = arith.constant 0 : i32
    %c0_i32_1 = arith.constant 0 : i32
    return %c0_i32, %c0_i32_0 : i32, i32
  }
  func.func @transform_2(%arg0: i32) -> (i32, i32) {
    %c0_i32 = arith.constant 0 : i32
    %c0_i32_0 = arith.constant 0 : i32
    return %arg0, %c0_i32 : i32, i32
  }
}

module attributes {stable_mosaic.version = 14 : i64} {
  func.func @_tc_h_kernel(%arg0: i32, %arg1: i32, %arg2: memref<640x256xf32, #tpu.memory_space<vmem>>, %arg3: memref<256x128xf32, #tpu.memory_space<vmem>>, %arg4: memref<256x32xf32, #tpu.memory_space<vmem>>, %arg5: memref<640x128xf32, #tpu.memory_space<vmem>>, %arg6: memref<640x32xf32, #tpu.memory_space<vmem>>) attributes {dimension_semantics = [#tpu.dimension_semantics<arbitrary>, #tpu.dimension_semantics<arbitrary>], iteration_bounds = array<i64: 2, 16>, scalar_prefetch = 0 : i64, scratch_operands = 0 : i64, tpu.core_type = #tpu.core_type<tc>, window_params = [{transform_indices = @transform_0, window_bounds = array<i64: 640, 256>}, {transform_indices = @transform_1, window_bounds = array<i64: 256, 128>}, {pipeline_mode = #tpu.pipeline_mode<synchronous>, transform_indices = @transform_2, window_bounds = array<i64: 256, 32>}, {transform_indices = @transform_3, window_bounds = array<i64: 640, 128>}, {transform_indices = @transform_4, window_bounds = array<i64: 640, 32>}]} {
    %get3A = arith.constant 0 : index
    %get3A_0 = arith.constant 0 : index
    %get3A_1 = vector.load %arg2[%get3A, %get3A_0] : memref<640x256xf32, #tpu.memory_space<vmem>>, vector<640x256xf32>
    %get3A_2 = arith.constant 0 : index
    %get3A_3 = arith.constant 0 : index
    %get3A_4 = vector.load %arg3[%get3A_2, %get3A_3] : memref<256x128xf32, #tpu.memory_space<vmem>>, vector<256x128xf32>
    %dot_general3A = arith.constant dense<0.000000e+00> : vector<640x128xf32>
    %dot_general3A_5 = tpu.matmul %get3A_1, %get3A_4, %dot_general3A {dimension_numbers = #tpu.dot_dimension_numbers<[1], [0], [0], [1], [0, 0, 1, 1], [], []>, transpose_lhs_hint = false} : vector<640x256xf32>, vector<256x128xf32>, vector<640x128xf32> -> vector<640x128xf32>
    %swap3A = arith.constant 0 : index
    %swap3A_6 = arith.constant 0 : index
    %swap3A_7 = vector.load %arg5[%swap3A, %swap3A_6] : memref<640x128xf32, #tpu.memory_space<vmem>>, vector<640x128xf32>
    tpu.vector_store %arg5[%swap3A, %swap3A_6], %dot_general3A_5 {strides = array<i32>} : memref<640x128xf32, #tpu.memory_space<vmem>>, vector<640x128xf32>,
    %get3A_8 = arith.constant 0 : index
    %get3A_9 = arith.constant 0 : index
    %get3A_10 = vector.load %arg4[%get3A_8, %get3A_9] : memref<256x32xf32, #tpu.memory_space<vmem>>, vector<256x32xf32>
    %dot_general3A_11 = arith.constant dense<0.000000e+00> : vector<640x32xf32>
    %dot_general3A_12 = tpu.matmul %get3A_1, %get3A_10, %dot_general3A_11 {dimension_numbers = #tpu.dot_dimension_numbers<[1], [0], [0], [1], [0, 0, 1, 1], [], []>, transpose_lhs_hint = false} : vector<640x256xf32>, vector<256x32xf32>, vector<640x32xf32> -> vector<640x32xf32>
    %swap3A_13 = arith.constant 0 : index
    %swap3A_14 = arith.constant 0 : index
    %swap3A_15 = vector.load %arg6[%swap3A_13, %swap3A_14] : memref<640x32xf32, #tpu.memory_space<vmem>>, vector<640x32xf32>
    tpu.vector_store %arg6[%swap3A_13, %swap3A_14], %dot_general3A_12 {strides = array<i32>} : memref<640x32xf32, #tpu.memory_space<vmem>>, vector<640x32xf32>,
    return
  }
  func.func @transform_0(%arg0: i32, %arg1: i32) -> (i32, i32) {
    %c0_i32 = arith.constant 0 : i32
    %c0_i32_0 = arith.constant 0 : i32
    return %arg1, %c0_i32 : i32, i32
  }
  func.func @transform_1(%arg0: i32, %arg1: i32) -> (i32, i32) {
    %c0_i32 = arith.constant 0 : i32
    %c0_i32_0 = arith.constant 0 : i32
    return %c0_i32, %arg0 : i32, i32
  }
  func.func @transform_2(%arg0: i32, %arg1: i32) -> (i32, i32) {
    %c0_i32 = arith.constant 0 : i32
    %c0_i32_0 = arith.constant 0 : i32
    %c0_i32_1 = arith.constant 0 : i32
    return %c0_i32, %c0_i32_0 : i32, i32
  }
  func.func @transform_3(%arg0: i32, %arg1: i32) -> (i32, i32) {
    %mul3A = arith.constant 16 : i32
    %mul3A_0 = arith.muli %arg0, %mul3A : i32
    %add3A = arith.addi %mul3A_0, %arg1 : i32
    %c0_i32 = arith.constant 0 : i32
    %c0_i32_1 = arith.constant 0 : i32
    return %add3A, %c0_i32 : i32, i32
  }
  func.func @transform_4(%arg0: i32, %arg1: i32) -> (i32, i32) {
    %c0_i32 = arith.constant 0 : i32
    %c0_i32_0 = arith.constant 0 : i32
    return %arg1, %c0_i32 : i32, i32
  }
}

module attributes {stable_mosaic.version = 14 : i64} {
  func.func @k(%arg0: i32, %arg1: memref<640x256xf32, #tpu.memory_space<vmem>>, %arg2: memref<1x256xf32, #tpu.memory_space<vmem>>, %arg3: memref<640x256xf32, #tpu.memory_space<vmem>>, %arg4: memref<640x256xf32, #tpu.memory_space<vmem>>) attributes {dimension_semantics = [#tpu.dimension_semantics<arbitrary>], iteration_bounds = array<i64: 16>, scalar_prefetch = 0 : i64, scratch_operands = 0 : i64, tpu.core_type = #tpu.core_type<tc>, window_params = [{transform_indices = @transform_0, window_bounds = array<i64: 640, 256>}, {pipeline_mode = #tpu.pipeline_mode<synchronous>, transform_indices = @transform_1, window_bounds = array<i64: 1, 256>}, {transform_indices = @transform_2, window_bounds = array<i64: 640, 256>}, {transform_indices = @transform_3, window_bounds = array<i64: 640, 256>}]} {
    %get3A = arith.constant 0 : index
    %get3A_0 = arith.constant 0 : index
    %get3A_1 = vector.load %arg1[%get3A, %get3A_0] : memref<640x256xf32, #tpu.memory_space<vmem>>, vector<640x256xf32>
    %get3A_2 = arith.constant 0 : index
    %get3A_3 = arith.constant 0 : index
    %get3A_4 = vector.load %arg2[%get3A_2, %get3A_3] : memref<1x256xf32, #tpu.memory_space<vmem>>, vector<1x256xf32>
    %add3A = vector.broadcast %get3A_4 : vector<1x256xf32> to vector<640x256xf32>
    %add3A_5 = arith.addf %get3A_1, %add3A : vector<640x256xf32>
    %get3A_6 = arith.constant 0 : index
    %get3A_7 = arith.constant 0 : index
    %get3A_8 = vector.load %arg3[%get3A_6, %get3A_7] : memref<640x256xf32, #tpu.memory_space<vmem>>, vector<640x256xf32>
    %add3A_9 = arith.addf %add3A_5, %get3A_8 : vector<640x256xf32>
    %mul3A = arith.constant 640 : i32
    %mul3A_10 = arith.muli %arg0, %mul3A : i32
    %iota3A = tpu.iota {dimensions = array<i32: 0>} : vector<640x256xi32>
    %add3A_11 = vector.broadcast %mul3A_10 : i32 to vector<640x256xi32>
    %add3A_12 = arith.addi %add3A_11, %iota3A : vector<640x256xi32>
    %lt3A = arith.constant 10000 : i32
    %lt3A_13 = vector.broadcast %lt3A : i32 to vector<640x256xi32>
    %lt3A_14 = arith.cmpi slt, %add3A_12, %lt3A_13 : vector<640x256xi32>
    %max3A = arith.constant 0.000000e+00 : f32
    %max3A_15 = vector.broadcast %max3A : f32 to vector<640x256xf32>
    %max3A_16 = arith.maximumf %add3A_9, %max3A_15 : vector<640x256xf32>
    %jit3A = arith.constant 0.000000e+00 : f32
    %broadcast_in_dim3A = vector.broadcast %jit3A : f32 to vector<640x256xf32>
    %select_n3A = arith.select %lt3A_14, %max3A_16, %broadcast_in_dim3A : vector<640x256xi1>, vector<640x256xf32>
    %swap3A = arith.constant 0 : index
    %swap3A_17 = arith.constant 0 : index
    %swap3A_18 = vector.load %arg4[%swap3A, %swap3A_17] : memref<640x256xf32, #tpu.memory_space<vmem>>, vector<640x256xf32>
    tpu.vector_store %arg4[%swap3A, %swap3A_17], %select_n3A {strides = array<i32>} : memref<640x256xf32, #tpu.memory_space<vmem>>, vector<640x256xf32>,
    return
  }
  func.func @transform_0(%arg0: i32) -> (i32, i32) {
    %c0_i32 = arith.constant 0 : i32
    %c0_i32_0 = arith.constant 0 : i32
    return %arg0, %c0_i32 : i32, i32
  }
  func.func @transform_1(%arg0: i32) -> (i32, i32) {
    %c0_i32 = arith.constant 0 : i32
    %c0_i32_0 = arith.constant 0 : i32
    %c0_i32_1 = arith.constant 0 : i32
    return %c0_i32, %c0_i32_0 : i32, i32
  }
  func.func @transform_2(%arg0: i32) -> (i32, i32) {
    %c0_i32 = arith.constant 0 : i32
    %c0_i32_0 = arith.constant 0 : i32
    return %arg0, %c0_i32 : i32, i32
  }
  func.func @transform_3(%arg0: i32) -> (i32, i32) {
    %c0_i32 = arith.constant 0 : i32
    %c0_i32_0 = arith.constant 0 : i32
    return %arg0, %c0_i32 : i32, i32
  }
}

module attributes {stable_mosaic.version = 14 : i64} {
  func.func @_tc_h_kernel(%arg0: i32, %arg1: i32, %arg2: memref<640x256xf32, #tpu.memory_space<vmem>>, %arg3: memref<256x48xf32, #tpu.memory_space<vmem>>, %arg4: memref<256x32xf32, #tpu.memory_space<vmem>>, %arg5: memref<640x48xf32, #tpu.memory_space<vmem>>, %arg6: memref<640x32xf32, #tpu.memory_space<vmem>>) attributes {dimension_semantics = [#tpu.dimension_semantics<arbitrary>, #tpu.dimension_semantics<arbitrary>], iteration_bounds = array<i64: 1, 16>, scalar_prefetch = 0 : i64, scratch_operands = 0 : i64, tpu.core_type = #tpu.core_type<tc>, window_params = [{transform_indices = @transform_0, window_bounds = array<i64: 640, 256>}, {transform_indices = @transform_1, window_bounds = array<i64: 256, 48>}, {pipeline_mode = #tpu.pipeline_mode<synchronous>, transform_indices = @transform_2, window_bounds = array<i64: 256, 32>}, {transform_indices = @transform_3, window_bounds = array<i64: 640, 48>}, {transform_indices = @transform_4, window_bounds = array<i64: 640, 32>}]} {
    %get3A = arith.constant 0 : index
    %get3A_0 = arith.constant 0 : index
    %get3A_1 = vector.load %arg2[%get3A, %get3A_0] : memref<640x256xf32, #tpu.memory_space<vmem>>, vector<640x256xf32>
    %get3A_2 = arith.constant 0 : index
    %get3A_3 = arith.constant 0 : index
    %get3A_4 = vector.load %arg3[%get3A_2, %get3A_3] : memref<256x48xf32, #tpu.memory_space<vmem>>, vector<256x48xf32>
    %dot_general3A = arith.constant dense<0.000000e+00> : vector<640x48xf32>
    %dot_general3A_5 = tpu.matmul %get3A_1, %get3A_4, %dot_general3A {dimension_numbers = #tpu.dot_dimension_numbers<[1], [0], [0], [1], [0, 0, 1, 1], [], []>, transpose_lhs_hint = false} : vector<640x256xf32>, vector<256x48xf32>, vector<640x48xf32> -> vector<640x48xf32>
    %swap3A = arith.constant 0 : index
    %swap3A_6 = arith.constant 0 : index
    %swap3A_7 = vector.load %arg5[%swap3A, %swap3A_6] : memref<640x48xf32, #tpu.memory_space<vmem>>, vector<640x48xf32>
    tpu.vector_store %arg5[%swap3A, %swap3A_6], %dot_general3A_5 {strides = array<i32>} : memref<640x48xf32, #tpu.memory_space<vmem>>, vector<640x48xf32>,
    %get3A_8 = arith.constant 0 : index
    %get3A_9 = arith.constant 0 : index
    %get3A_10 = vector.load %arg4[%get3A_8, %get3A_9] : memref<256x32xf32, #tpu.memory_space<vmem>>, vector<256x32xf32>
    %dot_general3A_11 = arith.constant dense<0.000000e+00> : vector<640x32xf32>
    %dot_general3A_12 = tpu.matmul %get3A_1, %get3A_10, %dot_general3A_11 {dimension_numbers = #tpu.dot_dimension_numbers<[1], [0], [0], [1], [0, 0, 1, 1], [], []>, transpose_lhs_hint = false} : vector<640x256xf32>, vector<256x32xf32>, vector<640x32xf32> -> vector<640x32xf32>
    %swap3A_13 = arith.constant 0 : index
    %swap3A_14 = arith.constant 0 : index
    %swap3A_15 = vector.load %arg6[%swap3A_13, %swap3A_14] : memref<640x32xf32, #tpu.memory_space<vmem>>, vector<640x32xf32>
    tpu.vector_store %arg6[%swap3A_13, %swap3A_14], %dot_general3A_12 {strides = array<i32>} : memref<640x32xf32, #tpu.memory_space<vmem>>, vector<640x32xf32>,
    return
  }
  func.func @transform_0(%arg0: i32, %arg1: i32) -> (i32, i32) {
    %c0_i32 = arith.constant 0 : i32
    %c0_i32_0 = arith.constant 0 : i32
    return %arg1, %c0_i32 : i32, i32
  }
  func.func @transform_1(%arg0: i32, %arg1: i32) -> (i32, i32) {
    %c0_i32 = arith.constant 0 : i32
    %c0_i32_0 = arith.constant 0 : i32
    return %c0_i32, %arg0 : i32, i32
  }
  func.func @transform_2(%arg0: i32, %arg1: i32) -> (i32, i32) {
    %c0_i32 = arith.constant 0 : i32
    %c0_i32_0 = arith.constant 0 : i32
    %c0_i32_1 = arith.constant 0 : i32
    return %c0_i32, %c0_i32_0 : i32, i32
  }
  func.func @transform_3(%arg0: i32, %arg1: i32) -> (i32, i32) {
    %mul3A = arith.constant 16 : i32
    %mul3A_0 = arith.muli %arg0, %mul3A : i32
    %add3A = arith.addi %mul3A_0, %arg1 : i32
    %c0_i32 = arith.constant 0 : i32
    %c0_i32_1 = arith.constant 0 : i32
    return %add3A, %c0_i32 : i32, i32
  }
  func.func @transform_4(%arg0: i32, %arg1: i32) -> (i32, i32) {
    %c0_i32 = arith.constant 0 : i32
    %c0_i32_0 = arith.constant 0 : i32
    return %arg1, %c0_i32 : i32, i32
  }
}

module attributes {stable_mosaic.version = 14 : i64} {
  func.func @_tc_fin_kernel(%arg0: i32, %arg1: memref<1x640x48xf32, #tpu.memory_space<vmem>>, %arg2: memref<1x640x48xf32, #tpu.memory_space<vmem>>, %arg3: memref<1x40xf32, #tpu.memory_space<vmem>>, %arg4: memref<640x40xf32, #tpu.memory_space<vmem>>) attributes {dimension_semantics = [#tpu.dimension_semantics<arbitrary>], iteration_bounds = array<i64: 16>, scalar_prefetch = 0 : i64, scratch_operands = 0 : i64, tpu.core_type = #tpu.core_type<tc>, window_params = [{transform_indices = @transform_0, window_bounds = array<i64: 1, 640, 48>}, {transform_indices = @transform_1, window_bounds = array<i64: 1, 640, 48>}, {pipeline_mode = #tpu.pipeline_mode<synchronous>, transform_indices = @transform_2, window_bounds = array<i64: 1, 40>}, {transform_indices = @transform_3, window_bounds = array<i64: 640, 40>}]} {
    %get3A = arith.constant 0 : index
    %get3A_0 = arith.constant 0 : index
    %get3A_1 = arith.constant 0 : index
    %get3A_2 = vector.load %arg1[%get3A, %get3A_0, %get3A_1] : memref<1x640x48xf32, #tpu.memory_space<vmem>>, vector<1x640x48xf32>
    %get3A_3 = vector.shape_cast %get3A_2 : vector<1x640x48xf32> to vector<640x48xf32>
    %get3A_4 = arith.constant 0 : index
    %get3A_5 = arith.constant 0 : index
    %get3A_6 = arith.constant 0 : index
    %get3A_7 = vector.load %arg2[%get3A_4, %get3A_5, %get3A_6] : memref<1x640x48xf32, #tpu.memory_space<vmem>>, vector<1x640x48xf32>
    %get3A_8 = vector.shape_cast %get3A_7 : vector<1x640x48xf32> to vector<640x48xf32>
    %add3A = arith.addf %get3A_3, %get3A_8 : vector<640x48xf32>
    %slice3A = vector.extract_strided_slice %add3A {offsets = [0, 0], sizes = [640, 40], strides = [1, 1]} : vector<640x48xf32> to vector<640x40xf32>
    %get3A_9 = arith.constant 0 : index
    %get3A_10 = arith.constant 0 : index
    %get3A_11 = vector.load %arg3[%get3A_9, %get3A_10] : memref<1x40xf32, #tpu.memory_space<vmem>>, vector<1x40xf32>
    %add3A_12 = vector.broadcast %get3A_11 : vector<1x40xf32> to vector<640x40xf32>
    %add3A_13 = arith.addf %slice3A, %add3A_12 : vector<640x40xf32>
    %swap3A = arith.constant 0 : index
    %swap3A_14 = arith.constant 0 : index
    %swap3A_15 = vector.load %arg4[%swap3A, %swap3A_14] : memref<640x40xf32, #tpu.memory_space<vmem>>, vector<640x40xf32>
    tpu.vector_store %arg4[%swap3A, %swap3A_14], %add3A_13 {strides = array<i32>} : memref<640x40xf32, #tpu.memory_space<vmem>>, vector<640x40xf32>,
    return
  }
  func.func @transform_0(%arg0: i32) -> (i32, i32, i32) {
    %c0_i32 = arith.constant 0 : i32
    %c0_i32_0 = arith.constant 0 : i32
    %c0_i32_1 = arith.constant 0 : i32
    return %c0_i32, %arg0, %c0_i32_0 : i32, i32, i32
  }
  func.func @transform_1(%arg0: i32) -> (i32, i32, i32) {
    %c1_i32 = arith.constant 1 : i32
    %c0_i32 = arith.constant 0 : i32
    %c0_i32_0 = arith.constant 0 : i32
    return %c1_i32, %arg0, %c0_i32 : i32, i32, i32
  }
  func.func @transform_2(%arg0: i32) -> (i32, i32) {
    %c0_i32 = arith.constant 0 : i32
    %c0_i32_0 = arith.constant 0 : i32
    %c0_i32_1 = arith.constant 0 : i32
    return %c0_i32, %c0_i32_0 : i32, i32
  }
  func.func @transform_3(%arg0: i32) -> (i32, i32) {
    %c0_i32 = arith.constant 0 : i32
    %c0_i32_0 = arith.constant 0 : i32
    return %arg0, %c0_i32 : i32, i32
  }
}

</mosaic_0001>

<sc_bundles>
// kernel: kernel.17.cloned.1.call-start
scs
__scs_entry_jumppad:
0x0: {  	(pc) =	sbr.rel $0x88, $3  }
0x1: {  	(tag) =	ssettag $0x0;
	lr =	simm.s32 $0x1  }
0x2: {  	[smem:$0x3F93] =	sst lr;
	_ =	strace $0xD0000000  }
0x3: {  	_ = 	snop  }
0x4: {  	_ = 	snop  }
0x5: {  	_ = 	snop  }
0x6: {  	_ = 	snop  }
0x7: {  	_ = 	snop  }
__scs_overlays_trampoline_lowered:
0x8: {  	[smem:$0x3FA2] =	sst s0  }
0x9: {  	[smem:$0x3FA3] =	sst s1  }
0xa: {  	[smem:$0x3FA4] =	sst s2  }
0xb: {  	[smem:$0x3FA5] =	sst s3  }
0xc: {  	[smem:$0x3FA6] =	sst s4  }
0xd: {  	[smem:$0x3FA7] =	sst s5  }
0xe: {  	[smem:$0x3FA8] =	sst s6  }
0xf: {  	[smem:$0x3FA9] =	sst s7  }
0x10: {  	[smem:$0x3FAA] =	sst s8  }
0x11: {  	[smem:$0x3FAB] =	sst s9;
	s0 =	simm.s32 @!p0 $0x0  }
0x12: {  	s1 =	sld [smem:$0x3F91];
	s0 =	simm.s32 @p0 $0x1  }
0x13: {  	[smem:$0x3FAC] =	sst s0;
	s0 =	simm.s32 @!p1 $0x0  }
0x14: {  	s2 =	sld [smem:$0x3F90];
	s0 =	simm.s32 @p1 $0x1  }
0x15: {  	[smem:$0x3FAD] =	sst s0;
	s0 =	simm.s32 @!p2 $0x0  }
0x16: {  	s3 =	sld [smem:$0x3FDB];
	s0 =	simm.s32 @p2 $0x1  }
0x17: {  	s4 =	simm.s32 $0x1BF5;
	[smem:$0x3FAF] =	sst s0  }
0x18: {  	s0 =	sld [smem:$0x3F92];
	_ =	swait.ge [sflag:s4], $0x0  }
0x19: {  	s7 =	sld [smem:$0x3F93]  }
0x1a: {  	s8 =	sadd.s32 $0xFFFFE003, lr  }
0x1b: {  	s9 =	sadd.s32 $0xFFFFFEF7, lr;
	s5 =	simm.s32 $0xFFFFFFFF;
	p2 =	slt.u32 s8, $0xFFFFF086  }
0x1c: {  	p1 =	slt.u32 s9, $0xF7A;
	s5 =	simm.s32 @!p2 $0x0  }
0x1d: {  	s5 =	simm.s32 @p1 $0x1;
	p0 =	seq.s32 s7, s2  }
0x1e: {  	s7 =	smul.u32 @!p0 $0xF7A, s2;
	p2 =	seq.s32 @!p0 s5, $0x0  }
0x1f: {  	s9 =	smul.u32 $0xF7A, s1;
	s8 =	simm.s32 @!p0 $0x1BF5;
	p2 =	por !p2, p0  }
0x20: {  	[sflag:s8] =	ssyncset.s32 @!p0 $0xFFFFF086;
	s6 =	sadd.s32 @!p0 s3, s7;
	s7 =	simm.s32 @!p0 $0x108  }
0x21: {  	s3 =	sadd.s32 s3, s9;
	s6 =	sadd.s32 @!p0 $0x88, s6;
	s7 =	simm.s32 @p2 $0x1082  }
0x22: {  	[simem:s7], [sflag:s8] =	dma.local @!p0 [hbm:s6], $0xF7A  }
0x23: {  	s9 =	sor.u32 $0xD0000000, s2;
	s6 =	simm.s32 $0x108;
	_ =	swait.ge @!p0 [sflag:s8], $0x0  }
0x24: {  	s3 =	sadd.s32 $0x88, s3;
	s6 =	simm.s32 @!p1 $0x1082;
	[sflag:s4] =	ssyncset.s32 $0xFFFFF086  }
0x25: {  	[simem:s6], [sflag:s4] =	dma.local [hbm:s3], $0xF7A  }
0x26: {  	[smem:$0x3F93] =	sst s1;
	(tag) =	ssettag s2;
	_ =	strace s9  }
0x27: {  	s1 =	sld [smem:$0x3FA3]  }
0x28: {  	s2 =	sld [smem:$0x3FA4]  }
0x29: {  	s4 =	sld [smem:$0x3FA6]  }
0x2a: {  	p0 =	seq.s32 s5, $0x0;
	s5 =	sld [smem:$0x3FA7]  }
0x2b: {  	s6 =	sld [smem:$0x3FA8]  }
0x2c: {  	s7 =	sld [smem:$0x3FA9]  }
0x2d: {  	s3 =	simm.s32 $0x108;
	s8 =	sld [smem:$0x3FAA]  }
0x2e: {  	s3 =	simm.s32 @!p0 $0x1082;
	s9 =	sld [smem:$0x3FAB]  }
0x2f: {  	lr =	sadd.s32 s0, s3;
	s0 =	sld [smem:$0x3FA2]  }
0x30: {  	s3 =	sld [smem:$0x3FA5]  }
0x31: {  	[smem:$0x3FAE] =	sst s10  }
0x32: {  	s10 =	sld [smem:$0x3FAC];
	_ =	sdelay $0x3  }
0x33: {  	p0 =	seq.s32 s10, $0x1;
	s10 =	sld [smem:$0x3FAE];
	_ =	sdelay $0x3  }
0x34: {  	[smem:$0x3FAE] =	sst s10  }
0x35: {  	s10 =	sld [smem:$0x3FAD];
	_ =	sdelay $0x3  }
0x36: {  	p1 =	seq.s32 s10, $0x1;
	s10 =	sld [smem:$0x3FAE];
	_ =	sdelay $0x3  }
0x37: {  	[smem:$0x3FAE] =	sst s10  }
0x38: {  	s10 =	sld [smem:$0x3FAF]  }
0x39: {  	_ = 	snop;
	(pc) =	sbr.ind lr, $3  }
0x3a: {  	_ = 	snop  }
0x3b: {  	_ = 	snop  }
0x3c: {  	p2 =	seq.s32 s10, $0x1;
	s10 =	sld [smem:$0x3FAE]  }
0x3d: {  	_ =	shalt  }
0x3e: {  	_ =	shalt  }
0x3f: {  	_ =	shalt  }
0x40: {  	_ =	shalt  }
0x41: {  	_ =	shalt  }
0x42: {  	_ =	shalt  }
0x43: {  	_ =	shalt  }
0x44: {  	_ =	shalt  }
0x45: {  	_ =	shalt  }
0x46: {  	_ =	shalt  }
0x47: {  	_ =	shalt  }
0x48: {  	_ =	shalt  }
0x49: {  	_ =	shalt  }
0x4a: {  	_ =	shalt  }
0x4b: {  	_ =	shalt  }
0x4c: {  	_ =	shalt  }
0x4d: {  	_ =	shalt  }
0x4e: {  	_ =	shalt  }
0x4f: {  	_ =	shalt  }
0x50: {  	_ =	shalt  }
0x51: {  	_ =	shalt  }
0x52: {  	_ =	shalt  }
0x53: {  	_ =	shalt  }
0x54: {  	_ =	shalt  }
0x55: {  	_ =	shalt  }
0x56: {  	_ =	shalt  }
0x57: {  	_ =	shalt  }
0x58: {  	_ =	shalt  }
0x59: {  	_ =	shalt  }
0x5a: {  	_ =	shalt  }
0x5b: {  	_ =	shalt  }
0x5c: {  	_ =	shalt  }
0x5d: {  	_ =	shalt  }
0x5e: {  	_ =	shalt  }
0x5f: {  	_ =	shalt  }
0x60: {  	_ =	shalt  }
0x61: {  	_ =	shalt  }
0x62: {  	_ =	shalt  }
0x63: {  	_ =	shalt  }
0x64: {  	_ =	shalt  }
0x65: {  	_ =	shalt  }
0x66: {  	_ =	shalt  }
0x67: {  	_ =	shalt  }
0x68: {  	_ =	shalt  }
0x69: {  	_ =	shalt  }
0x6a: {  	_ =	shalt  }
0x6b: {  	_ =	shalt  }
0x6c: {  	_ =	shalt  }
0x6d: {  	_ =	shalt  }
0x6e: {  	_ =	shalt  }
0x6f: {  	_ =	shalt  }
0x70: {  	_ =	shalt  }
0x71: {  	_ =	shalt  }
0x72: {  	_ =	shalt  }
0x73: {  	_ =	shalt  }
0x74: {  	_ =	shalt  }
0x75: {  	_ =	shalt  }
0x76: {  	_ =	shalt  }
0x77: {  	_ =	shalt  }
0x78: {  	_ =	shalt  }
0x79: {  	_ =	shalt  }
0x7a: {  	_ =	shalt  }
0x7b: {  	_ =	shalt  }
0x7c: {  	_ =	shalt  }
0x7d: {  	_ =	shalt  }
0x7e: {  	_ =	shalt  }
0x7f: {  	_ =	shalt  }
0x80: {  	_ =	shalt  }
0x81: {  	_ =	shalt  }
0x82: {  	_ =	shalt  }
0x83: {  	_ =	shalt  }
0x84: {  	_ =	shalt  }
0x85: {  	_ =	shalt  }
0x86: {  	_ =	shalt  }
0x87: {  	_ =	shalt  }
.Lfunc_end0:
.L_simem_size_0:
called_computation_lowered:
.L_overlay_start_0:
0x88: {  	s2 =	sld [smem:$0x3FD9]  }
0x89: {  	s3 =	sld [smem:$0x3FFE];
	_ =	sdelay $0x1  }
0x8a: {  	s1 =	srdreg.scid  }
0x8b: {  	s0 =	sand.u32 $0x1, s1  }
0x8c: {  	s17 =	sshll.u32 s0, $0xA;
	s2 =	sadd.s32 s3, s2  }
0x8d: {  	s2 =	sadd.s32 s2, s17  }
0x8e: {  	[smem:$0x3FBA] =	sst s2  }
0x8f: {  	_ = 	snop  }
0x90: {  	s2 =	sld [smem:$0x3FD0];
	(tm) =	ssettm $0x1  }
0x91: {  	s18 =	sld [smem:$0x3FFB];
	_ =	sdelay $0x3  }
0x92: {  	_ =	strace s18  }
0x93: {  	s3 =	sld [smem:$0x3FFC];
	_ =	sdelay $0x3  }
0x94: {  	_ =	strace s3  }
0x95: {  	s3 =	sld [smem:$0x3FFD];
	_ =	sdelay $0x3  }
0x96: {  	_ =	strace s3  }
0x97: {  	_ =	strace $0x8FFFFFFF  }
0x98: {  	s19 =	sld [smem:$0x3FDB];
	_ =	sdelay $0x1  }
0x99: {  	s4 =	simm.s32 $_scs_section_size  }
0x9a: {  	s5 =	simm.s32 $_size__tile_overlayer_lowered;
	s6 =	simm.s32 $_tile_overlayer_lowered  }
0x9b: {  	s22 =	simm.s32 $0x1BFF;
	s21 =	sshll.u32 s6, $0x1;
	s3 =	sadd.s32 s4, s19  }
0x9c: {  	s7 =	simm.s32 $0x0;
	s20 =	sshll.u32 s5, $0x1;
	s5 =	sadd.s32 s21, s3  }
0x9d: {  	[timem:s7], [sflag:s22] =	dma.local [hbm:s5], s20  }
0x9e: {  	_ =	swait.ge [sflag:s22], s20  }
0x9f: {  	s4 =	ssub.s32 $0x0, s20;
	[sflag:s22] =	ssyncset.done $0x0  }
0xa0: {  	[sflag:s22] =	ssyncadd.s32 s4;
	_ =	sdelay $0x1  }
0xa1: {  	s23 =	simm.s32 $0x1B8B  }
0xa2: {  	_ =	swait.ge [sflag:s23], $0x1  }
0xa3: {  	[sflag:s23] =	ssyncset.done $0x0  }
0xa4: {  	s25 =	simm.s32 $0x1B8E;
	s24 =	sld [smem:$0x3FFE];
	[sflag:s23] =	ssyncadd.s32 $0xFFFFFFFF  }
0xa5: {  	s26 =	simm.s32 $execute0_lowered;
	[smem:$0x3FD2] =	sst s25  }
0xa6: {  	s5 =	sshll.u32 s26, $0x1;
	_ =	strace $0x80000046;
	[dreg:$0x1] =	wrdreg $0xFFFFFFFF  }
0xa7: {  	s28 =	simm.s32 $_size_execute0_lowered;
	s3 =	sadd.s32 s3, s5;
	[dreg:$0x0] =	wrdreg $0x0  }
0xa8: {  	s5 =	sshll.u32 s28, $0x1;
	[dreg:$0x2] =	wrdreg s3  }
0xa9: {  	[dreg:$0x3] =	wrdreg s5  }
0xaa: {  	[dreg:$0x4] =	wrdreg $0xC0  }
0xab: {  	_ =	task [dreg:s7], $0x5FFFF  }
0xac: {  	[dreg:$0x1] =	wrdreg $0xFFFFFFFF  }
0xad: {  	[dreg:$0x0] =	wrdreg $0x60  }
0xae: {  	[dreg:$0x2] =	wrdreg s2  }
0xaf: {  	[dreg:$0x3] =	wrdreg s24  }
0xb0: {  	[dreg:$0x4] =	wrdreg $0x19000  }
0xb1: {  	[dreg:$0x5] =	wrdreg $0x9  }
0xb2: {  	_ =	task.clear_ibuf [dreg:s7], $0x6FFFF;
	_ =	strace $0x90000046  }
0xb3: {  	s29 =	simm.s32 $0x9;
	_ =	strace $0x80000048  }
0xb4: {  	_ =	swait.ge [sflag:s29], $0x1  }
0xb5: {  	[sflag:s29] =	ssyncadd.s32 $0xFFFFFFFF  }
0xb6: {  	_ =	strace $0x90000048  }
0xb7: {  	_ =	sfence  }
0xb8: {  	s30 =	sld [smem:$0x0];
	_ =	sdelay $0x2  }
0xb9: {  	s31 =	sshll.u32 s1, $0xD;
	s1 =	sshrl.u32 s1, $0x2  }
0xba: {  	s3 =	sand.u32 $0x4000, s31;
	s1 =	sadd.s32 s1, s30  }
0xbb: {  	s0 =	sor.u32 s3, s0;
	s1 =	sshll.u32 s1, $0x11  }
0xbc: {  	s0 =	sor.u32 s1, s0  }
0xbd: {  	s0 =	sadd.s32 $0x8F2B, s0  }
0xbe: {  	[sflag:s0] =	ssyncadd.remote.s32 $0x1  }
0xbf: {  	_ =	sfence.sel $0xFFFF  }
0xc0: {  	[dreg:$0x0] =	wrdreg $0xFFFFFFFF;
	(pc) =	sbr.abs _section_cstart, $3  }
0xc1: {  	[dreg:$0x1] =	wrdreg $0xFFFFFFFF  }
0xc2: {  	_ =	task.clear_ibuf [dreg:s7], $0x2FFFF;
	_ =	strace $0x9FFFFFFF  }
0xc3: {  	(tm) =	ssettm $0x7FFFFFFF  }
tec
execute0_lowered:
.L_overlay_start_1:
0x0: {  	(tag) =	ssettag $0x1  }
0x1: {  	s1 =	rddreg [dreg:$0x0]  }
0x2: {  	s0 =	rddreg [dreg:$0x1]  }
0x3: {  	s3 =	rddreg [dreg:$0x2]  }
0x4: {  	s2 =	srdreg.scid;
	s13 =	stileid.u32  }
0x5: {  	s4 =	simm.s32 $0x0;
	s17 =	simm.s32 $0x100;
	s18 =	simm.s32 $0x6  }
0x6: {  	s19 =	simm.s32 $0x80;
	s20 =	simm.s32 $0x1;
	s21 =	simm.s32 $0x2  }
0x7: {  	s22 =	simm.s32 $0x900;
	s23 =	simm.s32 $0x3;
	s24 =	simm.s32 $0x4  }
0x8: {  	s25 =	simm.s32 $0x1100;
	s26 =	simm.s32 $0x5;
	s28 =	simm.s32 $0x0  }
0x9: {  	s2 =	sand.u32 $0x1, s2;
	s10 =	smul.u32 $0x2800, s13;
	[smem:$0x7FF] =	sst s4  }
0xa: {  	s5 =	sadd.s32 $0x4800, s0;
	s6 =	sadd.s32 $0x5EC00, s0;
	s11 =	smul.u32 $0xA000, s13  }
0xb: {  	s7 =	sadd.s32 $0x63C00, s0;
	s8 =	smul.u32 $0x28000, s2;
	s29 =	ssub.s32 $0x2, s2  }
0xc: {  	_ =	strace $0x80000047;
	s2 =	sshll.u32 s2, $0x4;
	s12 =	sshrl.u32 s29, $0x1  }
0xd: {  	s2 =	sor.u32 s13, s2;
	s11 =	sshrl.u32 s11, $0x2;
	s9 =	sadd.s32 s10, s8  }
0xe: {  	s8 =	sadd.s32 $0x72C00, s0;
	s12 =	ssub.s32 s29, s12;
	s30 =	sadd.s32 s11, s3  }
0xf: {  	s10 =	sadd.s32 s10, s3;
	s9 =	sshrl.u32 s9, $0x3;
	s11 =	sadd.s32 $0x800, s30  }
0x10: {  	s31 =	sadd.s32 $0x1000, s30;
	s13 =	sadd.s32 $0x1800, s30;
	s14 =	sadd.s32 $0x2000, s30  }
0x11: {  	s16 =	smax.u32 s12, $0x1;
	s0 =	sadd.s32 s9, s0;
	[dreg:$0x4] =	wrdreg s11  }
0x12: {  	v0 =	vimm.f32 $0.0e+00;
	s9 =	smul.u32 $0x2900, s2;
	[dreg:$0x5] =	wrdreg s31;
	s15 =	sadd.s32 $0x68C00, s0  }
.LBB2_1:
0x13: {  	s0 =	simm.s32 $0x40;
	s2 =	simm.s32 $0x0  }
.LBB2_2:
0x14: {  	p0 =	sne.s32 s0, $0x1FC0;
	[tilespmem:s2+$0x100] =	vst v0;
	s2 =	smov.u32 s0;
	s0 =	sadd.s32 $0x40, s0  }
.Ltmp0:
0x15: {  	(pc) =	sbr.rel @p0 .LBB2_2-.Ltmp0, $2  }
0x16: {  	_ =	sdelay $0x2  }
0x17: {  	s2 =	sshra.s32 s2, $0x2  }
0x18: {  	[tilespmem:s2+$0x100] =	vst v0  }
0x19: {  	[spmem:s10] =	stream.linear.scatter [tilespmem:s17], [sflag:$0x6], $0x800, $0x38;
	[tilespmem:$0x4100] =	vst v63  }
0x1a: {  	_ =	swait.ge [sflag:s18], $0x800  }
0x1b: {  	[sflag:s18] =	ssyncset.done $0x0  }
0x1c: {  	s0 =	rddreg [dreg:$0x4];
	[sflag:s18] =	ssyncadd.s32 $0xFFFFF800  }
0x1d: {  	[spmem:s0] =	stream.linear.scatter [tilespmem:s17], [sflag:$0x6], $0x800, $0x38;
	[tilespmem:$0x4100] =	vst v63  }
0x1e: {  	_ =	swait.ge [sflag:s18], $0x800  }
0x1f: {  	[sflag:s18] =	ssyncset.done $0x0  }
0x20: {  	s31 =	rddreg [dreg:$0x5];
	[sflag:s18] =	ssyncadd.s32 $0xFFFFF800  }
0x21: {  	[spmem:s31] =	stream.linear.scatter [tilespmem:s17], [sflag:$0x6], $0x800, $0x38;
	[tilespmem:$0x4100] =	vst v63  }
0x22: {  	_ =	swait.ge [sflag:s18], $0x800  }
0x23: {  	[sflag:s18] =	ssyncset.done $0x0  }
0x24: {  	[sflag:s18] =	ssyncadd.s32 $0xFFFFF800  }
0x25: {  	[spmem:s13] =	stream.linear.scatter [tilespmem:s17], [sflag:$0x6], $0x800, $0x38;
	[tilespmem:$0x4100] =	vst v63  }
0x26: {  	_ =	swait.ge [sflag:s18], $0x800  }
0x27: {  	[sflag:s18] =	ssyncset.done $0x0  }
0x28: {  	[sflag:s18] =	ssyncadd.s32 $0xFFFFF800  }
0x29: {  	[spmem:s14] =	stream.linear.scatter [tilespmem:s17], [sflag:$0x6], $0x800, $0x38;
	[tilespmem:$0x4100] =	vst v63  }
0x2a: {  	_ =	swait.ge [sflag:s18], $0x800  }
0x2b: {  	[sflag:s18] =	ssyncset.done $0x0  }
0x2c: {  	[sflag:s18] =	ssyncadd.s32 $0xFFFFF800  }
0x2d: {  	s29 =	simm.s32 $0x0;
	[bflag:$0x0] =	sbarrier.arrive $0xFFFF  }
.LBB2_4:
0x2e: {  	s0 =	sshll.u32 s29, $0x7  }
0x2f: {  	s30 =	sadd.s32 s9, s0  }
0x30: {  	s0 =	sshrl.u32 s30, $0x3  }
0x31: {  	s2 =	sadd.s32 s1, s0  }
0x32: {  	[tilespmem:s4], [sflag:$0x1] =	stream.linear.gather [hbm4b:s2+s4], $0x80, $0x38;
	[tilespmem:$0x4100] =	vst v63  }
0x33: {  	s0 =	sadd.s32 s5, s0  }
0x34: {  	[tilespmem:s19], [sflag:$0x2] =	stream.linear.gather [hbm4b:s0+s4], $0x80, $0x38;
	[tilespmem:$0x4100] =	vst v63  }
0x35: {  	_ =	swait.ge [sflag:s20], $0x80  }
0x36: {  	[sflag:s20] =	ssyncset.done $0x0  }
0x37: {  	[sflag:s20] =	ssyncadd.s32 $0xFFFFFF80  }
0x38: {  	[tilespmem:s17], [sflag:$0x3] =	stream.indirect.gather [hbm4b:s6+s19], $0x10, s4, s19, $0xb8;
	[tilespmem:$0x4100] =	vst v63  }
0x39: {  	_ =	swait.ge [sflag:s21], $0x80  }
0x3a: {  	[sflag:s21] =	ssyncset.done $0x0  }
0x3b: {  	[sflag:s21] =	ssyncadd.s32 $0xFFFFFF80  }
0x3c: {  	[tilespmem:s22], [sflag:$0x4] =	stream.indirect.gather [hbm4b:s7+s19], $0x10, s19, s19, $0xb8;
	[tilespmem:$0x4100] =	vst v63  }
0x3d: {  	_ =	swait.ge [sflag:s23], $0x800  }
0x3e: {  	[sflag:s23] =	ssyncset.done $0x0  }
0x3f: {  	[sflag:s23] =	ssyncadd.s32 $0xFFFFF800  }
0x40: {  	_ =	swait.ge [sflag:s24], $0x800  }
0x41: {  	[sflag:s24] =	ssyncset.done $0x0  }
0x42: {  	s11 =	simm.s32 $0x120;
	[sflag:s24] =	ssyncadd.s32 $0xFFFFF800  }
0x43: {  	s12 =	simm.s32 $0x920;
	v1 =	vld [tilespmem:s11+$0x10]  }
0x44: {  	v2 =	vld [tilespmem:s12+$0x10]  }
0x45: {  	v3 =	vld [tilespmem:s12+$0xFFFFFFE0]  }
0x46: {  	v4 =	vld [tilespmem:s11+$0xFFFFFFF0]  }
0x47: {  	v6 =	vld [tilespmem:s11+$0x0]  }
0x48: {  	v7 =	vld [tilespmem:s12+$0x0]  }
0x49: {  	v5 =	vld [tilespmem:s12+$0xFFFFFFF0];
	s12 =	simm.s32 $0x960  }
0x4a: {  	v10 =	vld [tilespmem:s12+$0x10]  }
0x4b: {  	v1 =	vadd.f32 v2, v1;
	v2 =	vld [tilespmem:s11+$0xFFFFFFE0]  }
0x4c: {  	v11 =	vld [tilespmem:s12+$0xFFFFFFF0];
	s11 =	simm.s32 $0x160  }
0x4d: {  	v6 =	vadd.f32 v7, v6;
	v8 =	vld [tilespmem:s11+$0x10];
	v9 =	vmul.f32 $2.000000030e-01, v1  }
0x4e: {  	v4 =	vadd.f32 v5, v4;
	v5 =	vld [tilespmem:s12+$0xFFFFFFE0];
	vm0 =	vge.f32 v1, $0.0e+00  }
0x4f: {  	v13 =	vld [tilespmem:s11+$0xFFFFFFE0];
	v12 =	vmul.f32 $2.000000030e-01, v6;
	v1 =	vsel vm0, v1, v9  }
0x50: {  	vm1 =	vge.f32 v6, $0.0e+00;
	v9 =	vld [tilespmem:s11+$0xFFFFFFF0];
	v1 =	vmul.f32 $1.442695020e+00, v1;
	v2 =	vadd.f32 v3, v2  }
0x51: {  	v7 =	vmul.f32 $2.000000030e-01, v4;
	vm0 =	vge.f32 v4, $0.0e+00;
	v6 =	vsel vm1, v6, v12;
	v3 =	vld [tilespmem:s11+$0x0]  }
0x52: {  	s11 =	simm.s32 $0x1A0;
	v8 =	vadd.f32 v10, v8;
	(erf) = vpow2.f32 v1;
	v1 =	vld [tilespmem:s12+$0x0];
	v10 =	vmul.f32 $2.000000030e-01, v2  }
0x53: {  	v4 =	vsel vm0, v4, v7;
	v6 =	vmul.f32 $1.442695020e+00, v6;
	v7 =	vld [tilespmem:s11+$0x10];
	vm2 =	vge.f32 v2, $0.0e+00;
	s12 =	simm.s32 $0x9A0  }
0x54: {  	v4 =	vmul.f32 $1.442695020e+00, v4;
	v5 =	vadd.f32 v5, v13;
	v2 =	vsel vm2, v2, v10;
	v10 =	vld [tilespmem:s12+$0x10]  }
0x55: {  	v58 =	vmul.f32 $2.000000030e-01, v8;
	vm0 =	vge.f32 v8, $0.0e+00;
	v9 =	vadd.f32 v11, v9  }
0x56: {  	v60 =	vld [tilespmem:s11+$0x0];
	(erf) = vpow2.f32 v4;
	vm2 =	vge.f32 v5, $0.0e+00;
	v2 =	vmul.f32 $1.442695020e+00, v2  }
0x57: {  	v4 =	vld [tilespmem:s11+$0xFFFFFFF0];
	v8 =	vsel vm0, v8, v58;
	v59 =	vmul.f32 $2.000000030e-01, v9;
	v1 =	vadd.f32 v1, v3  }
0x58: {  	vm0 =	vge.f32 v9, $0.0e+00;
	v3 =	vmul.f32 $1.442695020e+00, v8;
	v8 =	vld [tilespmem:s12+$0xFFFFFFF0];
	(erf) = vpow2.f32 v2  }
0x59: {  	v14 =	vld [tilespmem:s11+$0xFFFFFFE0];
	v9 =	vsel vm0, v9, v59;
	v2 =	vmul.f32 $2.000000030e-01, v1;
	v7 =	vadd.f32 v10, v7  }
0x5a: {  	v11 =	vld [tilespmem:s12+$0xFFFFFFE0];
	vm1 =	vge.f32 v1, $0.0e+00;
	(erf) = vpow2.f32 v3;
	v10 =	vmul.f32 $2.000000030e-01, v5  }
0x5b: {  	v3 =	vld [tilespmem:s12+$0x0];
	(erf) = vpow2.f32 v6;
	v2 =	vsel vm1, v1, v2;
	v6 =	vmul.f32 $2.000000030e-01, v7  }
0x5c: {  	s12 =	simm.s32 $0x1E0;
	v1 =	vsel vm2, v5, v10;
	v5 =	vmul.f32 $1.442695020e+00, v9;
	vm0 =	vge.f32 v7, $0.0e+00  }
0x5d: {  	s2 =	simm.s32 $0x9E0;
	v61 =	vld [tilespmem:s12+$0x10];
	v15 =	vadd.f32 v8, v4;
	v4 =	vsel vm0, v7, v6  }
0x5e: {  	v9 =	vld [tilespmem:s2+$0x10];
	v7 =	vmul.f32 $1.442695020e+00, v4  }
0x5f: {  	v8 =	vmul.f32 $1.442695020e+00, v1;
	v1 =	vld [tilespmem:s2+$0xFFFFFFE0];
	(erf) = vpow2.f32 v5;
	v6 =	vadd.f32 v11, v14  }
0x60: {  	s31 =	simm.s32 $0x1120;
	v16 =	vmul.f32 $1.442695020e+00, v2;
	v2 =	vld [tilespmem:s12+$0xFFFFFFF0];
	v17 =	vmul.f32 $2.000000030e-01, v15;
	v13 =	vadd.f32 v3, v60;
	v5 =	vpop (erf)  }
0x61: {  	v4 =	vld [tilespmem:s2+$0xFFFFFFF0];
	(erf) = vpow2.f32 v8;
	v10 =	vmul.f32 $2.000000030e-01, v6;
	[tilespmem:s31+$0x10] =	vst v5;
	v3 =	vpop (erf)  }
0x62: {  	vm1 =	vge.f32 v15, $0.0e+00;
	v62 =	vmul.f32 $2.000000030e-01, v13;
	(erf) = vpow2.f32 v7;
	v5 =	vld [tilespmem:s2+$0x0];
	[tilespmem:s31+$0xFFFFFFF0] =	vst v3;
	v7 =	vpop (erf)  }
0x63: {  	s0 =	simm.s32 $0x1160;
	vm2 =	vge.f32 v13, $0.0e+00;
	v8 =	vadd.f32 v9, v61;
	v3 =	vld [tilespmem:s12+$0x0];
	(erf) = vpow2.f32 v16;
	v63 =	vpop (erf);
	[tilespmem:s31+$0xFFFFFFE0] =	vst v7  }
0x64: {  	s11 =	simm.s32 $0xC;
	vm0 =	vge.f32 v6, $0.0e+00;
	v11 =	vsel vm1, v15, v17;
	v9 =	vsel vm2, v13, v62;
	v7 =	vld [tilespmem:s12+$0xFFFFFFE0];
	s12 =	simm.s32 $0x220;
	[tilespmem:s0+$0x10] =	vst v63  }
.LBB2_5:
0x65: {  	v12 =	vld [tilespmem:s12+$0x10];
	v13 =	vmul.f32 $2.000000030e-01, v8;
	s2 =	sadd.s32 $0x40, s2;
	v6 =	vsel vm0, v6, v10;
	v10 =	vmul.f32 $1.442695020e+00, v11;
	v11 =	vpop (erf)  }
0x66: {  	s11 =	sadd.s32 $0x4, s11;
	vm0 =	vge.f32 v8, $0.0e+00;
	v14 =	vld [tilespmem:s2+$0x10];
	v15 =	vadd.f32 v4, v2;
	v16 =	vmul.f32 $1.442695020e+00, v6;
	[tilespmem:s31+$0x0] =	vst v11;
	s31 =	smov.u32 s0  }
0x67: {  	p0 =	slt.u32 s11, $0x7C;
	v17 =	vld [tilespmem:s2+$0xFFFFFFE0];
	v4 =	vsel vm0, v8, v13;
	v13 =	vmul.f32 $1.442695020e+00, v9;
	(erf) = vpow2.f32 v10  }
.Ltmp1:
0x68: {  	v2 =	vld [tilespmem:s12+$0xFFFFFFF0];
	v9 =	vmul.f32 $2.000000030e-01, v15;
	v18 =	vadd.f32 v5, v3;
	v5 =	vmul.f32 $1.442695020e+00, v4;
	v3 =	vpop (erf);
	(pc) =	sbr.rel @p0 .LBB2_5-.Ltmp1, $4  }
0x69: {  	vm1 =	vge.f32 v15, $0.0e+00;
	v4 =	vld [tilespmem:s2+$0xFFFFFFF0];
	v6 =	vadd.f32 v1, v7;
	(erf) = vpow2.f32 v16;
	[tilespmem:s0+$0xFFFFFFF0] =	vst v3  }
0x6a: {  	v3 =	vld [tilespmem:s12+$0x0];
	vm2 =	vge.f32 v18, $0.0e+00;
	v16 =	vmul.f32 $2.000000030e-01, v18;
	(erf) = vpow2.f32 v5;
	v7 =	vpop (erf)  }
0x6b: {  	s0 =	sadd.s32 $0x40, s0;
	v5 =	vld [tilespmem:s2+$0x0];
	v8 =	vadd.f32 v14, v12;
	vm0 =	vge.f32 v6, $0.0e+00;
	v10 =	vmul.f32 $2.000000030e-01, v6;
	v12 =	vpop (erf);
	[tilespmem:s31+$0xFFFFFFE0] =	vst v7  }
0x6c: {  	v11 =	vsel vm1, v15, v9;
	v7 =	vld [tilespmem:s12+$0xFFFFFFE0];
	s12 =	sadd.s32 $0x40, s12;
	v9 =	vsel vm2, v18, v16;
	[tilespmem:s0+$0x10] =	vst v12;
	(erf) = vpow2.f32 v13;
	v1 =	vmovc v17  }
0x6d: {  	_ =	sdelay $0x1  }
0x6e: {  	v12 =	vmul.f32 $2.000000030e-01, v8;
	v6 =	vsel vm0, v6, v10;
	v56 =	vmul.f32 $1.442695020e+00, v11  }
0x6f: {  	vm14 =	vge.f32 v8, $0.0e+00;
	v59 =	vmul.f32 $1.442695020e+00, v9;
	v2 =	vadd.f32 v4, v2  }
0x70: {  	v57 =	vmul.f32 $1.442695020e+00, v6;
	v58 =	vsel vm14, v8, v12;
	v1 =	vadd.f32 v1, v7  }
0x71: {  	(erf) = vpow2.f32 v56;
	v3 =	vadd.f32 v5, v3;
	v60 =	vmul.f32 $2.000000030e-01, v2  }
0x72: {  	v6 =	vmul.f32 $1.442695020e+00, v58;
	vm15 =	vge.f32 v2, $0.0e+00;
	v61 =	vmul.f32 $2.000000030e-01, v1  }
0x73: {  	(erf) = vpow2.f32 v57;
	v2 =	vsel vm15, v2, v60;
	vm2 =	vge.f32 v1, $0.0e+00  }
0x74: {  	v62 =	vmul.f32 $2.000000030e-01, v3;
	v2 =	vmul.f32 $1.442695020e+00, v2;
	v1 =	vsel vm2, v1, v61  }
0x75: {  	vm1 =	vge.f32 v3, $0.0e+00;
	(erf) = vpow2.f32 v6;
	v1 =	vmul.f32 $1.442695020e+00, v1  }
0x76: {  	(erf) = vpow2.f32 v59;
	v3 =	vsel vm1, v3, v62  }
0x77: {  	v63 =	vpop (erf);
	v3 =	vmul.f32 $1.442695020e+00, v3;
	(erf) = vpow2.f32 v2  }
0x78: {  	[tilespmem:s31+$0x0] =	vst v63;
	v2 =	vpop (erf);
	(erf) = vpow2.f32 v1  }
0x79: {  	[tilespmem:s0+$0xFFFFFFF0] =	vst v2;
	v1 =	vpop (erf);
	(erf) = vpow2.f32 v3  }
0x7a: {  	s2 =	sadd.s32 $0x40, s0;
	v2 =	vpop (erf);
	[tilespmem:s0+$0xFFFFFFE0] =	vst v1  }
0x7b: {  	v1 =	vpop (erf);
	[tilespmem:s2+$0x10] =	vst v2  }
0x7c: {  	v2 =	vpop (erf);
	[tilespmem:s0+$0x0] =	vst v1  }
0x7d: {  	[tilespmem:s2+$0xFFFFFFF0] =	vst v2;
	v1 =	vpop (erf)  }
0x7e: {  	s12 =	sadd.s32 $0x40, s2;
	v2 =	vpop (erf);
	[tilespmem:s2+$0xFFFFFFE0] =	vst v1  }
0x7f: {  	[tilespmem:s12+$0x10] =	vst v2;
	v1 =	vpop (erf)  }
0x80: {  	[tilespmem:s2+$0x0] =	vst v1;
	v1 =	vpop (erf)  }
0x81: {  	[tilespmem:s12+$0xFFFFFFF0] =	vst v1;
	v1 =	vpop (erf)  }
0x82: {  	s30 =	sshll.u32 s30, $0x1;
	[tilespmem:s12+$0xFFFFFFE0] =	vst v1;
	v1 =	vpop (erf)  }
0x83: {  	s31 =	sadd.s32 s8, s30;
	[tilespmem:s12+$0x0] =	vst v1  }
0x84: {  	[hbm4b:s31+s4] =	stream.linear.scatter [tilespmem:s25], [sflag:$0x5], $0x800, $0x38;
	[tilespmem:$0x4100] =	vst v63  }
0x85: {  	s29 =	sadd.s32 $0x1, s29  }
0x86: {  	[spmem:s3] =	stream.indirect.scatter.add.f32 [tilespmem:s25], [sflag:$0x6], $0x10, s19, s19, $0xb8;
	[tilespmem:$0x4100] =	vst v63  }
0x87: {  	p0 =	sne.s32 s29, $0x52;
	_ =	swait.ge [sflag:s18], $0x800  }
.Ltmp2:
0x88: {  	[sflag:s18] =	ssyncset.done $0x0;
	(pc) =	sbr.rel @p0 .LBB2_4-.Ltmp2, $4  }
0x89: {  	[sflag:s18] =	ssyncadd.s32 $0xFFFFF800  }
0x8a: {  	_ =	swait.ge [sflag:s26], $0x800  }
0x8b: {  	[sflag:s26] =	ssyncset.done $0x0  }
0x8c: {  	[sflag:s26] =	ssyncadd.s32 $0xFFFFF800  }
0x8d: {  	s0 =	stileid.u32;
	s28 =	sadd.s32 $0x1, s28  }
0x8e: {  	[bflag:$0x0] =	sbarrier.arrive $0xFFFF;
	s0 =	sshll.u32 s0, $0x6;
	p0 =	sne.s32 s28, s16  }
.Ltmp3:
0x8f: {  	s2 =	sshrl.u32 s10, $0x3;
	s0 =	sor.u32 $0x1C06, s0;
	(pc) =	sbr.rel @p0 .LBB2_1-.Ltmp3, $4  }
0x90: {  	[hbm:s15], [sflag:s0] =	dma.local [spmem:s2], $0x500  }
0x91: {  	_ =	swait.ge [sflag:s18], $0x500  }
0x92: {  	[sflag:s18] =	ssyncset.done $0x0  }
0x93: {  	[sflag:s18] =	ssyncadd.s32 $0xFFFFFB00  }
0x94: {  	_ =	sfence.sel $0x180000  }
0x95: {  	[bflag:$0x0] =	sbarrier.arrive $0xFFFF  }
0x96: {  	_ =	strace $0x90000047  }
0x97: {  	s0 =	stileid.u32;
	[bflag:$0x2] =	sbarrier.arrive $0xFFFF  }
0x98: {  	p0 =	sne.s32 s0, $0x0;
	s0 =	rddreg [dreg:$0x3]  }
0x99: {  	s0 =	sadd.s32 @!p0 $0x100000, s0  }
0x9a: {  	[sflag:s0] =	ssyncadd.tile.s32 @!p0 $0x1;
	_ =	shalt  }
.Lfunc_end2:
_tile_overlayer_lowered:
.L_overlay_start_2:
0x9b: {  	(tag) =	ssettag $0x2  }
0x9c: {  	s0 =	rddreg [dreg:$0x0];
	s2 =	stileid.u32  }
0x9d: {  	s1 =	rddreg [dreg:$0x1];
	p0 =	sne.s32 s2, $0x0  }
0x9e: {  	s3 =	rddreg [dreg:$0x2];
	[bflag:$0x3] =	sbarrier.arrive $0xFFFF;
	s2 =	simm.s32 @!p0 $0x1C06  }
0x9f: {  	[timem:s3], [sflag:s2] =	dma.local @!p0 [hbm:s0], s1  }
0xa0: {  	s0 =	simm.s32 @!p0 $0x6  }
0xa1: {  	_ =	swait.ge @!p0 [sflag:s0], s1  }
0xa2: {  	s1 =	ssub.s32 @!p0 $0x0, s1;
	[sflag:s0] =	ssyncset.done @!p0 $0x0  }
0xa3: {  	[sflag:s0] =	ssyncadd.s32 @!p0 s1  }
0xa4: {  	[bflag:$0x3] =	sbarrier.arrive $0xFFFF  }
0xa5: {  	_ =	shalt  }

// kernel: kernel.20.cloned.1.call-start
scs
__scs_entry_jumppad:
0x0: {  	(pc) =	sbr.rel $0x88, $3  }
0x1: {  	(tag) =	ssettag $0x0;
	lr =	simm.s32 $0x1  }
0x2: {  	[smem:$0x3F93] =	sst lr;
	_ =	strace $0xD0000000  }
0x3: {  	_ = 	snop  }
0x4: {  	_ = 	snop  }
0x5: {  	_ = 	snop  }
0x6: {  	_ = 	snop  }
0x7: {  	_ = 	snop  }
__scs_overlays_trampoline_lowered:
0x8: {  	[smem:$0x3FA2] =	sst s0  }
0x9: {  	[smem:$0x3FA3] =	sst s1  }
0xa: {  	[smem:$0x3FA4] =	sst s2  }
0xb: {  	[smem:$0x3FA5] =	sst s3  }
0xc: {  	[smem:$0x3FA6] =	sst s4  }
0xd: {  	[smem:$0x3FA7] =	sst s5  }
0xe: {  	[smem:$0x3FA8] =	sst s6  }
0xf: {  	[smem:$0x3FA9] =	sst s7  }
0x10: {  	[smem:$0x3FAA] =	sst s8  }
0x11: {  	[smem:$0x3FAB] =	sst s9;
	s0 =	simm.s32 @!p0 $0x0  }
0x12: {  	s1 =	sld [smem:$0x3F91];
	s0 =	simm.s32 @p0 $0x1  }
0x13: {  	[smem:$0x3FAC] =	sst s0;
	s0 =	simm.s32 @!p1 $0x0  }
0x14: {  	s2 =	sld [smem:$0x3F90];
	s0 =	simm.s32 @p1 $0x1  }
0x15: {  	[smem:$0x3FAD] =	sst s0;
	s0 =	simm.s32 @!p2 $0x0  }
0x16: {  	s3 =	sld [smem:$0x3FDB];
	s0 =	simm.s32 @p2 $0x1  }
0x17: {  	s4 =	simm.s32 $0x1BF5;
	[smem:$0x3FAF] =	sst s0  }
0x18: {  	s0 =	sld [smem:$0x3F92];
	_ =	swait.ge [sflag:s4], $0x0  }
0x19: {  	s7 =	sld [smem:$0x3F93]  }
0x1a: {  	s8 =	sadd.s32 $0xFFFFE003, lr  }
0x1b: {  	s9 =	sadd.s32 $0xFFFFFEF7, lr;
	s5 =	simm.s32 $0xFFFFFFFF;
	p2 =	slt.u32 s8, $0xFFFFF086  }
0x1c: {  	p1 =	slt.u32 s9, $0xF7A;
	s5 =	simm.s32 @!p2 $0x0  }
0x1d: {  	s5 =	simm.s32 @p1 $0x1;
	p0 =	seq.s32 s7, s2  }
0x1e: {  	s7 =	smul.u32 @!p0 $0xF7A, s2;
	p2 =	seq.s32 @!p0 s5, $0x0  }
0x1f: {  	s9 =	smul.u32 $0xF7A, s1;
	s8 =	simm.s32 @!p0 $0x1BF5;
	p2 =	por !p2, p0  }
0x20: {  	[sflag:s8] =	ssyncset.s32 @!p0 $0xFFFFF086;
	s6 =	sadd.s32 @!p0 s3, s7;
	s7 =	simm.s32 @!p0 $0x108  }
0x21: {  	s3 =	sadd.s32 s3, s9;
	s6 =	sadd.s32 @!p0 $0x88, s6;
	s7 =	simm.s32 @p2 $0x1082  }
0x22: {  	[simem:s7], [sflag:s8] =	dma.local @!p0 [hbm:s6], $0xF7A  }
0x23: {  	s9 =	sor.u32 $0xD0000000, s2;
	s6 =	simm.s32 $0x108;
	_ =	swait.ge @!p0 [sflag:s8], $0x0  }
0x24: {  	s3 =	sadd.s32 $0x88, s3;
	s6 =	simm.s32 @!p1 $0x1082;
	[sflag:s4] =	ssyncset.s32 $0xFFFFF086  }
0x25: {  	[simem:s6], [sflag:s4] =	dma.local [hbm:s3], $0xF7A  }
0x26: {  	[smem:$0x3F93] =	sst s1;
	(tag) =	ssettag s2;
	_ =	strace s9  }
0x27: {  	s1 =	sld [smem:$0x3FA3]  }
0x28: {  	s2 =	sld [smem:$0x3FA4]  }
0x29: {  	s4 =	sld [smem:$0x3FA6]  }
0x2a: {  	p0 =	seq.s32 s5, $0x0;
	s5 =	sld [smem:$0x3FA7]  }
0x2b: {  	s6 =	sld [smem:$0x3FA8]  }
0x2c: {  	s7 =	sld [smem:$0x3FA9]  }
0x2d: {  	s3 =	simm.s32 $0x108;
	s8 =	sld [smem:$0x3FAA]  }
0x2e: {  	s3 =	simm.s32 @!p0 $0x1082;
	s9 =	sld [smem:$0x3FAB]  }
0x2f: {  	lr =	sadd.s32 s0, s3;
	s0 =	sld [smem:$0x3FA2]  }
0x30: {  	s3 =	sld [smem:$0x3FA5]  }
0x31: {  	[smem:$0x3FAE] =	sst s10  }
0x32: {  	s10 =	sld [smem:$0x3FAC];
	_ =	sdelay $0x3  }
0x33: {  	p0 =	seq.s32 s10, $0x1;
	s10 =	sld [smem:$0x3FAE];
	_ =	sdelay $0x3  }
0x34: {  	[smem:$0x3FAE] =	sst s10  }
0x35: {  	s10 =	sld [smem:$0x3FAD];
	_ =	sdelay $0x3  }
0x36: {  	p1 =	seq.s32 s10, $0x1;
	s10 =	sld [smem:$0x3FAE];
	_ =	sdelay $0x3  }
0x37: {  	[smem:$0x3FAE] =	sst s10  }
0x38: {  	s10 =	sld [smem:$0x3FAF]  }
0x39: {  	_ = 	snop;
	(pc) =	sbr.ind lr, $3  }
0x3a: {  	_ = 	snop  }
0x3b: {  	_ = 	snop  }
0x3c: {  	p2 =	seq.s32 s10, $0x1;
	s10 =	sld [smem:$0x3FAE]  }
0x3d: {  	_ =	shalt  }
0x3e: {  	_ =	shalt  }
0x3f: {  	_ =	shalt  }
0x40: {  	_ =	shalt  }
0x41: {  	_ =	shalt  }
0x42: {  	_ =	shalt  }
0x43: {  	_ =	shalt  }
0x44: {  	_ =	shalt  }
0x45: {  	_ =	shalt  }
0x46: {  	_ =	shalt  }
0x47: {  	_ =	shalt  }
0x48: {  	_ =	shalt  }
0x49: {  	_ =	shalt  }
0x4a: {  	_ =	shalt  }
0x4b: {  	_ =	shalt  }
0x4c: {  	_ =	shalt  }
0x4d: {  	_ =	shalt  }
0x4e: {  	_ =	shalt  }
0x4f: {  	_ =	shalt  }
0x50: {  	_ =	shalt  }
0x51: {  	_ =	shalt  }
0x52: {  	_ =	shalt  }
0x53: {  	_ =	shalt  }
0x54: {  	_ =	shalt  }
0x55: {  	_ =	shalt  }
0x56: {  	_ =	shalt  }
0x57: {  	_ =	shalt  }
0x58: {  	_ =	shalt  }
0x59: {  	_ =	shalt  }
0x5a: {  	_ =	shalt  }
0x5b: {  	_ =	shalt  }
0x5c: {  	_ =	shalt  }
0x5d: {  	_ =	shalt  }
0x5e: {  	_ =	shalt  }
0x5f: {  	_ =	shalt  }
0x60: {  	_ =	shalt  }
0x61: {  	_ =	shalt  }
0x62: {  	_ =	shalt  }
0x63: {  	_ =	shalt  }
0x64: {  	_ =	shalt  }
0x65: {  	_ =	shalt  }
0x66: {  	_ =	shalt  }
0x67: {  	_ =	shalt  }
0x68: {  	_ =	shalt  }
0x69: {  	_ =	shalt  }
0x6a: {  	_ =	shalt  }
0x6b: {  	_ =	shalt  }
0x6c: {  	_ =	shalt  }
0x6d: {  	_ =	shalt  }
0x6e: {  	_ =	shalt  }
0x6f: {  	_ =	shalt  }
0x70: {  	_ =	shalt  }
0x71: {  	_ =	shalt  }
0x72: {  	_ =	shalt  }
0x73: {  	_ =	shalt  }
0x74: {  	_ =	shalt  }
0x75: {  	_ =	shalt  }
0x76: {  	_ =	shalt  }
0x77: {  	_ =	shalt  }
0x78: {  	_ =	shalt  }
0x79: {  	_ =	shalt  }
0x7a: {  	_ =	shalt  }
0x7b: {  	_ =	shalt  }
0x7c: {  	_ =	shalt  }
0x7d: {  	_ =	shalt  }
0x7e: {  	_ =	shalt  }
0x7f: {  	_ =	shalt  }
0x80: {  	_ =	shalt  }
0x81: {  	_ =	shalt  }
0x82: {  	_ =	shalt  }
0x83: {  	_ =	shalt  }
0x84: {  	_ =	shalt  }
0x85: {  	_ =	shalt  }
0x86: {  	_ =	shalt  }
0x87: {  	_ =	shalt  }
.Lfunc_end0:
.L_simem_size_0:
called_computation.1_lowered:
.L_overlay_start_0:
0x88: {  	s2 =	sld [smem:$0x3FD9]  }
0x89: {  	s3 =	sld [smem:$0x3FFE];
	_ =	sdelay $0x1  }
0x8a: {  	s1 =	srdreg.scid  }
0x8b: {  	s0 =	sand.u32 $0x1, s1  }
0x8c: {  	s17 =	sshll.u32 s0, $0xA;
	s2 =	sadd.s32 s3, s2  }
0x8d: {  	s2 =	sadd.s32 s2, s17  }
0x8e: {  	[smem:$0x3FBA] =	sst s2  }
0x8f: {  	_ = 	snop  }
0x90: {  	s2 =	sld [smem:$0x3FD0];
	(tm) =	ssettm $0x1  }
0x91: {  	s18 =	sld [smem:$0x3FFB];
	_ =	sdelay $0x3  }
0x92: {  	_ =	strace s18  }
0x93: {  	s3 =	sld [smem:$0x3FFC];
	_ =	sdelay $0x3  }
0x94: {  	_ =	strace s3  }
0x95: {  	s3 =	sld [smem:$0x3FFD];
	_ =	sdelay $0x3  }
0x96: {  	_ =	strace s3  }
0x97: {  	_ =	strace $0x8FFFFFFF  }
0x98: {  	s19 =	sld [smem:$0x3FDB];
	_ =	sdelay $0x1  }
0x99: {  	s4 =	simm.s32 $_scs_section_size  }
0x9a: {  	s5 =	simm.s32 $_size__tile_overlayer_lowered;
	s6 =	simm.s32 $_tile_overlayer_lowered  }
0x9b: {  	s22 =	simm.s32 $0x1BFF;
	s21 =	sshll.u32 s6, $0x1;
	s3 =	sadd.s32 s4, s19  }
0x9c: {  	s7 =	simm.s32 $0x0;
	s20 =	sshll.u32 s5, $0x1;
	s5 =	sadd.s32 s21, s3  }
0x9d: {  	[timem:s7], [sflag:s22] =	dma.local [hbm:s5], s20  }
0x9e: {  	_ =	swait.ge [sflag:s22], s20  }
0x9f: {  	s4 =	ssub.s32 $0x0, s20;
	[sflag:s22] =	ssyncset.done $0x0  }
0xa0: {  	[sflag:s22] =	ssyncadd.s32 s4;
	_ =	sdelay $0x1  }
0xa1: {  	s23 =	simm.s32 $0x1B8B  }
0xa2: {  	_ =	swait.ge [sflag:s23], $0x1  }
0xa3: {  	[sflag:s23] =	ssyncset.done $0x0  }
0xa4: {  	s25 =	simm.s32 $0x1B8E;
	s24 =	sld [smem:$0x3FFE];
	[sflag:s23] =	ssyncadd.s32 $0xFFFFFFFF  }
0xa5: {  	s26 =	simm.s32 $execute0_lowered;
	[smem:$0x3FD2] =	sst s25  }
0xa6: {  	s5 =	sshll.u32 s26, $0x1;
	_ =	strace $0x80000049;
	[dreg:$0x1] =	wrdreg $0xFFFFFFFF  }
0xa7: {  	s28 =	simm.s32 $_size_execute0_lowered;
	s3 =	sadd.s32 s3, s5;
	[dreg:$0x0] =	wrdreg $0x0  }
0xa8: {  	s5 =	sshll.u32 s28, $0x1;
	[dreg:$0x2] =	wrdreg s3  }
0xa9: {  	[dreg:$0x3] =	wrdreg s5  }
0xaa: {  	[dreg:$0x4] =	wrdreg $0xC0  }
0xab: {  	_ =	task [dreg:s7], $0x5FFFF  }
0xac: {  	[dreg:$0x1] =	wrdreg $0xFFFFFFFF  }
0xad: {  	[dreg:$0x0] =	wrdreg $0x60  }
0xae: {  	[dreg:$0x2] =	wrdreg s2  }
0xaf: {  	[dreg:$0x3] =	wrdreg s24  }
0xb0: {  	[dreg:$0x4] =	wrdreg $0x51800  }
0xb1: {  	[dreg:$0x5] =	wrdreg $0x9  }
0xb2: {  	_ =	task.clear_ibuf [dreg:s7], $0x6FFFF;
	_ =	strace $0x90000049  }
0xb3: {  	s29 =	simm.s32 $0x9;
	_ =	strace $0x8000004B  }
0xb4: {  	_ =	swait.ge [sflag:s29], $0x1  }
0xb5: {  	[sflag:s29] =	ssyncadd.s32 $0xFFFFFFFF  }
0xb6: {  	_ =	strace $0x9000004B  }
0xb7: {  	_ =	sfence  }
0xb8: {  	s30 =	sld [smem:$0x0];
	_ =	sdelay $0x2  }
0xb9: {  	s31 =	sshll.u32 s1, $0xD;
	s1 =	sshrl.u32 s1, $0x2  }
0xba: {  	s3 =	sand.u32 $0x4000, s31;
	s1 =	sadd.s32 s1, s30  }
0xbb: {  	s0 =	sor.u32 s3, s0;
	s1 =	sshll.u32 s1, $0x11  }
0xbc: {  	s0 =	sor.u32 s1, s0  }
0xbd: {  	s0 =	sadd.s32 $0x8F2B, s0  }
0xbe: {  	[sflag:s0] =	ssyncadd.remote.s32 $0x1  }
0xbf: {  	_ =	sfence.sel $0xFFFF  }
0xc0: {  	[dreg:$0x0] =	wrdreg $0xFFFFFFFF;
	(pc) =	sbr.abs _section_cstart, $3  }
0xc1: {  	[dreg:$0x1] =	wrdreg $0xFFFFFFFF  }
0xc2: {  	_ =	task.clear_ibuf [dreg:s7], $0x2FFFF;
	_ =	strace $0x9FFFFFFF  }
0xc3: {  	(tm) =	ssettm $0x7FFFFFFF  }
tec
execute0_lowered:
.L_overlay_start_1:
0x0: {  	(tag) =	ssettag $0x1  }
0x1: {  	s1 =	rddreg [dreg:$0x0]  }
0x2: {  	s0 =	rddreg [dreg:$0x1]  }
0x3: {  	s2 =	rddreg [dreg:$0x2];
	s3 =	srdreg.scid;
	s4 =	simm.s32 $0x0  }
0x4: {  	s12 =	stileid.u32;
	s17 =	simm.s32 $0x180;
	s18 =	simm.s32 $0x6  }
0x5: {  	s19 =	simm.s32 $0x80;
	s20 =	simm.s32 $0x4180;
	s21 =	simm.s32 $0x1  }
0x6: {  	s22 =	simm.s32 $0x100;
	s24 =	simm.s32 $0x4980;
	s28 =	simm.s32 $0x4  }
0x7: {  	s29 =	simm.s32 $0x0;
	s3 =	sand.u32 $0x1, s3;
	[smem:$0x7FF] =	sst s4  }
0x8: {  	s6 =	sadd.s32 $0x72C00, s0;
	s10 =	smul.u32 $0x50000, s12;
	s7 =	sadd.s32 $0x5EC00, s0  }
0x9: {  	s8 =	sadd.s32 $0xEC00, s0;
	s5 =	sshll.u32 s3, $0x4;
	_ =	strace $0x8000004A  }
0xa: {  	s11 =	ssub.s32 $0x2, s3;
	s31 =	sshll.u32 s3, $0x1;
	s23 =	smul.u32 $0x2800, s3  }
0xb: {  	s3 =	sshllo.u32 s3, $0x1;
	s5 =	sor.u32 s12, s5;
	s25 =	sshrl.u32 s11, $0x1  }
0xc: {  	s10 =	sshrl.u32 s10, $0x2;
	s9 =	smul.u32 $0x2800, s5;
	s5 =	sadd.s32 $0x4800, s0  }
0xd: {  	s11 =	ssub.s32 s11, s25;
	s10 =	sadd.s32 s10, s2;
	v0 =	vmov s23;
	s23 =	simm.s32 $0x2  }
0xe: {  	s25 =	simm.s32 $0x3;
	s26 =	sadd.s32 $0x4000, s10;
	s30 =	sadd.s32 $0x8000, s10  }
0xf: {  	s13 =	sadd.s32 $0xC000, s10;
	s14 =	sadd.s32 $0x10000, s10;
	s16 =	smax.u32 s11, $0x1  }
0x10: {  	v1 =	vmov s31;
	v2 =	vmov s3;
	s0 =	sadd.s32 s9, s0;
	s9 =	smul.u32 $0x5200, s12;
	[dreg:$0x4] =	wrdreg s26  }
0x11: {  	v3 =	vimm.f32 $0.0e+00;
	v1 =	vbroadcast v1, $0x0;
	v2 =	vbroadcast v2, $0x0;
	[dreg:$0x5] =	wrdreg s30;
	s26 =	simm.s32 $0x5;
	s15 =	sadd.s32 $0x116C00, s0  }
.LBB2_1:
0x12: {  	s0 =	simm.s32 $0x0;
	s3 =	simm.s32 $0x200  }
.LBB2_2:
0x13: {  	p0 =	sne.s32 s3, $0xFE00;
	[tilespmem:s0+$0x1F0] =	vst v3  }
0x14: {  	[tilespmem:s0+$0x180] =	vst v3  }
0x15: {  	[tilespmem:s0+$0x190] =	vst v3  }
.Ltmp0:
0x16: {  	[tilespmem:s0+$0x1A0] =	vst v3;
	(pc) =	sbr.rel @p0 .LBB2_2-.Ltmp0, $4  }
0x17: {  	[tilespmem:s0+$0x1B0] =	vst v3  }
0x18: {  	[tilespmem:s0+$0x1C0] =	vst v3  }
0x19: {  	[tilespmem:s0+$0x1D0] =	vst v3  }
0x1a: {  	[tilespmem:s0+$0x1E0] =	vst v3;
	s0 =	sshra.s32 s3, $0x2;
	s3 =	sadd.s32 $0x200, s3  }
0x1b: {  	[tilespmem:s0+$0x1F0] =	vst v3  }
0x1c: {  	[tilespmem:s0+$0x180] =	vst v3  }
0x1d: {  	[tilespmem:s0+$0x190] =	vst v3  }
0x1e: {  	[tilespmem:s0+$0x1A0] =	vst v3  }
0x1f: {  	[tilespmem:s0+$0x1B0] =	vst v3  }
0x20: {  	[tilespmem:s0+$0x1C0] =	vst v3  }
0x21: {  	[tilespmem:s0+$0x1D0] =	vst v3  }
0x22: {  	[tilespmem:s0+$0x1E0] =	vst v3  }
0x23: {  	[spmem:s10] =	stream.linear.scatter [tilespmem:s17], [sflag:$0x6], $0x4000, $0x38;
	[tilespmem:$0x19180] =	vst v63  }
0x24: {  	_ =	swait.ge [sflag:s18], $0x4000  }
0x25: {  	[sflag:s18] =	ssyncset.done $0x0  }
0x26: {  	s12 =	rddreg [dreg:$0x4];
	[sflag:s18] =	ssyncadd.s32 $0xFFFFC000  }
0x27: {  	[spmem:s12] =	stream.linear.scatter [tilespmem:s17], [sflag:$0x6], $0x4000, $0x38;
	[tilespmem:$0x19180] =	vst v63  }
0x28: {  	_ =	swait.ge [sflag:s18], $0x4000  }
0x29: {  	[sflag:s18] =	ssyncset.done $0x0  }
0x2a: {  	s31 =	rddreg [dreg:$0x5];
	[sflag:s18] =	ssyncadd.s32 $0xFFFFC000  }
0x2b: {  	[spmem:s31] =	stream.linear.scatter [tilespmem:s17], [sflag:$0x6], $0x4000, $0x38;
	[tilespmem:$0x19180] =	vst v63  }
0x2c: {  	_ =	swait.ge [sflag:s18], $0x4000  }
0x2d: {  	[sflag:s18] =	ssyncset.done $0x0  }
0x2e: {  	[sflag:s18] =	ssyncadd.s32 $0xFFFFC000  }
0x2f: {  	[spmem:s13] =	stream.linear.scatter [tilespmem:s17], [sflag:$0x6], $0x4000, $0x38;
	[tilespmem:$0x19180] =	vst v63  }
0x30: {  	_ =	swait.ge [sflag:s18], $0x4000  }
0x31: {  	[sflag:s18] =	ssyncset.done $0x0  }
0x32: {  	[sflag:s18] =	ssyncadd.s32 $0xFFFFC000  }
0x33: {  	[spmem:s14] =	stream.linear.scatter [tilespmem:s17], [sflag:$0x6], $0x4000, $0x38;
	[tilespmem:$0x19180] =	vst v63  }
0x34: {  	_ =	swait.ge [sflag:s18], $0x4000  }
0x35: {  	[sflag:s18] =	ssyncset.done $0x0  }
0x36: {  	[sflag:s18] =	ssyncadd.s32 $0xFFFFC000  }
0x37: {  	s30 =	simm.s32 $0x0;
	[bflag:$0x0] =	sbarrier.arrive $0xFFFF  }
.LBB2_4:
0x38: {  	s0 =	sshll.u32 s30, $0x7  }
0x39: {  	s0 =	sadd.s32 s9, s0  }
0x3a: {  	s3 =	sshrl.u32 s0, $0x3  }
0x3b: {  	s11 =	sadd.s32 s1, s3  }
0x3c: {  	[tilespmem:s4], [sflag:$0x1] =	stream.linear.gather [hbm4b:s11+s4], $0x80, $0x38;
	[tilespmem:$0x19180] =	vst v63  }
0x3d: {  	s0 =	sshll.u32 s0, $0x1;
	s3 =	sadd.s32 s5, s3  }
0x3e: {  	[tilespmem:s19], [sflag:$0x2] =	stream.linear.gather [hbm4b:s3+s4], $0x80, $0x38;
	[tilespmem:$0x19180] =	vst v63  }
0x3f: {  	s0 =	sadd.s32 s6, s0  }
0x40: {  	[tilespmem:s20], [sflag:$0x3] =	stream.linear.gather [hbm4b:s0+s4], $0x800, $0x38;
	[tilespmem:$0x19180] =	vst v63  }
0x41: {  	_ =	swait.ge [sflag:s21], $0x80  }
0x42: {  	[sflag:s21] =	ssyncset.done $0x0  }
0x43: {  	[sflag:s21] =	ssyncadd.s32 $0xFFFFFF80  }
0x44: {  	v4 =	vld [tilespmem:$0x0]  }
0x45: {  	v5 =	vld [tilespmem:$0x10]  }
0x46: {  	v6 =	vld [tilespmem:$0x20]  }
0x47: {  	v7 =	vld [tilespmem:$0x30]  }
0x48: {  	v8 =	vld [tilespmem:$0x40]  }
0x49: {  	v9 =	vld [tilespmem:$0x50];
	v4 =	vadd.s32 v0, v4  }
0x4a: {  	[tilespmem:$0x100] =	vst v4;
	v4 =	vadd.s32 v0, v5;
	v5 =	vld [tilespmem:$0x60]  }
0x4b: {  	[tilespmem:$0x110] =	vst v4;
	v4 =	vadd.s32 v0, v6;
	v6 =	vld [tilespmem:$0x70]  }
0x4c: {  	[tilespmem:$0x120] =	vst v4;
	v4 =	vadd.s32 v0, v7  }
0x4d: {  	[tilespmem:$0x130] =	vst v4;
	v4 =	vadd.s32 v0, v8  }
0x4e: {  	[tilespmem:$0x140] =	vst v4;
	v4 =	vadd.s32 v0, v9  }
0x4f: {  	[tilespmem:$0x150] =	vst v4;
	v4 =	vadd.s32 v0, v5  }
0x50: {  	[tilespmem:$0x160] =	vst v4;
	v4 =	vadd.s32 v0, v6  }
0x51: {  	[tilespmem:$0x170] =	vst v4  }
0x52: {  	[tilespmem:s17], [sflag:$0x4] =	stream.indirect.gather [hbm4b:s8+s19], $0x80, s22, s19, $0xb8;
	[tilespmem:$0x19180] =	vst v63  }
0x53: {  	_ =	swait.ge [sflag:s23], $0x80  }
0x54: {  	[sflag:s23] =	ssyncset.done $0x0  }
0x55: {  	[sflag:s23] =	ssyncadd.s32 $0xFFFFFF80  }
0x56: {  	[tilespmem:s24], [sflag:$0x5] =	stream.indirect.gather [hbm4b:s7+s19], $0x10, s19, s19, $0xb8;
	[tilespmem:$0x19180] =	vst v63  }
0x57: {  	_ =	swait.ge [sflag:s25], $0x800  }
0x58: {  	[sflag:s25] =	ssyncset.done $0x0  }
0x59: {  	[sflag:s25] =	ssyncadd.s32 $0xFFFFF800  }
0x5a: {  	_ =	swait.ge [sflag:s26], $0x800  }
0x5b: {  	[sflag:s26] =	ssyncset.done $0x0  }
0x5c: {  	[sflag:s26] =	ssyncadd.s32 $0xFFFFF800  }
0x5d: {  	_ =	swait.ge [sflag:s28], $0x4000  }
0x5e: {  	[sflag:s28] =	ssyncset.done $0x0  }
0x5f: {  	s12 =	simm.s32 $0x41A0;
	[sflag:s28] =	ssyncadd.s32 $0xFFFFC000  }
0x60: {  	s0 =	simm.s32 $0x49A0;
	v4 =	vld [tilespmem:s12+$0x10]  }
0x61: {  	v5 =	vld [tilespmem:s0+$0x10]  }
0x62: {  	v6 =	vld [tilespmem:s0+$0xFFFFFFE0]  }
0x63: {  	v7 =	vld [tilespmem:s12+$0xFFFFFFF0]  }
0x64: {  	s31 =	simm.s32 $0x280;
	v8 =	vld [tilespmem:s0+$0xFFFFFFF0]  }
0x65: {  	v9 =	vld [tilespmem:s31+$0xF0]  }
0x66: {  	v10 =	vld [tilespmem:s12+$0x0]  }
0x67: {  	v11 =	vld [tilespmem:s0+$0x0]  }
0x68: {  	v12 =	vld [tilespmem:s12+$0xFFFFFFE0]  }
0x69: {  	v13 =	vld [tilespmem:s31+$0xFFFFFF00]  }
0x6a: {  	v14 =	vld [tilespmem:s31+$0xFFFFFF10]  }
0x6b: {  	v15 =	vld [tilespmem:s31+$0xFFFFFF20]  }
0x6c: {  	v16 =	vld [tilespmem:s31+$0xFFFFFF30];
	v5 =	vmul.f32 v5, v4  }
0x6d: {  	v17 =	vld [tilespmem:s31+$0xFFFFFF50];
	v6 =	vmul.f32 v6, v12  }
0x6e: {  	v19 =	vld [tilespmem:s31+$0xFFFFFF60];
	v4 =	vperm.xlane v5, v2  }
0x6f: {  	v20 =	vld [tilespmem:s31+$0xFFFFFF70];
	v18 =	vperm.xlane v6, v1  }
0x70: {  	v12 =	vld [tilespmem:s31+$0xFFFFFF40];
	v9 =	vmul.f32 v9, v4  }
0x71: {  	v21 =	vld [tilespmem:s31+$0xFFFFFF80];
	v13 =	vmul.f32 v13, v18  }
0x72: {  	v61 =	vld [tilespmem:s31+$0x0];
	v6 =	vperm.xlane v6, v2;
	v15 =	vmul.f32 v15, v18;
	[tilespmem:s31+$0xF0] =	vst v9  }
0x73: {  	v62 =	vld [tilespmem:s31+$0x20];
	v16 =	vmul.f32 v16, v18;
	[tilespmem:s31+$0xFFFFFF00] =	vst v13  }
0x74: {  	v63 =	vld [tilespmem:s31+$0x90];
	v59 =	vmul.f32 v19, v6;
	[tilespmem:s31+$0xFFFFFF20] =	vst v15  }
0x75: {  	v7 =	vmul.f32 v8, v7;
	v8 =	vmul.f32 v12, v6;
	v12 =	vld [tilespmem:s31+$0xFFFFFFC0];
	[tilespmem:s31+$0xFFFFFF30] =	vst v16  }
0x76: {  	v9 =	vmul.f32 v14, v18;
	v14 =	vld [tilespmem:s31+$0xFFFFFF90];
	[tilespmem:s31+$0xFFFFFF60] =	vst v59  }
0x77: {  	v13 =	vld [tilespmem:s31+$0xFFFFFFA0];
	v15 =	vmul.f32 v17, v6;
	v17 =	vperm.xlane v7, v1;
	[tilespmem:s31+$0xFFFFFF40] =	vst v8  }
0x78: {  	v6 =	vmul.f32 v20, v6;
	v7 =	vperm.xlane v7, v2;
	v8 =	vld [tilespmem:s31+$0xFFFFFFE0];
	[tilespmem:s31+$0xFFFFFF10] =	vst v9  }
0x79: {  	v9 =	vld [tilespmem:s31+$0xFFFFFFB0];
	[tilespmem:s31+$0xFFFFFF50] =	vst v15;
	v60 =	vmul.f32 v21, v17  }
0x7a: {  	v10 =	vmul.f32 v11, v10;
	v16 =	vld [tilespmem:s31+$0xFFFFFFD0];
	[tilespmem:s31+$0xFFFFFF70] =	vst v6;
	v11 =	vmul.f32 v12, v7  }
0x7b: {  	v15 =	vld [tilespmem:s31+$0xFFFFFFF0];
	[tilespmem:s31+$0xFFFFFF80] =	vst v60;
	v14 =	vmul.f32 v14, v17  }
0x7c: {  	v6 =	vld [tilespmem:s31+$0x10];
	v13 =	vmul.f32 v13, v17;
	[tilespmem:s31+$0xFFFFFFC0] =	vst v11  }
0x7d: {  	v12 =	vld [tilespmem:s31+$0x40];
	v8 =	vmul.f32 v8, v7;
	[tilespmem:s31+$0xFFFFFF90] =	vst v14  }
0x7e: {  	v11 =	vld [tilespmem:s31+$0x60];
	v9 =	vmul.f32 v9, v17;
	[tilespmem:s31+$0xFFFFFFA0] =	vst v13  }
0x7f: {  	v14 =	vld [tilespmem:s31+$0x30];
	v13 =	vmul.f32 v16, v7;
	v16 =	vperm.xlane v10, v1;
	[tilespmem:s31+$0xFFFFFFE0] =	vst v8  }
0x80: {  	v7 =	vmul.f32 v15, v7;
	v15 =	vld [tilespmem:s31+$0x70];
	[tilespmem:s31+$0xFFFFFFB0] =	vst v9  }
0x81: {  	v9 =	vld [tilespmem:s31+$0x50];
	[tilespmem:s31+$0xFFFFFFD0] =	vst v13;
	v13 =	vmul.f32 v61, v16  }
0x82: {  	v17 =	vld [tilespmem:s31+$0x80];
	v8 =	vmul.f32 v6, v16;
	[tilespmem:s31+$0xFFFFFFF0] =	vst v7  }
0x83: {  	v10 =	vperm.xlane v10, v2;
	v19 =	vmul.f32 v62, v16;
	v6 =	vld [tilespmem:s31+$0xA0];
	[tilespmem:s31+$0x0] =	vst v13  }
0x84: {  	v5 =	vperm.xlane v5, v1;
	v7 =	vld [tilespmem:s31+$0xB0];
	[tilespmem:s31+$0x10] =	vst v8;
	v14 =	vmul.f32 v14, v16  }
0x85: {  	[tilespmem:s31+$0x20] =	vst v19;
	v8 =	vld [tilespmem:s31+$0xC0];
	v13 =	vmul.f32 v11, v10;
	v16 =	vmul.f32 v12, v10  }
0x86: {  	v11 =	vmul.f32 v15, v10;
	v12 =	vmul.f32 v9, v10;
	[tilespmem:s31+$0x30] =	vst v14;
	v9 =	vld [tilespmem:s31+$0xD0]  }
0x87: {  	s11 =	simm.s32 $0x0;
	s3 =	simm.s32 $0x280;
	s12 =	simm.s32 $0x41E0;
	v15 =	vmul.f32 v63, v5;
	v14 =	vmul.f32 v17, v5;
	[tilespmem:s31+$0x40] =	vst v16;
	v10 =	vld [tilespmem:s31+$0xE0]  }
.LBB2_5:
0x88: {  	v16 =	vld [tilespmem:s12+$0x10];
	[tilespmem:s31+$0x50] =	vst v12;
	v6 =	vmul.f32 v6, v5;
	s0 =	sadd.s32 $0x40, s0  }
0x89: {  	s11 =	sadd.s32 $0x4, s11;
	v12 =	vld [tilespmem:s0+$0x10];
	[tilespmem:s31+$0x60] =	vst v13;
	v5 =	vmul.f32 v7, v5  }
0x8a: {  	p0 =	slt.u32 s11, $0x7C;
	v7 =	vld [tilespmem:s0+$0xFFFFFFE0];
	[tilespmem:s31+$0x70] =	vst v11;
	v8 =	vmul.f32 v8, v4  }
0x8b: {  	v11 =	vld [tilespmem:s12+$0xFFFFFFF0];
	[tilespmem:s31+$0x80] =	vst v14;
	v9 =	vmul.f32 v9, v4  }
0x8c: {  	s31 =	sadd.s32 $0x200, s31;
	v13 =	vld [tilespmem:s0+$0xFFFFFFF0];
	[tilespmem:s3+$0x90] =	vst v15;
	v10 =	vmul.f32 v10, v4  }
0x8d: {  	v14 =	vld [tilespmem:s31+$0xF0];
	[tilespmem:s3+$0xA0] =	vst v6  }
0x8e: {  	v6 =	vld [tilespmem:s12+$0x0];
	v4 =	vmul.f32 v12, v16;
	[tilespmem:s3+$0xB0] =	vst v5  }
0x8f: {  	v12 =	vld [tilespmem:s0+$0x0];
	[tilespmem:s3+$0xC0] =	vst v8  }
0x90: {  	v8 =	vld [tilespmem:s12+$0xFFFFFFE0];
	v5 =	vperm.xlane v4, v1;
	v4 =	vperm.xlane v4, v2;
	[tilespmem:s3+$0xD0] =	vst v9  }
0x91: {  	v9 =	vld [tilespmem:s31+$0xFFFFFF00];
	v11 =	vmul.f32 v13, v11;
	[tilespmem:s3+$0xE0] =	vst v10;
	s3 =	smov.u32 s31  }
0x92: {  	v10 =	vld [tilespmem:s31+$0xFFFFFF10];
	v13 =	vmul.f32 v14, v4  }
0x93: {  	v14 =	vld [tilespmem:s31+$0xFFFFFF20];
	v15 =	vperm.xlane v11, v1;
	v11 =	vperm.xlane v11, v2  }
0x94: {  	v16 =	vld [tilespmem:s31+$0xFFFFFF30];
	v6 =	vmul.f32 v12, v6;
	[tilespmem:s31+$0xF0] =	vst v13  }
0x95: {  	v7 =	vmul.f32 v7, v8;
	v8 =	vld [tilespmem:s31+$0xFFFFFF40]  }
0x96: {  	v12 =	vld [tilespmem:s31+$0xFFFFFF50];
	v13 =	vperm.xlane v6, v1;
	v17 =	vperm.xlane v6, v2  }
0x97: {  	v6 =	vperm.xlane v7, v1;
	v7 =	vperm.xlane v7, v2;
	v18 =	vld [tilespmem:s31+$0xFFFFFF60]  }
0x98: {  	v19 =	vld [tilespmem:s31+$0xFFFFFF70]  }
0x99: {  	v9 =	vmul.f32 v9, v6;
	v10 =	vmul.f32 v10, v6;
	v20 =	vld [tilespmem:s31+$0xFFFFFF80]  }
0x9a: {  	v14 =	vmul.f32 v14, v6;
	v6 =	vmul.f32 v16, v6;
	v16 =	vld [tilespmem:s31+$0xFFFFFF90]  }
0x9b: {  	v8 =	vmul.f32 v8, v7;
	[tilespmem:s31+$0xFFFFFF00] =	vst v9;
	v9 =	vmul.f32 v12, v7;
	v12 =	vld [tilespmem:s31+$0xFFFFFFA0]  }
0x9c: {  	[tilespmem:s31+$0xFFFFFF10] =	vst v10;
	v10 =	vmul.f32 v18, v7;
	v18 =	vld [tilespmem:s31+$0xFFFFFFB0]  }
0x9d: {  	[tilespmem:s31+$0xFFFFFF20] =	vst v14;
	v7 =	vmul.f32 v19, v7;
	v14 =	vld [tilespmem:s31+$0xFFFFFFC0]  }
0x9e: {  	[tilespmem:s31+$0xFFFFFF30] =	vst v6;
	v6 =	vmul.f32 v20, v15;
	v19 =	vld [tilespmem:s31+$0xFFFFFFD0]  }
0x9f: {  	[tilespmem:s31+$0xFFFFFF40] =	vst v8;
	v8 =	vmul.f32 v16, v15;
	v16 =	vld [tilespmem:s31+$0xFFFFFFE0]  }
0xa0: {  	[tilespmem:s31+$0xFFFFFF50] =	vst v9;
	v9 =	vmul.f32 v12, v15;
	v12 =	vld [tilespmem:s31+$0xFFFFFFF0]  }
0xa1: {  	[tilespmem:s31+$0xFFFFFF60] =	vst v10;
	v10 =	vmul.f32 v18, v15;
	v15 =	vld [tilespmem:s31+$0x0]  }
0xa2: {  	[tilespmem:s31+$0xFFFFFF70] =	vst v7;
	v7 =	vmul.f32 v14, v11;
	v14 =	vld [tilespmem:s31+$0x10]  }
0xa3: {  	[tilespmem:s31+$0xFFFFFF80] =	vst v6;
	v6 =	vmul.f32 v19, v11;
	v18 =	vld [tilespmem:s31+$0x20]  }
0xa4: {  	[tilespmem:s31+$0xFFFFFF90] =	vst v8;
	v8 =	vmul.f32 v16, v11;
	v16 =	vld [tilespmem:s31+$0x30]  }
0xa5: {  	[tilespmem:s31+$0xFFFFFFA0] =	vst v9;
	v9 =	vmul.f32 v12, v11;
	v11 =	vld [tilespmem:s31+$0x40]  }
0xa6: {  	[tilespmem:s31+$0xFFFFFFB0] =	vst v10;
	v10 =	vmul.f32 v15, v13;
	v12 =	vld [tilespmem:s31+$0x50]  }
0xa7: {  	[tilespmem:s31+$0xFFFFFFC0] =	vst v7;
	v7 =	vmul.f32 v14, v13;
	v14 =	vld [tilespmem:s31+$0x60]  }
0xa8: {  	[tilespmem:s31+$0xFFFFFFD0] =	vst v6;
	v15 =	vmul.f32 v18, v13;
	v18 =	vld [tilespmem:s31+$0x70]  }
0xa9: {  	[tilespmem:s31+$0xFFFFFFE0] =	vst v8;
	v16 =	vmul.f32 v16, v13;
	v19 =	vld [tilespmem:s31+$0x80]  }
0xaa: {  	[tilespmem:s31+$0xFFFFFFF0] =	vst v9;
	v20 =	vmul.f32 v11, v17;
	v21 =	vld [tilespmem:s31+$0x90]  }
.Ltmp1:
0xab: {  	[tilespmem:s31+$0x0] =	vst v10;
	v12 =	vmul.f32 v12, v17;
	v6 =	vld [tilespmem:s31+$0xA0];
	(pc) =	sbr.rel @p0 .LBB2_5-.Ltmp1, $4  }
0xac: {  	[tilespmem:s31+$0x10] =	vst v7;
	v13 =	vmul.f32 v14, v17;
	v7 =	vld [tilespmem:s31+$0xB0]  }
0xad: {  	[tilespmem:s31+$0x20] =	vst v15;
	v11 =	vmul.f32 v18, v17;
	v8 =	vld [tilespmem:s31+$0xC0]  }
0xae: {  	[tilespmem:s31+$0x30] =	vst v16;
	v14 =	vmul.f32 v19, v5;
	v9 =	vld [tilespmem:s31+$0xD0]  }
0xaf: {  	s12 =	sadd.s32 $0x40, s12;
	[tilespmem:s31+$0x40] =	vst v20;
	v15 =	vmul.f32 v21, v5;
	v10 =	vld [tilespmem:s31+$0xE0]  }
0xb0: {  	[tilespmem:s31+$0x50] =	vst v12  }
0xb1: {  	[tilespmem:s31+$0x60] =	vst v13  }
0xb2: {  	[tilespmem:s31+$0x70] =	vst v11  }
0xb3: {  	v6 =	vmul.f32 v6, v5;
	[tilespmem:s31+$0x80] =	vst v14  }
0xb4: {  	v5 =	vmul.f32 v7, v5;
	[tilespmem:s3+$0x90] =	vst v15  }
0xb5: {  	v62 =	vmul.f32 v8, v4;
	[tilespmem:s3+$0xA0] =	vst v6  }
0xb6: {  	v63 =	vmul.f32 v9, v4;
	[tilespmem:s3+$0xB0] =	vst v5  }
0xb7: {  	s30 =	sadd.s32 $0x1, s30;
	v4 =	vmul.f32 v10, v4;
	[tilespmem:s3+$0xC0] =	vst v62  }
0xb8: {  	p0 =	sne.s32 s30, $0xA4;
	[tilespmem:s3+$0xD0] =	vst v63  }
.Ltmp2:
0xb9: {  	[tilespmem:s3+$0xE0] =	vst v4;
	(pc) =	sbr.rel @p0 .LBB2_4-.Ltmp2, $4  }
0xba: {  	[spmem:s2] =	stream.indirect.scatter.add.f32 [tilespmem:s17], [sflag:$0x6], $0x80, s19, s19, $0xb8;
	[tilespmem:$0x19180] =	vst v63  }
0xbb: {  	_ =	swait.ge [sflag:s18], $0x4000  }
0xbc: {  	[sflag:s18] =	ssyncset.done $0x0  }
0xbd: {  	[sflag:s18] =	ssyncadd.s32 $0xFFFFC000  }
0xbe: {  	s0 =	stileid.u32;
	s29 =	sadd.s32 $0x1, s29  }
0xbf: {  	[bflag:$0x0] =	sbarrier.arrive $0xFFFF;
	s0 =	sshll.u32 s0, $0x6;
	p0 =	sne.s32 s29, s16  }
.Ltmp3:
0xc0: {  	s3 =	sshrl.u32 s10, $0x3;
	s0 =	sor.u32 $0x1C06, s0;
	(pc) =	sbr.rel @p0 .LBB2_1-.Ltmp3, $4  }
0xc1: {  	[hbm:s15], [sflag:s0] =	dma.local [spmem:s3], $0x2800  }
0xc2: {  	_ =	swait.ge [sflag:s18], $0x2800  }
0xc3: {  	[sflag:s18] =	ssyncset.done $0x0  }
0xc4: {  	[sflag:s18] =	ssyncadd.s32 $0xFFFFD800  }
0xc5: {  	_ =	sfence.sel $0x180000  }
0xc6: {  	[bflag:$0x0] =	sbarrier.arrive $0xFFFF  }
0xc7: {  	_ =	strace $0x9000004A  }
0xc8: {  	s0 =	stileid.u32;
	[bflag:$0x2] =	sbarrier.arrive $0xFFFF  }
0xc9: {  	p0 =	sne.s32 s0, $0x0;
	s0 =	rddreg [dreg:$0x3]  }
0xca: {  	s0 =	sadd.s32 @!p0 $0x100000, s0  }
0xcb: {  	[sflag:s0] =	ssyncadd.tile.s32 @!p0 $0x1;
	_ =	shalt  }
.Lfunc_end2:
_tile_overlayer_lowered:
.L_overlay_start_2:
0xcc: {  	(tag) =	ssettag $0x2  }
0xcd: {  	s0 =	rddreg [dreg:$0x0];
	s2 =	stileid.u32  }
0xce: {  	s1 =	rddreg [dreg:$0x1];
	p0 =	sne.s32 s2, $0x0  }
0xcf: {  	s3 =	rddreg [dreg:$0x2];
	[bflag:$0x3] =	sbarrier.arrive $0xFFFF;
	s2 =	simm.s32 @!p0 $0x1C06  }
0xd0: {  	[timem:s3], [sflag:s2] =	dma.local @!p0 [hbm:s0], s1  }
0xd1: {  	s0 =	simm.s32 @!p0 $0x6  }
0xd2: {  	_ =	swait.ge @!p0 [sflag:s0], s1  }
0xd3: {  	s1 =	ssub.s32 @!p0 $0x0, s1;
	[sflag:s0] =	ssyncset.done @!p0 $0x0  }
0xd4: {  	[sflag:s0] =	ssyncadd.s32 @!p0 s1  }
0xd5: {  	[bflag:$0x3] =	sbarrier.arrive $0xFFFF  }
0xd6: {  	_ =	shalt  }

// kernel: kernel.23.cloned.1.call-start
scs
__scs_entry_jumppad:
0x0: {  	(pc) =	sbr.rel $0x88, $3  }
0x1: {  	(tag) =	ssettag $0x0;
	lr =	simm.s32 $0x1  }
0x2: {  	[smem:$0x3F93] =	sst lr;
	_ =	strace $0xD0000000  }
0x3: {  	_ = 	snop  }
0x4: {  	_ = 	snop  }
0x5: {  	_ = 	snop  }
0x6: {  	_ = 	snop  }
0x7: {  	_ = 	snop  }
__scs_overlays_trampoline_lowered:
0x8: {  	[smem:$0x3FA2] =	sst s0  }
0x9: {  	[smem:$0x3FA3] =	sst s1  }
0xa: {  	[smem:$0x3FA4] =	sst s2  }
0xb: {  	[smem:$0x3FA5] =	sst s3  }
0xc: {  	[smem:$0x3FA6] =	sst s4  }
0xd: {  	[smem:$0x3FA7] =	sst s5  }
0xe: {  	[smem:$0x3FA8] =	sst s6  }
0xf: {  	[smem:$0x3FA9] =	sst s7  }
0x10: {  	[smem:$0x3FAA] =	sst s8  }
0x11: {  	[smem:$0x3FAB] =	sst s9;
	s0 =	simm.s32 @!p0 $0x0  }
0x12: {  	s1 =	sld [smem:$0x3F91];
	s0 =	simm.s32 @p0 $0x1  }
0x13: {  	[smem:$0x3FAC] =	sst s0;
	s0 =	simm.s32 @!p1 $0x0  }
0x14: {  	s2 =	sld [smem:$0x3F90];
	s0 =	simm.s32 @p1 $0x1  }
0x15: {  	[smem:$0x3FAD] =	sst s0;
	s0 =	simm.s32 @!p2 $0x0  }
0x16: {  	s3 =	sld [smem:$0x3FDB];
	s0 =	simm.s32 @p2 $0x1  }
0x17: {  	s4 =	simm.s32 $0x1BF5;
	[smem:$0x3FAF] =	sst s0  }
0x18: {  	s0 =	sld [smem:$0x3F92];
	_ =	swait.ge [sflag:s4], $0x0  }
0x19: {  	s7 =	sld [smem:$0x3F93]  }
0x1a: {  	s8 =	sadd.s32 $0xFFFFE003, lr  }
0x1b: {  	s9 =	sadd.s32 $0xFFFFFEF7, lr;
	s5 =	simm.s32 $0xFFFFFFFF;
	p2 =	slt.u32 s8, $0xFFFFF086  }
0x1c: {  	p1 =	slt.u32 s9, $0xF7A;
	s5 =	simm.s32 @!p2 $0x0  }
0x1d: {  	s5 =	simm.s32 @p1 $0x1;
	p0 =	seq.s32 s7, s2  }
0x1e: {  	s7 =	smul.u32 @!p0 $0xF7A, s2;
	p2 =	seq.s32 @!p0 s5, $0x0  }
0x1f: {  	s9 =	smul.u32 $0xF7A, s1;
	s8 =	simm.s32 @!p0 $0x1BF5;
	p2 =	por !p2, p0  }
0x20: {  	[sflag:s8] =	ssyncset.s32 @!p0 $0xFFFFF086;
	s6 =	sadd.s32 @!p0 s3, s7;
	s7 =	simm.s32 @!p0 $0x108  }
0x21: {  	s3 =	sadd.s32 s3, s9;
	s6 =	sadd.s32 @!p0 $0x88, s6;
	s7 =	simm.s32 @p2 $0x1082  }
0x22: {  	[simem:s7], [sflag:s8] =	dma.local @!p0 [hbm:s6], $0xF7A  }
0x23: {  	s9 =	sor.u32 $0xD0000000, s2;
	s6 =	simm.s32 $0x108;
	_ =	swait.ge @!p0 [sflag:s8], $0x0  }
0x24: {  	s3 =	sadd.s32 $0x88, s3;
	s6 =	simm.s32 @!p1 $0x1082;
	[sflag:s4] =	ssyncset.s32 $0xFFFFF086  }
0x25: {  	[simem:s6], [sflag:s4] =	dma.local [hbm:s3], $0xF7A  }
0x26: {  	[smem:$0x3F93] =	sst s1;
	(tag) =	ssettag s2;
	_ =	strace s9  }
0x27: {  	s1 =	sld [smem:$0x3FA3]  }
0x28: {  	s2 =	sld [smem:$0x3FA4]  }
0x29: {  	s4 =	sld [smem:$0x3FA6]  }
0x2a: {  	p0 =	seq.s32 s5, $0x0;
	s5 =	sld [smem:$0x3FA7]  }
0x2b: {  	s6 =	sld [smem:$0x3FA8]  }
0x2c: {  	s7 =	sld [smem:$0x3FA9]  }
0x2d: {  	s3 =	simm.s32 $0x108;
	s8 =	sld [smem:$0x3FAA]  }
0x2e: {  	s3 =	simm.s32 @!p0 $0x1082;
	s9 =	sld [smem:$0x3FAB]  }
0x2f: {  	lr =	sadd.s32 s0, s3;
	s0 =	sld [smem:$0x3FA2]  }
0x30: {  	s3 =	sld [smem:$0x3FA5]  }
0x31: {  	[smem:$0x3FAE] =	sst s10  }
0x32: {  	s10 =	sld [smem:$0x3FAC];
	_ =	sdelay $0x3  }
0x33: {  	p0 =	seq.s32 s10, $0x1;
	s10 =	sld [smem:$0x3FAE];
	_ =	sdelay $0x3  }
0x34: {  	[smem:$0x3FAE] =	sst s10  }
0x35: {  	s10 =	sld [smem:$0x3FAD];
	_ =	sdelay $0x3  }
0x36: {  	p1 =	seq.s32 s10, $0x1;
	s10 =	sld [smem:$0x3FAE];
	_ =	sdelay $0x3  }
0x37: {  	[smem:$0x3FAE] =	sst s10  }
0x38: {  	s10 =	sld [smem:$0x3FAF]  }
0x39: {  	_ = 	snop;
	(pc) =	sbr.ind lr, $3  }
0x3a: {  	_ = 	snop  }
0x3b: {  	_ = 	snop  }
0x3c: {  	p2 =	seq.s32 s10, $0x1;
	s10 =	sld [smem:$0x3FAE]  }
0x3d: {  	_ =	shalt  }
0x3e: {  	_ =	shalt  }
0x3f: {  	_ =	shalt  }
0x40: {  	_ =	shalt  }
0x41: {  	_ =	shalt  }
0x42: {  	_ =	shalt  }
0x43: {  	_ =	shalt  }
0x44: {  	_ =	shalt  }
0x45: {  	_ =	shalt  }
0x46: {  	_ =	shalt  }
0x47: {  	_ =	shalt  }
0x48: {  	_ =	shalt  }
0x49: {  	_ =	shalt  }
0x4a: {  	_ =	shalt  }
0x4b: {  	_ =	shalt  }
0x4c: {  	_ =	shalt  }
0x4d: {  	_ =	shalt  }
0x4e: {  	_ =	shalt  }
0x4f: {  	_ =	shalt  }
0x50: {  	_ =	shalt  }
0x51: {  	_ =	shalt  }
0x52: {  	_ =	shalt  }
0x53: {  	_ =	shalt  }
0x54: {  	_ =	shalt  }
0x55: {  	_ =	shalt  }
0x56: {  	_ =	shalt  }
0x57: {  	_ =	shalt  }
0x58: {  	_ =	shalt  }
0x59: {  	_ =	shalt  }
0x5a: {  	_ =	shalt  }
0x5b: {  	_ =	shalt  }
0x5c: {  	_ =	shalt  }
0x5d: {  	_ =	shalt  }
0x5e: {  	_ =	shalt  }
0x5f: {  	_ =	shalt  }
0x60: {  	_ =	shalt  }
0x61: {  	_ =	shalt  }
0x62: {  	_ =	shalt  }
0x63: {  	_ =	shalt  }
0x64: {  	_ =	shalt  }
0x65: {  	_ =	shalt  }
0x66: {  	_ =	shalt  }
0x67: {  	_ =	shalt  }
0x68: {  	_ =	shalt  }
0x69: {  	_ =	shalt  }
0x6a: {  	_ =	shalt  }
0x6b: {  	_ =	shalt  }
0x6c: {  	_ =	shalt  }
0x6d: {  	_ =	shalt  }
0x6e: {  	_ =	shalt  }
0x6f: {  	_ =	shalt  }
0x70: {  	_ =	shalt  }
0x71: {  	_ =	shalt  }
0x72: {  	_ =	shalt  }
0x73: {  	_ =	shalt  }
0x74: {  	_ =	shalt  }
0x75: {  	_ =	shalt  }
0x76: {  	_ =	shalt  }
0x77: {  	_ =	shalt  }
0x78: {  	_ =	shalt  }
0x79: {  	_ =	shalt  }
0x7a: {  	_ =	shalt  }
0x7b: {  	_ =	shalt  }
0x7c: {  	_ =	shalt  }
0x7d: {  	_ =	shalt  }
0x7e: {  	_ =	shalt  }
0x7f: {  	_ =	shalt  }
0x80: {  	_ =	shalt  }
0x81: {  	_ =	shalt  }
0x82: {  	_ =	shalt  }
0x83: {  	_ =	shalt  }
0x84: {  	_ =	shalt  }
0x85: {  	_ =	shalt  }
0x86: {  	_ =	shalt  }
0x87: {  	_ =	shalt  }
.Lfunc_end0:
.L_simem_size_0:
called_computation.2_lowered:
.L_overlay_start_0:
0x88: {  	s2 =	sld [smem:$0x3FD9]  }
0x89: {  	s3 =	sld [smem:$0x3FFE];
	_ =	sdelay $0x1  }
0x8a: {  	s1 =	srdreg.scid  }
0x8b: {  	s0 =	sand.u32 $0x1, s1  }
0x8c: {  	s17 =	sshll.u32 s0, $0xA;
	s2 =	sadd.s32 s3, s2  }
0x8d: {  	s2 =	sadd.s32 s2, s17  }
0x8e: {  	[smem:$0x3FBA] =	sst s2  }
0x8f: {  	_ = 	snop  }
0x90: {  	s2 =	sld [smem:$0x3FD0];
	(tm) =	ssettm $0x1  }
0x91: {  	s18 =	sld [smem:$0x3FFB];
	_ =	sdelay $0x3  }
0x92: {  	_ =	strace s18  }
0x93: {  	s3 =	sld [smem:$0x3FFC];
	_ =	sdelay $0x3  }
0x94: {  	_ =	strace s3  }
0x95: {  	s3 =	sld [smem:$0x3FFD];
	_ =	sdelay $0x3  }
0x96: {  	_ =	strace s3  }
0x97: {  	_ =	strace $0x8FFFFFFF  }
0x98: {  	s19 =	sld [smem:$0x3FDB];
	_ =	sdelay $0x1  }
0x99: {  	s4 =	simm.s32 $_scs_section_size  }
0x9a: {  	s5 =	simm.s32 $_size__tile_overlayer_lowered;
	s6 =	simm.s32 $_tile_overlayer_lowered  }
0x9b: {  	s22 =	simm.s32 $0x1BFF;
	s21 =	sshll.u32 s6, $0x1;
	s3 =	sadd.s32 s4, s19  }
0x9c: {  	s7 =	simm.s32 $0x0;
	s20 =	sshll.u32 s5, $0x1;
	s5 =	sadd.s32 s21, s3  }
0x9d: {  	[timem:s7], [sflag:s22] =	dma.local [hbm:s5], s20  }
0x9e: {  	_ =	swait.ge [sflag:s22], s20  }
0x9f: {  	s4 =	ssub.s32 $0x0, s20;
	[sflag:s22] =	ssyncset.done $0x0  }
0xa0: {  	[sflag:s22] =	ssyncadd.s32 s4;
	_ =	sdelay $0x1  }
0xa1: {  	s23 =	simm.s32 $0x1B8B  }
0xa2: {  	_ =	swait.ge [sflag:s23], $0x1  }
0xa3: {  	[sflag:s23] =	ssyncset.done $0x0  }
0xa4: {  	s25 =	simm.s32 $0x1B8E;
	s24 =	sld [smem:$0x3FFE];
	[sflag:s23] =	ssyncadd.s32 $0xFFFFFFFF  }
0xa5: {  	s26 =	simm.s32 $execute0_lowered;
	[smem:$0x3FD2] =	sst s25  }
0xa6: {  	s5 =	sshll.u32 s26, $0x1;
	_ =	strace $0x8000004C;
	[dreg:$0x1] =	wrdreg $0xFFFFFFFF  }
0xa7: {  	s28 =	simm.s32 $_size_execute0_lowered;
	s3 =	sadd.s32 s3, s5;
	[dreg:$0x0] =	wrdreg $0x0  }
0xa8: {  	s5 =	sshll.u32 s28, $0x1;
	[dreg:$0x2] =	wrdreg s3  }
0xa9: {  	[dreg:$0x3] =	wrdreg s5  }
0xaa: {  	[dreg:$0x4] =	wrdreg $0xC0  }
0xab: {  	_ =	task [dreg:s7], $0x5FFFF  }
0xac: {  	[dreg:$0x1] =	wrdreg $0xFFFFFFFF  }
0xad: {  	[dreg:$0x0] =	wrdreg $0x60  }
0xae: {  	[dreg:$0x2] =	wrdreg s2  }
0xaf: {  	[dreg:$0x3] =	wrdreg s24  }
0xb0: {  	[dreg:$0x4] =	wrdreg $0x19000  }
0xb1: {  	[dreg:$0x5] =	wrdreg $0x9  }
0xb2: {  	_ =	task.clear_ibuf [dreg:s7], $0x6FFFF;
	_ =	strace $0x9000004C  }
0xb3: {  	s29 =	simm.s32 $0x9;
	_ =	strace $0x8000004E  }
0xb4: {  	_ =	swait.ge [sflag:s29], $0x1  }
0xb5: {  	[sflag:s29] =	ssyncadd.s32 $0xFFFFFFFF  }
0xb6: {  	_ =	strace $0x9000004E  }
0xb7: {  	_ =	sfence  }
0xb8: {  	s30 =	sld [smem:$0x0];
	_ =	sdelay $0x2  }
0xb9: {  	s31 =	sshll.u32 s1, $0xD;
	s1 =	sshrl.u32 s1, $0x2  }
0xba: {  	s3 =	sand.u32 $0x4000, s31;
	s1 =	sadd.s32 s1, s30  }
0xbb: {  	s0 =	sor.u32 s3, s0;
	s1 =	sshll.u32 s1, $0x11  }
0xbc: {  	s0 =	sor.u32 s1, s0  }
0xbd: {  	s0 =	sadd.s32 $0x8F2B, s0  }
0xbe: {  	[sflag:s0] =	ssyncadd.remote.s32 $0x1  }
0xbf: {  	_ =	sfence.sel $0xFFFF  }
0xc0: {  	[dreg:$0x0] =	wrdreg $0xFFFFFFFF;
	(pc) =	sbr.abs _section_cstart, $3  }
0xc1: {  	[dreg:$0x1] =	wrdreg $0xFFFFFFFF  }
0xc2: {  	_ =	task.clear_ibuf [dreg:s7], $0x2FFFF;
	_ =	strace $0x9FFFFFFF  }
0xc3: {  	(tm) =	ssettm $0x7FFFFFFF  }
tec
execute0_lowered:
.L_overlay_start_1:
0x0: {  	(tag) =	ssettag $0x1  }
0x1: {  	s1 =	rddreg [dreg:$0x0]  }
0x2: {  	s0 =	rddreg [dreg:$0x1]  }
0x3: {  	s3 =	rddreg [dreg:$0x2]  }
0x4: {  	s2 =	srdreg.scid;
	s13 =	stileid.u32  }
0x5: {  	s4 =	simm.s32 $0x0;
	s17 =	simm.s32 $0x100;
	s18 =	simm.s32 $0x6  }
0x6: {  	s19 =	simm.s32 $0x80;
	s20 =	simm.s32 $0x1;
	s21 =	simm.s32 $0x2  }
0x7: {  	s22 =	simm.s32 $0x900;
	s23 =	simm.s32 $0x3;
	s24 =	simm.s32 $0x4  }
0x8: {  	s25 =	simm.s32 $0x1100;
	s26 =	simm.s32 $0x5;
	s28 =	simm.s32 $0x0  }
0x9: {  	s2 =	sand.u32 $0x1, s2;
	s10 =	smul.u32 $0x2800, s13;
	[smem:$0x7FF] =	sst s4  }
0xa: {  	s5 =	sadd.s32 $0x4800, s0;
	s6 =	sadd.s32 $0xAEC00, s0;
	s11 =	smul.u32 $0xA000, s13  }
0xb: {  	s7 =	sadd.s32 $0xB3C00, s0;
	s8 =	smul.u32 $0x28000, s2;
	s29 =	ssub.s32 $0x2, s2  }
0xc: {  	_ =	strace $0x8000004D;
	s2 =	sshll.u32 s2, $0x4;
	s12 =	sshrl.u32 s29, $0x1  }
0xd: {  	s2 =	sor.u32 s13, s2;
	s11 =	sshrl.u32 s11, $0x2;
	s9 =	sadd.s32 s10, s8  }
0xe: {  	s8 =	sadd.s32 $0xC2C00, s0;
	s12 =	ssub.s32 s29, s12;
	s30 =	sadd.s32 s11, s3  }
0xf: {  	s10 =	sadd.s32 s10, s3;
	s9 =	sshrl.u32 s9, $0x3;
	s11 =	sadd.s32 $0x800, s30  }
0x10: {  	s31 =	sadd.s32 $0x1000, s30;
	s13 =	sadd.s32 $0x1800, s30;
	s14 =	sadd.s32 $0x2000, s30  }
0x11: {  	s16 =	smax.u32 s12, $0x1;
	s0 =	sadd.s32 s9, s0;
	[dreg:$0x4] =	wrdreg s11  }
0x12: {  	v0 =	vimm.f32 $0.0e+00;
	s9 =	smul.u32 $0x2900, s2;
	[dreg:$0x5] =	wrdreg s31;
	s15 =	sadd.s32 $0xB8C00, s0  }
.LBB2_1:
0x13: {  	s0 =	simm.s32 $0x40;
	s2 =	simm.s32 $0x0  }
.LBB2_2:
0x14: {  	p0 =	sne.s32 s0, $0x1FC0;
	[tilespmem:s2+$0x100] =	vst v0;
	s2 =	smov.u32 s0;
	s0 =	sadd.s32 $0x40, s0  }
.Ltmp0:
0x15: {  	(pc) =	sbr.rel @p0 .LBB2_2-.Ltmp0, $2  }
0x16: {  	_ =	sdelay $0x2  }
0x17: {  	s2 =	sshra.s32 s2, $0x2  }
0x18: {  	[tilespmem:s2+$0x100] =	vst v0  }
0x19: {  	[spmem:s10] =	stream.linear.scatter [tilespmem:s17], [sflag:$0x6], $0x800, $0x38;
	[tilespmem:$0x4100] =	vst v63  }
0x1a: {  	_ =	swait.ge [sflag:s18], $0x800  }
0x1b: {  	[sflag:s18] =	ssyncset.done $0x0  }
0x1c: {  	s0 =	rddreg [dreg:$0x4];
	[sflag:s18] =	ssyncadd.s32 $0xFFFFF800  }
0x1d: {  	[spmem:s0] =	stream.linear.scatter [tilespmem:s17], [sflag:$0x6], $0x800, $0x38;
	[tilespmem:$0x4100] =	vst v63  }
0x1e: {  	_ =	swait.ge [sflag:s18], $0x800  }
0x1f: {  	[sflag:s18] =	ssyncset.done $0x0  }
0x20: {  	s31 =	rddreg [dreg:$0x5];
	[sflag:s18] =	ssyncadd.s32 $0xFFFFF800  }
0x21: {  	[spmem:s31] =	stream.linear.scatter [tilespmem:s17], [sflag:$0x6], $0x800, $0x38;
	[tilespmem:$0x4100] =	vst v63  }
0x22: {  	_ =	swait.ge [sflag:s18], $0x800  }
0x23: {  	[sflag:s18] =	ssyncset.done $0x0  }
0x24: {  	[sflag:s18] =	ssyncadd.s32 $0xFFFFF800  }
0x25: {  	[spmem:s13] =	stream.linear.scatter [tilespmem:s17], [sflag:$0x6], $0x800, $0x38;
	[tilespmem:$0x4100] =	vst v63  }
0x26: {  	_ =	swait.ge [sflag:s18], $0x800  }
0x27: {  	[sflag:s18] =	ssyncset.done $0x0  }
0x28: {  	[sflag:s18] =	ssyncadd.s32 $0xFFFFF800  }
0x29: {  	[spmem:s14] =	stream.linear.scatter [tilespmem:s17], [sflag:$0x6], $0x800, $0x38;
	[tilespmem:$0x4100] =	vst v63  }
0x2a: {  	_ =	swait.ge [sflag:s18], $0x800  }
0x2b: {  	[sflag:s18] =	ssyncset.done $0x0  }
0x2c: {  	[sflag:s18] =	ssyncadd.s32 $0xFFFFF800  }
0x2d: {  	s29 =	simm.s32 $0x0;
	[bflag:$0x0] =	sbarrier.arrive $0xFFFF  }
.LBB2_4:
0x2e: {  	s0 =	sshll.u32 s29, $0x7  }
0x2f: {  	s30 =	sadd.s32 s9, s0  }
0x30: {  	s0 =	sshrl.u32 s30, $0x3  }
0x31: {  	s2 =	sadd.s32 s1, s0  }
0x32: {  	[tilespmem:s4], [sflag:$0x1] =	stream.linear.gather [hbm4b:s2+s4], $0x80, $0x38;
	[tilespmem:$0x4100] =	vst v63  }
0x33: {  	s0 =	sadd.s32 s5, s0  }
0x34: {  	[tilespmem:s19], [sflag:$0x2] =	stream.linear.gather [hbm4b:s0+s4], $0x80, $0x38;
	[tilespmem:$0x4100] =	vst v63  }
0x35: {  	_ =	swait.ge [sflag:s20], $0x80  }
0x36: {  	[sflag:s20] =	ssyncset.done $0x0  }
0x37: {  	[sflag:s20] =	ssyncadd.s32 $0xFFFFFF80  }
0x38: {  	[tilespmem:s17], [sflag:$0x3] =	stream.indirect.gather [hbm4b:s6+s19], $0x10, s4, s19, $0xb8;
	[tilespmem:$0x4100] =	vst v63  }
0x39: {  	_ =	swait.ge [sflag:s21], $0x80  }
0x3a: {  	[sflag:s21] =	ssyncset.done $0x0  }
0x3b: {  	[sflag:s21] =	ssyncadd.s32 $0xFFFFFF80  }
0x3c: {  	[tilespmem:s22], [sflag:$0x4] =	stream.indirect.gather [hbm4b:s7+s19], $0x10, s19, s19, $0xb8;
	[tilespmem:$0x4100] =	vst v63  }
0x3d: {  	_ =	swait.ge [sflag:s23], $0x800  }
0x3e: {  	[sflag:s23] =	ssyncset.done $0x0  }
0x3f: {  	[sflag:s23] =	ssyncadd.s32 $0xFFFFF800  }
0x40: {  	_ =	swait.ge [sflag:s24], $0x800  }
0x41: {  	[sflag:s24] =	ssyncset.done $0x0  }
0x42: {  	s11 =	simm.s32 $0x120;
	[sflag:s24] =	ssyncadd.s32 $0xFFFFF800  }
0x43: {  	s12 =	simm.s32 $0x920;
	v1 =	vld [tilespmem:s11+$0x10]  }
0x44: {  	v2 =	vld [tilespmem:s12+$0x10]  }
0x45: {  	v3 =	vld [tilespmem:s12+$0xFFFFFFE0]  }
0x46: {  	v4 =	vld [tilespmem:s11+$0xFFFFFFF0]  }
0x47: {  	v6 =	vld [tilespmem:s11+$0x0]  }
0x48: {  	v7 =	vld [tilespmem:s12+$0x0]  }
0x49: {  	v5 =	vld [tilespmem:s12+$0xFFFFFFF0];
	s12 =	simm.s32 $0x960  }
0x4a: {  	v10 =	vld [tilespmem:s12+$0x10]  }
0x4b: {  	v1 =	vadd.f32 v2, v1;
	v2 =	vld [tilespmem:s11+$0xFFFFFFE0]  }
0x4c: {  	v11 =	vld [tilespmem:s12+$0xFFFFFFF0];
	s11 =	simm.s32 $0x160  }
0x4d: {  	v6 =	vadd.f32 v7, v6;
	v8 =	vld [tilespmem:s11+$0x10];
	v9 =	vmul.f32 $2.000000030e-01, v1  }
0x4e: {  	v4 =	vadd.f32 v5, v4;
	v5 =	vld [tilespmem:s12+$0xFFFFFFE0];
	vm0 =	vge.f32 v1, $0.0e+00  }
0x4f: {  	v13 =	vld [tilespmem:s11+$0xFFFFFFE0];
	v12 =	vmul.f32 $2.000000030e-01, v6;
	v1 =	vsel vm0, v1, v9  }
0x50: {  	vm1 =	vge.f32 v6, $0.0e+00;
	v9 =	vld [tilespmem:s11+$0xFFFFFFF0];
	v1 =	vmul.f32 $1.442695020e+00, v1;
	v2 =	vadd.f32 v3, v2  }
0x51: {  	v7 =	vmul.f32 $2.000000030e-01, v4;
	vm0 =	vge.f32 v4, $0.0e+00;
	v6 =	vsel vm1, v6, v12;
	v3 =	vld [tilespmem:s11+$0x0]  }
0x52: {  	s11 =	simm.s32 $0x1A0;
	v8 =	vadd.f32 v10, v8;
	(erf) = vpow2.f32 v1;
	v1 =	vld [tilespmem:s12+$0x0];
	v10 =	vmul.f32 $2.000000030e-01, v2  }
0x53: {  	v4 =	vsel vm0, v4, v7;
	v6 =	vmul.f32 $1.442695020e+00, v6;
	v7 =	vld [tilespmem:s11+$0x10];
	vm2 =	vge.f32 v2, $0.0e+00;
	s12 =	simm.s32 $0x9A0  }
0x54: {  	v4 =	vmul.f32 $1.442695020e+00, v4;
	v5 =	vadd.f32 v5, v13;
	v2 =	vsel vm2, v2, v10;
	v10 =	vld [tilespmem:s12+$0x10]  }
0x55: {  	v58 =	vmul.f32 $2.000000030e-01, v8;
	vm0 =	vge.f32 v8, $0.0e+00;
	v9 =	vadd.f32 v11, v9  }
0x56: {  	v60 =	vld [tilespmem:s11+$0x0];
	(erf) = vpow2.f32 v4;
	vm2 =	vge.f32 v5, $0.0e+00;
	v2 =	vmul.f32 $1.442695020e+00, v2  }
0x57: {  	v4 =	vld [tilespmem:s11+$0xFFFFFFF0];
	v8 =	vsel vm0, v8, v58;
	v59 =	vmul.f32 $2.000000030e-01, v9;
	v1 =	vadd.f32 v1, v3  }
0x58: {  	vm0 =	vge.f32 v9, $0.0e+00;
	v3 =	vmul.f32 $1.442695020e+00, v8;
	v8 =	vld [tilespmem:s12+$0xFFFFFFF0];
	(erf) = vpow2.f32 v2  }
0x59: {  	v14 =	vld [tilespmem:s11+$0xFFFFFFE0];
	v9 =	vsel vm0, v9, v59;
	v2 =	vmul.f32 $2.000000030e-01, v1;
	v7 =	vadd.f32 v10, v7  }
0x5a: {  	v11 =	vld [tilespmem:s12+$0xFFFFFFE0];
	vm1 =	vge.f32 v1, $0.0e+00;
	(erf) = vpow2.f32 v3;
	v10 =	vmul.f32 $2.000000030e-01, v5  }
0x5b: {  	v3 =	vld [tilespmem:s12+$0x0];
	(erf) = vpow2.f32 v6;
	v2 =	vsel vm1, v1, v2;
	v6 =	vmul.f32 $2.000000030e-01, v7  }
0x5c: {  	s12 =	simm.s32 $0x1E0;
	v1 =	vsel vm2, v5, v10;
	v5 =	vmul.f32 $1.442695020e+00, v9;
	vm0 =	vge.f32 v7, $0.0e+00  }
0x5d: {  	s2 =	simm.s32 $0x9E0;
	v61 =	vld [tilespmem:s12+$0x10];
	v15 =	vadd.f32 v8, v4;
	v4 =	vsel vm0, v7, v6  }
0x5e: {  	v9 =	vld [tilespmem:s2+$0x10];
	v7 =	vmul.f32 $1.442695020e+00, v4  }
0x5f: {  	v8 =	vmul.f32 $1.442695020e+00, v1;
	v1 =	vld [tilespmem:s2+$0xFFFFFFE0];
	(erf) = vpow2.f32 v5;
	v6 =	vadd.f32 v11, v14  }
0x60: {  	s31 =	simm.s32 $0x1120;
	v16 =	vmul.f32 $1.442695020e+00, v2;
	v2 =	vld [tilespmem:s12+$0xFFFFFFF0];
	v17 =	vmul.f32 $2.000000030e-01, v15;
	v13 =	vadd.f32 v3, v60;
	v5 =	vpop (erf)  }
0x61: {  	v4 =	vld [tilespmem:s2+$0xFFFFFFF0];
	(erf) = vpow2.f32 v8;
	v10 =	vmul.f32 $2.000000030e-01, v6;
	[tilespmem:s31+$0x10] =	vst v5;
	v3 =	vpop (erf)  }
0x62: {  	vm1 =	vge.f32 v15, $0.0e+00;
	v62 =	vmul.f32 $2.000000030e-01, v13;
	(erf) = vpow2.f32 v7;
	v5 =	vld [tilespmem:s2+$0x0];
	[tilespmem:s31+$0xFFFFFFF0] =	vst v3;
	v7 =	vpop (erf)  }
0x63: {  	s0 =	simm.s32 $0x1160;
	vm2 =	vge.f32 v13, $0.0e+00;
	v8 =	vadd.f32 v9, v61;
	v3 =	vld [tilespmem:s12+$0x0];
	(erf) = vpow2.f32 v16;
	v63 =	vpop (erf);
	[tilespmem:s31+$0xFFFFFFE0] =	vst v7  }
0x64: {  	s11 =	simm.s32 $0xC;
	vm0 =	vge.f32 v6, $0.0e+00;
	v11 =	vsel vm1, v15, v17;
	v9 =	vsel vm2, v13, v62;
	v7 =	vld [tilespmem:s12+$0xFFFFFFE0];
	s12 =	simm.s32 $0x220;
	[tilespmem:s0+$0x10] =	vst v63  }
.LBB2_5:
0x65: {  	v12 =	vld [tilespmem:s12+$0x10];
	v13 =	vmul.f32 $2.000000030e-01, v8;
	s2 =	sadd.s32 $0x40, s2;
	v6 =	vsel vm0, v6, v10;
	v10 =	vmul.f32 $1.442695020e+00, v11;
	v11 =	vpop (erf)  }
0x66: {  	s11 =	sadd.s32 $0x4, s11;
	vm0 =	vge.f32 v8, $0.0e+00;
	v14 =	vld [tilespmem:s2+$0x10];
	v15 =	vadd.f32 v4, v2;
	v16 =	vmul.f32 $1.442695020e+00, v6;
	[tilespmem:s31+$0x0] =	vst v11;
	s31 =	smov.u32 s0  }
0x67: {  	p0 =	slt.u32 s11, $0x7C;
	v17 =	vld [tilespmem:s2+$0xFFFFFFE0];
	v4 =	vsel vm0, v8, v13;
	v13 =	vmul.f32 $1.442695020e+00, v9;
	(erf) = vpow2.f32 v10  }
.Ltmp1:
0x68: {  	v2 =	vld [tilespmem:s12+$0xFFFFFFF0];
	v9 =	vmul.f32 $2.000000030e-01, v15;
	v18 =	vadd.f32 v5, v3;
	v5 =	vmul.f32 $1.442695020e+00, v4;
	v3 =	vpop (erf);
	(pc) =	sbr.rel @p0 .LBB2_5-.Ltmp1, $4  }
0x69: {  	vm1 =	vge.f32 v15, $0.0e+00;
	v4 =	vld [tilespmem:s2+$0xFFFFFFF0];
	v6 =	vadd.f32 v1, v7;
	(erf) = vpow2.f32 v16;
	[tilespmem:s0+$0xFFFFFFF0] =	vst v3  }
0x6a: {  	v3 =	vld [tilespmem:s12+$0x0];
	vm2 =	vge.f32 v18, $0.0e+00;
	v16 =	vmul.f32 $2.000000030e-01, v18;
	(erf) = vpow2.f32 v5;
	v7 =	vpop (erf)  }
0x6b: {  	s0 =	sadd.s32 $0x40, s0;
	v5 =	vld [tilespmem:s2+$0x0];
	v8 =	vadd.f32 v14, v12;
	vm0 =	vge.f32 v6, $0.0e+00;
	v10 =	vmul.f32 $2.000000030e-01, v6;
	v12 =	vpop (erf);
	[tilespmem:s31+$0xFFFFFFE0] =	vst v7  }
0x6c: {  	v11 =	vsel vm1, v15, v9;
	v7 =	vld [tilespmem:s12+$0xFFFFFFE0];
	s12 =	sadd.s32 $0x40, s12;
	v9 =	vsel vm2, v18, v16;
	[tilespmem:s0+$0x10] =	vst v12;
	(erf) = vpow2.f32 v13;
	v1 =	vmovc v17  }
0x6d: {  	_ =	sdelay $0x1  }
0x6e: {  	v12 =	vmul.f32 $2.000000030e-01, v8;
	v6 =	vsel vm0, v6, v10;
	v56 =	vmul.f32 $1.442695020e+00, v11  }
0x6f: {  	vm14 =	vge.f32 v8, $0.0e+00;
	v59 =	vmul.f32 $1.442695020e+00, v9;
	v2 =	vadd.f32 v4, v2  }
0x70: {  	v57 =	vmul.f32 $1.442695020e+00, v6;
	v58 =	vsel vm14, v8, v12;
	v1 =	vadd.f32 v1, v7  }
0x71: {  	(erf) = vpow2.f32 v56;
	v3 =	vadd.f32 v5, v3;
	v60 =	vmul.f32 $2.000000030e-01, v2  }
0x72: {  	v6 =	vmul.f32 $1.442695020e+00, v58;
	vm15 =	vge.f32 v2, $0.0e+00;
	v61 =	vmul.f32 $2.000000030e-01, v1  }
0x73: {  	(erf) = vpow2.f32 v57;
	v2 =	vsel vm15, v2, v60;
	vm2 =	vge.f32 v1, $0.0e+00  }
0x74: {  	v62 =	vmul.f32 $2.000000030e-01, v3;
	v2 =	vmul.f32 $1.442695020e+00, v2;
	v1 =	vsel vm2, v1, v61  }
0x75: {  	vm1 =	vge.f32 v3, $0.0e+00;
	(erf) = vpow2.f32 v6;
	v1 =	vmul.f32 $1.442695020e+00, v1  }
0x76: {  	(erf) = vpow2.f32 v59;
	v3 =	vsel vm1, v3, v62  }
0x77: {  	v63 =	vpop (erf);
	v3 =	vmul.f32 $1.442695020e+00, v3;
	(erf) = vpow2.f32 v2  }
0x78: {  	[tilespmem:s31+$0x0] =	vst v63;
	v2 =	vpop (erf);
	(erf) = vpow2.f32 v1  }
0x79: {  	[tilespmem:s0+$0xFFFFFFF0] =	vst v2;
	v1 =	vpop (erf);
	(erf) = vpow2.f32 v3  }
0x7a: {  	s2 =	sadd.s32 $0x40, s0;
	v2 =	vpop (erf);
	[tilespmem:s0+$0xFFFFFFE0] =	vst v1  }
0x7b: {  	v1 =	vpop (erf);
	[tilespmem:s2+$0x10] =	vst v2  }
0x7c: {  	v2 =	vpop (erf);
	[tilespmem:s0+$0x0] =	vst v1  }
0x7d: {  	[tilespmem:s2+$0xFFFFFFF0] =	vst v2;
	v1 =	vpop (erf)  }
0x7e: {  	s12 =	sadd.s32 $0x40, s2;
	v2 =	vpop (erf);
	[tilespmem:s2+$0xFFFFFFE0] =	vst v1  }
0x7f: {  	[tilespmem:s12+$0x10] =	vst v2;
	v1 =	vpop (erf)  }
0x80: {  	[tilespmem:s2+$0x0] =	vst v1;
	v1 =	vpop (erf)  }
0x81: {  	[tilespmem:s12+$0xFFFFFFF0] =	vst v1;
	v1 =	vpop (erf)  }
0x82: {  	s30 =	sshll.u32 s30, $0x1;
	[tilespmem:s12+$0xFFFFFFE0] =	vst v1;
	v1 =	vpop (erf)  }
0x83: {  	s31 =	sadd.s32 s8, s30;
	[tilespmem:s12+$0x0] =	vst v1  }
0x84: {  	[hbm4b:s31+s4] =	stream.linear.scatter [tilespmem:s25], [sflag:$0x5], $0x800, $0x38;
	[tilespmem:$0x4100] =	vst v63  }
0x85: {  	s29 =	sadd.s32 $0x1, s29  }
0x86: {  	[spmem:s3] =	stream.indirect.scatter.add.f32 [tilespmem:s25], [sflag:$0x6], $0x10, s19, s19, $0xb8;
	[tilespmem:$0x4100] =	vst v63  }
0x87: {  	p0 =	sne.s32 s29, $0x52;
	_ =	swait.ge [sflag:s18], $0x800  }
.Ltmp2:
0x88: {  	[sflag:s18] =	ssyncset.done $0x0;
	(pc) =	sbr.rel @p0 .LBB2_4-.Ltmp2, $4  }
0x89: {  	[sflag:s18] =	ssyncadd.s32 $0xFFFFF800  }
0x8a: {  	_ =	swait.ge [sflag:s26], $0x800  }
0x8b: {  	[sflag:s26] =	ssyncset.done $0x0  }
0x8c: {  	[sflag:s26] =	ssyncadd.s32 $0xFFFFF800  }
0x8d: {  	s0 =	stileid.u32;
	s28 =	sadd.s32 $0x1, s28  }
0x8e: {  	[bflag:$0x0] =	sbarrier.arrive $0xFFFF;
	s0 =	sshll.u32 s0, $0x6;
	p0 =	sne.s32 s28, s16  }
.Ltmp3:
0x8f: {  	s2 =	sshrl.u32 s10, $0x3;
	s0 =	sor.u32 $0x1C06, s0;
	(pc) =	sbr.rel @p0 .LBB2_1-.Ltmp3, $4  }
0x90: {  	[hbm:s15], [sflag:s0] =	dma.local [spmem:s2], $0x500  }
0x91: {  	_ =	swait.ge [sflag:s18], $0x500  }
0x92: {  	[sflag:s18] =	ssyncset.done $0x0  }
0x93: {  	[sflag:s18] =	ssyncadd.s32 $0xFFFFFB00  }
0x94: {  	_ =	sfence.sel $0x180000  }
0x95: {  	[bflag:$0x0] =	sbarrier.arrive $0xFFFF  }
0x96: {  	_ =	strace $0x9000004D  }
0x97: {  	s0 =	stileid.u32;
	[bflag:$0x2] =	sbarrier.arrive $0xFFFF  }
0x98: {  	p0 =	sne.s32 s0, $0x0;
	s0 =	rddreg [dreg:$0x3]  }
0x99: {  	s0 =	sadd.s32 @!p0 $0x100000, s0  }
0x9a: {  	[sflag:s0] =	ssyncadd.tile.s32 @!p0 $0x1;
	_ =	shalt  }
.Lfunc_end2:
_tile_overlayer_lowered:
.L_overlay_start_2:
0x9b: {  	(tag) =	ssettag $0x2  }
0x9c: {  	s0 =	rddreg [dreg:$0x0];
	s2 =	stileid.u32  }
0x9d: {  	s1 =	rddreg [dreg:$0x1];
	p0 =	sne.s32 s2, $0x0  }
0x9e: {  	s3 =	rddreg [dreg:$0x2];
	[bflag:$0x3] =	sbarrier.arrive $0xFFFF;
	s2 =	simm.s32 @!p0 $0x1C06  }
0x9f: {  	[timem:s3], [sflag:s2] =	dma.local @!p0 [hbm:s0], s1  }
0xa0: {  	s0 =	simm.s32 @!p0 $0x6  }
0xa1: {  	_ =	swait.ge @!p0 [sflag:s0], s1  }
0xa2: {  	s1 =	ssub.s32 @!p0 $0x0, s1;
	[sflag:s0] =	ssyncset.done @!p0 $0x0  }
0xa3: {  	[sflag:s0] =	ssyncadd.s32 @!p0 s1  }
0xa4: {  	[bflag:$0x3] =	sbarrier.arrive $0xFFFF  }
0xa5: {  	_ =	shalt  }

// kernel: kernel.26.cloned.1.call-start
scs
__scs_entry_jumppad:
0x0: {  	(pc) =	sbr.rel $0x88, $3  }
0x1: {  	(tag) =	ssettag $0x0;
	lr =	simm.s32 $0x1  }
0x2: {  	[smem:$0x3F93] =	sst lr;
	_ =	strace $0xD0000000  }
0x3: {  	_ = 	snop  }
0x4: {  	_ = 	snop  }
0x5: {  	_ = 	snop  }
0x6: {  	_ = 	snop  }
0x7: {  	_ = 	snop  }
__scs_overlays_trampoline_lowered:
0x8: {  	[smem:$0x3FA2] =	sst s0  }
0x9: {  	[smem:$0x3FA3] =	sst s1  }
0xa: {  	[smem:$0x3FA4] =	sst s2  }
0xb: {  	[smem:$0x3FA5] =	sst s3  }
0xc: {  	[smem:$0x3FA6] =	sst s4  }
0xd: {  	[smem:$0x3FA7] =	sst s5  }
0xe: {  	[smem:$0x3FA8] =	sst s6  }
0xf: {  	[smem:$0x3FA9] =	sst s7  }
0x10: {  	[smem:$0x3FAA] =	sst s8  }
0x11: {  	[smem:$0x3FAB] =	sst s9;
	s0 =	simm.s32 @!p0 $0x0  }
0x12: {  	s1 =	sld [smem:$0x3F91];
	s0 =	simm.s32 @p0 $0x1  }
0x13: {  	[smem:$0x3FAC] =	sst s0;
	s0 =	simm.s32 @!p1 $0x0  }
0x14: {  	s2 =	sld [smem:$0x3F90];
	s0 =	simm.s32 @p1 $0x1  }
0x15: {  	[smem:$0x3FAD] =	sst s0;
	s0 =	simm.s32 @!p2 $0x0  }
0x16: {  	s3 =	sld [smem:$0x3FDB];
	s0 =	simm.s32 @p2 $0x1  }
0x17: {  	s4 =	simm.s32 $0x1BF5;
	[smem:$0x3FAF] =	sst s0  }
0x18: {  	s0 =	sld [smem:$0x3F92];
	_ =	swait.ge [sflag:s4], $0x0  }
0x19: {  	s7 =	sld [smem:$0x3F93]  }
0x1a: {  	s8 =	sadd.s32 $0xFFFFE003, lr  }
0x1b: {  	s9 =	sadd.s32 $0xFFFFFEF7, lr;
	s5 =	simm.s32 $0xFFFFFFFF;
	p2 =	slt.u32 s8, $0xFFFFF086  }
0x1c: {  	p1 =	slt.u32 s9, $0xF7A;
	s5 =	simm.s32 @!p2 $0x0  }
0x1d: {  	s5 =	simm.s32 @p1 $0x1;
	p0 =	seq.s32 s7, s2  }
0x1e: {  	s7 =	smul.u32 @!p0 $0xF7A, s2;
	p2 =	seq.s32 @!p0 s5, $0x0  }
0x1f: {  	s9 =	smul.u32 $0xF7A, s1;
	s8 =	simm.s32 @!p0 $0x1BF5;
	p2 =	por !p2, p0  }
0x20: {  	[sflag:s8] =	ssyncset.s32 @!p0 $0xFFFFF086;
	s6 =	sadd.s32 @!p0 s3, s7;
	s7 =	simm.s32 @!p0 $0x108  }
0x21: {  	s3 =	sadd.s32 s3, s9;
	s6 =	sadd.s32 @!p0 $0x88, s6;
	s7 =	simm.s32 @p2 $0x1082  }
0x22: {  	[simem:s7], [sflag:s8] =	dma.local @!p0 [hbm:s6], $0xF7A  }
0x23: {  	s9 =	sor.u32 $0xD0000000, s2;
	s6 =	simm.s32 $0x108;
	_ =	swait.ge @!p0 [sflag:s8], $0x0  }
0x24: {  	s3 =	sadd.s32 $0x88, s3;
	s6 =	simm.s32 @!p1 $0x1082;
	[sflag:s4] =	ssyncset.s32 $0xFFFFF086  }
0x25: {  	[simem:s6], [sflag:s4] =	dma.local [hbm:s3], $0xF7A  }
0x26: {  	[smem:$0x3F93] =	sst s1;
	(tag) =	ssettag s2;
	_ =	strace s9  }
0x27: {  	s1 =	sld [smem:$0x3FA3]  }
0x28: {  	s2 =	sld [smem:$0x3FA4]  }
0x29: {  	s4 =	sld [smem:$0x3FA6]  }
0x2a: {  	p0 =	seq.s32 s5, $0x0;
	s5 =	sld [smem:$0x3FA7]  }
0x2b: {  	s6 =	sld [smem:$0x3FA8]  }
0x2c: {  	s7 =	sld [smem:$0x3FA9]  }
0x2d: {  	s3 =	simm.s32 $0x108;
	s8 =	sld [smem:$0x3FAA]  }
0x2e: {  	s3 =	simm.s32 @!p0 $0x1082;
	s9 =	sld [smem:$0x3FAB]  }
0x2f: {  	lr =	sadd.s32 s0, s3;
	s0 =	sld [smem:$0x3FA2]  }
0x30: {  	s3 =	sld [smem:$0x3FA5]  }
0x31: {  	[smem:$0x3FAE] =	sst s10  }
0x32: {  	s10 =	sld [smem:$0x3FAC];
	_ =	sdelay $0x3  }
0x33: {  	p0 =	seq.s32 s10, $0x1;
	s10 =	sld [smem:$0x3FAE];
	_ =	sdelay $0x3  }
0x34: {  	[smem:$0x3FAE] =	sst s10  }
0x35: {  	s10 =	sld [smem:$0x3FAD];
	_ =	sdelay $0x3  }
0x36: {  	p1 =	seq.s32 s10, $0x1;
	s10 =	sld [smem:$0x3FAE];
	_ =	sdelay $0x3  }
0x37: {  	[smem:$0x3FAE] =	sst s10  }
0x38: {  	s10 =	sld [smem:$0x3FAF]  }
0x39: {  	_ = 	snop;
	(pc) =	sbr.ind lr, $3  }
0x3a: {  	_ = 	snop  }
0x3b: {  	_ = 	snop  }
0x3c: {  	p2 =	seq.s32 s10, $0x1;
	s10 =	sld [smem:$0x3FAE]  }
0x3d: {  	_ =	shalt  }
0x3e: {  	_ =	shalt  }
0x3f: {  	_ =	shalt  }
0x40: {  	_ =	shalt  }
0x41: {  	_ =	shalt  }
0x42: {  	_ =	shalt  }
0x43: {  	_ =	shalt  }
0x44: {  	_ =	shalt  }
0x45: {  	_ =	shalt  }
0x46: {  	_ =	shalt  }
0x47: {  	_ =	shalt  }
0x48: {  	_ =	shalt  }
0x49: {  	_ =	shalt  }
0x4a: {  	_ =	shalt  }
0x4b: {  	_ =	shalt  }
0x4c: {  	_ =	shalt  }
0x4d: {  	_ =	shalt  }
0x4e: {  	_ =	shalt  }
0x4f: {  	_ =	shalt  }
0x50: {  	_ =	shalt  }
0x51: {  	_ =	shalt  }
0x52: {  	_ =	shalt  }
0x53: {  	_ =	shalt  }
0x54: {  	_ =	shalt  }
0x55: {  	_ =	shalt  }
0x56: {  	_ =	shalt  }
0x57: {  	_ =	shalt  }
0x58: {  	_ =	shalt  }
0x59: {  	_ =	shalt  }
0x5a: {  	_ =	shalt  }
0x5b: {  	_ =	shalt  }
0x5c: {  	_ =	shalt  }
0x5d: {  	_ =	shalt  }
0x5e: {  	_ =	shalt  }
0x5f: {  	_ =	shalt  }
0x60: {  	_ =	shalt  }
0x61: {  	_ =	shalt  }
0x62: {  	_ =	shalt  }
0x63: {  	_ =	shalt  }
0x64: {  	_ =	shalt  }
0x65: {  	_ =	shalt  }
0x66: {  	_ =	shalt  }
0x67: {  	_ =	shalt  }
0x68: {  	_ =	shalt  }
0x69: {  	_ =	shalt  }
0x6a: {  	_ =	shalt  }
0x6b: {  	_ =	shalt  }
0x6c: {  	_ =	shalt  }
0x6d: {  	_ =	shalt  }
0x6e: {  	_ =	shalt  }
0x6f: {  	_ =	shalt  }
0x70: {  	_ =	shalt  }
0x71: {  	_ =	shalt  }
0x72: {  	_ =	shalt  }
0x73: {  	_ =	shalt  }
0x74: {  	_ =	shalt  }
0x75: {  	_ =	shalt  }
0x76: {  	_ =	shalt  }
0x77: {  	_ =	shalt  }
0x78: {  	_ =	shalt  }
0x79: {  	_ =	shalt  }
0x7a: {  	_ =	shalt  }
0x7b: {  	_ =	shalt  }
0x7c: {  	_ =	shalt  }
0x7d: {  	_ =	shalt  }
0x7e: {  	_ =	shalt  }
0x7f: {  	_ =	shalt  }
0x80: {  	_ =	shalt  }
0x81: {  	_ =	shalt  }
0x82: {  	_ =	shalt  }
0x83: {  	_ =	shalt  }
0x84: {  	_ =	shalt  }
0x85: {  	_ =	shalt  }
0x86: {  	_ =	shalt  }
0x87: {  	_ =	shalt  }
.Lfunc_end0:
.L_simem_size_0:
called_computation.3_lowered:
.L_overlay_start_0:
0x88: {  	s2 =	sld [smem:$0x3FD9]  }
0x89: {  	s3 =	sld [smem:$0x3FFE];
	_ =	sdelay $0x1  }
0x8a: {  	s1 =	srdreg.scid  }
0x8b: {  	s0 =	sand.u32 $0x1, s1  }
0x8c: {  	s17 =	sshll.u32 s0, $0xA;
	s2 =	sadd.s32 s3, s2  }
0x8d: {  	s2 =	sadd.s32 s2, s17  }
0x8e: {  	[smem:$0x3FBA] =	sst s2  }
0x8f: {  	_ = 	snop  }
0x90: {  	s2 =	sld [smem:$0x3FD0];
	(tm) =	ssettm $0x1  }
0x91: {  	s18 =	sld [smem:$0x3FFB];
	_ =	sdelay $0x3  }
0x92: {  	_ =	strace s18  }
0x93: {  	s3 =	sld [smem:$0x3FFC];
	_ =	sdelay $0x3  }
0x94: {  	_ =	strace s3  }
0x95: {  	s3 =	sld [smem:$0x3FFD];
	_ =	sdelay $0x3  }
0x96: {  	_ =	strace s3  }
0x97: {  	_ =	strace $0x8FFFFFFF  }
0x98: {  	s19 =	sld [smem:$0x3FDB];
	_ =	sdelay $0x1  }
0x99: {  	s4 =	simm.s32 $_scs_section_size  }
0x9a: {  	s5 =	simm.s32 $_size__tile_overlayer_lowered;
	s6 =	simm.s32 $_tile_overlayer_lowered  }
0x9b: {  	s22 =	simm.s32 $0x1BFF;
	s21 =	sshll.u32 s6, $0x1;
	s3 =	sadd.s32 s4, s19  }
0x9c: {  	s7 =	simm.s32 $0x0;
	s20 =	sshll.u32 s5, $0x1;
	s5 =	sadd.s32 s21, s3  }
0x9d: {  	[timem:s7], [sflag:s22] =	dma.local [hbm:s5], s20  }
0x9e: {  	_ =	swait.ge [sflag:s22], s20  }
0x9f: {  	s4 =	ssub.s32 $0x0, s20;
	[sflag:s22] =	ssyncset.done $0x0  }
0xa0: {  	[sflag:s22] =	ssyncadd.s32 s4;
	_ =	sdelay $0x1  }
0xa1: {  	s23 =	simm.s32 $0x1B8B  }
0xa2: {  	_ =	swait.ge [sflag:s23], $0x1  }
0xa3: {  	[sflag:s23] =	ssyncset.done $0x0  }
0xa4: {  	s25 =	simm.s32 $0x1B8E;
	s24 =	sld [smem:$0x3FFE];
	[sflag:s23] =	ssyncadd.s32 $0xFFFFFFFF  }
0xa5: {  	s26 =	simm.s32 $execute0_lowered;
	[smem:$0x3FD2] =	sst s25  }
0xa6: {  	s5 =	sshll.u32 s26, $0x1;
	_ =	strace $0x8000004F;
	[dreg:$0x1] =	wrdreg $0xFFFFFFFF  }
0xa7: {  	s28 =	simm.s32 $_size_execute0_lowered;
	s3 =	sadd.s32 s3, s5;
	[dreg:$0x0] =	wrdreg $0x0  }
0xa8: {  	s5 =	sshll.u32 s28, $0x1;
	[dreg:$0x2] =	wrdreg s3  }
0xa9: {  	[dreg:$0x3] =	wrdreg s5  }
0xaa: {  	[dreg:$0x4] =	wrdreg $0xC0  }
0xab: {  	_ =	task [dreg:s7], $0x5FFFF  }
0xac: {  	[dreg:$0x1] =	wrdreg $0xFFFFFFFF  }
0xad: {  	[dreg:$0x0] =	wrdreg $0x60  }
0xae: {  	[dreg:$0x2] =	wrdreg s2  }
0xaf: {  	[dreg:$0x3] =	wrdreg s24  }
0xb0: {  	[dreg:$0x4] =	wrdreg $0x51800  }
0xb1: {  	[dreg:$0x5] =	wrdreg $0x9  }
0xb2: {  	_ =	task.clear_ibuf [dreg:s7], $0x6FFFF;
	_ =	strace $0x9000004F  }
0xb3: {  	s29 =	simm.s32 $0x9;
	_ =	strace $0x80000051  }
0xb4: {  	_ =	swait.ge [sflag:s29], $0x1  }
0xb5: {  	[sflag:s29] =	ssyncadd.s32 $0xFFFFFFFF  }
0xb6: {  	_ =	strace $0x90000051  }
0xb7: {  	_ =	sfence  }
0xb8: {  	s30 =	sld [smem:$0x0];
	_ =	sdelay $0x2  }
0xb9: {  	s31 =	sshll.u32 s1, $0xD;
	s1 =	sshrl.u32 s1, $0x2  }
0xba: {  	s3 =	sand.u32 $0x4000, s31;
	s1 =	sadd.s32 s1, s30  }
0xbb: {  	s0 =	sor.u32 s3, s0;
	s1 =	sshll.u32 s1, $0x11  }
0xbc: {  	s0 =	sor.u32 s1, s0  }
0xbd: {  	s0 =	sadd.s32 $0x8F2B, s0  }
0xbe: {  	[sflag:s0] =	ssyncadd.remote.s32 $0x1  }
0xbf: {  	_ =	sfence.sel $0xFFFF  }
0xc0: {  	[dreg:$0x0] =	wrdreg $0xFFFFFFFF;
	(pc) =	sbr.abs _section_cstart, $3  }
0xc1: {  	[dreg:$0x1] =	wrdreg $0xFFFFFFFF  }
0xc2: {  	_ =	task.clear_ibuf [dreg:s7], $0x2FFFF;
	_ =	strace $0x9FFFFFFF  }
0xc3: {  	(tm) =	ssettm $0x7FFFFFFF  }
tec
execute0_lowered:
.L_overlay_start_1:
0x0: {  	(tag) =	ssettag $0x1  }
0x1: {  	s1 =	rddreg [dreg:$0x0]  }
0x2: {  	s0 =	rddreg [dreg:$0x1]  }
0x3: {  	s2 =	rddreg [dreg:$0x2];
	s3 =	srdreg.scid;
	s4 =	simm.s32 $0x0  }
0x4: {  	s12 =	stileid.u32;
	s17 =	simm.s32 $0x180;
	s18 =	simm.s32 $0x6  }
0x5: {  	s19 =	simm.s32 $0x80;
	s20 =	simm.s32 $0x4180;
	s21 =	simm.s32 $0x1  }
0x6: {  	s22 =	simm.s32 $0x100;
	s24 =	simm.s32 $0x4980;
	s28 =	simm.s32 $0x4  }
0x7: {  	s29 =	simm.s32 $0x0;
	s3 =	sand.u32 $0x1, s3;
	[smem:$0x7FF] =	sst s4  }
0x8: {  	s6 =	sadd.s32 $0xC2C00, s0;
	s10 =	smul.u32 $0x50000, s12;
	s7 =	sadd.s32 $0xAEC00, s0  }
0x9: {  	s8 =	sadd.s32 $0x5EC00, s0;
	s5 =	sshll.u32 s3, $0x4;
	_ =	strace $0x80000050  }
0xa: {  	s11 =	ssub.s32 $0x2, s3;
	s31 =	sshll.u32 s3, $0x1;
	s23 =	smul.u32 $0x2800, s3  }
0xb: {  	s3 =	sshllo.u32 s3, $0x1;
	s5 =	sor.u32 s12, s5;
	s25 =	sshrl.u32 s11, $0x1  }
0xc: {  	s10 =	sshrl.u32 s10, $0x2;
	s9 =	smul.u32 $0x2800, s5;
	s5 =	sadd.s32 $0x4800, s0  }
0xd: {  	s11 =	ssub.s32 s11, s25;
	s10 =	sadd.s32 s10, s2;
	v0 =	vmov s23;
	s23 =	simm.s32 $0x2  }
0xe: {  	s25 =	simm.s32 $0x3;
	s26 =	sadd.s32 $0x4000, s10;
	s30 =	sadd.s32 $0x8000, s10  }
0xf: {  	s13 =	sadd.s32 $0xC000, s10;
	s14 =	sadd.s32 $0x10000, s10;
	s16 =	smax.u32 s11, $0x1  }
0x10: {  	v1 =	vmov s31;
	v2 =	vmov s3;
	s0 =	sadd.s32 s9, s0;
	s9 =	smul.u32 $0x5200, s12;
	[dreg:$0x4] =	wrdreg s26  }
0x11: {  	v3 =	vimm.f32 $0.0e+00;
	v1 =	vbroadcast v1, $0x0;
	v2 =	vbroadcast v2, $0x0;
	[dreg:$0x5] =	wrdreg s30;
	s26 =	simm.s32 $0x5;
	s15 =	sadd.s32 $0x166C00, s0  }
.LBB2_1:
0x12: {  	s0 =	simm.s32 $0x0;
	s3 =	simm.s32 $0x200  }
.LBB2_2:
0x13: {  	p0 =	sne.s32 s3, $0xFE00;
	[tilespmem:s0+$0x1F0] =	vst v3  }
0x14: {  	[tilespmem:s0+$0x180] =	vst v3  }
0x15: {  	[tilespmem:s0+$0x190] =	vst v3  }
.Ltmp0:
0x16: {  	[tilespmem:s0+$0x1A0] =	vst v3;
	(pc) =	sbr.rel @p0 .LBB2_2-.Ltmp0, $4  }
0x17: {  	[tilespmem:s0+$0x1B0] =	vst v3  }
0x18: {  	[tilespmem:s0+$0x1C0] =	vst v3  }
0x19: {  	[tilespmem:s0+$0x1D0] =	vst v3  }
0x1a: {  	[tilespmem:s0+$0x1E0] =	vst v3;
	s0 =	sshra.s32 s3, $0x2;
	s3 =	sadd.s32 $0x200, s3  }
0x1b: {  	[tilespmem:s0+$0x1F0] =	vst v3  }
0x1c: {  	[tilespmem:s0+$0x180] =	vst v3  }
0x1d: {  	[tilespmem:s0+$0x190] =	vst v3  }
0x1e: {  	[tilespmem:s0+$0x1A0] =	vst v3  }
0x1f: {  	[tilespmem:s0+$0x1B0] =	vst v3  }
0x20: {  	[tilespmem:s0+$0x1C0] =	vst v3  }
0x21: {  	[tilespmem:s0+$0x1D0] =	vst v3  }
0x22: {  	[tilespmem:s0+$0x1E0] =	vst v3  }
0x23: {  	[spmem:s10] =	stream.linear.scatter [tilespmem:s17], [sflag:$0x6], $0x4000, $0x38;
	[tilespmem:$0x19180] =	vst v63  }
0x24: {  	_ =	swait.ge [sflag:s18], $0x4000  }
0x25: {  	[sflag:s18] =	ssyncset.done $0x0  }
0x26: {  	s12 =	rddreg [dreg:$0x4];
	[sflag:s18] =	ssyncadd.s32 $0xFFFFC000  }
0x27: {  	[spmem:s12] =	stream.linear.scatter [tilespmem:s17], [sflag:$0x6], $0x4000, $0x38;
	[tilespmem:$0x19180] =	vst v63  }
0x28: {  	_ =	swait.ge [sflag:s18], $0x4000  }
0x29: {  	[sflag:s18] =	ssyncset.done $0x0  }
0x2a: {  	s31 =	rddreg [dreg:$0x5];
	[sflag:s18] =	ssyncadd.s32 $0xFFFFC000  }
0x2b: {  	[spmem:s31] =	stream.linear.scatter [tilespmem:s17], [sflag:$0x6], $0x4000, $0x38;
	[tilespmem:$0x19180] =	vst v63  }
0x2c: {  	_ =	swait.ge [sflag:s18], $0x4000  }
0x2d: {  	[sflag:s18] =	ssyncset.done $0x0  }
0x2e: {  	[sflag:s18] =	ssyncadd.s32 $0xFFFFC000  }
0x2f: {  	[spmem:s13] =	stream.linear.scatter [tilespmem:s17], [sflag:$0x6], $0x4000, $0x38;
	[tilespmem:$0x19180] =	vst v63  }
0x30: {  	_ =	swait.ge [sflag:s18], $0x4000  }
0x31: {  	[sflag:s18] =	ssyncset.done $0x0  }
0x32: {  	[sflag:s18] =	ssyncadd.s32 $0xFFFFC000  }
0x33: {  	[spmem:s14] =	stream.linear.scatter [tilespmem:s17], [sflag:$0x6], $0x4000, $0x38;
	[tilespmem:$0x19180] =	vst v63  }
0x34: {  	_ =	swait.ge [sflag:s18], $0x4000  }
0x35: {  	[sflag:s18] =	ssyncset.done $0x0  }
0x36: {  	[sflag:s18] =	ssyncadd.s32 $0xFFFFC000  }
0x37: {  	s30 =	simm.s32 $0x0;
	[bflag:$0x0] =	sbarrier.arrive $0xFFFF  }
.LBB2_4:
0x38: {  	s0 =	sshll.u32 s30, $0x7  }
0x39: {  	s0 =	sadd.s32 s9, s0  }
0x3a: {  	s3 =	sshrl.u32 s0, $0x3  }
0x3b: {  	s11 =	sadd.s32 s1, s3  }
0x3c: {  	[tilespmem:s4], [sflag:$0x1] =	stream.linear.gather [hbm4b:s11+s4], $0x80, $0x38;
	[tilespmem:$0x19180] =	vst v63  }
0x3d: {  	s0 =	sshll.u32 s0, $0x1;
	s3 =	sadd.s32 s5, s3  }
0x3e: {  	[tilespmem:s19], [sflag:$0x2] =	stream.linear.gather [hbm4b:s3+s4], $0x80, $0x38;
	[tilespmem:$0x19180] =	vst v63  }
0x3f: {  	s0 =	sadd.s32 s6, s0  }
0x40: {  	[tilespmem:s20], [sflag:$0x3] =	stream.linear.gather [hbm4b:s0+s4], $0x800, $0x38;
	[tilespmem:$0x19180] =	vst v63  }
0x41: {  	_ =	swait.ge [sflag:s21], $0x80  }
0x42: {  	[sflag:s21] =	ssyncset.done $0x0  }
0x43: {  	[sflag:s21] =	ssyncadd.s32 $0xFFFFFF80  }
0x44: {  	v4 =	vld [tilespmem:$0x0]  }
0x45: {  	v5 =	vld [tilespmem:$0x10]  }
0x46: {  	v6 =	vld [tilespmem:$0x20]  }
0x47: {  	v7 =	vld [tilespmem:$0x30]  }
0x48: {  	v8 =	vld [tilespmem:$0x40]  }
0x49: {  	v9 =	vld [tilespmem:$0x50];
	v4 =	vadd.s32 v0, v4  }
0x4a: {  	[tilespmem:$0x100] =	vst v4;
	v4 =	vadd.s32 v0, v5;
	v5 =	vld [tilespmem:$0x60]  }
0x4b: {  	[tilespmem:$0x110] =	vst v4;
	v4 =	vadd.s32 v0, v6;
	v6 =	vld [tilespmem:$0x70]  }
0x4c: {  	[tilespmem:$0x120] =	vst v4;
	v4 =	vadd.s32 v0, v7  }
0x4d: {  	[tilespmem:$0x130] =	vst v4;
	v4 =	vadd.s32 v0, v8  }
0x4e: {  	[tilespmem:$0x140] =	vst v4;
	v4 =	vadd.s32 v0, v9  }
0x4f: {  	[tilespmem:$0x150] =	vst v4;
	v4 =	vadd.s32 v0, v5  }
0x50: {  	[tilespmem:$0x160] =	vst v4;
	v4 =	vadd.s32 v0, v6  }
0x51: {  	[tilespmem:$0x170] =	vst v4  }
0x52: {  	[tilespmem:s17], [sflag:$0x4] =	stream.indirect.gather [hbm4b:s8+s19], $0x80, s22, s19, $0xb8;
	[tilespmem:$0x19180] =	vst v63  }
0x53: {  	_ =	swait.ge [sflag:s23], $0x80  }
0x54: {  	[sflag:s23] =	ssyncset.done $0x0  }
0x55: {  	[sflag:s23] =	ssyncadd.s32 $0xFFFFFF80  }
0x56: {  	[tilespmem:s24], [sflag:$0x5] =	stream.indirect.gather [hbm4b:s7+s19], $0x10, s19, s19, $0xb8;
	[tilespmem:$0x19180] =	vst v63  }
0x57: {  	_ =	swait.ge [sflag:s25], $0x800  }
0x58: {  	[sflag:s25] =	ssyncset.done $0x0  }
0x59: {  	[sflag:s25] =	ssyncadd.s32 $0xFFFFF800  }
0x5a: {  	_ =	swait.ge [sflag:s26], $0x800  }
0x5b: {  	[sflag:s26] =	ssyncset.done $0x0  }
0x5c: {  	[sflag:s26] =	ssyncadd.s32 $0xFFFFF800  }
0x5d: {  	_ =	swait.ge [sflag:s28], $0x4000  }
0x5e: {  	[sflag:s28] =	ssyncset.done $0x0  }
0x5f: {  	s12 =	simm.s32 $0x41A0;
	[sflag:s28] =	ssyncadd.s32 $0xFFFFC000  }
0x60: {  	s0 =	simm.s32 $0x49A0;
	v4 =	vld [tilespmem:s12+$0x10]  }
0x61: {  	v5 =	vld [tilespmem:s0+$0x10]  }
0x62: {  	v6 =	vld [tilespmem:s0+$0xFFFFFFE0]  }
0x63: {  	v7 =	vld [tilespmem:s12+$0xFFFFFFF0]  }
0x64: {  	s31 =	simm.s32 $0x280;
	v8 =	vld [tilespmem:s0+$0xFFFFFFF0]  }
0x65: {  	v9 =	vld [tilespmem:s31+$0xF0]  }
0x66: {  	v10 =	vld [tilespmem:s12+$0x0]  }
0x67: {  	v11 =	vld [tilespmem:s0+$0x0]  }
0x68: {  	v12 =	vld [tilespmem:s12+$0xFFFFFFE0]  }
0x69: {  	v13 =	vld [tilespmem:s31+$0xFFFFFF00]  }
0x6a: {  	v14 =	vld [tilespmem:s31+$0xFFFFFF10]  }
0x6b: {  	v15 =	vld [tilespmem:s31+$0xFFFFFF20]  }
0x6c: {  	v16 =	vld [tilespmem:s31+$0xFFFFFF30];
	v5 =	vmul.f32 v5, v4  }
0x6d: {  	v17 =	vld [tilespmem:s31+$0xFFFFFF50];
	v6 =	vmul.f32 v6, v12  }
0x6e: {  	v19 =	vld [tilespmem:s31+$0xFFFFFF60];
	v4 =	vperm.xlane v5, v2  }
0x6f: {  	v20 =	vld [tilespmem:s31+$0xFFFFFF70];
	v18 =	vperm.xlane v6, v1  }
0x70: {  	v12 =	vld [tilespmem:s31+$0xFFFFFF40];
	v9 =	vmul.f32 v9, v4  }
0x71: {  	v21 =	vld [tilespmem:s31+$0xFFFFFF80];
	v13 =	vmul.f32 v13, v18  }
0x72: {  	v61 =	vld [tilespmem:s31+$0x0];
	v6 =	vperm.xlane v6, v2;
	v15 =	vmul.f32 v15, v18;
	[tilespmem:s31+$0xF0] =	vst v9  }
0x73: {  	v62 =	vld [tilespmem:s31+$0x20];
	v16 =	vmul.f32 v16, v18;
	[tilespmem:s31+$0xFFFFFF00] =	vst v13  }
0x74: {  	v63 =	vld [tilespmem:s31+$0x90];
	v59 =	vmul.f32 v19, v6;
	[tilespmem:s31+$0xFFFFFF20] =	vst v15  }
0x75: {  	v7 =	vmul.f32 v8, v7;
	v8 =	vmul.f32 v12, v6;
	v12 =	vld [tilespmem:s31+$0xFFFFFFC0];
	[tilespmem:s31+$0xFFFFFF30] =	vst v16  }
0x76: {  	v9 =	vmul.f32 v14, v18;
	v14 =	vld [tilespmem:s31+$0xFFFFFF90];
	[tilespmem:s31+$0xFFFFFF60] =	vst v59  }
0x77: {  	v13 =	vld [tilespmem:s31+$0xFFFFFFA0];
	v15 =	vmul.f32 v17, v6;
	v17 =	vperm.xlane v7, v1;
	[tilespmem:s31+$0xFFFFFF40] =	vst v8  }
0x78: {  	v6 =	vmul.f32 v20, v6;
	v7 =	vperm.xlane v7, v2;
	v8 =	vld [tilespmem:s31+$0xFFFFFFE0];
	[tilespmem:s31+$0xFFFFFF10] =	vst v9  }
0x79: {  	v9 =	vld [tilespmem:s31+$0xFFFFFFB0];
	[tilespmem:s31+$0xFFFFFF50] =	vst v15;
	v60 =	vmul.f32 v21, v17  }
0x7a: {  	v10 =	vmul.f32 v11, v10;
	v16 =	vld [tilespmem:s31+$0xFFFFFFD0];
	[tilespmem:s31+$0xFFFFFF70] =	vst v6;
	v11 =	vmul.f32 v12, v7  }
0x7b: {  	v15 =	vld [tilespmem:s31+$0xFFFFFFF0];
	[tilespmem:s31+$0xFFFFFF80] =	vst v60;
	v14 =	vmul.f32 v14, v17  }
0x7c: {  	v6 =	vld [tilespmem:s31+$0x10];
	v13 =	vmul.f32 v13, v17;
	[tilespmem:s31+$0xFFFFFFC0] =	vst v11  }
0x7d: {  	v12 =	vld [tilespmem:s31+$0x40];
	v8 =	vmul.f32 v8, v7;
	[tilespmem:s31+$0xFFFFFF90] =	vst v14  }
0x7e: {  	v11 =	vld [tilespmem:s31+$0x60];
	v9 =	vmul.f32 v9, v17;
	[tilespmem:s31+$0xFFFFFFA0] =	vst v13  }
0x7f: {  	v14 =	vld [tilespmem:s31+$0x30];
	v13 =	vmul.f32 v16, v7;
	v16 =	vperm.xlane v10, v1;
	[tilespmem:s31+$0xFFFFFFE0] =	vst v8  }
0x80: {  	v7 =	vmul.f32 v15, v7;
	v15 =	vld [tilespmem:s31+$0x70];
	[tilespmem:s31+$0xFFFFFFB0] =	vst v9  }
0x81: {  	v9 =	vld [tilespmem:s31+$0x50];
	[tilespmem:s31+$0xFFFFFFD0] =	vst v13;
	v13 =	vmul.f32 v61, v16  }
0x82: {  	v17 =	vld [tilespmem:s31+$0x80];
	v8 =	vmul.f32 v6, v16;
	[tilespmem:s31+$0xFFFFFFF0] =	vst v7  }
0x83: {  	v10 =	vperm.xlane v10, v2;
	v19 =	vmul.f32 v62, v16;
	v6 =	vld [tilespmem:s31+$0xA0];
	[tilespmem:s31+$0x0] =	vst v13  }
0x84: {  	v5 =	vperm.xlane v5, v1;
	v7 =	vld [tilespmem:s31+$0xB0];
	[tilespmem:s31+$0x10] =	vst v8;
	v14 =	vmul.f32 v14, v16  }
0x85: {  	[tilespmem:s31+$0x20] =	vst v19;
	v8 =	vld [tilespmem:s31+$0xC0];
	v13 =	vmul.f32 v11, v10;
	v16 =	vmul.f32 v12, v10  }
0x86: {  	v11 =	vmul.f32 v15, v10;
	v12 =	vmul.f32 v9, v10;
	[tilespmem:s31+$0x30] =	vst v14;
	v9 =	vld [tilespmem:s31+$0xD0]  }
0x87: {  	s11 =	simm.s32 $0x0;
	s3 =	simm.s32 $0x280;
	s12 =	simm.s32 $0x41E0;
	v15 =	vmul.f32 v63, v5;
	v14 =	vmul.f32 v17, v5;
	[tilespmem:s31+$0x40] =	vst v16;
	v10 =	vld [tilespmem:s31+$0xE0]  }
.LBB2_5:
0x88: {  	v16 =	vld [tilespmem:s12+$0x10];
	[tilespmem:s31+$0x50] =	vst v12;
	v6 =	vmul.f32 v6, v5;
	s0 =	sadd.s32 $0x40, s0  }
0x89: {  	s11 =	sadd.s32 $0x4, s11;
	v12 =	vld [tilespmem:s0+$0x10];
	[tilespmem:s31+$0x60] =	vst v13;
	v5 =	vmul.f32 v7, v5  }
0x8a: {  	p0 =	slt.u32 s11, $0x7C;
	v7 =	vld [tilespmem:s0+$0xFFFFFFE0];
	[tilespmem:s31+$0x70] =	vst v11;
	v8 =	vmul.f32 v8, v4  }
0x8b: {  	v11 =	vld [tilespmem:s12+$0xFFFFFFF0];
	[tilespmem:s31+$0x80] =	vst v14;
	v9 =	vmul.f32 v9, v4  }
0x8c: {  	s31 =	sadd.s32 $0x200, s31;
	v13 =	vld [tilespmem:s0+$0xFFFFFFF0];
	[tilespmem:s3+$0x90] =	vst v15;
	v10 =	vmul.f32 v10, v4  }
0x8d: {  	v14 =	vld [tilespmem:s31+$0xF0];
	[tilespmem:s3+$0xA0] =	vst v6  }
0x8e: {  	v6 =	vld [tilespmem:s12+$0x0];
	v4 =	vmul.f32 v12, v16;
	[tilespmem:s3+$0xB0] =	vst v5  }
0x8f: {  	v12 =	vld [tilespmem:s0+$0x0];
	[tilespmem:s3+$0xC0] =	vst v8  }
0x90: {  	v8 =	vld [tilespmem:s12+$0xFFFFFFE0];
	v5 =	vperm.xlane v4, v1;
	v4 =	vperm.xlane v4, v2;
	[tilespmem:s3+$0xD0] =	vst v9  }
0x91: {  	v9 =	vld [tilespmem:s31+$0xFFFFFF00];
	v11 =	vmul.f32 v13, v11;
	[tilespmem:s3+$0xE0] =	vst v10;
	s3 =	smov.u32 s31  }
0x92: {  	v10 =	vld [tilespmem:s31+$0xFFFFFF10];
	v13 =	vmul.f32 v14, v4  }
0x93: {  	v14 =	vld [tilespmem:s31+$0xFFFFFF20];
	v15 =	vperm.xlane v11, v1;
	v11 =	vperm.xlane v11, v2  }
0x94: {  	v16 =	vld [tilespmem:s31+$0xFFFFFF30];
	v6 =	vmul.f32 v12, v6;
	[tilespmem:s31+$0xF0] =	vst v13  }
0x95: {  	v7 =	vmul.f32 v7, v8;
	v8 =	vld [tilespmem:s31+$0xFFFFFF40]  }
0x96: {  	v12 =	vld [tilespmem:s31+$0xFFFFFF50];
	v13 =	vperm.xlane v6, v1;
	v17 =	vperm.xlane v6, v2  }
0x97: {  	v6 =	vperm.xlane v7, v1;
	v7 =	vperm.xlane v7, v2;
	v18 =	vld [tilespmem:s31+$0xFFFFFF60]  }
0x98: {  	v19 =	vld [tilespmem:s31+$0xFFFFFF70]  }
0x99: {  	v9 =	vmul.f32 v9, v6;
	v10 =	vmul.f32 v10, v6;
	v20 =	vld [tilespmem:s31+$0xFFFFFF80]  }
0x9a: {  	v14 =	vmul.f32 v14, v6;
	v6 =	vmul.f32 v16, v6;
	v16 =	vld [tilespmem:s31+$0xFFFFFF90]  }
0x9b: {  	v8 =	vmul.f32 v8, v7;
	[tilespmem:s31+$0xFFFFFF00] =	vst v9;
	v9 =	vmul.f32 v12, v7;
	v12 =	vld [tilespmem:s31+$0xFFFFFFA0]  }
0x9c: {  	[tilespmem:s31+$0xFFFFFF10] =	vst v10;
	v10 =	vmul.f32 v18, v7;
	v18 =	vld [tilespmem:s31+$0xFFFFFFB0]  }
0x9d: {  	[tilespmem:s31+$0xFFFFFF20] =	vst v14;
	v7 =	vmul.f32 v19, v7;
	v14 =	vld [tilespmem:s31+$0xFFFFFFC0]  }
0x9e: {  	[tilespmem:s31+$0xFFFFFF30] =	vst v6;
	v6 =	vmul.f32 v20, v15;
	v19 =	vld [tilespmem:s31+$0xFFFFFFD0]  }
0x9f: {  	[tilespmem:s31+$0xFFFFFF40] =	vst v8;
	v8 =	vmul.f32 v16, v15;
	v16 =	vld [tilespmem:s31+$0xFFFFFFE0]  }
0xa0: {  	[tilespmem:s31+$0xFFFFFF50] =	vst v9;
	v9 =	vmul.f32 v12, v15;
	v12 =	vld [tilespmem:s31+$0xFFFFFFF0]  }
0xa1: {  	[tilespmem:s31+$0xFFFFFF60] =	vst v10;
	v10 =	vmul.f32 v18, v15;
	v15 =	vld [tilespmem:s31+$0x0]  }
0xa2: {  	[tilespmem:s31+$0xFFFFFF70] =	vst v7;
	v7 =	vmul.f32 v14, v11;
	v14 =	vld [tilespmem:s31+$0x10]  }
0xa3: {  	[tilespmem:s31+$0xFFFFFF80] =	vst v6;
	v6 =	vmul.f32 v19, v11;
	v18 =	vld [tilespmem:s31+$0x20]  }
0xa4: {  	[tilespmem:s31+$0xFFFFFF90] =	vst v8;
	v8 =	vmul.f32 v16, v11;
	v16 =	vld [tilespmem:s31+$0x30]  }
0xa5: {  	[tilespmem:s31+$0xFFFFFFA0] =	vst v9;
	v9 =	vmul.f32 v12, v11;
	v11 =	vld [tilespmem:s31+$0x40]  }
0xa6: {  	[tilespmem:s31+$0xFFFFFFB0] =	vst v10;
	v10 =	vmul.f32 v15, v13;
	v12 =	vld [tilespmem:s31+$0x50]  }
0xa7: {  	[tilespmem:s31+$0xFFFFFFC0] =	vst v7;
	v7 =	vmul.f32 v14, v13;
	v14 =	vld [tilespmem:s31+$0x60]  }
0xa8: {  	[tilespmem:s31+$0xFFFFFFD0] =	vst v6;
	v15 =	vmul.f32 v18, v13;
	v18 =	vld [tilespmem:s31+$0x70]  }
0xa9: {  	[tilespmem:s31+$0xFFFFFFE0] =	vst v8;
	v16 =	vmul.f32 v16, v13;
	v19 =	vld [tilespmem:s31+$0x80]  }
0xaa: {  	[tilespmem:s31+$0xFFFFFFF0] =	vst v9;
	v20 =	vmul.f32 v11, v17;
	v21 =	vld [tilespmem:s31+$0x90]  }
.Ltmp1:
0xab: {  	[tilespmem:s31+$0x0] =	vst v10;
	v12 =	vmul.f32 v12, v17;
	v6 =	vld [tilespmem:s31+$0xA0];
	(pc) =	sbr.rel @p0 .LBB2_5-.Ltmp1, $4  }
0xac: {  	[tilespmem:s31+$0x10] =	vst v7;
	v13 =	vmul.f32 v14, v17;
	v7 =	vld [tilespmem:s31+$0xB0]  }
0xad: {  	[tilespmem:s31+$0x20] =	vst v15;
	v11 =	vmul.f32 v18, v17;
	v8 =	vld [tilespmem:s31+$0xC0]  }
0xae: {  	[tilespmem:s31+$0x30] =	vst v16;
	v14 =	vmul.f32 v19, v5;
	v9 =	vld [tilespmem:s31+$0xD0]  }
0xaf: {  	s12 =	sadd.s32 $0x40, s12;
	[tilespmem:s31+$0x40] =	vst v20;
	v15 =	vmul.f32 v21, v5;
	v10 =	vld [tilespmem:s31+$0xE0]  }
0xb0: {  	[tilespmem:s31+$0x50] =	vst v12  }
0xb1: {  	[tilespmem:s31+$0x60] =	vst v13  }
0xb2: {  	[tilespmem:s31+$0x70] =	vst v11  }
0xb3: {  	v6 =	vmul.f32 v6, v5;
	[tilespmem:s31+$0x80] =	vst v14  }
0xb4: {  	v5 =	vmul.f32 v7, v5;
	[tilespmem:s3+$0x90] =	vst v15  }
0xb5: {  	v62 =	vmul.f32 v8, v4;
	[tilespmem:s3+$0xA0] =	vst v6  }
0xb6: {  	v63 =	vmul.f32 v9, v4;
	[tilespmem:s3+$0xB0] =	vst v5  }
0xb7: {  	s30 =	sadd.s32 $0x1, s30;
	v4 =	vmul.f32 v10, v4;
	[tilespmem:s3+$0xC0] =	vst v62  }
0xb8: {  	p0 =	sne.s32 s30, $0xA4;
	[tilespmem:s3+$0xD0] =	vst v63  }
.Ltmp2:
0xb9: {  	[tilespmem:s3+$0xE0] =	vst v4;
	(pc) =	sbr.rel @p0 .LBB2_4-.Ltmp2, $4  }
0xba: {  	[spmem:s2] =	stream.indirect.scatter.add.f32 [tilespmem:s17], [sflag:$0x6], $0x80, s19, s19, $0xb8;
	[tilespmem:$0x19180] =	vst v63  }
0xbb: {  	_ =	swait.ge [sflag:s18], $0x4000  }
0xbc: {  	[sflag:s18] =	ssyncset.done $0x0  }
0xbd: {  	[sflag:s18] =	ssyncadd.s32 $0xFFFFC000  }
0xbe: {  	s0 =	stileid.u32;
	s29 =	sadd.s32 $0x1, s29  }
0xbf: {  	[bflag:$0x0] =	sbarrier.arrive $0xFFFF;
	s0 =	sshll.u32 s0, $0x6;
	p0 =	sne.s32 s29, s16  }
.Ltmp3:
0xc0: {  	s3 =	sshrl.u32 s10, $0x3;
	s0 =	sor.u32 $0x1C06, s0;
	(pc) =	sbr.rel @p0 .LBB2_1-.Ltmp3, $4  }
0xc1: {  	[hbm:s15], [sflag:s0] =	dma.local [spmem:s3], $0x2800  }
0xc2: {  	_ =	swait.ge [sflag:s18], $0x2800  }
0xc3: {  	[sflag:s18] =	ssyncset.done $0x0  }
0xc4: {  	[sflag:s18] =	ssyncadd.s32 $0xFFFFD800  }
0xc5: {  	_ =	sfence.sel $0x180000  }
0xc6: {  	[bflag:$0x0] =	sbarrier.arrive $0xFFFF  }
0xc7: {  	_ =	strace $0x90000050  }
0xc8: {  	s0 =	stileid.u32;
	[bflag:$0x2] =	sbarrier.arrive $0xFFFF  }
0xc9: {  	p0 =	sne.s32 s0, $0x0;
	s0 =	rddreg [dreg:$0x3]  }
0xca: {  	s0 =	sadd.s32 @!p0 $0x100000, s0  }
0xcb: {  	[sflag:s0] =	ssyncadd.tile.s32 @!p0 $0x1;
	_ =	shalt  }
.Lfunc_end2:
_tile_overlayer_lowered:
.L_overlay_start_2:
0xcc: {  	(tag) =	ssettag $0x2  }
0xcd: {  	s0 =	rddreg [dreg:$0x0];
	s2 =	stileid.u32  }
0xce: {  	s1 =	rddreg [dreg:$0x1];
	p0 =	sne.s32 s2, $0x0  }
0xcf: {  	s3 =	rddreg [dreg:$0x2];
	[bflag:$0x3] =	sbarrier.arrive $0xFFFF;
	s2 =	simm.s32 @!p0 $0x1C06  }
0xd0: {  	[timem:s3], [sflag:s2] =	dma.local @!p0 [hbm:s0], s1  }
0xd1: {  	s0 =	simm.s32 @!p0 $0x6  }
0xd2: {  	_ =	swait.ge @!p0 [sflag:s0], s1  }
0xd3: {  	s1 =	ssub.s32 @!p0 $0x0, s1;
	[sflag:s0] =	ssyncset.done @!p0 $0x0  }
0xd4: {  	[sflag:s0] =	ssyncadd.s32 @!p0 s1  }
0xd5: {  	[bflag:$0x3] =	sbarrier.arrive $0xFFFF  }
0xd6: {  	_ =	shalt  }

// kernel: kernel.29.cloned.1.call-start
scs
__scs_entry_jumppad:
0x0: {  	(pc) =	sbr.rel $0x88, $3  }
0x1: {  	(tag) =	ssettag $0x0;
	lr =	simm.s32 $0x1  }
0x2: {  	[smem:$0x3F93] =	sst lr;
	_ =	strace $0xD0000000  }
0x3: {  	_ = 	snop  }
0x4: {  	_ = 	snop  }
0x5: {  	_ = 	snop  }
0x6: {  	_ = 	snop  }
0x7: {  	_ = 	snop  }
__scs_overlays_trampoline_lowered:
0x8: {  	[smem:$0x3FA2] =	sst s0  }
0x9: {  	[smem:$0x3FA3] =	sst s1  }
0xa: {  	[smem:$0x3FA4] =	sst s2  }
0xb: {  	[smem:$0x3FA5] =	sst s3  }
0xc: {  	[smem:$0x3FA6] =	sst s4  }
0xd: {  	[smem:$0x3FA7] =	sst s5  }
0xe: {  	[smem:$0x3FA8] =	sst s6  }
0xf: {  	[smem:$0x3FA9] =	sst s7  }
0x10: {  	[smem:$0x3FAA] =	sst s8  }
0x11: {  	[smem:$0x3FAB] =	sst s9;
	s0 =	simm.s32 @!p0 $0x0  }
0x12: {  	s1 =	sld [smem:$0x3F91];
	s0 =	simm.s32 @p0 $0x1  }
0x13: {  	[smem:$0x3FAC] =	sst s0;
	s0 =	simm.s32 @!p1 $0x0  }
0x14: {  	s2 =	sld [smem:$0x3F90];
	s0 =	simm.s32 @p1 $0x1  }
0x15: {  	[smem:$0x3FAD] =	sst s0;
	s0 =	simm.s32 @!p2 $0x0  }
0x16: {  	s3 =	sld [smem:$0x3FDB];
	s0 =	simm.s32 @p2 $0x1  }
0x17: {  	s4 =	simm.s32 $0x1BF5;
	[smem:$0x3FAF] =	sst s0  }
0x18: {  	s0 =	sld [smem:$0x3F92];
	_ =	swait.ge [sflag:s4], $0x0  }
0x19: {  	s7 =	sld [smem:$0x3F93]  }
0x1a: {  	s8 =	sadd.s32 $0xFFFFE003, lr  }
0x1b: {  	s9 =	sadd.s32 $0xFFFFFEF7, lr;
	s5 =	simm.s32 $0xFFFFFFFF;
	p2 =	slt.u32 s8, $0xFFFFF086  }
0x1c: {  	p1 =	slt.u32 s9, $0xF7A;
	s5 =	simm.s32 @!p2 $0x0  }
0x1d: {  	s5 =	simm.s32 @p1 $0x1;
	p0 =	seq.s32 s7, s2  }
0x1e: {  	s7 =	smul.u32 @!p0 $0xF7A, s2;
	p2 =	seq.s32 @!p0 s5, $0x0  }
0x1f: {  	s9 =	smul.u32 $0xF7A, s1;
	s8 =	simm.s32 @!p0 $0x1BF5;
	p2 =	por !p2, p0  }
0x20: {  	[sflag:s8] =	ssyncset.s32 @!p0 $0xFFFFF086;
	s6 =	sadd.s32 @!p0 s3, s7;
	s7 =	simm.s32 @!p0 $0x108  }
0x21: {  	s3 =	sadd.s32 s3, s9;
	s6 =	sadd.s32 @!p0 $0x88, s6;
	s7 =	simm.s32 @p2 $0x1082  }
0x22: {  	[simem:s7], [sflag:s8] =	dma.local @!p0 [hbm:s6], $0xF7A  }
0x23: {  	s9 =	sor.u32 $0xD0000000, s2;
	s6 =	simm.s32 $0x108;
	_ =	swait.ge @!p0 [sflag:s8], $0x0  }
0x24: {  	s3 =	sadd.s32 $0x88, s3;
	s6 =	simm.s32 @!p1 $0x1082;
	[sflag:s4] =	ssyncset.s32 $0xFFFFF086  }
0x25: {  	[simem:s6], [sflag:s4] =	dma.local [hbm:s3], $0xF7A  }
0x26: {  	[smem:$0x3F93] =	sst s1;
	(tag) =	ssettag s2;
	_ =	strace s9  }
0x27: {  	s1 =	sld [smem:$0x3FA3]  }
0x28: {  	s2 =	sld [smem:$0x3FA4]  }
0x29: {  	s4 =	sld [smem:$0x3FA6]  }
0x2a: {  	p0 =	seq.s32 s5, $0x0;
	s5 =	sld [smem:$0x3FA7]  }
0x2b: {  	s6 =	sld [smem:$0x3FA8]  }
0x2c: {  	s7 =	sld [smem:$0x3FA9]  }
0x2d: {  	s3 =	simm.s32 $0x108;
	s8 =	sld [smem:$0x3FAA]  }
0x2e: {  	s3 =	simm.s32 @!p0 $0x1082;
	s9 =	sld [smem:$0x3FAB]  }
0x2f: {  	lr =	sadd.s32 s0, s3;
	s0 =	sld [smem:$0x3FA2]  }
0x30: {  	s3 =	sld [smem:$0x3FA5]  }
0x31: {  	[smem:$0x3FAE] =	sst s10  }
0x32: {  	s10 =	sld [smem:$0x3FAC];
	_ =	sdelay $0x3  }
0x33: {  	p0 =	seq.s32 s10, $0x1;
	s10 =	sld [smem:$0x3FAE];
	_ =	sdelay $0x3  }
0x34: {  	[smem:$0x3FAE] =	sst s10  }
0x35: {  	s10 =	sld [smem:$0x3FAD];
	_ =	sdelay $0x3  }
0x36: {  	p1 =	seq.s32 s10, $0x1;
	s10 =	sld [smem:$0x3FAE];
	_ =	sdelay $0x3  }
0x37: {  	[smem:$0x3FAE] =	sst s10  }
0x38: {  	s10 =	sld [smem:$0x3FAF]  }
0x39: {  	_ = 	snop;
	(pc) =	sbr.ind lr, $3  }
0x3a: {  	_ = 	snop  }
0x3b: {  	_ = 	snop  }
0x3c: {  	p2 =	seq.s32 s10, $0x1;
	s10 =	sld [smem:$0x3FAE]  }
0x3d: {  	_ =	shalt  }
0x3e: {  	_ =	shalt  }
0x3f: {  	_ =	shalt  }
0x40: {  	_ =	shalt  }
0x41: {  	_ =	shalt  }
0x42: {  	_ =	shalt  }
0x43: {  	_ =	shalt  }
0x44: {  	_ =	shalt  }
0x45: {  	_ =	shalt  }
0x46: {  	_ =	shalt  }
0x47: {  	_ =	shalt  }
0x48: {  	_ =	shalt  }
0x49: {  	_ =	shalt  }
0x4a: {  	_ =	shalt  }
0x4b: {  	_ =	shalt  }
0x4c: {  	_ =	shalt  }
0x4d: {  	_ =	shalt  }
0x4e: {  	_ =	shalt  }
0x4f: {  	_ =	shalt  }
0x50: {  	_ =	shalt  }
0x51: {  	_ =	shalt  }
0x52: {  	_ =	shalt  }
0x53: {  	_ =	shalt  }
0x54: {  	_ =	shalt  }
0x55: {  	_ =	shalt  }
0x56: {  	_ =	shalt  }
0x57: {  	_ =	shalt  }
0x58: {  	_ =	shalt  }
0x59: {  	_ =	shalt  }
0x5a: {  	_ =	shalt  }
0x5b: {  	_ =	shalt  }
0x5c: {  	_ =	shalt  }
0x5d: {  	_ =	shalt  }
0x5e: {  	_ =	shalt  }
0x5f: {  	_ =	shalt  }
0x60: {  	_ =	shalt  }
0x61: {  	_ =	shalt  }
0x62: {  	_ =	shalt  }
0x63: {  	_ =	shalt  }
0x64: {  	_ =	shalt  }
0x65: {  	_ =	shalt  }
0x66: {  	_ =	shalt  }
0x67: {  	_ =	shalt  }
0x68: {  	_ =	shalt  }
0x69: {  	_ =	shalt  }
0x6a: {  	_ =	shalt  }
0x6b: {  	_ =	shalt  }
0x6c: {  	_ =	shalt  }
0x6d: {  	_ =	shalt  }
0x6e: {  	_ =	shalt  }
0x6f: {  	_ =	shalt  }
0x70: {  	_ =	shalt  }
0x71: {  	_ =	shalt  }
0x72: {  	_ =	shalt  }
0x73: {  	_ =	shalt  }
0x74: {  	_ =	shalt  }
0x75: {  	_ =	shalt  }
0x76: {  	_ =	shalt  }
0x77: {  	_ =	shalt  }
0x78: {  	_ =	shalt  }
0x79: {  	_ =	shalt  }
0x7a: {  	_ =	shalt  }
0x7b: {  	_ =	shalt  }
0x7c: {  	_ =	shalt  }
0x7d: {  	_ =	shalt  }
0x7e: {  	_ =	shalt  }
0x7f: {  	_ =	shalt  }
0x80: {  	_ =	shalt  }
0x81: {  	_ =	shalt  }
0x82: {  	_ =	shalt  }
0x83: {  	_ =	shalt  }
0x84: {  	_ =	shalt  }
0x85: {  	_ =	shalt  }
0x86: {  	_ =	shalt  }
0x87: {  	_ =	shalt  }
.Lfunc_end0:
.L_simem_size_0:
called_computation.4_lowered:
.L_overlay_start_0:
0x88: {  	s2 =	sld [smem:$0x3FD9]  }
0x89: {  	s3 =	sld [smem:$0x3FFE];
	_ =	sdelay $0x1  }
0x8a: {  	s1 =	srdreg.scid  }
0x8b: {  	s0 =	sand.u32 $0x1, s1  }
0x8c: {  	s17 =	sshll.u32 s0, $0xA;
	s2 =	sadd.s32 s3, s2  }
0x8d: {  	s2 =	sadd.s32 s2, s17  }
0x8e: {  	[smem:$0x3FBA] =	sst s2  }
0x8f: {  	_ = 	snop  }
0x90: {  	s2 =	sld [smem:$0x3FD0];
	(tm) =	ssettm $0x1  }
0x91: {  	s18 =	sld [smem:$0x3FFB];
	_ =	sdelay $0x3  }
0x92: {  	_ =	strace s18  }
0x93: {  	s3 =	sld [smem:$0x3FFC];
	_ =	sdelay $0x3  }
0x94: {  	_ =	strace s3  }
0x95: {  	s3 =	sld [smem:$0x3FFD];
	_ =	sdelay $0x3  }
0x96: {  	_ =	strace s3  }
0x97: {  	_ =	strace $0x8FFFFFFF  }
0x98: {  	s19 =	sld [smem:$0x3FDB];
	_ =	sdelay $0x1  }
0x99: {  	s4 =	simm.s32 $_scs_section_size  }
0x9a: {  	s5 =	simm.s32 $_size__tile_overlayer_lowered;
	s6 =	simm.s32 $_tile_overlayer_lowered  }
0x9b: {  	s22 =	simm.s32 $0x1BFF;
	s21 =	sshll.u32 s6, $0x1;
	s3 =	sadd.s32 s4, s19  }
0x9c: {  	s7 =	simm.s32 $0x0;
	s20 =	sshll.u32 s5, $0x1;
	s5 =	sadd.s32 s21, s3  }
0x9d: {  	[timem:s7], [sflag:s22] =	dma.local [hbm:s5], s20  }
0x9e: {  	_ =	swait.ge [sflag:s22], s20  }
0x9f: {  	s4 =	ssub.s32 $0x0, s20;
	[sflag:s22] =	ssyncset.done $0x0  }
0xa0: {  	[sflag:s22] =	ssyncadd.s32 s4;
	_ =	sdelay $0x1  }
0xa1: {  	s23 =	simm.s32 $0x1B8B  }
0xa2: {  	_ =	swait.ge [sflag:s23], $0x1  }
0xa3: {  	[sflag:s23] =	ssyncset.done $0x0  }
0xa4: {  	s25 =	simm.s32 $0x1B8E;
	s24 =	sld [smem:$0x3FFE];
	[sflag:s23] =	ssyncadd.s32 $0xFFFFFFFF  }
0xa5: {  	s26 =	simm.s32 $execute0_lowered;
	[smem:$0x3FD2] =	sst s25  }
0xa6: {  	s5 =	sshll.u32 s26, $0x1;
	_ =	strace $0x80000052;
	[dreg:$0x1] =	wrdreg $0xFFFFFFFF  }
0xa7: {  	s28 =	simm.s32 $_size_execute0_lowered;
	s3 =	sadd.s32 s3, s5;
	[dreg:$0x0] =	wrdreg $0x0  }
0xa8: {  	s5 =	sshll.u32 s28, $0x1;
	[dreg:$0x2] =	wrdreg s3  }
0xa9: {  	[dreg:$0x3] =	wrdreg s5  }
0xaa: {  	[dreg:$0x4] =	wrdreg $0xC0  }
0xab: {  	_ =	task [dreg:s7], $0x5FFFF  }
0xac: {  	[dreg:$0x1] =	wrdreg $0xFFFFFFFF  }
0xad: {  	[dreg:$0x0] =	wrdreg $0x60  }
0xae: {  	[dreg:$0x2] =	wrdreg s2  }
0xaf: {  	[dreg:$0x3] =	wrdreg s24  }
0xb0: {  	[dreg:$0x4] =	wrdreg $0x19000  }
0xb1: {  	[dreg:$0x5] =	wrdreg $0x9  }
0xb2: {  	_ =	task.clear_ibuf [dreg:s7], $0x6FFFF;
	_ =	strace $0x90000052  }
0xb3: {  	s29 =	simm.s32 $0x9;
	_ =	strace $0x80000054  }
0xb4: {  	_ =	swait.ge [sflag:s29], $0x1  }
0xb5: {  	[sflag:s29] =	ssyncadd.s32 $0xFFFFFFFF  }
0xb6: {  	_ =	strace $0x90000054  }
0xb7: {  	_ =	sfence  }
0xb8: {  	s30 =	sld [smem:$0x0];
	_ =	sdelay $0x2  }
0xb9: {  	s31 =	sshll.u32 s1, $0xD;
	s1 =	sshrl.u32 s1, $0x2  }
0xba: {  	s3 =	sand.u32 $0x4000, s31;
	s1 =	sadd.s32 s1, s30  }
0xbb: {  	s0 =	sor.u32 s3, s0;
	s1 =	sshll.u32 s1, $0x11  }
0xbc: {  	s0 =	sor.u32 s1, s0  }
0xbd: {  	s0 =	sadd.s32 $0x8F2B, s0  }
0xbe: {  	[sflag:s0] =	ssyncadd.remote.s32 $0x1  }
0xbf: {  	_ =	sfence.sel $0xFFFF  }
0xc0: {  	[dreg:$0x0] =	wrdreg $0xFFFFFFFF;
	(pc) =	sbr.abs _section_cstart, $3  }
0xc1: {  	[dreg:$0x1] =	wrdreg $0xFFFFFFFF  }
0xc2: {  	_ =	task.clear_ibuf [dreg:s7], $0x2FFFF;
	_ =	strace $0x9FFFFFFF  }
0xc3: {  	(tm) =	ssettm $0x7FFFFFFF  }
tec
execute0_lowered:
.L_overlay_start_1:
0x0: {  	(tag) =	ssettag $0x1  }
0x1: {  	s1 =	rddreg [dreg:$0x0]  }
0x2: {  	s0 =	rddreg [dreg:$0x1]  }
0x3: {  	s3 =	rddreg [dreg:$0x2]  }
0x4: {  	s2 =	srdreg.scid;
	s13 =	stileid.u32  }
0x5: {  	s4 =	simm.s32 $0x0;
	s17 =	simm.s32 $0x100;
	s18 =	simm.s32 $0x6  }
0x6: {  	s19 =	simm.s32 $0x80;
	s20 =	simm.s32 $0x1;
	s21 =	simm.s32 $0x2  }
0x7: {  	s22 =	simm.s32 $0x900;
	s23 =	simm.s32 $0x3;
	s24 =	simm.s32 $0x4  }
0x8: {  	s25 =	simm.s32 $0x1100;
	s26 =	simm.s32 $0x5;
	s28 =	simm.s32 $0x0  }
0x9: {  	s2 =	sand.u32 $0x1, s2;
	s10 =	smul.u32 $0x2800, s13;
	[smem:$0x7FF] =	sst s4  }
0xa: {  	s5 =	sadd.s32 $0x4800, s0;
	s6 =	sadd.s32 $0xEC00, s0;
	s11 =	smul.u32 $0xA000, s13  }
0xb: {  	s7 =	sadd.s32 $0x13C00, s0;
	s8 =	smul.u32 $0x28000, s2;
	s29 =	ssub.s32 $0x2, s2  }
0xc: {  	_ =	strace $0x80000053;
	s2 =	sshll.u32 s2, $0x4;
	s12 =	sshrl.u32 s29, $0x1  }
0xd: {  	s2 =	sor.u32 s13, s2;
	s11 =	sshrl.u32 s11, $0x2;
	s9 =	sadd.s32 s10, s8  }
0xe: {  	s8 =	sadd.s32 $0x22C00, s0;
	s12 =	ssub.s32 s29, s12;
	s30 =	sadd.s32 s11, s3  }
0xf: {  	s10 =	sadd.s32 s10, s3;
	s9 =	sshrl.u32 s9, $0x3;
	s11 =	sadd.s32 $0x800, s30  }
0x10: {  	s31 =	sadd.s32 $0x1000, s30;
	s13 =	sadd.s32 $0x1800, s30;
	s14 =	sadd.s32 $0x2000, s30  }
0x11: {  	s16 =	smax.u32 s12, $0x1;
	s0 =	sadd.s32 s9, s0;
	[dreg:$0x4] =	wrdreg s11  }
0x12: {  	v0 =	vimm.f32 $0.0e+00;
	s9 =	smul.u32 $0x2900, s2;
	[dreg:$0x5] =	wrdreg s31;
	s15 =	sadd.s32 $0x18C00, s0  }
.LBB2_1:
0x13: {  	s0 =	simm.s32 $0x40;
	s2 =	simm.s32 $0x0  }
.LBB2_2:
0x14: {  	p0 =	sne.s32 s0, $0x1FC0;
	[tilespmem:s2+$0x100] =	vst v0;
	s2 =	smov.u32 s0;
	s0 =	sadd.s32 $0x40, s0  }
.Ltmp0:
0x15: {  	(pc) =	sbr.rel @p0 .LBB2_2-.Ltmp0, $2  }
0x16: {  	_ =	sdelay $0x2  }
0x17: {  	s2 =	sshra.s32 s2, $0x2  }
0x18: {  	[tilespmem:s2+$0x100] =	vst v0  }
0x19: {  	[spmem:s10] =	stream.linear.scatter [tilespmem:s17], [sflag:$0x6], $0x800, $0x38;
	[tilespmem:$0x4100] =	vst v63  }
0x1a: {  	_ =	swait.ge [sflag:s18], $0x800  }
0x1b: {  	[sflag:s18] =	ssyncset.done $0x0  }
0x1c: {  	s0 =	rddreg [dreg:$0x4];
	[sflag:s18] =	ssyncadd.s32 $0xFFFFF800  }
0x1d: {  	[spmem:s0] =	stream.linear.scatter [tilespmem:s17], [sflag:$0x6], $0x800, $0x38;
	[tilespmem:$0x4100] =	vst v63  }
0x1e: {  	_ =	swait.ge [sflag:s18], $0x800  }
0x1f: {  	[sflag:s18] =	ssyncset.done $0x0  }
0x20: {  	s31 =	rddreg [dreg:$0x5];
	[sflag:s18] =	ssyncadd.s32 $0xFFFFF800  }
0x21: {  	[spmem:s31] =	stream.linear.scatter [tilespmem:s17], [sflag:$0x6], $0x800, $0x38;
	[tilespmem:$0x4100] =	vst v63  }
0x22: {  	_ =	swait.ge [sflag:s18], $0x800  }
0x23: {  	[sflag:s18] =	ssyncset.done $0x0  }
0x24: {  	[sflag:s18] =	ssyncadd.s32 $0xFFFFF800  }
0x25: {  	[spmem:s13] =	stream.linear.scatter [tilespmem:s17], [sflag:$0x6], $0x800, $0x38;
	[tilespmem:$0x4100] =	vst v63  }
0x26: {  	_ =	swait.ge [sflag:s18], $0x800  }
0x27: {  	[sflag:s18] =	ssyncset.done $0x0  }
0x28: {  	[sflag:s18] =	ssyncadd.s32 $0xFFFFF800  }
0x29: {  	[spmem:s14] =	stream.linear.scatter [tilespmem:s17], [sflag:$0x6], $0x800, $0x38;
	[tilespmem:$0x4100] =	vst v63  }
0x2a: {  	_ =	swait.ge [sflag:s18], $0x800  }
0x2b: {  	[sflag:s18] =	ssyncset.done $0x0  }
0x2c: {  	[sflag:s18] =	ssyncadd.s32 $0xFFFFF800  }
0x2d: {  	s29 =	simm.s32 $0x0;
	[bflag:$0x0] =	sbarrier.arrive $0xFFFF  }
.LBB2_4:
0x2e: {  	s0 =	sshll.u32 s29, $0x7  }
0x2f: {  	s30 =	sadd.s32 s9, s0  }
0x30: {  	s0 =	sshrl.u32 s30, $0x3  }
0x31: {  	s2 =	sadd.s32 s1, s0  }
0x32: {  	[tilespmem:s4], [sflag:$0x1] =	stream.linear.gather [hbm4b:s2+s4], $0x80, $0x38;
	[tilespmem:$0x4100] =	vst v63  }
0x33: {  	s0 =	sadd.s32 s5, s0  }
0x34: {  	[tilespmem:s19], [sflag:$0x2] =	stream.linear.gather [hbm4b:s0+s4], $0x80, $0x38;
	[tilespmem:$0x4100] =	vst v63  }
0x35: {  	_ =	swait.ge [sflag:s20], $0x80  }
0x36: {  	[sflag:s20] =	ssyncset.done $0x0  }
0x37: {  	[sflag:s20] =	ssyncadd.s32 $0xFFFFFF80  }
0x38: {  	[tilespmem:s17], [sflag:$0x3] =	stream.indirect.gather [hbm4b:s6+s19], $0x10, s4, s19, $0xb8;
	[tilespmem:$0x4100] =	vst v63  }
0x39: {  	_ =	swait.ge [sflag:s21], $0x80  }
0x3a: {  	[sflag:s21] =	ssyncset.done $0x0  }
0x3b: {  	[sflag:s21] =	ssyncadd.s32 $0xFFFFFF80  }
0x3c: {  	[tilespmem:s22], [sflag:$0x4] =	stream.indirect.gather [hbm4b:s7+s19], $0x10, s19, s19, $0xb8;
	[tilespmem:$0x4100] =	vst v63  }
0x3d: {  	_ =	swait.ge [sflag:s23], $0x800  }
0x3e: {  	[sflag:s23] =	ssyncset.done $0x0  }
0x3f: {  	[sflag:s23] =	ssyncadd.s32 $0xFFFFF800  }
0x40: {  	_ =	swait.ge [sflag:s24], $0x800  }
0x41: {  	[sflag:s24] =	ssyncset.done $0x0  }
0x42: {  	s11 =	simm.s32 $0x120;
	[sflag:s24] =	ssyncadd.s32 $0xFFFFF800  }
0x43: {  	s12 =	simm.s32 $0x920;
	v1 =	vld [tilespmem:s11+$0x10]  }
0x44: {  	v2 =	vld [tilespmem:s12+$0x10]  }
0x45: {  	v3 =	vld [tilespmem:s12+$0xFFFFFFE0]  }
0x46: {  	v4 =	vld [tilespmem:s11+$0xFFFFFFF0]  }
0x47: {  	v6 =	vld [tilespmem:s11+$0x0]  }
0x48: {  	v7 =	vld [tilespmem:s12+$0x0]  }
0x49: {  	v5 =	vld [tilespmem:s12+$0xFFFFFFF0];
	s12 =	simm.s32 $0x960  }
0x4a: {  	v10 =	vld [tilespmem:s12+$0x10]  }
0x4b: {  	v1 =	vadd.f32 v2, v1;
	v2 =	vld [tilespmem:s11+$0xFFFFFFE0]  }
0x4c: {  	v11 =	vld [tilespmem:s12+$0xFFFFFFF0];
	s11 =	simm.s32 $0x160  }
0x4d: {  	v6 =	vadd.f32 v7, v6;
	v8 =	vld [tilespmem:s11+$0x10];
	v9 =	vmul.f32 $2.000000030e-01, v1  }
0x4e: {  	v4 =	vadd.f32 v5, v4;
	v5 =	vld [tilespmem:s12+$0xFFFFFFE0];
	vm0 =	vge.f32 v1, $0.0e+00  }
0x4f: {  	v13 =	vld [tilespmem:s11+$0xFFFFFFE0];
	v12 =	vmul.f32 $2.000000030e-01, v6;
	v1 =	vsel vm0, v1, v9  }
0x50: {  	vm1 =	vge.f32 v6, $0.0e+00;
	v9 =	vld [tilespmem:s11+$0xFFFFFFF0];
	v1 =	vmul.f32 $1.442695020e+00, v1;
	v2 =	vadd.f32 v3, v2  }
0x51: {  	v7 =	vmul.f32 $2.000000030e-01, v4;
	vm0 =	vge.f32 v4, $0.0e+00;
	v6 =	vsel vm1, v6, v12;
	v3 =	vld [tilespmem:s11+$0x0]  }
0x52: {  	s11 =	simm.s32 $0x1A0;
	v8 =	vadd.f32 v10, v8;
	(erf) = vpow2.f32 v1;
	v1 =	vld [tilespmem:s12+$0x0];
	v10 =	vmul.f32 $2.000000030e-01, v2  }
0x53: {  	v4 =	vsel vm0, v4, v7;
	v6 =	vmul.f32 $1.442695020e+00, v6;
	v7 =	vld [tilespmem:s11+$0x10];
	vm2 =	vge.f32 v2, $0.0e+00;
	s12 =	simm.s32 $0x9A0  }
0x54: {  	v4 =	vmul.f32 $1.442695020e+00, v4;
	v5 =	vadd.f32 v5, v13;
	v2 =	vsel vm2, v2, v10;
	v10 =	vld [tilespmem:s12+$0x10]  }
0x55: {  	v58 =	vmul.f32 $2.000000030e-01, v8;
	vm0 =	vge.f32 v8, $0.0e+00;
	v9 =	vadd.f32 v11, v9  }
0x56: {  	v60 =	vld [tilespmem:s11+$0x0];
	(erf) = vpow2.f32 v4;
	vm2 =	vge.f32 v5, $0.0e+00;
	v2 =	vmul.f32 $1.442695020e+00, v2  }
0x57: {  	v4 =	vld [tilespmem:s11+$0xFFFFFFF0];
	v8 =	vsel vm0, v8, v58;
	v59 =	vmul.f32 $2.000000030e-01, v9;
	v1 =	vadd.f32 v1, v3  }
0x58: {  	vm0 =	vge.f32 v9, $0.0e+00;
	v3 =	vmul.f32 $1.442695020e+00, v8;
	v8 =	vld [tilespmem:s12+$0xFFFFFFF0];
	(erf) = vpow2.f32 v2  }
0x59: {  	v14 =	vld [tilespmem:s11+$0xFFFFFFE0];
	v9 =	vsel vm0, v9, v59;
	v2 =	vmul.f32 $2.000000030e-01, v1;
	v7 =	vadd.f32 v10, v7  }
0x5a: {  	v11 =	vld [tilespmem:s12+$0xFFFFFFE0];
	vm1 =	vge.f32 v1, $0.0e+00;
	(erf) = vpow2.f32 v3;
	v10 =	vmul.f32 $2.000000030e-01, v5  }
0x5b: {  	v3 =	vld [tilespmem:s12+$0x0];
	(erf) = vpow2.f32 v6;
	v2 =	vsel vm1, v1, v2;
	v6 =	vmul.f32 $2.000000030e-01, v7  }
0x5c: {  	s12 =	simm.s32 $0x1E0;
	v1 =	vsel vm2, v5, v10;
	v5 =	vmul.f32 $1.442695020e+00, v9;
	vm0 =	vge.f32 v7, $0.0e+00  }
0x5d: {  	s2 =	simm.s32 $0x9E0;
	v61 =	vld [tilespmem:s12+$0x10];
	v15 =	vadd.f32 v8, v4;
	v4 =	vsel vm0, v7, v6  }
0x5e: {  	v9 =	vld [tilespmem:s2+$0x10];
	v7 =	vmul.f32 $1.442695020e+00, v4  }
0x5f: {  	v8 =	vmul.f32 $1.442695020e+00, v1;
	v1 =	vld [tilespmem:s2+$0xFFFFFFE0];
	(erf) = vpow2.f32 v5;
	v6 =	vadd.f32 v11, v14  }
0x60: {  	s31 =	simm.s32 $0x1120;
	v16 =	vmul.f32 $1.442695020e+00, v2;
	v2 =	vld [tilespmem:s12+$0xFFFFFFF0];
	v17 =	vmul.f32 $2.000000030e-01, v15;
	v13 =	vadd.f32 v3, v60;
	v5 =	vpop (erf)  }
0x61: {  	v4 =	vld [tilespmem:s2+$0xFFFFFFF0];
	(erf) = vpow2.f32 v8;
	v10 =	vmul.f32 $2.000000030e-01, v6;
	[tilespmem:s31+$0x10] =	vst v5;
	v3 =	vpop (erf)  }
0x62: {  	vm1 =	vge.f32 v15, $0.0e+00;
	v62 =	vmul.f32 $2.000000030e-01, v13;
	(erf) = vpow2.f32 v7;
	v5 =	vld [tilespmem:s2+$0x0];
	[tilespmem:s31+$0xFFFFFFF0] =	vst v3;
	v7 =	vpop (erf)  }
0x63: {  	s0 =	simm.s32 $0x1160;
	vm2 =	vge.f32 v13, $0.0e+00;
	v8 =	vadd.f32 v9, v61;
	v3 =	vld [tilespmem:s12+$0x0];
	(erf) = vpow2.f32 v16;
	v63 =	vpop (erf);
	[tilespmem:s31+$0xFFFFFFE0] =	vst v7  }
0x64: {  	s11 =	simm.s32 $0xC;
	vm0 =	vge.f32 v6, $0.0e+00;
	v11 =	vsel vm1, v15, v17;
	v9 =	vsel vm2, v13, v62;
	v7 =	vld [tilespmem:s12+$0xFFFFFFE0];
	s12 =	simm.s32 $0x220;
	[tilespmem:s0+$0x10] =	vst v63  }
.LBB2_5:
0x65: {  	v12 =	vld [tilespmem:s12+$0x10];
	v13 =	vmul.f32 $2.000000030e-01, v8;
	s2 =	sadd.s32 $0x40, s2;
	v6 =	vsel vm0, v6, v10;
	v10 =	vmul.f32 $1.442695020e+00, v11;
	v11 =	vpop (erf)  }
0x66: {  	s11 =	sadd.s32 $0x4, s11;
	vm0 =	vge.f32 v8, $0.0e+00;
	v14 =	vld [tilespmem:s2+$0x10];
	v15 =	vadd.f32 v4, v2;
	v16 =	vmul.f32 $1.442695020e+00, v6;
	[tilespmem:s31+$0x0] =	vst v11;
	s31 =	smov.u32 s0  }
0x67: {  	p0 =	slt.u32 s11, $0x7C;
	v17 =	vld [tilespmem:s2+$0xFFFFFFE0];
	v4 =	vsel vm0, v8, v13;
	v13 =	vmul.f32 $1.442695020e+00, v9;
	(erf) = vpow2.f32 v10  }
.Ltmp1:
0x68: {  	v2 =	vld [tilespmem:s12+$0xFFFFFFF0];
	v9 =	vmul.f32 $2.000000030e-01, v15;
	v18 =	vadd.f32 v5, v3;
	v5 =	vmul.f32 $1.442695020e+00, v4;
	v3 =	vpop (erf);
	(pc) =	sbr.rel @p0 .LBB2_5-.Ltmp1, $4  }
0x69: {  	vm1 =	vge.f32 v15, $0.0e+00;
	v4 =	vld [tilespmem:s2+$0xFFFFFFF0];
	v6 =	vadd.f32 v1, v7;
	(erf) = vpow2.f32 v16;
	[tilespmem:s0+$0xFFFFFFF0] =	vst v3  }
0x6a: {  	v3 =	vld [tilespmem:s12+$0x0];
	vm2 =	vge.f32 v18, $0.0e+00;
	v16 =	vmul.f32 $2.000000030e-01, v18;
	(erf) = vpow2.f32 v5;
	v7 =	vpop (erf)  }
0x6b: {  	s0 =	sadd.s32 $0x40, s0;
	v5 =	vld [tilespmem:s2+$0x0];
	v8 =	vadd.f32 v14, v12;
	vm0 =	vge.f32 v6, $0.0e+00;
	v10 =	vmul.f32 $2.000000030e-01, v6;
	v12 =	vpop (erf);
	[tilespmem:s31+$0xFFFFFFE0] =	vst v7  }
0x6c: {  	v11 =	vsel vm1, v15, v9;
	v7 =	vld [tilespmem:s12+$0xFFFFFFE0];
	s12 =	sadd.s32 $0x40, s12;
	v9 =	vsel vm2, v18, v16;
	[tilespmem:s0+$0x10] =	vst v12;
	(erf) = vpow2.f32 v13;
	v1 =	vmovc v17  }
0x6d: {  	_ =	sdelay $0x1  }
0x6e: {  	v12 =	vmul.f32 $2.000000030e-01, v8;
	v6 =	vsel vm0, v6, v10;
	v56 =	vmul.f32 $1.442695020e+00, v11  }
0x6f: {  	vm14 =	vge.f32 v8, $0.0e+00;
	v59 =	vmul.f32 $1.442695020e+00, v9;
	v2 =	vadd.f32 v4, v2  }
0x70: {  	v57 =	vmul.f32 $1.442695020e+00, v6;
	v58 =	vsel vm14, v8, v12;
	v1 =	vadd.f32 v1, v7  }
0x71: {  	(erf) = vpow2.f32 v56;
	v3 =	vadd.f32 v5, v3;
	v60 =	vmul.f32 $2.000000030e-01, v2  }
0x72: {  	v6 =	vmul.f32 $1.442695020e+00, v58;
	vm15 =	vge.f32 v2, $0.0e+00;
	v61 =	vmul.f32 $2.000000030e-01, v1  }
0x73: {  	(erf) = vpow2.f32 v57;
	v2 =	vsel vm15, v2, v60;
	vm2 =	vge.f32 v1, $0.0e+00  }
0x74: {  	v62 =	vmul.f32 $2.000000030e-01, v3;
	v2 =	vmul.f32 $1.442695020e+00, v2;
	v1 =	vsel vm2, v1, v61  }
0x75: {  	vm1 =	vge.f32 v3, $0.0e+00;
	(erf) = vpow2.f32 v6;
	v1 =	vmul.f32 $1.442695020e+00, v1  }
0x76: {  	(erf) = vpow2.f32 v59;
	v3 =	vsel vm1, v3, v62  }
0x77: {  	v63 =	vpop (erf);
	v3 =	vmul.f32 $1.442695020e+00, v3;
	(erf) = vpow2.f32 v2  }
0x78: {  	[tilespmem:s31+$0x0] =	vst v63;
	v2 =	vpop (erf);
	(erf) = vpow2.f32 v1  }
0x79: {  	[tilespmem:s0+$0xFFFFFFF0] =	vst v2;
	v1 =	vpop (erf);
	(erf) = vpow2.f32 v3  }
0x7a: {  	s2 =	sadd.s32 $0x40, s0;
	v2 =	vpop (erf);
	[tilespmem:s0+$0xFFFFFFE0] =	vst v1  }
0x7b: {  	v1 =	vpop (erf);
	[tilespmem:s2+$0x10] =	vst v2  }
0x7c: {  	v2 =	vpop (erf);
	[tilespmem:s0+$0x0] =	vst v1  }
0x7d: {  	[tilespmem:s2+$0xFFFFFFF0] =	vst v2;
	v1 =	vpop (erf)  }
0x7e: {  	s12 =	sadd.s32 $0x40, s2;
	v2 =	vpop (erf);
	[tilespmem:s2+$0xFFFFFFE0] =	vst v1  }
0x7f: {  	[tilespmem:s12+$0x10] =	vst v2;
	v1 =	vpop (erf)  }
0x80: {  	[tilespmem:s2+$0x0] =	vst v1;
	v1 =	vpop (erf)  }
0x81: {  	[tilespmem:s12+$0xFFFFFFF0] =	vst v1;
	v1 =	vpop (erf)  }
0x82: {  	s30 =	sshll.u32 s30, $0x1;
	[tilespmem:s12+$0xFFFFFFE0] =	vst v1;
	v1 =	vpop (erf)  }
0x83: {  	s31 =	sadd.s32 s8, s30;
	[tilespmem:s12+$0x0] =	vst v1  }
0x84: {  	[hbm4b:s31+s4] =	stream.linear.scatter [tilespmem:s25], [sflag:$0x5], $0x800, $0x38;
	[tilespmem:$0x4100] =	vst v63  }
0x85: {  	s29 =	sadd.s32 $0x1, s29  }
0x86: {  	[spmem:s3] =	stream.indirect.scatter.add.f32 [tilespmem:s25], [sflag:$0x6], $0x10, s19, s19, $0xb8;
	[tilespmem:$0x4100] =	vst v63  }
0x87: {  	p0 =	sne.s32 s29, $0x52;
	_ =	swait.ge [sflag:s18], $0x800  }
.Ltmp2:
0x88: {  	[sflag:s18] =	ssyncset.done $0x0;
	(pc) =	sbr.rel @p0 .LBB2_4-.Ltmp2, $4  }
0x89: {  	[sflag:s18] =	ssyncadd.s32 $0xFFFFF800  }
0x8a: {  	_ =	swait.ge [sflag:s26], $0x800  }
0x8b: {  	[sflag:s26] =	ssyncset.done $0x0  }
0x8c: {  	[sflag:s26] =	ssyncadd.s32 $0xFFFFF800  }
0x8d: {  	s0 =	stileid.u32;
	s28 =	sadd.s32 $0x1, s28  }
0x8e: {  	[bflag:$0x0] =	sbarrier.arrive $0xFFFF;
	s0 =	sshll.u32 s0, $0x6;
	p0 =	sne.s32 s28, s16  }
.Ltmp3:
0x8f: {  	s2 =	sshrl.u32 s10, $0x3;
	s0 =	sor.u32 $0x1C06, s0;
	(pc) =	sbr.rel @p0 .LBB2_1-.Ltmp3, $4  }
0x90: {  	[hbm:s15], [sflag:s0] =	dma.local [spmem:s2], $0x500  }
0x91: {  	_ =	swait.ge [sflag:s18], $0x500  }
0x92: {  	[sflag:s18] =	ssyncset.done $0x0  }
0x93: {  	[sflag:s18] =	ssyncadd.s32 $0xFFFFFB00  }
0x94: {  	_ =	sfence.sel $0x180000  }
0x95: {  	[bflag:$0x0] =	sbarrier.arrive $0xFFFF  }
0x96: {  	_ =	strace $0x90000053  }
0x97: {  	s0 =	stileid.u32;
	[bflag:$0x2] =	sbarrier.arrive $0xFFFF  }
0x98: {  	p0 =	sne.s32 s0, $0x0;
	s0 =	rddreg [dreg:$0x3]  }
0x99: {  	s0 =	sadd.s32 @!p0 $0x100000, s0  }
0x9a: {  	[sflag:s0] =	ssyncadd.tile.s32 @!p0 $0x1;
	_ =	shalt  }
.Lfunc_end2:
_tile_overlayer_lowered:
.L_overlay_start_2:
0x9b: {  	(tag) =	ssettag $0x2  }
0x9c: {  	s0 =	rddreg [dreg:$0x0];
	s2 =	stileid.u32  }
0x9d: {  	s1 =	rddreg [dreg:$0x1];
	p0 =	sne.s32 s2, $0x0  }
0x9e: {  	s3 =	rddreg [dreg:$0x2];
	[bflag:$0x3] =	sbarrier.arrive $0xFFFF;
	s2 =	simm.s32 @!p0 $0x1C06  }
0x9f: {  	[timem:s3], [sflag:s2] =	dma.local @!p0 [hbm:s0], s1  }
0xa0: {  	s0 =	simm.s32 @!p0 $0x6  }
0xa1: {  	_ =	swait.ge @!p0 [sflag:s0], s1  }
0xa2: {  	s1 =	ssub.s32 @!p0 $0x0, s1;
	[sflag:s0] =	ssyncset.done @!p0 $0x0  }
0xa3: {  	[sflag:s0] =	ssyncadd.s32 @!p0 s1  }
0xa4: {  	[bflag:$0x3] =	sbarrier.arrive $0xFFFF  }
0xa5: {  	_ =	shalt  }

// kernel: kernel.32.cloned.1.call-start
scs
__scs_entry_jumppad:
0x0: {  	(pc) =	sbr.rel $0x88, $3  }
0x1: {  	(tag) =	ssettag $0x0;
	lr =	simm.s32 $0x1  }
0x2: {  	[smem:$0x3F93] =	sst lr;
	_ =	strace $0xD0000000  }
0x3: {  	_ = 	snop  }
0x4: {  	_ = 	snop  }
0x5: {  	_ = 	snop  }
0x6: {  	_ = 	snop  }
0x7: {  	_ = 	snop  }
__scs_overlays_trampoline_lowered:
0x8: {  	[smem:$0x3FA2] =	sst s0  }
0x9: {  	[smem:$0x3FA3] =	sst s1  }
0xa: {  	[smem:$0x3FA4] =	sst s2  }
0xb: {  	[smem:$0x3FA5] =	sst s3  }
0xc: {  	[smem:$0x3FA6] =	sst s4  }
0xd: {  	[smem:$0x3FA7] =	sst s5  }
0xe: {  	[smem:$0x3FA8] =	sst s6  }
0xf: {  	[smem:$0x3FA9] =	sst s7  }
0x10: {  	[smem:$0x3FAA] =	sst s8  }
0x11: {  	[smem:$0x3FAB] =	sst s9;
	s0 =	simm.s32 @!p0 $0x0  }
0x12: {  	s1 =	sld [smem:$0x3F91];
	s0 =	simm.s32 @p0 $0x1  }
0x13: {  	[smem:$0x3FAC] =	sst s0;
	s0 =	simm.s32 @!p1 $0x0  }
0x14: {  	s2 =	sld [smem:$0x3F90];
	s0 =	simm.s32 @p1 $0x1  }
0x15: {  	[smem:$0x3FAD] =	sst s0;
	s0 =	simm.s32 @!p2 $0x0  }
0x16: {  	s3 =	sld [smem:$0x3FDB];
	s0 =	simm.s32 @p2 $0x1  }
0x17: {  	s4 =	simm.s32 $0x1BF5;
	[smem:$0x3FAF] =	sst s0  }
0x18: {  	s0 =	sld [smem:$0x3F92];
	_ =	swait.ge [sflag:s4], $0x0  }
0x19: {  	s7 =	sld [smem:$0x3F93]  }
0x1a: {  	s8 =	sadd.s32 $0xFFFFE003, lr  }
0x1b: {  	s9 =	sadd.s32 $0xFFFFFEF7, lr;
	s5 =	simm.s32 $0xFFFFFFFF;
	p2 =	slt.u32 s8, $0xFFFFF086  }
0x1c: {  	p1 =	slt.u32 s9, $0xF7A;
	s5 =	simm.s32 @!p2 $0x0  }
0x1d: {  	s5 =	simm.s32 @p1 $0x1;
	p0 =	seq.s32 s7, s2  }
0x1e: {  	s7 =	smul.u32 @!p0 $0xF7A, s2;
	p2 =	seq.s32 @!p0 s5, $0x0  }
0x1f: {  	s9 =	smul.u32 $0xF7A, s1;
	s8 =	simm.s32 @!p0 $0x1BF5;
	p2 =	por !p2, p0  }
0x20: {  	[sflag:s8] =	ssyncset.s32 @!p0 $0xFFFFF086;
	s6 =	sadd.s32 @!p0 s3, s7;
	s7 =	simm.s32 @!p0 $0x108  }
0x21: {  	s3 =	sadd.s32 s3, s9;
	s6 =	sadd.s32 @!p0 $0x88, s6;
	s7 =	simm.s32 @p2 $0x1082  }
0x22: {  	[simem:s7], [sflag:s8] =	dma.local @!p0 [hbm:s6], $0xF7A  }
0x23: {  	s9 =	sor.u32 $0xD0000000, s2;
	s6 =	simm.s32 $0x108;
	_ =	swait.ge @!p0 [sflag:s8], $0x0  }
0x24: {  	s3 =	sadd.s32 $0x88, s3;
	s6 =	simm.s32 @!p1 $0x1082;
	[sflag:s4] =	ssyncset.s32 $0xFFFFF086  }
0x25: {  	[simem:s6], [sflag:s4] =	dma.local [hbm:s3], $0xF7A  }
0x26: {  	[smem:$0x3F93] =	sst s1;
	(tag) =	ssettag s2;
	_ =	strace s9  }
0x27: {  	s1 =	sld [smem:$0x3FA3]  }
0x28: {  	s2 =	sld [smem:$0x3FA4]  }
0x29: {  	s4 =	sld [smem:$0x3FA6]  }
0x2a: {  	p0 =	seq.s32 s5, $0x0;
	s5 =	sld [smem:$0x3FA7]  }
0x2b: {  	s6 =	sld [smem:$0x3FA8]  }
0x2c: {  	s7 =	sld [smem:$0x3FA9]  }
0x2d: {  	s3 =	simm.s32 $0x108;
	s8 =	sld [smem:$0x3FAA]  }
0x2e: {  	s3 =	simm.s32 @!p0 $0x1082;
	s9 =	sld [smem:$0x3FAB]  }
0x2f: {  	lr =	sadd.s32 s0, s3;
	s0 =	sld [smem:$0x3FA2]  }
0x30: {  	s3 =	sld [smem:$0x3FA5]  }
0x31: {  	[smem:$0x3FAE] =	sst s10  }
0x32: {  	s10 =	sld [smem:$0x3FAC];
	_ =	sdelay $0x3  }
0x33: {  	p0 =	seq.s32 s10, $0x1;
	s10 =	sld [smem:$0x3FAE];
	_ =	sdelay $0x3  }
0x34: {  	[smem:$0x3FAE] =	sst s10  }
0x35: {  	s10 =	sld [smem:$0x3FAD];
	_ =	sdelay $0x3  }
0x36: {  	p1 =	seq.s32 s10, $0x1;
	s10 =	sld [smem:$0x3FAE];
	_ =	sdelay $0x3  }
0x37: {  	[smem:$0x3FAE] =	sst s10  }
0x38: {  	s10 =	sld [smem:$0x3FAF]  }
0x39: {  	_ = 	snop;
	(pc) =	sbr.ind lr, $3  }
0x3a: {  	_ = 	snop  }
0x3b: {  	_ = 	snop  }
0x3c: {  	p2 =	seq.s32 s10, $0x1;
	s10 =	sld [smem:$0x3FAE]  }
0x3d: {  	_ =	shalt  }
0x3e: {  	_ =	shalt  }
0x3f: {  	_ =	shalt  }
0x40: {  	_ =	shalt  }
0x41: {  	_ =	shalt  }
0x42: {  	_ =	shalt  }
0x43: {  	_ =	shalt  }
0x44: {  	_ =	shalt  }
0x45: {  	_ =	shalt  }
0x46: {  	_ =	shalt  }
0x47: {  	_ =	shalt  }
0x48: {  	_ =	shalt  }
0x49: {  	_ =	shalt  }
0x4a: {  	_ =	shalt  }
0x4b: {  	_ =	shalt  }
0x4c: {  	_ =	shalt  }
0x4d: {  	_ =	shalt  }
0x4e: {  	_ =	shalt  }
0x4f: {  	_ =	shalt  }
0x50: {  	_ =	shalt  }
0x51: {  	_ =	shalt  }
0x52: {  	_ =	shalt  }
0x53: {  	_ =	shalt  }
0x54: {  	_ =	shalt  }
0x55: {  	_ =	shalt  }
0x56: {  	_ =	shalt  }
0x57: {  	_ =	shalt  }
0x58: {  	_ =	shalt  }
0x59: {  	_ =	shalt  }
0x5a: {  	_ =	shalt  }
0x5b: {  	_ =	shalt  }
0x5c: {  	_ =	shalt  }
0x5d: {  	_ =	shalt  }
0x5e: {  	_ =	shalt  }
0x5f: {  	_ =	shalt  }
0x60: {  	_ =	shalt  }
0x61: {  	_ =	shalt  }
0x62: {  	_ =	shalt  }
0x63: {  	_ =	shalt  }
0x64: {  	_ =	shalt  }
0x65: {  	_ =	shalt  }
0x66: {  	_ =	shalt  }
0x67: {  	_ =	shalt  }
0x68: {  	_ =	shalt  }
0x69: {  	_ =	shalt  }
0x6a: {  	_ =	shalt  }
0x6b: {  	_ =	shalt  }
0x6c: {  	_ =	shalt  }
0x6d: {  	_ =	shalt  }
0x6e: {  	_ =	shalt  }
0x6f: {  	_ =	shalt  }
0x70: {  	_ =	shalt  }
0x71: {  	_ =	shalt  }
0x72: {  	_ =	shalt  }
0x73: {  	_ =	shalt  }
0x74: {  	_ =	shalt  }
0x75: {  	_ =	shalt  }
0x76: {  	_ =	shalt  }
0x77: {  	_ =	shalt  }
0x78: {  	_ =	shalt  }
0x79: {  	_ =	shalt  }
0x7a: {  	_ =	shalt  }
0x7b: {  	_ =	shalt  }
0x7c: {  	_ =	shalt  }
0x7d: {  	_ =	shalt  }
0x7e: {  	_ =	shalt  }
0x7f: {  	_ =	shalt  }
0x80: {  	_ =	shalt  }
0x81: {  	_ =	shalt  }
0x82: {  	_ =	shalt  }
0x83: {  	_ =	shalt  }
0x84: {  	_ =	shalt  }
0x85: {  	_ =	shalt  }
0x86: {  	_ =	shalt  }
0x87: {  	_ =	shalt  }
.Lfunc_end0:
.L_simem_size_0:
called_computation.5_lowered:
.L_overlay_start_0:
0x88: {  	s2 =	sld [smem:$0x3FD9]  }
0x89: {  	s3 =	sld [smem:$0x3FFE];
	_ =	sdelay $0x1  }
0x8a: {  	s1 =	srdreg.scid  }
0x8b: {  	s0 =	sand.u32 $0x1, s1  }
0x8c: {  	s17 =	sshll.u32 s0, $0xA;
	s2 =	sadd.s32 s3, s2  }
0x8d: {  	s2 =	sadd.s32 s2, s17  }
0x8e: {  	[smem:$0x3FBA] =	sst s2  }
0x8f: {  	_ = 	snop  }
0x90: {  	s2 =	sld [smem:$0x3FD0];
	(tm) =	ssettm $0x1  }
0x91: {  	s18 =	sld [smem:$0x3FFB];
	_ =	sdelay $0x3  }
0x92: {  	_ =	strace s18  }
0x93: {  	s3 =	sld [smem:$0x3FFC];
	_ =	sdelay $0x3  }
0x94: {  	_ =	strace s3  }
0x95: {  	s3 =	sld [smem:$0x3FFD];
	_ =	sdelay $0x3  }
0x96: {  	_ =	strace s3  }
0x97: {  	_ =	strace $0x8FFFFFFF  }
0x98: {  	s19 =	sld [smem:$0x3FDB];
	_ =	sdelay $0x1  }
0x99: {  	s4 =	simm.s32 $_scs_section_size  }
0x9a: {  	s5 =	simm.s32 $_size__tile_overlayer_lowered;
	s6 =	simm.s32 $_tile_overlayer_lowered  }
0x9b: {  	s22 =	simm.s32 $0x1BFF;
	s21 =	sshll.u32 s6, $0x1;
	s3 =	sadd.s32 s4, s19  }
0x9c: {  	s7 =	simm.s32 $0x0;
	s20 =	sshll.u32 s5, $0x1;
	s5 =	sadd.s32 s21, s3  }
0x9d: {  	[timem:s7], [sflag:s22] =	dma.local [hbm:s5], s20  }
0x9e: {  	_ =	swait.ge [sflag:s22], s20  }
0x9f: {  	s4 =	ssub.s32 $0x0, s20;
	[sflag:s22] =	ssyncset.done $0x0  }
0xa0: {  	[sflag:s22] =	ssyncadd.s32 s4;
	_ =	sdelay $0x1  }
0xa1: {  	s23 =	simm.s32 $0x1B8B  }
0xa2: {  	_ =	swait.ge [sflag:s23], $0x1  }
0xa3: {  	[sflag:s23] =	ssyncset.done $0x0  }
0xa4: {  	s25 =	simm.s32 $0x1B8E;
	s24 =	sld [smem:$0x3FFE];
	[sflag:s23] =	ssyncadd.s32 $0xFFFFFFFF  }
0xa5: {  	s26 =	simm.s32 $execute0_lowered;
	[smem:$0x3FD2] =	sst s25  }
0xa6: {  	s5 =	sshll.u32 s26, $0x1;
	_ =	strace $0x80000055;
	[dreg:$0x1] =	wrdreg $0xFFFFFFFF  }
0xa7: {  	s28 =	simm.s32 $_size_execute0_lowered;
	s3 =	sadd.s32 s3, s5;
	[dreg:$0x0] =	wrdreg $0x0  }
0xa8: {  	s5 =	sshll.u32 s28, $0x1;
	[dreg:$0x2] =	wrdreg s3  }
0xa9: {  	[dreg:$0x3] =	wrdreg s5  }
0xaa: {  	[dreg:$0x4] =	wrdreg $0xC0  }
0xab: {  	_ =	task [dreg:s7], $0x5FFFF  }
0xac: {  	[dreg:$0x1] =	wrdreg $0xFFFFFFFF  }
0xad: {  	[dreg:$0x0] =	wrdreg $0x60  }
0xae: {  	[dreg:$0x2] =	wrdreg s2  }
0xaf: {  	[dreg:$0x3] =	wrdreg s24  }
0xb0: {  	[dreg:$0x4] =	wrdreg $0x29000  }
0xb1: {  	[dreg:$0x5] =	wrdreg $0x9  }
0xb2: {  	_ =	task.clear_ibuf [dreg:s7], $0x6FFFF;
	_ =	strace $0x90000055  }
0xb3: {  	s29 =	simm.s32 $0x9;
	_ =	strace $0x80000057  }
0xb4: {  	_ =	swait.ge [sflag:s29], $0x1  }
0xb5: {  	[sflag:s29] =	ssyncadd.s32 $0xFFFFFFFF  }
0xb6: {  	_ =	strace $0x90000057  }
0xb7: {  	_ =	sfence  }
0xb8: {  	s30 =	sld [smem:$0x0];
	_ =	sdelay $0x2  }
0xb9: {  	s31 =	sshll.u32 s1, $0xD;
	s1 =	sshrl.u32 s1, $0x2  }
0xba: {  	s3 =	sand.u32 $0x4000, s31;
	s1 =	sadd.s32 s1, s30  }
0xbb: {  	s0 =	sor.u32 s3, s0;
	s1 =	sshll.u32 s1, $0x11  }
0xbc: {  	s0 =	sor.u32 s1, s0  }
0xbd: {  	s0 =	sadd.s32 $0x8F2B, s0  }
0xbe: {  	[sflag:s0] =	ssyncadd.remote.s32 $0x1  }
0xbf: {  	_ =	sfence.sel $0xFFFF  }
0xc0: {  	[dreg:$0x0] =	wrdreg $0xFFFFFFFF;
	(pc) =	sbr.abs _section_cstart, $3  }
0xc1: {  	[dreg:$0x1] =	wrdreg $0xFFFFFFFF  }
0xc2: {  	_ =	task.clear_ibuf [dreg:s7], $0x2FFFF;
	_ =	strace $0x9FFFFFFF  }
0xc3: {  	(tm) =	ssettm $0x7FFFFFFF  }
tec
execute0_lowered:
.L_overlay_start_1:
0x0: {  	(tag) =	ssettag $0x1  }
0x1: {  	s1 =	rddreg [dreg:$0x0]  }
0x2: {  	s0 =	rddreg [dreg:$0x1]  }
0x3: {  	s2 =	rddreg [dreg:$0x2]  }
0x4: {  	s3 =	simm.s32 $0x0;
	s4 =	srdreg.scid;
	s8 =	stileid.u32  }
0x5: {  	s17 =	simm.s32 $0x100;
	s18 =	simm.s32 $0x6;
	s19 =	simm.s32 $0x80  }
0x6: {  	s20 =	simm.s32 $0x1900;
	s21 =	simm.s32 $0x1;
	s22 =	simm.s32 $0x2  }
0x7: {  	s23 =	simm.s32 $0x2100;
	s24 =	simm.s32 $0x3;
	s25 =	simm.s32 $0x5  }
0x8: {  	s26 =	simm.s32 $0x4;
	s28 =	simm.s32 $0x0;
	[smem:$0x7FF] =	sst s3  }
0x9: {  	s4 =	sand.u32 $0x1, s4;
	s5 =	sadd.s32 $0x4800, s0;
	s6 =	sadd.s32 $0x22C00, s0  }
0xa: {  	s9 =	smul.u32 $0x1E000, s8;
	_ =	strace $0x80000056;
	s7 =	sshll.u32 s4, $0x4  }
0xb: {  	s4 =	ssub.s32 $0x2, s4;
	s10 =	sor.u32 s8, s7;
	s7 =	sadd.s32 $0xEC00, s0  }
0xc: {  	s8 =	sadd.s32 $0xC6C00, s0;
	s12 =	sshrl.u32 s4, $0x1;
	s9 =	sshrl.u32 s9, $0x2  }
0xd: {  	s11 =	smul.u32 $0xF00, s10;
	s4 =	ssub.s32 s4, s12;
	s9 =	sadd.s32 s9, s2  }
0xe: {  	s10 =	smul.u32 $0x2900, s10;
	s31 =	sadd.s32 $0x1800, s9;
	s12 =	sadd.s32 $0x3000, s9  }
0xf: {  	s13 =	sadd.s32 $0x4800, s9;
	s14 =	sadd.s32 $0x6000, s9;
	s0 =	sadd.s32 s11, s0  }
0x10: {  	v0 =	vimm.f32 $0.0e+00;
	v1 =	vimm.s32 $0x0;
	s16 =	smax.u32 s4, $0x1;
	[dreg:$0x4] =	wrdreg s31;
	s15 =	sadd.s32 $0xD5C00, s0  }
.LBB2_1:
0x11: {  	s0 =	simm.s32 $0xC0;
	s4 =	simm.s32 $0x0  }
.LBB2_2:
0x12: {  	p0 =	sne.s32 s0, $0x5F40;
	[tilespmem:s4+$0x120] =	vst v0;
	s11 =	smov.u32 s0;
	s0 =	sadd.s32 $0xC0, s0  }
.Ltmp0:
0x13: {  	[tilespmem:s4+$0x100] =	vst v0;
	(pc) =	sbr.rel @p0 .LBB2_2-.Ltmp0, $2  }
0x14: {  	[tilespmem:s4+$0x110] =	vst v0;
	_ =	sdelay $0x2  }
0x15: {  	s4 =	sshra.s32 s11, $0x2  }
0x16: {  	[tilespmem:s4+$0x120] =	vst v0  }
0x17: {  	[tilespmem:s4+$0x100] =	vst v0  }
0x18: {  	[tilespmem:s4+$0x110] =	vst v0  }
0x19: {  	[spmem:s9] =	stream.linear.scatter [tilespmem:s17], [sflag:$0x6], $0x1800, $0x38;
	[tilespmem:$0xA100] =	vst v63  }
0x1a: {  	_ =	swait.ge [sflag:s18], $0x1800  }
0x1b: {  	[sflag:s18] =	ssyncset.done $0x0  }
0x1c: {  	s0 =	rddreg [dreg:$0x4];
	[sflag:s18] =	ssyncadd.s32 $0xFFFFE800  }
0x1d: {  	[spmem:s0] =	stream.linear.scatter [tilespmem:s17], [sflag:$0x6], $0x1800, $0x38;
	[tilespmem:$0xA100] =	vst v63  }
0x1e: {  	_ =	swait.ge [sflag:s18], $0x1800  }
0x1f: {  	[sflag:s18] =	ssyncset.done $0x0  }
0x20: {  	[sflag:s18] =	ssyncadd.s32 $0xFFFFE800  }
0x21: {  	[spmem:s12] =	stream.linear.scatter [tilespmem:s17], [sflag:$0x6], $0x1800, $0x38;
	[tilespmem:$0xA100] =	vst v63  }
0x22: {  	_ =	swait.ge [sflag:s18], $0x1800  }
0x23: {  	[sflag:s18] =	ssyncset.done $0x0  }
0x24: {  	[sflag:s18] =	ssyncadd.s32 $0xFFFFE800  }
0x25: {  	[spmem:s13] =	stream.linear.scatter [tilespmem:s17], [sflag:$0x6], $0x1800, $0x38;
	[tilespmem:$0xA100] =	vst v63  }
0x26: {  	_ =	swait.ge [sflag:s18], $0x1800  }
0x27: {  	[sflag:s18] =	ssyncset.done $0x0  }
0x28: {  	[sflag:s18] =	ssyncadd.s32 $0xFFFFE800  }
0x29: {  	[spmem:s14] =	stream.linear.scatter [tilespmem:s17], [sflag:$0x6], $0x1800, $0x38;
	[tilespmem:$0xA100] =	vst v63  }
0x2a: {  	_ =	swait.ge [sflag:s18], $0x1800  }
0x2b: {  	[sflag:s18] =	ssyncset.done $0x0  }
0x2c: {  	[sflag:s18] =	ssyncadd.s32 $0xFFFFE800  }
0x2d: {  	s29 =	simm.s32 $0x0;
	[bflag:$0x0] =	sbarrier.arrive $0xFFFF  }
.LBB2_4:
0x2e: {  	s0 =	sshll.u32 s29, $0x7  }
0x2f: {  	s0 =	sadd.s32 s10, s0  }
0x30: {  	s4 =	sshrl.u32 s0, $0x3  }
0x31: {  	s11 =	sadd.s32 s1, s4  }
0x32: {  	[tilespmem:s3], [sflag:$0x1] =	stream.linear.gather [hbm4b:s11+s3], $0x80, $0x38;
	[tilespmem:$0xA100] =	vst v63  }
0x33: {  	s0 =	sshll.u32 s0, $0x1;
	s4 =	sadd.s32 s5, s4  }
0x34: {  	[tilespmem:s19], [sflag:$0x2] =	stream.linear.gather [hbm4b:s4+s3], $0x80, $0x38;
	[tilespmem:$0xA100] =	vst v63  }
0x35: {  	s0 =	sadd.s32 s6, s0  }
0x36: {  	[tilespmem:s20], [sflag:$0x3] =	stream.linear.gather [hbm4b:s0+s3], $0x800, $0x38;
	[tilespmem:$0xA100] =	vst v63  }
0x37: {  	_ =	swait.ge [sflag:s21], $0x80  }
0x38: {  	[sflag:s21] =	ssyncset.done $0x0  }
0x39: {  	[sflag:s21] =	ssyncadd.s32 $0xFFFFFF80  }
0x3a: {  	[tilespmem:s17], [sflag:$0x4] =	stream.indirect.gather [hbm4b:s8+s19], $0x30, s3, s19, $0xb8;
	[tilespmem:$0xA100] =	vst v63  }
0x3b: {  	_ =	swait.ge [sflag:s22], $0x80  }
0x3c: {  	[sflag:s22] =	ssyncset.done $0x0  }
0x3d: {  	[sflag:s22] =	ssyncadd.s32 $0xFFFFFF80  }
0x3e: {  	[tilespmem:s23], [sflag:$0x5] =	stream.indirect.gather [hbm4b:s7+s19], $0x10, s19, s19, $0xb8;
	[tilespmem:$0xA100] =	vst v63  }
0x3f: {  	_ =	swait.ge [sflag:s24], $0x800  }
0x40: {  	[sflag:s24] =	ssyncset.done $0x0  }
0x41: {  	[sflag:s24] =	ssyncadd.s32 $0xFFFFF800  }
0x42: {  	_ =	swait.ge [sflag:s25], $0x800  }
0x43: {  	[sflag:s25] =	ssyncset.done $0x0  }
0x44: {  	[sflag:s25] =	ssyncadd.s32 $0xFFFFF800  }
0x45: {  	_ =	swait.ge [sflag:s26], $0x1800  }
0x46: {  	[sflag:s26] =	ssyncset.done $0x0  }
0x47: {  	s11 =	simm.s32 $0x1920;
	[sflag:s26] =	ssyncadd.s32 $0xFFFFE800  }
0x48: {  	s31 =	simm.s32 $0x2120;
	v2 =	vld [tilespmem:s11+$0x10]  }
0x49: {  	v3 =	vld [tilespmem:s31+$0x10]  }
0x4a: {  	v4 =	vld [tilespmem:s31+$0xFFFFFFE0]  }
0x4b: {  	v5 =	vld [tilespmem:s11+$0xFFFFFFF0]  }
0x4c: {  	s30 =	simm.s32 $0x160;
	v6 =	vld [tilespmem:s31+$0xFFFFFFF0]  }
0x4d: {  	v7 =	vld [tilespmem:s30+$0x50]  }
0x4e: {  	v8 =	vld [tilespmem:s11+$0x0]  }
0x4f: {  	v9 =	vld [tilespmem:s31+$0x0]  }
0x50: {  	v10 =	vld [tilespmem:s11+$0xFFFFFFE0]  }
0x51: {  	v11 =	vld [tilespmem:s30+$0xFFFFFFA0]  }
0x52: {  	v12 =	vld [tilespmem:s30+$0xFFFFFFB0]  }
0x53: {  	v14 =	vld [tilespmem:s30+$0xFFFFFFC0];
	v2 =	vmul.f32 v3, v2  }
0x54: {  	v15 =	vld [tilespmem:s30+$0xFFFFFFD0]  }
0x55: {  	v16 =	vld [tilespmem:s30+$0xFFFFFFE0];
	v3 =	vmul.f32 v4, v10;
	v2 =	vperm.xlane v2, v1  }
0x56: {  	v4 =	vmul.f32 v6, v5;
	v5 =	vmul.f32 v9, v8;
	v8 =	vld [tilespmem:s30+$0xFFFFFFF0]  }
0x57: {  	v9 =	vperm.xlane v3, v1;
	v6 =	vmul.f32 v7, v2;
	v7 =	vld [tilespmem:s30+$0x0]  }
0x58: {  	v17 =	vperm.xlane v4, v1;
	v3 =	vperm.xlane v5, v1;
	v4 =	vld [tilespmem:s30+$0x10]  }
0x59: {  	v5 =	vld [tilespmem:s30+$0x20];
	v11 =	vmul.f32 v11, v9;
	v13 =	vmul.f32 v12, v9  }
0x5a: {  	v12 =	vmul.f32 v14, v9;
	v10 =	vmul.f32 v15, v17;
	[tilespmem:s30+$0x50] =	vst v6;
	v6 =	vld [tilespmem:s30+$0x30]  }
0x5b: {  	s4 =	simm.s32 $0x0;
	s0 =	simm.s32 $0x160;
	s11 =	simm.s32 $0x1960;
	v9 =	vmul.f32 v8, v17;
	v8 =	vld [tilespmem:s30+$0x40];
	[tilespmem:s30+$0xFFFFFFA0] =	vst v11;
	v11 =	vmul.f32 v16, v17  }
.LBB2_5:
0x5c: {  	v14 =	vld [tilespmem:s11+$0x10];
	[tilespmem:s30+$0xFFFFFFB0] =	vst v13;
	v7 =	vmul.f32 v7, v3;
	s31 =	sadd.s32 $0x40, s31  }
0x5d: {  	s4 =	sadd.s32 $0x4, s4;
	v13 =	vld [tilespmem:s31+$0x10];
	[tilespmem:s30+$0xFFFFFFC0] =	vst v12;
	v4 =	vmul.f32 v4, v3  }
0x5e: {  	p0 =	slt.u32 s4, $0x7C;
	v12 =	vld [tilespmem:s31+$0xFFFFFFE0];
	[tilespmem:s30+$0xFFFFFFD0] =	vst v10;
	v3 =	vmul.f32 v5, v3  }
0x5f: {  	v5 =	vld [tilespmem:s11+$0xFFFFFFF0];
	[tilespmem:s30+$0xFFFFFFE0] =	vst v11;
	v6 =	vmul.f32 v6, v2  }
0x60: {  	s30 =	sadd.s32 $0xC0, s30;
	v10 =	vld [tilespmem:s31+$0xFFFFFFF0];
	[tilespmem:s0+$0xFFFFFFF0] =	vst v9;
	v8 =	vmul.f32 v8, v2  }
0x61: {  	v9 =	vld [tilespmem:s30+$0x50];
	[tilespmem:s0+$0x0] =	vst v7  }
0x62: {  	v7 =	vld [tilespmem:s11+$0x0];
	v2 =	vmul.f32 v13, v14;
	[tilespmem:s0+$0x10] =	vst v4  }
0x63: {  	v4 =	vld [tilespmem:s31+$0x0];
	[tilespmem:s0+$0x20] =	vst v3  }
0x64: {  	v3 =	vld [tilespmem:s11+$0xFFFFFFE0];
	v2 =	vperm.xlane v2, v1;
	[tilespmem:s0+$0x30] =	vst v6  }
0x65: {  	v6 =	vld [tilespmem:s30+$0xFFFFFFA0];
	v5 =	vmul.f32 v10, v5;
	[tilespmem:s0+$0x40] =	vst v8;
	s0 =	smov.u32 s30  }
0x66: {  	v8 =	vld [tilespmem:s30+$0xFFFFFFB0];
	v9 =	vmul.f32 v9, v2  }
0x67: {  	v10 =	vld [tilespmem:s30+$0xFFFFFFC0];
	v14 =	vperm.xlane v5, v1  }
0x68: {  	v11 =	vld [tilespmem:s30+$0xFFFFFFD0];
	v4 =	vmul.f32 v4, v7;
	[tilespmem:s30+$0x50] =	vst v9  }
0x69: {  	v5 =	vmul.f32 v12, v3;
	v9 =	vld [tilespmem:s30+$0xFFFFFFE0]  }
0x6a: {  	v15 =	vld [tilespmem:s30+$0xFFFFFFF0];
	v3 =	vperm.xlane v4, v1  }
.Ltmp1:
0x6b: {  	v12 =	vperm.xlane v5, v1;
	v7 =	vld [tilespmem:s30+$0x0];
	(pc) =	sbr.rel @p0 .LBB2_5-.Ltmp1, $4  }
0x6c: {  	v4 =	vld [tilespmem:s30+$0x10]  }
0x6d: {  	v16 =	vmul.f32 v6, v12;
	v13 =	vmul.f32 v8, v12;
	v5 =	vld [tilespmem:s30+$0x20]  }
0x6e: {  	v12 =	vmul.f32 v10, v12;
	v10 =	vmul.f32 v11, v14;
	v6 =	vld [tilespmem:s30+$0x30]  }
0x6f: {  	s11 =	sadd.s32 $0x40, s11;
	v11 =	vmul.f32 v9, v14;
	[tilespmem:s30+$0xFFFFFFA0] =	vst v16;
	v9 =	vmul.f32 v15, v14;
	v8 =	vld [tilespmem:s30+$0x40]  }
0x70: {  	[tilespmem:s30+$0xFFFFFFB0] =	vst v13  }
0x71: {  	[tilespmem:s30+$0xFFFFFFC0] =	vst v12  }
0x72: {  	[tilespmem:s30+$0xFFFFFFD0] =	vst v10  }
0x73: {  	v7 =	vmul.f32 v7, v3;
	[tilespmem:s30+$0xFFFFFFE0] =	vst v11  }
0x74: {  	v4 =	vmul.f32 v4, v3;
	[tilespmem:s0+$0xFFFFFFF0] =	vst v9  }
0x75: {  	v3 =	vmul.f32 v5, v3;
	[tilespmem:s0+$0x0] =	vst v7  }
0x76: {  	v63 =	vmul.f32 v6, v2;
	[tilespmem:s0+$0x10] =	vst v4  }
0x77: {  	s29 =	sadd.s32 $0x1, s29;
	v2 =	vmul.f32 v8, v2;
	[tilespmem:s0+$0x20] =	vst v3  }
0x78: {  	p0 =	sne.s32 s29, $0x52;
	[tilespmem:s0+$0x30] =	vst v63  }
.Ltmp2:
0x79: {  	[tilespmem:s0+$0x40] =	vst v2;
	(pc) =	sbr.rel @p0 .LBB2_4-.Ltmp2, $4  }
0x7a: {  	[spmem:s2] =	stream.indirect.scatter.add.f32 [tilespmem:s17], [sflag:$0x6], $0x30, s19, s19, $0xb8;
	[tilespmem:$0xA100] =	vst v63  }
0x7b: {  	_ =	swait.ge [sflag:s18], $0x1800  }
0x7c: {  	[sflag:s18] =	ssyncset.done $0x0  }
0x7d: {  	[sflag:s18] =	ssyncadd.s32 $0xFFFFE800  }
0x7e: {  	s0 =	stileid.u32;
	s28 =	sadd.s32 $0x1, s28  }
0x7f: {  	[bflag:$0x0] =	sbarrier.arrive $0xFFFF;
	s0 =	sshll.u32 s0, $0x6;
	p0 =	sne.s32 s28, s16  }
.Ltmp3:
0x80: {  	s4 =	sshrl.u32 s9, $0x3;
	s0 =	sor.u32 $0x1C06, s0;
	(pc) =	sbr.rel @p0 .LBB2_1-.Ltmp3, $4  }
0x81: {  	[hbm:s15], [sflag:s0] =	dma.local [spmem:s4], $0xF00  }
0x82: {  	_ =	swait.ge [sflag:s18], $0xF00  }
0x83: {  	[sflag:s18] =	ssyncset.done $0x0  }
0x84: {  	[sflag:s18] =	ssyncadd.s32 $0xFFFFF100  }
0x85: {  	_ =	sfence.sel $0x180000  }
0x86: {  	[bflag:$0x0] =	sbarrier.arrive $0xFFFF  }
0x87: {  	_ =	strace $0x90000056  }
0x88: {  	s0 =	stileid.u32;
	[bflag:$0x2] =	sbarrier.arrive $0xFFFF  }
0x89: {  	p0 =	sne.s32 s0, $0x0;
	s0 =	rddreg [dreg:$0x3]  }
0x8a: {  	s0 =	sadd.s32 @!p0 $0x100000, s0  }
0x8b: {  	[sflag:s0] =	ssyncadd.tile.s32 @!p0 $0x1;
	_ =	shalt  }
.Lfunc_end2:
_tile_overlayer_lowered:
.L_overlay_start_2:
0x8c: {  	(tag) =	ssettag $0x2  }
0x8d: {  	s0 =	rddreg [dreg:$0x0];
	s2 =	stileid.u32  }
0x8e: {  	s1 =	rddreg [dreg:$0x1];
	p0 =	sne.s32 s2, $0x0  }
0x8f: {  	s3 =	rddreg [dreg:$0x2];
	[bflag:$0x3] =	sbarrier.arrive $0xFFFF;
	s2 =	simm.s32 @!p0 $0x1C06  }
0x90: {  	[timem:s3], [sflag:s2] =	dma.local @!p0 [hbm:s0], s1  }
0x91: {  	s0 =	simm.s32 @!p0 $0x6  }
0x92: {  	_ =	swait.ge @!p0 [sflag:s0], s1  }
0x93: {  	s1 =	ssub.s32 @!p0 $0x0, s1;
	[sflag:s0] =	ssyncset.done @!p0 $0x0  }
0x94: {  	[sflag:s0] =	ssyncadd.s32 @!p0 s1  }
0x95: {  	[bflag:$0x3] =	sbarrier.arrive $0xFFFF  }
0x96: {  	_ =	shalt  }

</sc_bundles>
